<compile_context>
chip_gen: v7x
topology: tpu7x:2x2x1
jax: 0.10.2.dev20260603
libtpu: 0.0.44.dev20260713+nightly
codegen_flags: <defaults>
</compile_context>

<pallas_src>
import functools

import jax
import jax.numpy as jnp
from jax import lax
from jax.experimental import pallas as pl
from jax.experimental.pallas import tpu as pltpu
from jax.experimental.pallas import tpu_sc as plsc

N_NODES = 10000
M_EDGES = 2500
E_PAIRS = 320000
F_DIM = 128
FH = F_DIM // 2

NC = 2
NS = 16
NW = NC * NS
CH = 125
NB = 4
KSLACK = 2
NPASS = 2
CPP = E_PAIRS // (NS * NPASS * CH)
MPAD = 2560
M_STRIPE = MPAD // NS
NPAD = 10240
N_STRIPE = NPAD // NS


def _matmul(x, w):
    def body(x_ref, w_ref, o_ref):
        o_ref[0] = jnp.dot(x_ref[...], w_ref[0],
                           preferred_element_type=jnp.float32)

    blk = N_NODES // 10
    return pl.pallas_call(
        body,
        grid=(2, 10),
        in_specs=[
            pl.BlockSpec((blk, 128), lambda j, i: (i, 0)),
            pl.BlockSpec((1, 128, FH), lambda j, i: (j, 0, 0)),
        ],
        out_specs=pl.BlockSpec((1, blk, FH), lambda j, i: (j, i, 0)),
        out_shape=jax.ShapeDtypeStruct((NC, N_NODES, FH), jnp.float32),
    )(x, w)


def _gs_pass(table, sidx, didx, rows, semg, sems, acc):
    for b in range(NB):
        pltpu.async_copy(table.at[sidx.at[b]], rows[b], semg[b])

    def body(i, carry):
        for b in range(NB):
            j = NB * i + b
            gs = j + KSLACK
            gb = (b + KSLACK) % NB

            @pl.when(jnp.logical_and(gs >= NB, gs < CPP))
            def _():
                pltpu.make_async_copy(rows[gb], acc.at[didx.at[0]],
                                      sems[gb]).wait()
                pltpu.async_copy(table.at[sidx.at[gs]], rows[gb], semg[gb])

            pltpu.make_async_copy(table.at[sidx.at[j]], rows[b],
                                  semg[b]).wait()
            pltpu.async_copy(rows[b], acc.at[didx.at[j]], sems[b], add=True)
        return carry

    lax.fori_loop(0, CPP // NB, body, 0)
    for b in range(NB):
        pltpu.make_async_copy(rows[b], acc.at[didx.at[0]], sems[b]).wait()


_MESH = plsc.VectorSubcoreMesh(core_axis_name="c", subcore_axis_name="s",
                               num_cores=NC, num_subcores=NS)


@functools.partial(
    pl.kernel,
    out_type=jax.ShapeDtypeStruct((NC, NPAD, FH), jnp.float32),
    mesh=_MESH,
    compiler_params=pltpu.CompilerParams(use_tc_tiling_on_sc=False),
    scratch_types=[
        pltpu.VMEM((CPP, CH), jnp.int32),
        pltpu.VMEM((CPP, CH), jnp.int32),
        pltpu.VMEM((CH, FH), jnp.float32),
        pltpu.VMEM((CH, FH), jnp.float32),
        pltpu.VMEM((CH, FH), jnp.float32),
        pltpu.VMEM((CH, FH), jnp.float32),
        pltpu.SemaphoreType.DMA,
        pltpu.SemaphoreType.DMA,
        pltpu.SemaphoreType.DMA,
        pltpu.SemaphoreType.DMA,
        pltpu.SemaphoreType.DMA,
        pltpu.SemaphoreType.DMA,
        pltpu.SemaphoreType.DMA,
        pltpu.SemaphoreType.DMA,
        pltpu.VMEM((M_STRIPE, FH), jnp.float32),
        pltpu.VMEM((M_STRIPE,), jnp.float32),
        pltpu.VMEM((M_STRIPE,), jnp.float32),
        pltpu.VMEM_SHARED((MPAD, FH), jnp.float32),
        pltpu.VMEM_SHARED((NPAD, FH), jnp.float32),
    ],
)
def _fused(xp_hbm, g1s_hbm, g1d_hbm, g2s_hbm, g2d_hbm, dege_hbm, wmul_hbm,
           zeros_m_hbm, zeros_n_hbm, out_hbm,
           sidx, didx, r0, r1, r2, r3, g0, g1, g2, g3, s0, s1, s2, s3,
           xbuf, dbuf, wbuf, xe, xv):
    c = lax.axis_index("c")
    s = lax.axis_index("s")
    mbase = s * M_STRIPE
    rows = (r0, r1, r2, r3)
    semg = (g0, g1, g2, g3)
    sems = (s0, s1, s2, s3)

    pltpu.sync_copy(zeros_m_hbm.at[pl.ds(mbase, M_STRIPE)],
                    xe.at[pl.ds(mbase, M_STRIPE)])
    pltpu.sync_copy(zeros_n_hbm.at[pl.ds(s * N_STRIPE, N_STRIPE)],
                    xv.at[pl.ds(s * N_STRIPE, N_STRIPE)])
    pltpu.sync_copy(dege_hbm.at[pl.ds(mbase, M_STRIPE)], dbuf)
    pltpu.sync_copy(wmul_hbm.at[pl.ds(mbase, M_STRIPE)], wbuf)
    plsc.subcore_barrier()

    for p in range(NPASS):
        pltpu.sync_copy(g1s_hbm.at[s, p], sidx)
        pltpu.sync_copy(g1d_hbm.at[s, p], didx)

        @pl.when(c == 0)
        def _():
            _gs_pass(xp_hbm.at[0], sidx, didx, rows, semg, sems, xe)

        @pl.when(c == 1)
        def _():
            _gs_pass(xp_hbm.at[1], sidx, didx, rows, semg, sems, xe)

    plsc.subcore_barrier()

    pltpu.sync_copy(xe.at[pl.ds(mbase, M_STRIPE)], xbuf)

    def scale_group(g, carry):
        sv = dbuf[pl.ds(g * 16, 16)] * wbuf[pl.ds(g * 16, 16)]
        for k in range(16):
            srow = sv.at[jnp.full((16,), k, jnp.int32)].get(
                mode="promise_in_bounds")
            r = g * 16 + k
            for q in range(FH // 16):
                sl = pl.ds(q * 16, 16)
                xbuf[r, sl] = xbuf[r, sl] * srow
        return carry

    lax.fori_loop(0, M_STRIPE // 16, scale_group, 0)
    pltpu.sync_copy(xbuf, xe.at[pl.ds(mbase, M_STRIPE)])
    plsc.subcore_barrier()

    for p in range(NPASS):
        pltpu.sync_copy(g2s_hbm.at[s, p], sidx)
        pltpu.sync_copy(g2d_hbm.at[s, p], didx)
        _gs_pass(xe, sidx, didx, rows, semg, sems, xv)

    plsc.subcore_barrier()
    pltpu.sync_copy(xv.at[pl.ds(s * N_STRIPE, N_STRIPE)],
                    out_hbm.at[c, pl.ds(s * N_STRIPE, N_STRIPE)])


def _combine(xvp, degv):
    def body(p_ref, d_ref, o_ref):
        o_ref[:, :FH] = p_ref[0] * d_ref[...]
        o_ref[:, FH:] = p_ref[1] * d_ref[...]

    blk = N_NODES // 10
    return pl.pallas_call(
        body,
        grid=(10,),
        in_specs=[
            pl.BlockSpec((NC, blk, FH), lambda i: (0, i, 0)),
            pl.BlockSpec((blk, 1), lambda i: (i, 0)),
        ],
        out_specs=pl.BlockSpec((blk, F_DIM), lambda i: (i, 0)),
        out_shape=jax.ShapeDtypeStruct((N_NODES, F_DIM), jnp.float32),
    )(xvp, degv)


def kernel(X, g1_src, g1_dst, g2_src, g2_dst, W_lin, degE, degV, W):
    w_split = W_lin.reshape(128, NC, FH).transpose(1, 0, 2)
    xp = _matmul(X, w_split)

    g1s = g1_src.astype(jnp.int32).reshape(NS, NPASS, CPP, CH)
    g1d = g1_dst.astype(jnp.int32).reshape(NS, NPASS, CPP, CH)
    g2s = g2_src.astype(jnp.int32).reshape(NS, NPASS, CPP, CH)
    g2d = g2_dst.astype(jnp.int32).reshape(NS, NPASS, CPP, CH)

    dege_p = jnp.pad(degE.reshape(M_EDGES), (0, MPAD - M_EDGES))
    wmul_p = jnp.pad(W.reshape(M_EDGES), (0, MPAD - M_EDGES))
    zeros_m = jnp.zeros((MPAD, FH), jnp.float32)
    zeros_n = jnp.zeros((NPAD, FH), jnp.float32)

    xvp = _fused(xp, g1s, g1d, g2s, g2d, dege_p, wmul_p, zeros_m, zeros_n)

    return _combine(xvp[:, :N_NODES], degV)

# --- scband reference (transcript-rebuilt; emitter-appended) ---
"""Pipeline reference for scband-dglhgnnconv-30142080484149 (READ-ONLY COPY).

The authoritative reference and input builder live on the scoring server;
editing this copy changes nothing except your own understanding.
"""

import jax, jax.numpy as jnp
import numpy as np

N = 10000      # nodes
M = 2500       # hyperedges
E = 320000     # incidence pairs
IN = 128       # in_channels
HEADS = 8
OUT = 16
F = HEADS * OUT  # 128


def setup_inputs(seed: int = 0) -> dict:
    key = jax.random.key(seed)
    ks = jax.random.split(key, 8)
    X = jax.random.normal(ks[0], (N, IN), dtype=jnp.float32)
    g1_src = jax.random.randint(ks[1], (E,), 0, N)   # node ids (messages from nodes)
    g1_dst = jax.random.randint(ks[2], (E,), 0, M)   # hyperedge ids (aggregate at hyperedges)
    g2_src = jax.random.randint(ks[3], (E,), 0, M)   # hyperedge ids (messages from hyperedges)
    g2_dst = jax.random.randint(ks[4], (E,), 0, N)   # node ids (aggregate at nodes)
    # learned / fixed parameters
    W_lin = jax.random.normal(ks[5], (IN, F), dtype=jnp.float32) * (1.0 / np.sqrt(IN))
    degE = jax.random.uniform(ks[6], (M, 1), dtype=jnp.float32, minval=0.1, maxval=1.0)
    degV = jax.random.uniform(ks[7], (N, 1), dtype=jnp.float32, minval=0.1, maxval=1.0)
    W = jnp.ones((M, 1), dtype=jnp.float32)
    return {"X": X, "g1_src": g1_src, "g1_dst": g1_dst, "g2_src": g2_src,
            "g2_dst": g2_dst, "W_lin": W_lin, "degE": degE, "degV": degV, "W": W}


def reference(X, g1_src, g1_dst, g2_src, g2_dst, W_lin, degE, degV, W):
    # X = self.linear(X)  (no bias)
    Xp = X @ W_lin                                   # [N, F]
    # Xe = dgl.ops.copy_u_sum(g1, X): gather node feats along incidences, scatter-add to hyperedges
    Xe = jax.ops.segment_sum(Xp[g1_src], g1_dst, num_segments=M)   # [M, F]
    Xe = Xe * degE
    Xe = W * Xe
    # Xv = dgl.ops.copy_u_sum(g2, Xe): gather hyperedge feats, scatter-add back to nodes
    Xv = jax.ops.segment_sum(Xe[g2_src], g2_dst, num_segments=N)   # [N, F]
    Xv = Xv * degV
    return Xv

if __name__ == "__main__":
    import jax
    _d = setup_inputs()
    print(jax.jit(kernel)(*tuple(_d.values())))

</pallas_src>

<mosaic_0001>
#map = affine_map<(d0, d1) -> (0, 0, 0)>
#map1 = affine_map<(d0, d1) -> (0, 0, 0, 0)>
#map2 = affine_map<(d0, d1) -> (0)>
#map3 = affine_map<(d0, d1) -> (0, 0)>
module attributes {stable_mosaic.version = 14 : i64} {
  func.func @_fused(%arg0: i32, %arg1: i32, %arg2: memref<2x10000x64xf32, #tpu.memory_space<hbm>>, %arg3: memref<16x2x80x125xi32, #tpu.memory_space<hbm>>, %arg4: memref<16x2x80x125xi32, #tpu.memory_space<hbm>>, %arg5: memref<16x2x80x125xi32, #tpu.memory_space<hbm>>, %arg6: memref<16x2x80x125xi32, #tpu.memory_space<hbm>>, %arg7: memref<2560xf32, #tpu.memory_space<hbm>>, %arg8: memref<2560xf32, #tpu.memory_space<hbm>>, %arg9: memref<2560x64xf32, #tpu.memory_space<hbm>>, %arg10: memref<10240x64xf32, #tpu.memory_space<hbm>>, %arg11: memref<2x10240x64xf32, #tpu.memory_space<hbm>>, %arg12: memref<80x125xi32, #tpu.memory_space<vmem>>, %arg13: memref<80x125xi32, #tpu.memory_space<vmem>>, %arg14: memref<125x64xf32, #tpu.memory_space<vmem>>, %arg15: memref<125x64xf32, #tpu.memory_space<vmem>>, %arg16: memref<125x64xf32, #tpu.memory_space<vmem>>, %arg17: memref<125x64xf32, #tpu.memory_space<vmem>>, %arg18: memref<!tpu.dma_semaphore, #tpu.memory_space<semaphore_mem>>, %arg19: memref<!tpu.dma_semaphore, #tpu.memory_space<semaphore_mem>>, %arg20: memref<!tpu.dma_semaphore, #tpu.memory_space<semaphore_mem>>, %arg21: memref<!tpu.dma_semaphore, #tpu.memory_space<semaphore_mem>>, %arg22: memref<!tpu.dma_semaphore, #tpu.memory_space<semaphore_mem>>, %arg23: memref<!tpu.dma_semaphore, #tpu.memory_space<semaphore_mem>>, %arg24: memref<!tpu.dma_semaphore, #tpu.memory_space<semaphore_mem>>, %arg25: memref<!tpu.dma_semaphore, #tpu.memory_space<semaphore_mem>>, %arg26: memref<160x64xf32, #tpu.memory_space<vmem>>, %arg27: memref<160xf32, #tpu.memory_space<vmem>>, %arg28: memref<160xf32, #tpu.memory_space<vmem>>, %arg29: memref<2560x64xf32, #tpu.memory_space<vmem_shared>>, %arg30: memref<10240x64xf32, #tpu.memory_space<vmem_shared>>) attributes {dimension_semantics = [#tpu.dimension_semantics<core_parallel>, #tpu.dimension_semantics<subcore_parallel>], iteration_bounds = array<i64: 2, 16>, scalar_prefetch = 0 : i64, scratch_operands = 19 : i64, tpu.core_type = #tpu.core_type<sc_vector_subcore>, window_params = [{transform_indices = #map}, {transform_indices = #map1}, {transform_indices = #map1}, {transform_indices = #map1}, {transform_indices = #map1}, {transform_indices = #map2}, {transform_indices = #map2}, {transform_indices = #map3}, {transform_indices = #map3}, {transform_indices = #map}]} {
    %mul3A = arith.constant 160 : i32
    %mul3A_0 = arith.muli %arg1, %mul3A : i32
    "tpu.region"() ({
      %run_scoped3A_163 = tpu.sem_alloc : memref<!tpu.dma_semaphore, #tpu.memory_space<semaphore_mem>>
      %dma_start3A_164 = arith.constant 0 : i32
      %dma_start3A_165 = tpu.memref_slice %arg29[%mul3A_0, %dma_start3A_164] : memref<2560x64xf32, #tpu.memory_space<vmem_shared>> -> memref<160x64xf32, #tpu.memory_space<vmem_shared>>
      %dma_start3A_166 = arith.constant 0 : i32
      %dma_start3A_167 = tpu.memref_slice %arg9[%mul3A_0, %dma_start3A_166] : memref<2560x64xf32, #tpu.memory_space<hbm>> -> memref<160x64xf32, #tpu.memory_space<hbm>>
      tpu.enqueue_dma source(%dma_start3A_167 : memref<160x64xf32, #tpu.memory_space<hbm>>) target(%dma_start3A_165 : memref<160x64xf32, #tpu.memory_space<vmem_shared>>) target_semaphore(%run_scoped3A_163 : memref<!tpu.dma_semaphore, #tpu.memory_space<semaphore_mem>>)
      %dma_wait3A_168 = arith.constant 0 : i32
      %dma_wait3A_169 = tpu.memref_slice %arg29[%mul3A_0, %dma_wait3A_168] : memref<2560x64xf32, #tpu.memory_space<vmem_shared>> -> memref<160x64xf32, #tpu.memory_space<vmem_shared>>
      %dma_wait3A_170 = arith.constant 0 : i32
      %dma_wait3A_171 = tpu.memref_slice %arg9[%mul3A_0, %dma_wait3A_170] : memref<2560x64xf32, #tpu.memory_space<hbm>> -> memref<160x64xf32, #tpu.memory_space<hbm>>
      tpu.wait_dma2 semaphore(%run_scoped3A_163 : memref<!tpu.dma_semaphore, #tpu.memory_space<semaphore_mem>>) src(%dma_wait3A_171 : memref<160x64xf32, #tpu.memory_space<hbm>>) dst(%dma_wait3A_169 : memref<160x64xf32, #tpu.memory_space<vmem_shared>>)
      tpu.yield
    }) : () -> ()
    %mul3A_1 = arith.constant 640 : i32
    %mul3A_2 = arith.muli %arg1, %mul3A_1 : i32
    %mul3A_3 = arith.constant 640 : i32
    %mul3A_4 = arith.muli %arg1, %mul3A_3 : i32
    "tpu.region"() ({
      %run_scoped3A_163 = tpu.sem_alloc : memref<!tpu.dma_semaphore, #tpu.memory_space<semaphore_mem>>
      %dma_start3A_164 = arith.constant 0 : i32
      %dma_start3A_165 = tpu.memref_slice %arg30[%mul3A_4, %dma_start3A_164] : memref<10240x64xf32, #tpu.memory_space<vmem_shared>> -> memref<640x64xf32, #tpu.memory_space<vmem_shared>>
      %dma_start3A_166 = arith.constant 0 : i32
      %dma_start3A_167 = tpu.memref_slice %arg10[%mul3A_2, %dma_start3A_166] : memref<10240x64xf32, #tpu.memory_space<hbm>> -> memref<640x64xf32, #tpu.memory_space<hbm>>
      tpu.enqueue_dma source(%dma_start3A_167 : memref<640x64xf32, #tpu.memory_space<hbm>>) target(%dma_start3A_165 : memref<640x64xf32, #tpu.memory_space<vmem_shared>>) target_semaphore(%run_scoped3A_163 : memref<!tpu.dma_semaphore, #tpu.memory_space<semaphore_mem>>)
      %dma_wait3A_168 = arith.constant 0 : i32
      %dma_wait3A_169 = tpu.memref_slice %arg30[%mul3A_4, %dma_wait3A_168] : memref<10240x64xf32, #tpu.memory_space<vmem_shared>> -> memref<640x64xf32, #tpu.memory_space<vmem_shared>>
      %dma_wait3A_170 = arith.constant 0 : i32
      %dma_wait3A_171 = tpu.memref_slice %arg10[%mul3A_2, %dma_wait3A_170] : memref<10240x64xf32, #tpu.memory_space<hbm>> -> memref<640x64xf32, #tpu.memory_space<hbm>>
      tpu.wait_dma2 semaphore(%run_scoped3A_163 : memref<!tpu.dma_semaphore, #tpu.memory_space<semaphore_mem>>) src(%dma_wait3A_171 : memref<640x64xf32, #tpu.memory_space<hbm>>) dst(%dma_wait3A_169 : memref<640x64xf32, #tpu.memory_space<vmem_shared>>)
      tpu.yield
    }) : () -> ()
    "tpu.region"() ({
      %run_scoped3A_163 = tpu.sem_alloc : memref<!tpu.dma_semaphore, #tpu.memory_space<semaphore_mem>>
      %dma_start3A_164 = tpu.memref_slice %arg7[%mul3A_0] : memref<2560xf32, #tpu.memory_space<hbm>> -> memref<160xf32, #tpu.memory_space<hbm>>
      %dma_start3A_165 = tpu.memref_slice %arg7[%mul3A_0] : memref<2560xf32, #tpu.memory_space<hbm>> -> memref<160xf32, #tpu.memory_space<hbm>>
      tpu.enqueue_dma source(%dma_start3A_165 : memref<160xf32, #tpu.memory_space<hbm>>) target(%arg27 : memref<160xf32, #tpu.memory_space<vmem>>) target_semaphore(%run_scoped3A_163 : memref<!tpu.dma_semaphore, #tpu.memory_space<semaphore_mem>>)
      %dma_wait3A_166 = tpu.memref_slice %arg7[%mul3A_0] : memref<2560xf32, #tpu.memory_space<hbm>> -> memref<160xf32, #tpu.memory_space<hbm>>
      %dma_wait3A_167 = tpu.memref_slice %arg7[%mul3A_0] : memref<2560xf32, #tpu.memory_space<hbm>> -> memref<160xf32, #tpu.memory_space<hbm>>
      tpu.wait_dma2 semaphore(%run_scoped3A_163 : memref<!tpu.dma_semaphore, #tpu.memory_space<semaphore_mem>>) src(%dma_wait3A_167 : memref<160xf32, #tpu.memory_space<hbm>>) dst(%arg27 : memref<160xf32, #tpu.memory_space<vmem>>)
      tpu.yield
    }) : () -> ()
    "tpu.region"() ({
      %run_scoped3A_163 = tpu.sem_alloc : memref<!tpu.dma_semaphore, #tpu.memory_space<semaphore_mem>>
      %dma_start3A_164 = tpu.memref_slice %arg8[%mul3A_0] : memref<2560xf32, #tpu.memory_space<hbm>> -> memref<160xf32, #tpu.memory_space<hbm>>
      %dma_start3A_165 = tpu.memref_slice %arg8[%mul3A_0] : memref<2560xf32, #tpu.memory_space<hbm>> -> memref<160xf32, #tpu.memory_space<hbm>>
      tpu.enqueue_dma source(%dma_start3A_165 : memref<160xf32, #tpu.memory_space<hbm>>) target(%arg28 : memref<160xf32, #tpu.memory_space<vmem>>) target_semaphore(%run_scoped3A_163 : memref<!tpu.dma_semaphore, #tpu.memory_space<semaphore_mem>>)
      %dma_wait3A_166 = tpu.memref_slice %arg8[%mul3A_0] : memref<2560xf32, #tpu.memory_space<hbm>> -> memref<160xf32, #tpu.memory_space<hbm>>
      %dma_wait3A_167 = tpu.memref_slice %arg8[%mul3A_0] : memref<2560xf32, #tpu.memory_space<hbm>> -> memref<160xf32, #tpu.memory_space<hbm>>
      tpu.wait_dma2 semaphore(%run_scoped3A_163 : memref<!tpu.dma_semaphore, #tpu.memory_space<semaphore_mem>>) src(%dma_wait3A_167 : memref<160xf32, #tpu.memory_space<hbm>>) dst(%arg28 : memref<160xf32, #tpu.memory_space<vmem>>)
      tpu.yield
    }) : () -> ()
    %barrier3A = arith.constant 0 : index
    tpu.barrier barrier_id(%barrier3A)
    %run_scoped3A = arith.constant 0 : i32
    "tpu.region"() ({
      %run_scoped3A_163 = tpu.sem_alloc : memref<!tpu.dma_semaphore, #tpu.memory_space<semaphore_mem>>
      %dma_start3A_164 = arith.constant 0 : i32
      %dma_start3A_165 = arith.constant 0 : i32
      %dma_start3A_166 = tpu.memref_slice %arg3[%arg1, %run_scoped3A, %dma_start3A_164, %dma_start3A_165] : memref<16x2x80x125xi32, #tpu.memory_space<hbm>> -> memref<1x1x80x125xi32, #tpu.memory_space<hbm>>
      %dma_start3A_167 = tpu.memref_squeeze %dma_start3A_166 : memref<1x1x80x125xi32, #tpu.memory_space<hbm>> -> memref<80x125xi32, #tpu.memory_space<hbm>>
      %dma_start3A_168 = arith.constant 0 : i32
      %dma_start3A_169 = arith.constant 0 : i32
      %dma_start3A_170 = tpu.memref_slice %arg3[%arg1, %run_scoped3A, %dma_start3A_168, %dma_start3A_169] : memref<16x2x80x125xi32, #tpu.memory_space<hbm>> -> memref<1x1x80x125xi32, #tpu.memory_space<hbm>>
      %dma_start3A_171 = tpu.memref_squeeze %dma_start3A_170 : memref<1x1x80x125xi32, #tpu.memory_space<hbm>> -> memref<80x125xi32, #tpu.memory_space<hbm>>
      tpu.enqueue_dma source(%dma_start3A_171 : memref<80x125xi32, #tpu.memory_space<hbm>>) target(%arg12 : memref<80x125xi32, #tpu.memory_space<vmem>>) target_semaphore(%run_scoped3A_163 : memref<!tpu.dma_semaphore, #tpu.memory_space<semaphore_mem>>)
      %dma_wait3A_172 = arith.constant 0 : i32
      %dma_wait3A_173 = arith.constant 0 : i32
      %dma_wait3A_174 = tpu.memref_slice %arg3[%arg1, %run_scoped3A, %dma_wait3A_172, %dma_wait3A_173] : memref<16x2x80x125xi32, #tpu.memory_space<hbm>> -> memref<1x1x80x125xi32, #tpu.memory_space<hbm>>
      %dma_wait3A_175 = tpu.memref_squeeze %dma_wait3A_174 : memref<1x1x80x125xi32, #tpu.memory_space<hbm>> -> memref<80x125xi32, #tpu.memory_space<hbm>>
      %dma_wait3A_176 = arith.constant 0 : i32
      %dma_wait3A_177 = arith.constant 0 : i32
      %dma_wait3A_178 = tpu.memref_slice %arg3[%arg1, %run_scoped3A, %dma_wait3A_176, %dma_wait3A_177] : memref<16x2x80x125xi32, #tpu.memory_space<hbm>> -> memref<1x1x80x125xi32, #tpu.memory_space<hbm>>
      %dma_wait3A_179 = tpu.memref_squeeze %dma_wait3A_178 : memref<1x1x80x125xi32, #tpu.memory_space<hbm>> -> memref<80x125xi32, #tpu.memory_space<hbm>>
      tpu.wait_dma2 semaphore(%run_scoped3A_163 : memref<!tpu.dma_semaphore, #tpu.memory_space<semaphore_mem>>) src(%dma_wait3A_179 : memref<80x125xi32, #tpu.memory_space<hbm>>) dst(%arg12 : memref<80x125xi32, #tpu.memory_space<vmem>>)
      tpu.yield
    }) : () -> ()
    %run_scoped3A_5 = arith.constant 0 : i32
    "tpu.region"() ({
      %run_scoped3A_163 = tpu.sem_alloc : memref<!tpu.dma_semaphore, #tpu.memory_space<semaphore_mem>>
      %dma_start3A_164 = arith.constant 0 : i32
      %dma_start3A_165 = arith.constant 0 : i32
      %dma_start3A_166 = tpu.memref_slice %arg4[%arg1, %run_scoped3A_5, %dma_start3A_164, %dma_start3A_165] : memref<16x2x80x125xi32, #tpu.memory_space<hbm>> -> memref<1x1x80x125xi32, #tpu.memory_space<hbm>>
      %dma_start3A_167 = tpu.memref_squeeze %dma_start3A_166 : memref<1x1x80x125xi32, #tpu.memory_space<hbm>> -> memref<80x125xi32, #tpu.memory_space<hbm>>
      %dma_start3A_168 = arith.constant 0 : i32
      %dma_start3A_169 = arith.constant 0 : i32
      %dma_start3A_170 = tpu.memref_slice %arg4[%arg1, %run_scoped3A_5, %dma_start3A_168, %dma_start3A_169] : memref<16x2x80x125xi32, #tpu.memory_space<hbm>> -> memref<1x1x80x125xi32, #tpu.memory_space<hbm>>
      %dma_start3A_171 = tpu.memref_squeeze %dma_start3A_170 : memref<1x1x80x125xi32, #tpu.memory_space<hbm>> -> memref<80x125xi32, #tpu.memory_space<hbm>>
      tpu.enqueue_dma source(%dma_start3A_171 : memref<80x125xi32, #tpu.memory_space<hbm>>) target(%arg13 : memref<80x125xi32, #tpu.memory_space<vmem>>) target_semaphore(%run_scoped3A_163 : memref<!tpu.dma_semaphore, #tpu.memory_space<semaphore_mem>>)
      %dma_wait3A_172 = arith.constant 0 : i32
      %dma_wait3A_173 = arith.constant 0 : i32
      %dma_wait3A_174 = tpu.memref_slice %arg4[%arg1, %run_scoped3A_5, %dma_wait3A_172, %dma_wait3A_173] : memref<16x2x80x125xi32, #tpu.memory_space<hbm>> -> memref<1x1x80x125xi32, #tpu.memory_space<hbm>>
      %dma_wait3A_175 = tpu.memref_squeeze %dma_wait3A_174 : memref<1x1x80x125xi32, #tpu.memory_space<hbm>> -> memref<80x125xi32, #tpu.memory_space<hbm>>
      %dma_wait3A_176 = arith.constant 0 : i32
      %dma_wait3A_177 = arith.constant 0 : i32
      %dma_wait3A_178 = tpu.memref_slice %arg4[%arg1, %run_scoped3A_5, %dma_wait3A_176, %dma_wait3A_177] : memref<16x2x80x125xi32, #tpu.memory_space<hbm>> -> memref<1x1x80x125xi32, #tpu.memory_space<hbm>>
      %dma_wait3A_179 = tpu.memref_squeeze %dma_wait3A_178 : memref<1x1x80x125xi32, #tpu.memory_space<hbm>> -> memref<80x125xi32, #tpu.memory_space<hbm>>
      tpu.wait_dma2 semaphore(%run_scoped3A_163 : memref<!tpu.dma_semaphore, #tpu.memory_space<semaphore_mem>>) src(%dma_wait3A_179 : memref<80x125xi32, #tpu.memory_space<hbm>>) dst(%arg13 : memref<80x125xi32, #tpu.memory_space<vmem>>)
      tpu.yield
    }) : () -> ()
    %eq3A = arith.constant 0 : i32
    %eq3A_6 = arith.cmpi eq, %arg0, %eq3A : i32
    %convert_element_type3A = arith.extui %eq3A_6 : i1 to i32
    %cond3A = arith.constant 0 : i32
    %cond3A_7 = arith.cmpi ne, %convert_element_type3A, %cond3A : i32
    scf.if %cond3A_7 {
      %dma_start3A_163 = arith.constant 0 : i32
      %dma_start3A_164 = arith.constant 0 : i32
      %dma_start3A_165 = arith.constant 0 : i32
      %dma_start3A_166 = tpu.memref_slice %arg12[%dma_start3A_164, %dma_start3A_165] : memref<80x125xi32, #tpu.memory_space<vmem>> -> memref<1x125xi32, #tpu.memory_space<vmem>>
      %dma_start3A_167 = tpu.memref_squeeze %dma_start3A_166 : memref<1x125xi32, #tpu.memory_space<vmem>> -> memref<125xi32, #tpu.memory_space<vmem>>
      %dma_start3A_168 = arith.constant 0 : i32
      %dma_start3A_169 = arith.constant 0 : i32
      %dma_start3A_170 = tpu.memref_slice %arg2[%dma_start3A_163, %dma_start3A_168, %dma_start3A_169] : memref<2x10000x64xf32, #tpu.memory_space<hbm>> -> memref<1x10000x64xf32, #tpu.memory_space<hbm>>
      %dma_start3A_171 = tpu.memref_squeeze %dma_start3A_170 : memref<1x10000x64xf32, #tpu.memory_space<hbm>> -> memref<10000x64xf32, #tpu.memory_space<hbm>>
      %dma_start3A_172 = arith.constant 0 : i32
      %dma_start3A_173 = arith.constant 0 : i32
      %dma_start3A_174 = tpu.memref_slice %dma_start3A_171[%dma_start3A_172, %dma_start3A_173] : memref<10000x64xf32, #tpu.memory_space<hbm>> -> memref<10000x64xf32, #tpu.memory_space<hbm>>
      tpu.enqueue_indirect_dma source(%dma_start3A_174 : memref<10000x64xf32, #tpu.memory_space<hbm>>) target(%arg14 : memref<125x64xf32, #tpu.memory_space<vmem>>) offsets(%dma_start3A_167 : memref<125xi32, #tpu.memory_space<vmem>>) semaphore(%arg18 : memref<!tpu.dma_semaphore, #tpu.memory_space<semaphore_mem>>)
      %dma_start3A_175 = arith.constant 0 : i32
      %dma_start3A_176 = arith.constant 1 : i32
      %dma_start3A_177 = arith.constant 0 : i32
      %dma_start3A_178 = tpu.memref_slice %arg12[%dma_start3A_176, %dma_start3A_177] : memref<80x125xi32, #tpu.memory_space<vmem>> -> memref<1x125xi32, #tpu.memory_space<vmem>>
      %dma_start3A_179 = tpu.memref_squeeze %dma_start3A_178 : memref<1x125xi32, #tpu.memory_space<vmem>> -> memref<125xi32, #tpu.memory_space<vmem>>
      %dma_start3A_180 = arith.constant 0 : i32
      %dma_start3A_181 = arith.constant 0 : i32
      %dma_start3A_182 = tpu.memref_slice %arg2[%dma_start3A_175, %dma_start3A_180, %dma_start3A_181] : memref<2x10000x64xf32, #tpu.memory_space<hbm>> -> memref<1x10000x64xf32, #tpu.memory_space<hbm>>
      %dma_start3A_183 = tpu.memref_squeeze %dma_start3A_182 : memref<1x10000x64xf32, #tpu.memory_space<hbm>> -> memref<10000x64xf32, #tpu.memory_space<hbm>>
      %dma_start3A_184 = arith.constant 0 : i32
      %dma_start3A_185 = arith.constant 0 : i32
      %dma_start3A_186 = tpu.memref_slice %dma_start3A_183[%dma_start3A_184, %dma_start3A_185] : memref<10000x64xf32, #tpu.memory_space<hbm>> -> memref<10000x64xf32, #tpu.memory_space<hbm>>
      tpu.enqueue_indirect_dma source(%dma_start3A_186 : memref<10000x64xf32, #tpu.memory_space<hbm>>) target(%arg15 : memref<125x64xf32, #tpu.memory_space<vmem>>) offsets(%dma_start3A_179 : memref<125xi32, #tpu.memory_space<vmem>>) semaphore(%arg19 : memref<!tpu.dma_semaphore, #tpu.memory_space<semaphore_mem>>)
      %dma_start3A_187 = arith.constant 0 : i32
      %dma_start3A_188 = arith.constant 2 : i32
      %dma_start3A_189 = arith.constant 0 : i32
      %dma_start3A_190 = tpu.memref_slice %arg12[%dma_start3A_188, %dma_start3A_189] : memref<80x125xi32, #tpu.memory_space<vmem>> -> memref<1x125xi32, #tpu.memory_space<vmem>>
      %dma_start3A_191 = tpu.memref_squeeze %dma_start3A_190 : memref<1x125xi32, #tpu.memory_space<vmem>> -> memref<125xi32, #tpu.memory_space<vmem>>
      %dma_start3A_192 = arith.constant 0 : i32
      %dma_start3A_193 = arith.constant 0 : i32
      %dma_start3A_194 = tpu.memref_slice %arg2[%dma_start3A_187, %dma_start3A_192, %dma_start3A_193] : memref<2x10000x64xf32, #tpu.memory_space<hbm>> -> memref<1x10000x64xf32, #tpu.memory_space<hbm>>
      %dma_start3A_195 = tpu.memref_squeeze %dma_start3A_194 : memref<1x10000x64xf32, #tpu.memory_space<hbm>> -> memref<10000x64xf32, #tpu.memory_space<hbm>>
      %dma_start3A_196 = arith.constant 0 : i32
      %dma_start3A_197 = arith.constant 0 : i32
      %dma_start3A_198 = tpu.memref_slice %dma_start3A_195[%dma_start3A_196, %dma_start3A_197] : memref<10000x64xf32, #tpu.memory_space<hbm>> -> memref<10000x64xf32, #tpu.memory_space<hbm>>
      tpu.enqueue_indirect_dma source(%dma_start3A_198 : memref<10000x64xf32, #tpu.memory_space<hbm>>) target(%arg16 : memref<125x64xf32, #tpu.memory_space<vmem>>) offsets(%dma_start3A_191 : memref<125xi32, #tpu.memory_space<vmem>>) semaphore(%arg20 : memref<!tpu.dma_semaphore, #tpu.memory_space<semaphore_mem>>)
      %dma_start3A_199 = arith.constant 0 : i32
      %dma_start3A_200 = arith.constant 3 : i32
      %dma_start3A_201 = arith.constant 0 : i32
      %dma_start3A_202 = tpu.memref_slice %arg12[%dma_start3A_200, %dma_start3A_201] : memref<80x125xi32, #tpu.memory_space<vmem>> -> memref<1x125xi32, #tpu.memory_space<vmem>>
      %dma_start3A_203 = tpu.memref_squeeze %dma_start3A_202 : memref<1x125xi32, #tpu.memory_space<vmem>> -> memref<125xi32, #tpu.memory_space<vmem>>
      %dma_start3A_204 = arith.constant 0 : i32
      %dma_start3A_205 = arith.constant 0 : i32
      %dma_start3A_206 = tpu.memref_slice %arg2[%dma_start3A_199, %dma_start3A_204, %dma_start3A_205] : memref<2x10000x64xf32, #tpu.memory_space<hbm>> -> memref<1x10000x64xf32, #tpu.memory_space<hbm>>
      %dma_start3A_207 = tpu.memref_squeeze %dma_start3A_206 : memref<1x10000x64xf32, #tpu.memory_space<hbm>> -> memref<10000x64xf32, #tpu.memory_space<hbm>>
      %dma_start3A_208 = arith.constant 0 : i32
      %dma_start3A_209 = arith.constant 0 : i32
      %dma_start3A_210 = tpu.memref_slice %dma_start3A_207[%dma_start3A_208, %dma_start3A_209] : memref<10000x64xf32, #tpu.memory_space<hbm>> -> memref<10000x64xf32, #tpu.memory_space<hbm>>
      tpu.enqueue_indirect_dma source(%dma_start3A_210 : memref<10000x64xf32, #tpu.memory_space<hbm>>) target(%arg17 : memref<125x64xf32, #tpu.memory_space<vmem>>) offsets(%dma_start3A_203 : memref<125xi32, #tpu.memory_space<vmem>>) semaphore(%arg21 : memref<!tpu.dma_semaphore, #tpu.memory_space<semaphore_mem>>)
      %scan3A_211 = arith.constant 0 : i32
      %scan3A_212 = arith.constant 0 : i32
      %scan3A_213 = arith.constant 0 : i32
      %scan3A_214 = arith.constant 20 : i32
      %scan3A_215 = arith.addi %scan3A_213, %scan3A_214 : i32
      %scan3A_216 = arith.constant 1 : i32
      scf.for %scan3A_246 = %scan3A_213 to %scan3A_215 step %scan3A_216  : i32 {
        %mul3A_247 = arith.constant 4 : i32
        %mul3A_248 = arith.muli %mul3A_247, %scan3A_246 : i32
        %add3A = arith.constant 0 : i32
        %add3A_249 = arith.addi %mul3A_248, %add3A : i32
        %add3A_250 = arith.constant 2 : i32
        %add3A_251 = arith.addi %add3A_249, %add3A_250 : i32
        %ge3A = arith.constant 4 : i32
        %ge3A_252 = arith.cmpi sge, %add3A_251, %ge3A : i32
        %lt3A = arith.constant 80 : i32
        %lt3A_253 = arith.cmpi slt, %add3A_251, %lt3A : i32
        %and3A = arith.andi %ge3A_252, %lt3A_253 : i1
        %convert_element_type3A_254 = arith.extui %and3A : i1 to i32
        %cond3A_255 = arith.constant 0 : i32
        %cond3A_256 = arith.cmpi ne, %convert_element_type3A_254, %cond3A_255 : i32
        scf.if %cond3A_256 {
          %dma_wait3A_363 = arith.constant 0 : i32
          %dma_wait3A_364 = arith.constant 0 : i32
          %dma_wait3A_365 = tpu.memref_slice %arg13[%dma_wait3A_363, %dma_wait3A_364] : memref<80x125xi32, #tpu.memory_space<vmem>> -> memref<1x125xi32, #tpu.memory_space<vmem>>
          %dma_wait3A_366 = tpu.memref_squeeze %dma_wait3A_365 : memref<1x125xi32, #tpu.memory_space<vmem>> -> memref<125xi32, #tpu.memory_space<vmem>>
          %dma_wait3A_367 = arith.constant 0 : i32
          %dma_wait3A_368 = arith.constant 0 : i32
          %dma_wait3A_369 = tpu.memref_slice %arg29[%dma_wait3A_367, %dma_wait3A_368] : memref<2560x64xf32, #tpu.memory_space<vmem_shared>> -> memref<2560x64xf32, #tpu.memory_space<vmem_shared>>
          tpu.wait_indirect_dma semaphore(%arg24 : memref<!tpu.dma_semaphore, #tpu.memory_space<semaphore_mem>>) src(%arg16 : memref<125x64xf32, #tpu.memory_space<vmem>>) dst(%dma_wait3A_369 : memref<2560x64xf32, #tpu.memory_space<vmem_shared>>)
          %dma_start3A_370 = arith.constant 0 : i32
          %dma_start3A_371 = tpu.memref_slice %arg12[%add3A_251, %dma_start3A_370] : memref<80x125xi32, #tpu.memory_space<vmem>> -> memref<1x125xi32, #tpu.memory_space<vmem>>
          %dma_start3A_372 = tpu.memref_squeeze %dma_start3A_371 : memref<1x125xi32, #tpu.memory_space<vmem>> -> memref<125xi32, #tpu.memory_space<vmem>>
          %dma_start3A_373 = arith.constant 0 : i32
          %dma_start3A_374 = arith.constant 0 : i32
          %dma_start3A_375 = tpu.memref_slice %arg2[%scan3A_212, %dma_start3A_373, %dma_start3A_374] : memref<2x10000x64xf32, #tpu.memory_space<hbm>> -> memref<1x10000x64xf32, #tpu.memory_space<hbm>>
          %dma_start3A_376 = tpu.memref_squeeze %dma_start3A_375 : memref<1x10000x64xf32, #tpu.memory_space<hbm>> -> memref<10000x64xf32, #tpu.memory_space<hbm>>
          %dma_start3A_377 = arith.constant 0 : i32
          %dma_start3A_378 = arith.constant 0 : i32
          %dma_start3A_379 = tpu.memref_slice %dma_start3A_376[%dma_start3A_377, %dma_start3A_378] : memref<10000x64xf32, #tpu.memory_space<hbm>> -> memref<10000x64xf32, #tpu.memory_space<hbm>>
          tpu.enqueue_indirect_dma source(%dma_start3A_379 : memref<10000x64xf32, #tpu.memory_space<hbm>>) target(%arg16 : memref<125x64xf32, #tpu.memory_space<vmem>>) offsets(%dma_start3A_372 : memref<125xi32, #tpu.memory_space<vmem>>) semaphore(%arg20 : memref<!tpu.dma_semaphore, #tpu.memory_space<semaphore_mem>>)
        } else {
        }
        %dma_wait3A_257 = arith.constant 0 : i32
        %dma_wait3A_258 = tpu.memref_slice %arg12[%add3A_249, %dma_wait3A_257] : memref<80x125xi32, #tpu.memory_space<vmem>> -> memref<1x125xi32, #tpu.memory_space<vmem>>
        %dma_wait3A_259 = tpu.memref_squeeze %dma_wait3A_258 : memref<1x125xi32, #tpu.memory_space<vmem>> -> memref<125xi32, #tpu.memory_space<vmem>>
        %dma_wait3A_260 = arith.constant 0 : i32
        %dma_wait3A_261 = arith.constant 0 : i32
        %dma_wait3A_262 = tpu.memref_slice %arg2[%scan3A_212, %dma_wait3A_260, %dma_wait3A_261] : memref<2x10000x64xf32, #tpu.memory_space<hbm>> -> memref<1x10000x64xf32, #tpu.memory_space<hbm>>
        %dma_wait3A_263 = tpu.memref_squeeze %dma_wait3A_262 : memref<1x10000x64xf32, #tpu.memory_space<hbm>> -> memref<10000x64xf32, #tpu.memory_space<hbm>>
        %dma_wait3A_264 = arith.constant 0 : i32
        %dma_wait3A_265 = arith.constant 0 : i32
        %dma_wait3A_266 = tpu.memref_slice %dma_wait3A_263[%dma_wait3A_264, %dma_wait3A_265] : memref<10000x64xf32, #tpu.memory_space<hbm>> -> memref<10000x64xf32, #tpu.memory_space<hbm>>
        tpu.wait_indirect_dma semaphore(%arg18 : memref<!tpu.dma_semaphore, #tpu.memory_space<semaphore_mem>>) src(%dma_wait3A_266 : memref<10000x64xf32, #tpu.memory_space<hbm>>) dst(%arg14 : memref<125x64xf32, #tpu.memory_space<vmem>>)
        %dma_start3A_267 = arith.constant 0 : i32
        %dma_start3A_268 = tpu.memref_slice %arg13[%add3A_249, %dma_start3A_267] : memref<80x125xi32, #tpu.memory_space<vmem>> -> memref<1x125xi32, #tpu.memory_space<vmem>>
        %dma_start3A_269 = tpu.memref_squeeze %dma_start3A_268 : memref<1x125xi32, #tpu.memory_space<vmem>> -> memref<125xi32, #tpu.memory_space<vmem>>
        %dma_start3A_270 = arith.constant 0 : i32
        %dma_start3A_271 = arith.constant 0 : i32
        %dma_start3A_272 = tpu.memref_slice %arg29[%dma_start3A_270, %dma_start3A_271] : memref<2560x64xf32, #tpu.memory_space<vmem_shared>> -> memref<2560x64xf32, #tpu.memory_space<vmem_shared>>
        tpu.enqueue_indirect_dma source(%arg14 : memref<125x64xf32, #tpu.memory_space<vmem>>) target(%dma_start3A_272 : memref<2560x64xf32, #tpu.memory_space<vmem_shared>>) offsets(%dma_start3A_269 : memref<125xi32, #tpu.memory_space<vmem>>) semaphore(%arg22 : memref<!tpu.dma_semaphore, #tpu.memory_space<semaphore_mem>>) {add = true}
        %mul3A_273 = arith.constant 4 : i32
        %mul3A_274 = arith.muli %mul3A_273, %scan3A_246 : i32
        %add3A_275 = arith.constant 1 : i32
        %add3A_276 = arith.addi %mul3A_274, %add3A_275 : i32
        %add3A_277 = arith.constant 2 : i32
        %add3A_278 = arith.addi %add3A_276, %add3A_277 : i32
        %ge3A_279 = arith.constant 4 : i32
        %ge3A_280 = arith.cmpi sge, %add3A_278, %ge3A_279 : i32
        %lt3A_281 = arith.constant 80 : i32
        %lt3A_282 = arith.cmpi slt, %add3A_278, %lt3A_281 : i32
        %and3A_283 = arith.andi %ge3A_280, %lt3A_282 : i1
        %convert_element_type3A_284 = arith.extui %and3A_283 : i1 to i32
        %cond3A_285 = arith.constant 0 : i32
        %cond3A_286 = arith.cmpi ne, %convert_element_type3A_284, %cond3A_285 : i32
        scf.if %cond3A_286 {
          %dma_wait3A_363 = arith.constant 0 : i32
          %dma_wait3A_364 = arith.constant 0 : i32
          %dma_wait3A_365 = tpu.memref_slice %arg13[%dma_wait3A_363, %dma_wait3A_364] : memref<80x125xi32, #tpu.memory_space<vmem>> -> memref<1x125xi32, #tpu.memory_space<vmem>>
          %dma_wait3A_366 = tpu.memref_squeeze %dma_wait3A_365 : memref<1x125xi32, #tpu.memory_space<vmem>> -> memref<125xi32, #tpu.memory_space<vmem>>
          %dma_wait3A_367 = arith.constant 0 : i32
          %dma_wait3A_368 = arith.constant 0 : i32
          %dma_wait3A_369 = tpu.memref_slice %arg29[%dma_wait3A_367, %dma_wait3A_368] : memref<2560x64xf32, #tpu.memory_space<vmem_shared>> -> memref<2560x64xf32, #tpu.memory_space<vmem_shared>>
          tpu.wait_indirect_dma semaphore(%arg25 : memref<!tpu.dma_semaphore, #tpu.memory_space<semaphore_mem>>) src(%arg17 : memref<125x64xf32, #tpu.memory_space<vmem>>) dst(%dma_wait3A_369 : memref<2560x64xf32, #tpu.memory_space<vmem_shared>>)
          %dma_start3A_370 = arith.constant 0 : i32
          %dma_start3A_371 = tpu.memref_slice %arg12[%add3A_278, %dma_start3A_370] : memref<80x125xi32, #tpu.memory_space<vmem>> -> memref<1x125xi32, #tpu.memory_space<vmem>>
          %dma_start3A_372 = tpu.memref_squeeze %dma_start3A_371 : memref<1x125xi32, #tpu.memory_space<vmem>> -> memref<125xi32, #tpu.memory_space<vmem>>
          %dma_start3A_373 = arith.constant 0 : i32
          %dma_start3A_374 = arith.constant 0 : i32
          %dma_start3A_375 = tpu.memref_slice %arg2[%scan3A_212, %dma_start3A_373, %dma_start3A_374] : memref<2x10000x64xf32, #tpu.memory_space<hbm>> -> memref<1x10000x64xf32, #tpu.memory_space<hbm>>
          %dma_start3A_376 = tpu.memref_squeeze %dma_start3A_375 : memref<1x10000x64xf32, #tpu.memory_space<hbm>> -> memref<10000x64xf32, #tpu.memory_space<hbm>>
          %dma_start3A_377 = arith.constant 0 : i32
          %dma_start3A_378 = arith.constant 0 : i32
          %dma_start3A_379 = tpu.memref_slice %dma_start3A_376[%dma_start3A_377, %dma_start3A_378] : memref<10000x64xf32, #tpu.memory_space<hbm>> -> memref<10000x64xf32, #tpu.memory_space<hbm>>
          tpu.enqueue_indirect_dma source(%dma_start3A_379 : memref<10000x64xf32, #tpu.memory_space<hbm>>) target(%arg17 : memref<125x64xf32, #tpu.memory_space<vmem>>) offsets(%dma_start3A_372 : memref<125xi32, #tpu.memory_space<vmem>>) semaphore(%arg21 : memref<!tpu.dma_semaphore, #tpu.memory_space<semaphore_mem>>)
        } else {
        }
        %dma_wait3A_287 = arith.constant 0 : i32
        %dma_wait3A_288 = tpu.memref_slice %arg12[%add3A_276, %dma_wait3A_287] : memref<80x125xi32, #tpu.memory_space<vmem>> -> memref<1x125xi32, #tpu.memory_space<vmem>>
        %dma_wait3A_289 = tpu.memref_squeeze %dma_wait3A_288 : memref<1x125xi32, #tpu.memory_space<vmem>> -> memref<125xi32, #tpu.memory_space<vmem>>
        %dma_wait3A_290 = arith.constant 0 : i32
        %dma_wait3A_291 = arith.constant 0 : i32
        %dma_wait3A_292 = tpu.memref_slice %arg2[%scan3A_212, %dma_wait3A_290, %dma_wait3A_291] : memref<2x10000x64xf32, #tpu.memory_space<hbm>> -> memref<1x10000x64xf32, #tpu.memory_space<hbm>>
        %dma_wait3A_293 = tpu.memref_squeeze %dma_wait3A_292 : memref<1x10000x64xf32, #tpu.memory_space<hbm>> -> memref<10000x64xf32, #tpu.memory_space<hbm>>
        %dma_wait3A_294 = arith.constant 0 : i32
        %dma_wait3A_295 = arith.constant 0 : i32
        %dma_wait3A_296 = tpu.memref_slice %dma_wait3A_293[%dma_wait3A_294, %dma_wait3A_295] : memref<10000x64xf32, #tpu.memory_space<hbm>> -> memref<10000x64xf32, #tpu.memory_space<hbm>>
        tpu.wait_indirect_dma semaphore(%arg19 : memref<!tpu.dma_semaphore, #tpu.memory_space<semaphore_mem>>) src(%dma_wait3A_296 : memref<10000x64xf32, #tpu.memory_space<hbm>>) dst(%arg15 : memref<125x64xf32, #tpu.memory_space<vmem>>)
        %dma_start3A_297 = arith.constant 0 : i32
        %dma_start3A_298 = tpu.memref_slice %arg13[%add3A_276, %dma_start3A_297] : memref<80x125xi32, #tpu.memory_space<vmem>> -> memref<1x125xi32, #tpu.memory_space<vmem>>
        %dma_start3A_299 = tpu.memref_squeeze %dma_start3A_298 : memref<1x125xi32, #tpu.memory_space<vmem>> -> memref<125xi32, #tpu.memory_space<vmem>>
        %dma_start3A_300 = arith.constant 0 : i32
        %dma_start3A_301 = arith.constant 0 : i32
        %dma_start3A_302 = tpu.memref_slice %arg29[%dma_start3A_300, %dma_start3A_301] : memref<2560x64xf32, #tpu.memory_space<vmem_shared>> -> memref<2560x64xf32, #tpu.memory_space<vmem_shared>>
        tpu.enqueue_indirect_dma source(%arg15 : memref<125x64xf32, #tpu.memory_space<vmem>>) target(%dma_start3A_302 : memref<2560x64xf32, #tpu.memory_space<vmem_shared>>) offsets(%dma_start3A_299 : memref<125xi32, #tpu.memory_space<vmem>>) semaphore(%arg23 : memref<!tpu.dma_semaphore, #tpu.memory_space<semaphore_mem>>) {add = true}
        %mul3A_303 = arith.constant 4 : i32
        %mul3A_304 = arith.muli %mul3A_303, %scan3A_246 : i32
        %add3A_305 = arith.constant 2 : i32
        %add3A_306 = arith.addi %mul3A_304, %add3A_305 : i32
        %add3A_307 = arith.constant 2 : i32
        %add3A_308 = arith.addi %add3A_306, %add3A_307 : i32
        %ge3A_309 = arith.constant 4 : i32
        %ge3A_310 = arith.cmpi sge, %add3A_308, %ge3A_309 : i32
        %lt3A_311 = arith.constant 80 : i32
        %lt3A_312 = arith.cmpi slt, %add3A_308, %lt3A_311 : i32
        %and3A_313 = arith.andi %ge3A_310, %lt3A_312 : i1
        %convert_element_type3A_314 = arith.extui %and3A_313 : i1 to i32
        %cond3A_315 = arith.constant 0 : i32
        %cond3A_316 = arith.cmpi ne, %convert_element_type3A_314, %cond3A_315 : i32
        scf.if %cond3A_316 {
          %dma_wait3A_363 = arith.constant 0 : i32
          %dma_wait3A_364 = arith.constant 0 : i32
          %dma_wait3A_365 = tpu.memref_slice %arg13[%dma_wait3A_363, %dma_wait3A_364] : memref<80x125xi32, #tpu.memory_space<vmem>> -> memref<1x125xi32, #tpu.memory_space<vmem>>
          %dma_wait3A_366 = tpu.memref_squeeze %dma_wait3A_365 : memref<1x125xi32, #tpu.memory_space<vmem>> -> memref<125xi32, #tpu.memory_space<vmem>>
          %dma_wait3A_367 = arith.constant 0 : i32
          %dma_wait3A_368 = arith.constant 0 : i32
          %dma_wait3A_369 = tpu.memref_slice %arg29[%dma_wait3A_367, %dma_wait3A_368] : memref<2560x64xf32, #tpu.memory_space<vmem_shared>> -> memref<2560x64xf32, #tpu.memory_space<vmem_shared>>
          tpu.wait_indirect_dma semaphore(%arg22 : memref<!tpu.dma_semaphore, #tpu.memory_space<semaphore_mem>>) src(%arg14 : memref<125x64xf32, #tpu.memory_space<vmem>>) dst(%dma_wait3A_369 : memref<2560x64xf32, #tpu.memory_space<vmem_shared>>)
          %dma_start3A_370 = arith.constant 0 : i32
          %dma_start3A_371 = tpu.memref_slice %arg12[%add3A_308, %dma_start3A_370] : memref<80x125xi32, #tpu.memory_space<vmem>> -> memref<1x125xi32, #tpu.memory_space<vmem>>
          %dma_start3A_372 = tpu.memref_squeeze %dma_start3A_371 : memref<1x125xi32, #tpu.memory_space<vmem>> -> memref<125xi32, #tpu.memory_space<vmem>>
          %dma_start3A_373 = arith.constant 0 : i32
          %dma_start3A_374 = arith.constant 0 : i32
          %dma_start3A_375 = tpu.memref_slice %arg2[%scan3A_212, %dma_start3A_373, %dma_start3A_374] : memref<2x10000x64xf32, #tpu.memory_space<hbm>> -> memref<1x10000x64xf32, #tpu.memory_space<hbm>>
          %dma_start3A_376 = tpu.memref_squeeze %dma_start3A_375 : memref<1x10000x64xf32, #tpu.memory_space<hbm>> -> memref<10000x64xf32, #tpu.memory_space<hbm>>
          %dma_start3A_377 = arith.constant 0 : i32
          %dma_start3A_378 = arith.constant 0 : i32
          %dma_start3A_379 = tpu.memref_slice %dma_start3A_376[%dma_start3A_377, %dma_start3A_378] : memref<10000x64xf32, #tpu.memory_space<hbm>> -> memref<10000x64xf32, #tpu.memory_space<hbm>>
          tpu.enqueue_indirect_dma source(%dma_start3A_379 : memref<10000x64xf32, #tpu.memory_space<hbm>>) target(%arg14 : memref<125x64xf32, #tpu.memory_space<vmem>>) offsets(%dma_start3A_372 : memref<125xi32, #tpu.memory_space<vmem>>) semaphore(%arg18 : memref<!tpu.dma_semaphore, #tpu.memory_space<semaphore_mem>>)
        } else {
        }
        %dma_wait3A_317 = arith.constant 0 : i32
        %dma_wait3A_318 = tpu.memref_slice %arg12[%add3A_306, %dma_wait3A_317] : memref<80x125xi32, #tpu.memory_space<vmem>> -> memref<1x125xi32, #tpu.memory_space<vmem>>
        %dma_wait3A_319 = tpu.memref_squeeze %dma_wait3A_318 : memref<1x125xi32, #tpu.memory_space<vmem>> -> memref<125xi32, #tpu.memory_space<vmem>>
        %dma_wait3A_320 = arith.constant 0 : i32
        %dma_wait3A_321 = arith.constant 0 : i32
        %dma_wait3A_322 = tpu.memref_slice %arg2[%scan3A_212, %dma_wait3A_320, %dma_wait3A_321] : memref<2x10000x64xf32, #tpu.memory_space<hbm>> -> memref<1x10000x64xf32, #tpu.memory_space<hbm>>
        %dma_wait3A_323 = tpu.memref_squeeze %dma_wait3A_322 : memref<1x10000x64xf32, #tpu.memory_space<hbm>> -> memref<10000x64xf32, #tpu.memory_space<hbm>>
        %dma_wait3A_324 = arith.constant 0 : i32
        %dma_wait3A_325 = arith.constant 0 : i32
        %dma_wait3A_326 = tpu.memref_slice %dma_wait3A_323[%dma_wait3A_324, %dma_wait3A_325] : memref<10000x64xf32, #tpu.memory_space<hbm>> -> memref<10000x64xf32, #tpu.memory_space<hbm>>
        tpu.wait_indirect_dma semaphore(%arg20 : memref<!tpu.dma_semaphore, #tpu.memory_space<semaphore_mem>>) src(%dma_wait3A_326 : memref<10000x64xf32, #tpu.memory_space<hbm>>) dst(%arg16 : memref<125x64xf32, #tpu.memory_space<vmem>>)
        %dma_start3A_327 = arith.constant 0 : i32
        %dma_start3A_328 = tpu.memref_slice %arg13[%add3A_306, %dma_start3A_327] : memref<80x125xi32, #tpu.memory_space<vmem>> -> memref<1x125xi32, #tpu.memory_space<vmem>>
        %dma_start3A_329 = tpu.memref_squeeze %dma_start3A_328 : memref<1x125xi32, #tpu.memory_space<vmem>> -> memref<125xi32, #tpu.memory_space<vmem>>
        %dma_start3A_330 = arith.constant 0 : i32
        %dma_start3A_331 = arith.constant 0 : i32
        %dma_start3A_332 = tpu.memref_slice %arg29[%dma_start3A_330, %dma_start3A_331] : memref<2560x64xf32, #tpu.memory_space<vmem_shared>> -> memref<2560x64xf32, #tpu.memory_space<vmem_shared>>
        tpu.enqueue_indirect_dma source(%arg16 : memref<125x64xf32, #tpu.memory_space<vmem>>) target(%dma_start3A_332 : memref<2560x64xf32, #tpu.memory_space<vmem_shared>>) offsets(%dma_start3A_329 : memref<125xi32, #tpu.memory_space<vmem>>) semaphore(%arg24 : memref<!tpu.dma_semaphore, #tpu.memory_space<semaphore_mem>>) {add = true}
        %mul3A_333 = arith.constant 4 : i32
        %mul3A_334 = arith.muli %mul3A_333, %scan3A_246 : i32
        %add3A_335 = arith.constant 3 : i32
        %add3A_336 = arith.addi %mul3A_334, %add3A_335 : i32
        %add3A_337 = arith.constant 2 : i32
        %add3A_338 = arith.addi %add3A_336, %add3A_337 : i32
        %ge3A_339 = arith.constant 4 : i32
        %ge3A_340 = arith.cmpi sge, %add3A_338, %ge3A_339 : i32
        %lt3A_341 = arith.constant 80 : i32
        %lt3A_342 = arith.cmpi slt, %add3A_338, %lt3A_341 : i32
        %and3A_343 = arith.andi %ge3A_340, %lt3A_342 : i1
        %convert_element_type3A_344 = arith.extui %and3A_343 : i1 to i32
        %cond3A_345 = arith.constant 0 : i32
        %cond3A_346 = arith.cmpi ne, %convert_element_type3A_344, %cond3A_345 : i32
        scf.if %cond3A_346 {
          %dma_wait3A_363 = arith.constant 0 : i32
          %dma_wait3A_364 = arith.constant 0 : i32
          %dma_wait3A_365 = tpu.memref_slice %arg13[%dma_wait3A_363, %dma_wait3A_364] : memref<80x125xi32, #tpu.memory_space<vmem>> -> memref<1x125xi32, #tpu.memory_space<vmem>>
          %dma_wait3A_366 = tpu.memref_squeeze %dma_wait3A_365 : memref<1x125xi32, #tpu.memory_space<vmem>> -> memref<125xi32, #tpu.memory_space<vmem>>
          %dma_wait3A_367 = arith.constant 0 : i32
          %dma_wait3A_368 = arith.constant 0 : i32
          %dma_wait3A_369 = tpu.memref_slice %arg29[%dma_wait3A_367, %dma_wait3A_368] : memref<2560x64xf32, #tpu.memory_space<vmem_shared>> -> memref<2560x64xf32, #tpu.memory_space<vmem_shared>>
          tpu.wait_indirect_dma semaphore(%arg23 : memref<!tpu.dma_semaphore, #tpu.memory_space<semaphore_mem>>) src(%arg15 : memref<125x64xf32, #tpu.memory_space<vmem>>) dst(%dma_wait3A_369 : memref<2560x64xf32, #tpu.memory_space<vmem_shared>>)
          %dma_start3A_370 = arith.constant 0 : i32
          %dma_start3A_371 = tpu.memref_slice %arg12[%add3A_338, %dma_start3A_370] : memref<80x125xi32, #tpu.memory_space<vmem>> -> memref<1x125xi32, #tpu.memory_space<vmem>>
          %dma_start3A_372 = tpu.memref_squeeze %dma_start3A_371 : memref<1x125xi32, #tpu.memory_space<vmem>> -> memref<125xi32, #tpu.memory_space<vmem>>
          %dma_start3A_373 = arith.constant 0 : i32
          %dma_start3A_374 = arith.constant 0 : i32
          %dma_start3A_375 = tpu.memref_slice %arg2[%scan3A_212, %dma_start3A_373, %dma_start3A_374] : memref<2x10000x64xf32, #tpu.memory_space<hbm>> -> memref<1x10000x64xf32, #tpu.memory_space<hbm>>
          %dma_start3A_376 = tpu.memref_squeeze %dma_start3A_375 : memref<1x10000x64xf32, #tpu.memory_space<hbm>> -> memref<10000x64xf32, #tpu.memory_space<hbm>>
          %dma_start3A_377 = arith.constant 0 : i32
          %dma_start3A_378 = arith.constant 0 : i32
          %dma_start3A_379 = tpu.memref_slice %dma_start3A_376[%dma_start3A_377, %dma_start3A_378] : memref<10000x64xf32, #tpu.memory_space<hbm>> -> memref<10000x64xf32, #tpu.memory_space<hbm>>
          tpu.enqueue_indirect_dma source(%dma_start3A_379 : memref<10000x64xf32, #tpu.memory_space<hbm>>) target(%arg15 : memref<125x64xf32, #tpu.memory_space<vmem>>) offsets(%dma_start3A_372 : memref<125xi32, #tpu.memory_space<vmem>>) semaphore(%arg19 : memref<!tpu.dma_semaphore, #tpu.memory_space<semaphore_mem>>)
        } else {
        }
        %dma_wait3A_347 = arith.constant 0 : i32
        %dma_wait3A_348 = tpu.memref_slice %arg12[%add3A_336, %dma_wait3A_347] : memref<80x125xi32, #tpu.memory_space<vmem>> -> memref<1x125xi32, #tpu.memory_space<vmem>>
        %dma_wait3A_349 = tpu.memref_squeeze %dma_wait3A_348 : memref<1x125xi32, #tpu.memory_space<vmem>> -> memref<125xi32, #tpu.memory_space<vmem>>
        %dma_wait3A_350 = arith.constant 0 : i32
        %dma_wait3A_351 = arith.constant 0 : i32
        %dma_wait3A_352 = tpu.memref_slice %arg2[%scan3A_212, %dma_wait3A_350, %dma_wait3A_351] : memref<2x10000x64xf32, #tpu.memory_space<hbm>> -> memref<1x10000x64xf32, #tpu.memory_space<hbm>>
        %dma_wait3A_353 = tpu.memref_squeeze %dma_wait3A_352 : memref<1x10000x64xf32, #tpu.memory_space<hbm>> -> memref<10000x64xf32, #tpu.memory_space<hbm>>
        %dma_wait3A_354 = arith.constant 0 : i32
        %dma_wait3A_355 = arith.constant 0 : i32
        %dma_wait3A_356 = tpu.memref_slice %dma_wait3A_353[%dma_wait3A_354, %dma_wait3A_355] : memref<10000x64xf32, #tpu.memory_space<hbm>> -> memref<10000x64xf32, #tpu.memory_space<hbm>>
        tpu.wait_indirect_dma semaphore(%arg21 : memref<!tpu.dma_semaphore, #tpu.memory_space<semaphore_mem>>) src(%dma_wait3A_356 : memref<10000x64xf32, #tpu.memory_space<hbm>>) dst(%arg17 : memref<125x64xf32, #tpu.memory_space<vmem>>)
        %dma_start3A_357 = arith.constant 0 : i32
        %dma_start3A_358 = tpu.memref_slice %arg13[%add3A_336, %dma_start3A_357] : memref<80x125xi32, #tpu.memory_space<vmem>> -> memref<1x125xi32, #tpu.memory_space<vmem>>
        %dma_start3A_359 = tpu.memref_squeeze %dma_start3A_358 : memref<1x125xi32, #tpu.memory_space<vmem>> -> memref<125xi32, #tpu.memory_space<vmem>>
        %dma_start3A_360 = arith.constant 0 : i32
        %dma_start3A_361 = arith.constant 0 : i32
        %dma_start3A_362 = tpu.memref_slice %arg29[%dma_start3A_360, %dma_start3A_361] : memref<2560x64xf32, #tpu.memory_space<vmem_shared>> -> memref<2560x64xf32, #tpu.memory_space<vmem_shared>>
        tpu.enqueue_indirect_dma source(%arg17 : memref<125x64xf32, #tpu.memory_space<vmem>>) target(%dma_start3A_362 : memref<2560x64xf32, #tpu.memory_space<vmem_shared>>) offsets(%dma_start3A_359 : memref<125xi32, #tpu.memory_space<vmem>>) semaphore(%arg25 : memref<!tpu.dma_semaphore, #tpu.memory_space<semaphore_mem>>) {add = true}
      }
      %scan3A_217 = arith.constant 20 : i32
      %dma_wait3A_218 = arith.constant 0 : i32
      %dma_wait3A_219 = arith.constant 0 : i32
      %dma_wait3A_220 = tpu.memref_slice %arg13[%dma_wait3A_218, %dma_wait3A_219] : memref<80x125xi32, #tpu.memory_space<vmem>> -> memref<1x125xi32, #tpu.memory_space<vmem>>
      %dma_wait3A_221 = tpu.memref_squeeze %dma_wait3A_220 : memref<1x125xi32, #tpu.memory_space<vmem>> -> memref<125xi32, #tpu.memory_space<vmem>>
      %dma_wait3A_222 = arith.constant 0 : i32
      %dma_wait3A_223 = arith.constant 0 : i32
      %dma_wait3A_224 = tpu.memref_slice %arg29[%dma_wait3A_222, %dma_wait3A_223] : memref<2560x64xf32, #tpu.memory_space<vmem_shared>> -> memref<2560x64xf32, #tpu.memory_space<vmem_shared>>
      tpu.wait_indirect_dma semaphore(%arg22 : memref<!tpu.dma_semaphore, #tpu.memory_space<semaphore_mem>>) src(%arg14 : memref<125x64xf32, #tpu.memory_space<vmem>>) dst(%dma_wait3A_224 : memref<2560x64xf32, #tpu.memory_space<vmem_shared>>)
      %dma_wait3A_225 = arith.constant 0 : i32
      %dma_wait3A_226 = arith.constant 0 : i32
      %dma_wait3A_227 = tpu.memref_slice %arg13[%dma_wait3A_225, %dma_wait3A_226] : memref<80x125xi32, #tpu.memory_space<vmem>> -> memref<1x125xi32, #tpu.memory_space<vmem>>
      %dma_wait3A_228 = tpu.memref_squeeze %dma_wait3A_227 : memref<1x125xi32, #tpu.memory_space<vmem>> -> memref<125xi32, #tpu.memory_space<vmem>>
      %dma_wait3A_229 = arith.constant 0 : i32
      %dma_wait3A_230 = arith.constant 0 : i32
      %dma_wait3A_231 = tpu.memref_slice %arg29[%dma_wait3A_229, %dma_wait3A_230] : memref<2560x64xf32, #tpu.memory_space<vmem_shared>> -> memref<2560x64xf32, #tpu.memory_space<vmem_shared>>
      tpu.wait_indirect_dma semaphore(%arg23 : memref<!tpu.dma_semaphore, #tpu.memory_space<semaphore_mem>>) src(%arg15 : memref<125x64xf32, #tpu.memory_space<vmem>>) dst(%dma_wait3A_231 : memref<2560x64xf32, #tpu.memory_space<vmem_shared>>)
      %dma_wait3A_232 = arith.constant 0 : i32
      %dma_wait3A_233 = arith.constant 0 : i32
      %dma_wait3A_234 = tpu.memref_slice %arg13[%dma_wait3A_232, %dma_wait3A_233] : memref<80x125xi32, #tpu.memory_space<vmem>> -> memref<1x125xi32, #tpu.memory_space<vmem>>
      %dma_wait3A_235 = tpu.memref_squeeze %dma_wait3A_234 : memref<1x125xi32, #tpu.memory_space<vmem>> -> memref<125xi32, #tpu.memory_space<vmem>>
      %dma_wait3A_236 = arith.constant 0 : i32
      %dma_wait3A_237 = arith.constant 0 : i32
      %dma_wait3A_238 = tpu.memref_slice %arg29[%dma_wait3A_236, %dma_wait3A_237] : memref<2560x64xf32, #tpu.memory_space<vmem_shared>> -> memref<2560x64xf32, #tpu.memory_space<vmem_shared>>
      tpu.wait_indirect_dma semaphore(%arg24 : memref<!tpu.dma_semaphore, #tpu.memory_space<semaphore_mem>>) src(%arg16 : memref<125x64xf32, #tpu.memory_space<vmem>>) dst(%dma_wait3A_238 : memref<2560x64xf32, #tpu.memory_space<vmem_shared>>)
      %dma_wait3A_239 = arith.constant 0 : i32
      %dma_wait3A_240 = arith.constant 0 : i32
      %dma_wait3A_241 = tpu.memref_slice %arg13[%dma_wait3A_239, %dma_wait3A_240] : memref<80x125xi32, #tpu.memory_space<vmem>> -> memref<1x125xi32, #tpu.memory_space<vmem>>
      %dma_wait3A_242 = tpu.memref_squeeze %dma_wait3A_241 : memref<1x125xi32, #tpu.memory_space<vmem>> -> memref<125xi32, #tpu.memory_space<vmem>>
      %dma_wait3A_243 = arith.constant 0 : i32
      %dma_wait3A_244 = arith.constant 0 : i32
      %dma_wait3A_245 = tpu.memref_slice %arg29[%dma_wait3A_243, %dma_wait3A_244] : memref<2560x64xf32, #tpu.memory_space<vmem_shared>> -> memref<2560x64xf32, #tpu.memory_space<vmem_shared>>
      tpu.wait_indirect_dma semaphore(%arg25 : memref<!tpu.dma_semaphore, #tpu.memory_space<semaphore_mem>>) src(%arg17 : memref<125x64xf32, #tpu.memory_space<vmem>>) dst(%dma_wait3A_245 : memref<2560x64xf32, #tpu.memory_space<vmem_shared>>)
    } else {
    }
    %eq3A_8 = arith.constant 1 : i32
    %eq3A_9 = arith.cmpi eq, %arg0, %eq3A_8 : i32
    %convert_element_type3A_10 = arith.extui %eq3A_9 : i1 to i32
    %cond3A_11 = arith.constant 0 : i32
    %cond3A_12 = arith.cmpi ne, %convert_element_type3A_10, %cond3A_11 : i32
    scf.if %cond3A_12 {
      %dma_start3A_163 = arith.constant 1 : i32
      %dma_start3A_164 = arith.constant 0 : i32
      %dma_start3A_165 = arith.constant 0 : i32
      %dma_start3A_166 = tpu.memref_slice %arg12[%dma_start3A_164, %dma_start3A_165] : memref<80x125xi32, #tpu.memory_space<vmem>> -> memref<1x125xi32, #tpu.memory_space<vmem>>
      %dma_start3A_167 = tpu.memref_squeeze %dma_start3A_166 : memref<1x125xi32, #tpu.memory_space<vmem>> -> memref<125xi32, #tpu.memory_space<vmem>>
      %dma_start3A_168 = arith.constant 0 : i32
      %dma_start3A_169 = arith.constant 0 : i32
      %dma_start3A_170 = tpu.memref_slice %arg2[%dma_start3A_163, %dma_start3A_168, %dma_start3A_169] : memref<2x10000x64xf32, #tpu.memory_space<hbm>> -> memref<1x10000x64xf32, #tpu.memory_space<hbm>>
      %dma_start3A_171 = tpu.memref_squeeze %dma_start3A_170 : memref<1x10000x64xf32, #tpu.memory_space<hbm>> -> memref<10000x64xf32, #tpu.memory_space<hbm>>
      %dma_start3A_172 = arith.constant 0 : i32
      %dma_start3A_173 = arith.constant 0 : i32
      %dma_start3A_174 = tpu.memref_slice %dma_start3A_171[%dma_start3A_172, %dma_start3A_173] : memref<10000x64xf32, #tpu.memory_space<hbm>> -> memref<10000x64xf32, #tpu.memory_space<hbm>>
      tpu.enqueue_indirect_dma source(%dma_start3A_174 : memref<10000x64xf32, #tpu.memory_space<hbm>>) target(%arg14 : memref<125x64xf32, #tpu.memory_space<vmem>>) offsets(%dma_start3A_167 : memref<125xi32, #tpu.memory_space<vmem>>) semaphore(%arg18 : memref<!tpu.dma_semaphore, #tpu.memory_space<semaphore_mem>>)
      %dma_start3A_175 = arith.constant 1 : i32
      %dma_start3A_176 = arith.constant 1 : i32
      %dma_start3A_177 = arith.constant 0 : i32
      %dma_start3A_178 = tpu.memref_slice %arg12[%dma_start3A_176, %dma_start3A_177] : memref<80x125xi32, #tpu.memory_space<vmem>> -> memref<1x125xi32, #tpu.memory_space<vmem>>
      %dma_start3A_179 = tpu.memref_squeeze %dma_start3A_178 : memref<1x125xi32, #tpu.memory_space<vmem>> -> memref<125xi32, #tpu.memory_space<vmem>>
      %dma_start3A_180 = arith.constant 0 : i32
      %dma_start3A_181 = arith.constant 0 : i32
      %dma_start3A_182 = tpu.memref_slice %arg2[%dma_start3A_175, %dma_start3A_180, %dma_start3A_181] : memref<2x10000x64xf32, #tpu.memory_space<hbm>> -> memref<1x10000x64xf32, #tpu.memory_space<hbm>>
      %dma_start3A_183 = tpu.memref_squeeze %dma_start3A_182 : memref<1x10000x64xf32, #tpu.memory_space<hbm>> -> memref<10000x64xf32, #tpu.memory_space<hbm>>
      %dma_start3A_184 = arith.constant 0 : i32
      %dma_start3A_185 = arith.constant 0 : i32
      %dma_start3A_186 = tpu.memref_slice %dma_start3A_183[%dma_start3A_184, %dma_start3A_185] : memref<10000x64xf32, #tpu.memory_space<hbm>> -> memref<10000x64xf32, #tpu.memory_space<hbm>>
      tpu.enqueue_indirect_dma source(%dma_start3A_186 : memref<10000x64xf32, #tpu.memory_space<hbm>>) target(%arg15 : memref<125x64xf32, #tpu.memory_space<vmem>>) offsets(%dma_start3A_179 : memref<125xi32, #tpu.memory_space<vmem>>) semaphore(%arg19 : memref<!tpu.dma_semaphore, #tpu.memory_space<semaphore_mem>>)
      %dma_start3A_187 = arith.constant 1 : i32
      %dma_start3A_188 = arith.constant 2 : i32
      %dma_start3A_189 = arith.constant 0 : i32
      %dma_start3A_190 = tpu.memref_slice %arg12[%dma_start3A_188, %dma_start3A_189] : memref<80x125xi32, #tpu.memory_space<vmem>> -> memref<1x125xi32, #tpu.memory_space<vmem>>
      %dma_start3A_191 = tpu.memref_squeeze %dma_start3A_190 : memref<1x125xi32, #tpu.memory_space<vmem>> -> memref<125xi32, #tpu.memory_space<vmem>>
      %dma_start3A_192 = arith.constant 0 : i32
      %dma_start3A_193 = arith.constant 0 : i32
      %dma_start3A_194 = tpu.memref_slice %arg2[%dma_start3A_187, %dma_start3A_192, %dma_start3A_193] : memref<2x10000x64xf32, #tpu.memory_space<hbm>> -> memref<1x10000x64xf32, #tpu.memory_space<hbm>>
      %dma_start3A_195 = tpu.memref_squeeze %dma_start3A_194 : memref<1x10000x64xf32, #tpu.memory_space<hbm>> -> memref<10000x64xf32, #tpu.memory_space<hbm>>
      %dma_start3A_196 = arith.constant 0 : i32
      %dma_start3A_197 = arith.constant 0 : i32
      %dma_start3A_198 = tpu.memref_slice %dma_start3A_195[%dma_start3A_196, %dma_start3A_197] : memref<10000x64xf32, #tpu.memory_space<hbm>> -> memref<10000x64xf32, #tpu.memory_space<hbm>>
      tpu.enqueue_indirect_dma source(%dma_start3A_198 : memref<10000x64xf32, #tpu.memory_space<hbm>>) target(%arg16 : memref<125x64xf32, #tpu.memory_space<vmem>>) offsets(%dma_start3A_191 : memref<125xi32, #tpu.memory_space<vmem>>) semaphore(%arg20 : memref<!tpu.dma_semaphore, #tpu.memory_space<semaphore_mem>>)
      %dma_start3A_199 = arith.constant 1 : i32
      %dma_start3A_200 = arith.constant 3 : i32
      %dma_start3A_201 = arith.constant 0 : i32
      %dma_start3A_202 = tpu.memref_slice %arg12[%dma_start3A_200, %dma_start3A_201] : memref<80x125xi32, #tpu.memory_space<vmem>> -> memref<1x125xi32, #tpu.memory_space<vmem>>
      %dma_start3A_203 = tpu.memref_squeeze %dma_start3A_202 : memref<1x125xi32, #tpu.memory_space<vmem>> -> memref<125xi32, #tpu.memory_space<vmem>>
      %dma_start3A_204 = arith.constant 0 : i32
      %dma_start3A_205 = arith.constant 0 : i32
      %dma_start3A_206 = tpu.memref_slice %arg2[%dma_start3A_199, %dma_start3A_204, %dma_start3A_205] : memref<2x10000x64xf32, #tpu.memory_space<hbm>> -> memref<1x10000x64xf32, #tpu.memory_space<hbm>>
      %dma_start3A_207 = tpu.memref_squeeze %dma_start3A_206 : memref<1x10000x64xf32, #tpu.memory_space<hbm>> -> memref<10000x64xf32, #tpu.memory_space<hbm>>
      %dma_start3A_208 = arith.constant 0 : i32
      %dma_start3A_209 = arith.constant 0 : i32
      %dma_start3A_210 = tpu.memref_slice %dma_start3A_207[%dma_start3A_208, %dma_start3A_209] : memref<10000x64xf32, #tpu.memory_space<hbm>> -> memref<10000x64xf32, #tpu.memory_space<hbm>>
      tpu.enqueue_indirect_dma source(%dma_start3A_210 : memref<10000x64xf32, #tpu.memory_space<hbm>>) target(%arg17 : memref<125x64xf32, #tpu.memory_space<vmem>>) offsets(%dma_start3A_203 : memref<125xi32, #tpu.memory_space<vmem>>) semaphore(%arg21 : memref<!tpu.dma_semaphore, #tpu.memory_space<semaphore_mem>>)
      %scan3A_211 = arith.constant 0 : i32
      %scan3A_212 = arith.constant 1 : i32
      %scan3A_213 = arith.constant 0 : i32
      %scan3A_214 = arith.constant 20 : i32
      %scan3A_215 = arith.addi %scan3A_213, %scan3A_214 : i32
      %scan3A_216 = arith.constant 1 : i32
      scf.for %scan3A_246 = %scan3A_213 to %scan3A_215 step %scan3A_216  : i32 {
        %mul3A_247 = arith.constant 4 : i32
        %mul3A_248 = arith.muli %mul3A_247, %scan3A_246 : i32
        %add3A = arith.constant 0 : i32
        %add3A_249 = arith.addi %mul3A_248, %add3A : i32
        %add3A_250 = arith.constant 2 : i32
        %add3A_251 = arith.addi %add3A_249, %add3A_250 : i32
        %ge3A = arith.constant 4 : i32
        %ge3A_252 = arith.cmpi sge, %add3A_251, %ge3A : i32
        %lt3A = arith.constant 80 : i32
        %lt3A_253 = arith.cmpi slt, %add3A_251, %lt3A : i32
        %and3A = arith.andi %ge3A_252, %lt3A_253 : i1
        %convert_element_type3A_254 = arith.extui %and3A : i1 to i32
        %cond3A_255 = arith.constant 0 : i32
        %cond3A_256 = arith.cmpi ne, %convert_element_type3A_254, %cond3A_255 : i32
        scf.if %cond3A_256 {
          %dma_wait3A_363 = arith.constant 0 : i32
          %dma_wait3A_364 = arith.constant 0 : i32
          %dma_wait3A_365 = tpu.memref_slice %arg13[%dma_wait3A_363, %dma_wait3A_364] : memref<80x125xi32, #tpu.memory_space<vmem>> -> memref<1x125xi32, #tpu.memory_space<vmem>>
          %dma_wait3A_366 = tpu.memref_squeeze %dma_wait3A_365 : memref<1x125xi32, #tpu.memory_space<vmem>> -> memref<125xi32, #tpu.memory_space<vmem>>
          %dma_wait3A_367 = arith.constant 0 : i32
          %dma_wait3A_368 = arith.constant 0 : i32
          %dma_wait3A_369 = tpu.memref_slice %arg29[%dma_wait3A_367, %dma_wait3A_368] : memref<2560x64xf32, #tpu.memory_space<vmem_shared>> -> memref<2560x64xf32, #tpu.memory_space<vmem_shared>>
          tpu.wait_indirect_dma semaphore(%arg24 : memref<!tpu.dma_semaphore, #tpu.memory_space<semaphore_mem>>) src(%arg16 : memref<125x64xf32, #tpu.memory_space<vmem>>) dst(%dma_wait3A_369 : memref<2560x64xf32, #tpu.memory_space<vmem_shared>>)
          %dma_start3A_370 = arith.constant 0 : i32
          %dma_start3A_371 = tpu.memref_slice %arg12[%add3A_251, %dma_start3A_370] : memref<80x125xi32, #tpu.memory_space<vmem>> -> memref<1x125xi32, #tpu.memory_space<vmem>>
          %dma_start3A_372 = tpu.memref_squeeze %dma_start3A_371 : memref<1x125xi32, #tpu.memory_space<vmem>> -> memref<125xi32, #tpu.memory_space<vmem>>
          %dma_start3A_373 = arith.constant 0 : i32
          %dma_start3A_374 = arith.constant 0 : i32
          %dma_start3A_375 = tpu.memref_slice %arg2[%scan3A_212, %dma_start3A_373, %dma_start3A_374] : memref<2x10000x64xf32, #tpu.memory_space<hbm>> -> memref<1x10000x64xf32, #tpu.memory_space<hbm>>
          %dma_start3A_376 = tpu.memref_squeeze %dma_start3A_375 : memref<1x10000x64xf32, #tpu.memory_space<hbm>> -> memref<10000x64xf32, #tpu.memory_space<hbm>>
          %dma_start3A_377 = arith.constant 0 : i32
          %dma_start3A_378 = arith.constant 0 : i32
          %dma_start3A_379 = tpu.memref_slice %dma_start3A_376[%dma_start3A_377, %dma_start3A_378] : memref<10000x64xf32, #tpu.memory_space<hbm>> -> memref<10000x64xf32, #tpu.memory_space<hbm>>
          tpu.enqueue_indirect_dma source(%dma_start3A_379 : memref<10000x64xf32, #tpu.memory_space<hbm>>) target(%arg16 : memref<125x64xf32, #tpu.memory_space<vmem>>) offsets(%dma_start3A_372 : memref<125xi32, #tpu.memory_space<vmem>>) semaphore(%arg20 : memref<!tpu.dma_semaphore, #tpu.memory_space<semaphore_mem>>)
        } else {
        }
        %dma_wait3A_257 = arith.constant 0 : i32
        %dma_wait3A_258 = tpu.memref_slice %arg12[%add3A_249, %dma_wait3A_257] : memref<80x125xi32, #tpu.memory_space<vmem>> -> memref<1x125xi32, #tpu.memory_space<vmem>>
        %dma_wait3A_259 = tpu.memref_squeeze %dma_wait3A_258 : memref<1x125xi32, #tpu.memory_space<vmem>> -> memref<125xi32, #tpu.memory_space<vmem>>
        %dma_wait3A_260 = arith.constant 0 : i32
        %dma_wait3A_261 = arith.constant 0 : i32
        %dma_wait3A_262 = tpu.memref_slice %arg2[%scan3A_212, %dma_wait3A_260, %dma_wait3A_261] : memref<2x10000x64xf32, #tpu.memory_space<hbm>> -> memref<1x10000x64xf32, #tpu.memory_space<hbm>>
        %dma_wait3A_263 = tpu.memref_squeeze %dma_wait3A_262 : memref<1x10000x64xf32, #tpu.memory_space<hbm>> -> memref<10000x64xf32, #tpu.memory_space<hbm>>
        %dma_wait3A_264 = arith.constant 0 : i32
        %dma_wait3A_265 = arith.constant 0 : i32
        %dma_wait3A_266 = tpu.memref_slice %dma_wait3A_263[%dma_wait3A_264, %dma_wait3A_265] : memref<10000x64xf32, #tpu.memory_space<hbm>> -> memref<10000x64xf32, #tpu.memory_space<hbm>>
        tpu.wait_indirect_dma semaphore(%arg18 : memref<!tpu.dma_semaphore, #tpu.memory_space<semaphore_mem>>) src(%dma_wait3A_266 : memref<10000x64xf32, #tpu.memory_space<hbm>>) dst(%arg14 : memref<125x64xf32, #tpu.memory_space<vmem>>)
        %dma_start3A_267 = arith.constant 0 : i32
        %dma_start3A_268 = tpu.memref_slice %arg13[%add3A_249, %dma_start3A_267] : memref<80x125xi32, #tpu.memory_space<vmem>> -> memref<1x125xi32, #tpu.memory_space<vmem>>
        %dma_start3A_269 = tpu.memref_squeeze %dma_start3A_268 : memref<1x125xi32, #tpu.memory_space<vmem>> -> memref<125xi32, #tpu.memory_space<vmem>>
        %dma_start3A_270 = arith.constant 0 : i32
        %dma_start3A_271 = arith.constant 0 : i32
        %dma_start3A_272 = tpu.memref_slice %arg29[%dma_start3A_270, %dma_start3A_271] : memref<2560x64xf32, #tpu.memory_space<vmem_shared>> -> memref<2560x64xf32, #tpu.memory_space<vmem_shared>>
        tpu.enqueue_indirect_dma source(%arg14 : memref<125x64xf32, #tpu.memory_space<vmem>>) target(%dma_start3A_272 : memref<2560x64xf32, #tpu.memory_space<vmem_shared>>) offsets(%dma_start3A_269 : memref<125xi32, #tpu.memory_space<vmem>>) semaphore(%arg22 : memref<!tpu.dma_semaphore, #tpu.memory_space<semaphore_mem>>) {add = true}
        %mul3A_273 = arith.constant 4 : i32
        %mul3A_274 = arith.muli %mul3A_273, %scan3A_246 : i32
        %add3A_275 = arith.constant 1 : i32
        %add3A_276 = arith.addi %mul3A_274, %add3A_275 : i32
        %add3A_277 = arith.constant 2 : i32
        %add3A_278 = arith.addi %add3A_276, %add3A_277 : i32
        %ge3A_279 = arith.constant 4 : i32
        %ge3A_280 = arith.cmpi sge, %add3A_278, %ge3A_279 : i32
        %lt3A_281 = arith.constant 80 : i32
        %lt3A_282 = arith.cmpi slt, %add3A_278, %lt3A_281 : i32
        %and3A_283 = arith.andi %ge3A_280, %lt3A_282 : i1
        %convert_element_type3A_284 = arith.extui %and3A_283 : i1 to i32
        %cond3A_285 = arith.constant 0 : i32
        %cond3A_286 = arith.cmpi ne, %convert_element_type3A_284, %cond3A_285 : i32
        scf.if %cond3A_286 {
          %dma_wait3A_363 = arith.constant 0 : i32
          %dma_wait3A_364 = arith.constant 0 : i32
          %dma_wait3A_365 = tpu.memref_slice %arg13[%dma_wait3A_363, %dma_wait3A_364] : memref<80x125xi32, #tpu.memory_space<vmem>> -> memref<1x125xi32, #tpu.memory_space<vmem>>
          %dma_wait3A_366 = tpu.memref_squeeze %dma_wait3A_365 : memref<1x125xi32, #tpu.memory_space<vmem>> -> memref<125xi32, #tpu.memory_space<vmem>>
          %dma_wait3A_367 = arith.constant 0 : i32
          %dma_wait3A_368 = arith.constant 0 : i32
          %dma_wait3A_369 = tpu.memref_slice %arg29[%dma_wait3A_367, %dma_wait3A_368] : memref<2560x64xf32, #tpu.memory_space<vmem_shared>> -> memref<2560x64xf32, #tpu.memory_space<vmem_shared>>
          tpu.wait_indirect_dma semaphore(%arg25 : memref<!tpu.dma_semaphore, #tpu.memory_space<semaphore_mem>>) src(%arg17 : memref<125x64xf32, #tpu.memory_space<vmem>>) dst(%dma_wait3A_369 : memref<2560x64xf32, #tpu.memory_space<vmem_shared>>)
          %dma_start3A_370 = arith.constant 0 : i32
          %dma_start3A_371 = tpu.memref_slice %arg12[%add3A_278, %dma_start3A_370] : memref<80x125xi32, #tpu.memory_space<vmem>> -> memref<1x125xi32, #tpu.memory_space<vmem>>
          %dma_start3A_372 = tpu.memref_squeeze %dma_start3A_371 : memref<1x125xi32, #tpu.memory_space<vmem>> -> memref<125xi32, #tpu.memory_space<vmem>>
          %dma_start3A_373 = arith.constant 0 : i32
          %dma_start3A_374 = arith.constant 0 : i32
          %dma_start3A_375 = tpu.memref_slice %arg2[%scan3A_212, %dma_start3A_373, %dma_start3A_374] : memref<2x10000x64xf32, #tpu.memory_space<hbm>> -> memref<1x10000x64xf32, #tpu.memory_space<hbm>>
          %dma_start3A_376 = tpu.memref_squeeze %dma_start3A_375 : memref<1x10000x64xf32, #tpu.memory_space<hbm>> -> memref<10000x64xf32, #tpu.memory_space<hbm>>
          %dma_start3A_377 = arith.constant 0 : i32
          %dma_start3A_378 = arith.constant 0 : i32
          %dma_start3A_379 = tpu.memref_slice %dma_start3A_376[%dma_start3A_377, %dma_start3A_378] : memref<10000x64xf32, #tpu.memory_space<hbm>> -> memref<10000x64xf32, #tpu.memory_space<hbm>>
          tpu.enqueue_indirect_dma source(%dma_start3A_379 : memref<10000x64xf32, #tpu.memory_space<hbm>>) target(%arg17 : memref<125x64xf32, #tpu.memory_space<vmem>>) offsets(%dma_start3A_372 : memref<125xi32, #tpu.memory_space<vmem>>) semaphore(%arg21 : memref<!tpu.dma_semaphore, #tpu.memory_space<semaphore_mem>>)
        } else {
        }
        %dma_wait3A_287 = arith.constant 0 : i32
        %dma_wait3A_288 = tpu.memref_slice %arg12[%add3A_276, %dma_wait3A_287] : memref<80x125xi32, #tpu.memory_space<vmem>> -> memref<1x125xi32, #tpu.memory_space<vmem>>
        %dma_wait3A_289 = tpu.memref_squeeze %dma_wait3A_288 : memref<1x125xi32, #tpu.memory_space<vmem>> -> memref<125xi32, #tpu.memory_space<vmem>>
        %dma_wait3A_290 = arith.constant 0 : i32
        %dma_wait3A_291 = arith.constant 0 : i32
        %dma_wait3A_292 = tpu.memref_slice %arg2[%scan3A_212, %dma_wait3A_290, %dma_wait3A_291] : memref<2x10000x64xf32, #tpu.memory_space<hbm>> -> memref<1x10000x64xf32, #tpu.memory_space<hbm>>
        %dma_wait3A_293 = tpu.memref_squeeze %dma_wait3A_292 : memref<1x10000x64xf32, #tpu.memory_space<hbm>> -> memref<10000x64xf32, #tpu.memory_space<hbm>>
        %dma_wait3A_294 = arith.constant 0 : i32
        %dma_wait3A_295 = arith.constant 0 : i32
        %dma_wait3A_296 = tpu.memref_slice %dma_wait3A_293[%dma_wait3A_294, %dma_wait3A_295] : memref<10000x64xf32, #tpu.memory_space<hbm>> -> memref<10000x64xf32, #tpu.memory_space<hbm>>
        tpu.wait_indirect_dma semaphore(%arg19 : memref<!tpu.dma_semaphore, #tpu.memory_space<semaphore_mem>>) src(%dma_wait3A_296 : memref<10000x64xf32, #tpu.memory_space<hbm>>) dst(%arg15 : memref<125x64xf32, #tpu.memory_space<vmem>>)
        %dma_start3A_297 = arith.constant 0 : i32
        %dma_start3A_298 = tpu.memref_slice %arg13[%add3A_276, %dma_start3A_297] : memref<80x125xi32, #tpu.memory_space<vmem>> -> memref<1x125xi32, #tpu.memory_space<vmem>>
        %dma_start3A_299 = tpu.memref_squeeze %dma_start3A_298 : memref<1x125xi32, #tpu.memory_space<vmem>> -> memref<125xi32, #tpu.memory_space<vmem>>
        %dma_start3A_300 = arith.constant 0 : i32
        %dma_start3A_301 = arith.constant 0 : i32
        %dma_start3A_302 = tpu.memref_slice %arg29[%dma_start3A_300, %dma_start3A_301] : memref<2560x64xf32, #tpu.memory_space<vmem_shared>> -> memref<2560x64xf32, #tpu.memory_space<vmem_shared>>
        tpu.enqueue_indirect_dma source(%arg15 : memref<125x64xf32, #tpu.memory_space<vmem>>) target(%dma_start3A_302 : memref<2560x64xf32, #tpu.memory_space<vmem_shared>>) offsets(%dma_start3A_299 : memref<125xi32, #tpu.memory_space<vmem>>) semaphore(%arg23 : memref<!tpu.dma_semaphore, #tpu.memory_space<semaphore_mem>>) {add = true}
        %mul3A_303 = arith.constant 4 : i32
        %mul3A_304 = arith.muli %mul3A_303, %scan3A_246 : i32
        %add3A_305 = arith.constant 2 : i32
        %add3A_306 = arith.addi %mul3A_304, %add3A_305 : i32
        %add3A_307 = arith.constant 2 : i32
        %add3A_308 = arith.addi %add3A_306, %add3A_307 : i32
        %ge3A_309 = arith.constant 4 : i32
        %ge3A_310 = arith.cmpi sge, %add3A_308, %ge3A_309 : i32
        %lt3A_311 = arith.constant 80 : i32
        %lt3A_312 = arith.cmpi slt, %add3A_308, %lt3A_311 : i32
        %and3A_313 = arith.andi %ge3A_310, %lt3A_312 : i1
        %convert_element_type3A_314 = arith.extui %and3A_313 : i1 to i32
        %cond3A_315 = arith.constant 0 : i32
        %cond3A_316 = arith.cmpi ne, %convert_element_type3A_314, %cond3A_315 : i32
        scf.if %cond3A_316 {
          %dma_wait3A_363 = arith.constant 0 : i32
          %dma_wait3A_364 = arith.constant 0 : i32
          %dma_wait3A_365 = tpu.memref_slice %arg13[%dma_wait3A_363, %dma_wait3A_364] : memref<80x125xi32, #tpu.memory_space<vmem>> -> memref<1x125xi32, #tpu.memory_space<vmem>>
          %dma_wait3A_366 = tpu.memref_squeeze %dma_wait3A_365 : memref<1x125xi32, #tpu.memory_space<vmem>> -> memref<125xi32, #tpu.memory_space<vmem>>
          %dma_wait3A_367 = arith.constant 0 : i32
          %dma_wait3A_368 = arith.constant 0 : i32
          %dma_wait3A_369 = tpu.memref_slice %arg29[%dma_wait3A_367, %dma_wait3A_368] : memref<2560x64xf32, #tpu.memory_space<vmem_shared>> -> memref<2560x64xf32, #tpu.memory_space<vmem_shared>>
          tpu.wait_indirect_dma semaphore(%arg22 : memref<!tpu.dma_semaphore, #tpu.memory_space<semaphore_mem>>) src(%arg14 : memref<125x64xf32, #tpu.memory_space<vmem>>) dst(%dma_wait3A_369 : memref<2560x64xf32, #tpu.memory_space<vmem_shared>>)
          %dma_start3A_370 = arith.constant 0 : i32
          %dma_start3A_371 = tpu.memref_slice %arg12[%add3A_308, %dma_start3A_370] : memref<80x125xi32, #tpu.memory_space<vmem>> -> memref<1x125xi32, #tpu.memory_space<vmem>>
          %dma_start3A_372 = tpu.memref_squeeze %dma_start3A_371 : memref<1x125xi32, #tpu.memory_space<vmem>> -> memref<125xi32, #tpu.memory_space<vmem>>
          %dma_start3A_373 = arith.constant 0 : i32
          %dma_start3A_374 = arith.constant 0 : i32
          %dma_start3A_375 = tpu.memref_slice %arg2[%scan3A_212, %dma_start3A_373, %dma_start3A_374] : memref<2x10000x64xf32, #tpu.memory_space<hbm>> -> memref<1x10000x64xf32, #tpu.memory_space<hbm>>
          %dma_start3A_376 = tpu.memref_squeeze %dma_start3A_375 : memref<1x10000x64xf32, #tpu.memory_space<hbm>> -> memref<10000x64xf32, #tpu.memory_space<hbm>>
          %dma_start3A_377 = arith.constant 0 : i32
          %dma_start3A_378 = arith.constant 0 : i32
          %dma_start3A_379 = tpu.memref_slice %dma_start3A_376[%dma_start3A_377, %dma_start3A_378] : memref<10000x64xf32, #tpu.memory_space<hbm>> -> memref<10000x64xf32, #tpu.memory_space<hbm>>
          tpu.enqueue_indirect_dma source(%dma_start3A_379 : memref<10000x64xf32, #tpu.memory_space<hbm>>) target(%arg14 : memref<125x64xf32, #tpu.memory_space<vmem>>) offsets(%dma_start3A_372 : memref<125xi32, #tpu.memory_space<vmem>>) semaphore(%arg18 : memref<!tpu.dma_semaphore, #tpu.memory_space<semaphore_mem>>)
        } else {
        }
        %dma_wait3A_317 = arith.constant 0 : i32
        %dma_wait3A_318 = tpu.memref_slice %arg12[%add3A_306, %dma_wait3A_317] : memref<80x125xi32, #tpu.memory_space<vmem>> -> memref<1x125xi32, #tpu.memory_space<vmem>>
        %dma_wait3A_319 = tpu.memref_squeeze %dma_wait3A_318 : memref<1x125xi32, #tpu.memory_space<vmem>> -> memref<125xi32, #tpu.memory_space<vmem>>
        %dma_wait3A_320 = arith.constant 0 : i32
        %dma_wait3A_321 = arith.constant 0 : i32
        %dma_wait3A_322 = tpu.memref_slice %arg2[%scan3A_212, %dma_wait3A_320, %dma_wait3A_321] : memref<2x10000x64xf32, #tpu.memory_space<hbm>> -> memref<1x10000x64xf32, #tpu.memory_space<hbm>>
        %dma_wait3A_323 = tpu.memref_squeeze %dma_wait3A_322 : memref<1x10000x64xf32, #tpu.memory_space<hbm>> -> memref<10000x64xf32, #tpu.memory_space<hbm>>
        %dma_wait3A_324 = arith.constant 0 : i32
        %dma_wait3A_325 = arith.constant 0 : i32
        %dma_wait3A_326 = tpu.memref_slice %dma_wait3A_323[%dma_wait3A_324, %dma_wait3A_325] : memref<10000x64xf32, #tpu.memory_space<hbm>> -> memref<10000x64xf32, #tpu.memory_space<hbm>>
        tpu.wait_indirect_dma semaphore(%arg20 : memref<!tpu.dma_semaphore, #tpu.memory_space<semaphore_mem>>) src(%dma_wait3A_326 : memref<10000x64xf32, #tpu.memory_space<hbm>>) dst(%arg16 : memref<125x64xf32, #tpu.memory_space<vmem>>)
        %dma_start3A_327 = arith.constant 0 : i32
        %dma_start3A_328 = tpu.memref_slice %arg13[%add3A_306, %dma_start3A_327] : memref<80x125xi32, #tpu.memory_space<vmem>> -> memref<1x125xi32, #tpu.memory_space<vmem>>
        %dma_start3A_329 = tpu.memref_squeeze %dma_start3A_328 : memref<1x125xi32, #tpu.memory_space<vmem>> -> memref<125xi32, #tpu.memory_space<vmem>>
        %dma_start3A_330 = arith.constant 0 : i32
        %dma_start3A_331 = arith.constant 0 : i32
        %dma_start3A_332 = tpu.memref_slice %arg29[%dma_start3A_330, %dma_start3A_331] : memref<2560x64xf32, #tpu.memory_space<vmem_shared>> -> memref<2560x64xf32, #tpu.memory_space<vmem_shared>>
        tpu.enqueue_indirect_dma source(%arg16 : memref<125x64xf32, #tpu.memory_space<vmem>>) target(%dma_start3A_332 : memref<2560x64xf32, #tpu.memory_space<vmem_shared>>) offsets(%dma_start3A_329 : memref<125xi32, #tpu.memory_space<vmem>>) semaphore(%arg24 : memref<!tpu.dma_semaphore, #tpu.memory_space<semaphore_mem>>) {add = true}
        %mul3A_333 = arith.constant 4 : i32
        %mul3A_334 = arith.muli %mul3A_333, %scan3A_246 : i32
        %add3A_335 = arith.constant 3 : i32
        %add3A_336 = arith.addi %mul3A_334, %add3A_335 : i32
        %add3A_337 = arith.constant 2 : i32
        %add3A_338 = arith.addi %add3A_336, %add3A_337 : i32
        %ge3A_339 = arith.constant 4 : i32
        %ge3A_340 = arith.cmpi sge, %add3A_338, %ge3A_339 : i32
        %lt3A_341 = arith.constant 80 : i32
        %lt3A_342 = arith.cmpi slt, %add3A_338, %lt3A_341 : i32
        %and3A_343 = arith.andi %ge3A_340, %lt3A_342 : i1
        %convert_element_type3A_344 = arith.extui %and3A_343 : i1 to i32
        %cond3A_345 = arith.constant 0 : i32
        %cond3A_346 = arith.cmpi ne, %convert_element_type3A_344, %cond3A_345 : i32
        scf.if %cond3A_346 {
          %dma_wait3A_363 = arith.constant 0 : i32
          %dma_wait3A_364 = arith.constant 0 : i32
          %dma_wait3A_365 = tpu.memref_slice %arg13[%dma_wait3A_363, %dma_wait3A_364] : memref<80x125xi32, #tpu.memory_space<vmem>> -> memref<1x125xi32, #tpu.memory_space<vmem>>
          %dma_wait3A_366 = tpu.memref_squeeze %dma_wait3A_365 : memref<1x125xi32, #tpu.memory_space<vmem>> -> memref<125xi32, #tpu.memory_space<vmem>>
          %dma_wait3A_367 = arith.constant 0 : i32
          %dma_wait3A_368 = arith.constant 0 : i32
          %dma_wait3A_369 = tpu.memref_slice %arg29[%dma_wait3A_367, %dma_wait3A_368] : memref<2560x64xf32, #tpu.memory_space<vmem_shared>> -> memref<2560x64xf32, #tpu.memory_space<vmem_shared>>
          tpu.wait_indirect_dma semaphore(%arg23 : memref<!tpu.dma_semaphore, #tpu.memory_space<semaphore_mem>>) src(%arg15 : memref<125x64xf32, #tpu.memory_space<vmem>>) dst(%dma_wait3A_369 : memref<2560x64xf32, #tpu.memory_space<vmem_shared>>)
          %dma_start3A_370 = arith.constant 0 : i32
          %dma_start3A_371 = tpu.memref_slice %arg12[%add3A_338, %dma_start3A_370] : memref<80x125xi32, #tpu.memory_space<vmem>> -> memref<1x125xi32, #tpu.memory_space<vmem>>
          %dma_start3A_372 = tpu.memref_squeeze %dma_start3A_371 : memref<1x125xi32, #tpu.memory_space<vmem>> -> memref<125xi32, #tpu.memory_space<vmem>>
          %dma_start3A_373 = arith.constant 0 : i32
          %dma_start3A_374 = arith.constant 0 : i32
          %dma_start3A_375 = tpu.memref_slice %arg2[%scan3A_212, %dma_start3A_373, %dma_start3A_374] : memref<2x10000x64xf32, #tpu.memory_space<hbm>> -> memref<1x10000x64xf32, #tpu.memory_space<hbm>>
          %dma_start3A_376 = tpu.memref_squeeze %dma_start3A_375 : memref<1x10000x64xf32, #tpu.memory_space<hbm>> -> memref<10000x64xf32, #tpu.memory_space<hbm>>
          %dma_start3A_377 = arith.constant 0 : i32
          %dma_start3A_378 = arith.constant 0 : i32
          %dma_start3A_379 = tpu.memref_slice %dma_start3A_376[%dma_start3A_377, %dma_start3A_378] : memref<10000x64xf32, #tpu.memory_space<hbm>> -> memref<10000x64xf32, #tpu.memory_space<hbm>>
          tpu.enqueue_indirect_dma source(%dma_start3A_379 : memref<10000x64xf32, #tpu.memory_space<hbm>>) target(%arg15 : memref<125x64xf32, #tpu.memory_space<vmem>>) offsets(%dma_start3A_372 : memref<125xi32, #tpu.memory_space<vmem>>) semaphore(%arg19 : memref<!tpu.dma_semaphore, #tpu.memory_space<semaphore_mem>>)
        } else {
        }
        %dma_wait3A_347 = arith.constant 0 : i32
        %dma_wait3A_348 = tpu.memref_slice %arg12[%add3A_336, %dma_wait3A_347] : memref<80x125xi32, #tpu.memory_space<vmem>> -> memref<1x125xi32, #tpu.memory_space<vmem>>
        %dma_wait3A_349 = tpu.memref_squeeze %dma_wait3A_348 : memref<1x125xi32, #tpu.memory_space<vmem>> -> memref<125xi32, #tpu.memory_space<vmem>>
        %dma_wait3A_350 = arith.constant 0 : i32
        %dma_wait3A_351 = arith.constant 0 : i32
        %dma_wait3A_352 = tpu.memref_slice %arg2[%scan3A_212, %dma_wait3A_350, %dma_wait3A_351] : memref<2x10000x64xf32, #tpu.memory_space<hbm>> -> memref<1x10000x64xf32, #tpu.memory_space<hbm>>
        %dma_wait3A_353 = tpu.memref_squeeze %dma_wait3A_352 : memref<1x10000x64xf32, #tpu.memory_space<hbm>> -> memref<10000x64xf32, #tpu.memory_space<hbm>>
        %dma_wait3A_354 = arith.constant 0 : i32
        %dma_wait3A_355 = arith.constant 0 : i32
        %dma_wait3A_356 = tpu.memref_slice %dma_wait3A_353[%dma_wait3A_354, %dma_wait3A_355] : memref<10000x64xf32, #tpu.memory_space<hbm>> -> memref<10000x64xf32, #tpu.memory_space<hbm>>
        tpu.wait_indirect_dma semaphore(%arg21 : memref<!tpu.dma_semaphore, #tpu.memory_space<semaphore_mem>>) src(%dma_wait3A_356 : memref<10000x64xf32, #tpu.memory_space<hbm>>) dst(%arg17 : memref<125x64xf32, #tpu.memory_space<vmem>>)
        %dma_start3A_357 = arith.constant 0 : i32
        %dma_start3A_358 = tpu.memref_slice %arg13[%add3A_336, %dma_start3A_357] : memref<80x125xi32, #tpu.memory_space<vmem>> -> memref<1x125xi32, #tpu.memory_space<vmem>>
        %dma_start3A_359 = tpu.memref_squeeze %dma_start3A_358 : memref<1x125xi32, #tpu.memory_space<vmem>> -> memref<125xi32, #tpu.memory_space<vmem>>
        %dma_start3A_360 = arith.constant 0 : i32
        %dma_start3A_361 = arith.constant 0 : i32
        %dma_start3A_362 = tpu.memref_slice %arg29[%dma_start3A_360, %dma_start3A_361] : memref<2560x64xf32, #tpu.memory_space<vmem_shared>> -> memref<2560x64xf32, #tpu.memory_space<vmem_shared>>
        tpu.enqueue_indirect_dma source(%arg17 : memref<125x64xf32, #tpu.memory_space<vmem>>) target(%dma_start3A_362 : memref<2560x64xf32, #tpu.memory_space<vmem_shared>>) offsets(%dma_start3A_359 : memref<125xi32, #tpu.memory_space<vmem>>) semaphore(%arg25 : memref<!tpu.dma_semaphore, #tpu.memory_space<semaphore_mem>>) {add = true}
      }
      %scan3A_217 = arith.constant 20 : i32
      %dma_wait3A_218 = arith.constant 0 : i32
      %dma_wait3A_219 = arith.constant 0 : i32
      %dma_wait3A_220 = tpu.memref_slice %arg13[%dma_wait3A_218, %dma_wait3A_219] : memref<80x125xi32, #tpu.memory_space<vmem>> -> memref<1x125xi32, #tpu.memory_space<vmem>>
      %dma_wait3A_221 = tpu.memref_squeeze %dma_wait3A_220 : memref<1x125xi32, #tpu.memory_space<vmem>> -> memref<125xi32, #tpu.memory_space<vmem>>
      %dma_wait3A_222 = arith.constant 0 : i32
      %dma_wait3A_223 = arith.constant 0 : i32
      %dma_wait3A_224 = tpu.memref_slice %arg29[%dma_wait3A_222, %dma_wait3A_223] : memref<2560x64xf32, #tpu.memory_space<vmem_shared>> -> memref<2560x64xf32, #tpu.memory_space<vmem_shared>>
      tpu.wait_indirect_dma semaphore(%arg22 : memref<!tpu.dma_semaphore, #tpu.memory_space<semaphore_mem>>) src(%arg14 : memref<125x64xf32, #tpu.memory_space<vmem>>) dst(%dma_wait3A_224 : memref<2560x64xf32, #tpu.memory_space<vmem_shared>>)
      %dma_wait3A_225 = arith.constant 0 : i32
      %dma_wait3A_226 = arith.constant 0 : i32
      %dma_wait3A_227 = tpu.memref_slice %arg13[%dma_wait3A_225, %dma_wait3A_226] : memref<80x125xi32, #tpu.memory_space<vmem>> -> memref<1x125xi32, #tpu.memory_space<vmem>>
      %dma_wait3A_228 = tpu.memref_squeeze %dma_wait3A_227 : memref<1x125xi32, #tpu.memory_space<vmem>> -> memref<125xi32, #tpu.memory_space<vmem>>
      %dma_wait3A_229 = arith.constant 0 : i32
      %dma_wait3A_230 = arith.constant 0 : i32
      %dma_wait3A_231 = tpu.memref_slice %arg29[%dma_wait3A_229, %dma_wait3A_230] : memref<2560x64xf32, #tpu.memory_space<vmem_shared>> -> memref<2560x64xf32, #tpu.memory_space<vmem_shared>>
      tpu.wait_indirect_dma semaphore(%arg23 : memref<!tpu.dma_semaphore, #tpu.memory_space<semaphore_mem>>) src(%arg15 : memref<125x64xf32, #tpu.memory_space<vmem>>) dst(%dma_wait3A_231 : memref<2560x64xf32, #tpu.memory_space<vmem_shared>>)
      %dma_wait3A_232 = arith.constant 0 : i32
      %dma_wait3A_233 = arith.constant 0 : i32
      %dma_wait3A_234 = tpu.memref_slice %arg13[%dma_wait3A_232, %dma_wait3A_233] : memref<80x125xi32, #tpu.memory_space<vmem>> -> memref<1x125xi32, #tpu.memory_space<vmem>>
      %dma_wait3A_235 = tpu.memref_squeeze %dma_wait3A_234 : memref<1x125xi32, #tpu.memory_space<vmem>> -> memref<125xi32, #tpu.memory_space<vmem>>
      %dma_wait3A_236 = arith.constant 0 : i32
      %dma_wait3A_237 = arith.constant 0 : i32
      %dma_wait3A_238 = tpu.memref_slice %arg29[%dma_wait3A_236, %dma_wait3A_237] : memref<2560x64xf32, #tpu.memory_space<vmem_shared>> -> memref<2560x64xf32, #tpu.memory_space<vmem_shared>>
      tpu.wait_indirect_dma semaphore(%arg24 : memref<!tpu.dma_semaphore, #tpu.memory_space<semaphore_mem>>) src(%arg16 : memref<125x64xf32, #tpu.memory_space<vmem>>) dst(%dma_wait3A_238 : memref<2560x64xf32, #tpu.memory_space<vmem_shared>>)
      %dma_wait3A_239 = arith.constant 0 : i32
      %dma_wait3A_240 = arith.constant 0 : i32
      %dma_wait3A_241 = tpu.memref_slice %arg13[%dma_wait3A_239, %dma_wait3A_240] : memref<80x125xi32, #tpu.memory_space<vmem>> -> memref<1x125xi32, #tpu.memory_space<vmem>>
      %dma_wait3A_242 = tpu.memref_squeeze %dma_wait3A_241 : memref<1x125xi32, #tpu.memory_space<vmem>> -> memref<125xi32, #tpu.memory_space<vmem>>
      %dma_wait3A_243 = arith.constant 0 : i32
      %dma_wait3A_244 = arith.constant 0 : i32
      %dma_wait3A_245 = tpu.memref_slice %arg29[%dma_wait3A_243, %dma_wait3A_244] : memref<2560x64xf32, #tpu.memory_space<vmem_shared>> -> memref<2560x64xf32, #tpu.memory_space<vmem_shared>>
      tpu.wait_indirect_dma semaphore(%arg25 : memref<!tpu.dma_semaphore, #tpu.memory_space<semaphore_mem>>) src(%arg17 : memref<125x64xf32, #tpu.memory_space<vmem>>) dst(%dma_wait3A_245 : memref<2560x64xf32, #tpu.memory_space<vmem_shared>>)
    } else {
    }
    %run_scoped3A_13 = arith.constant 1 : i32
    "tpu.region"() ({
      %run_scoped3A_163 = tpu.sem_alloc : memref<!tpu.dma_semaphore, #tpu.memory_space<semaphore_mem>>
      %dma_start3A_164 = arith.constant 0 : i32
      %dma_start3A_165 = arith.constant 0 : i32
      %dma_start3A_166 = tpu.memref_slice %arg3[%arg1, %run_scoped3A_13, %dma_start3A_164, %dma_start3A_165] : memref<16x2x80x125xi32, #tpu.memory_space<hbm>> -> memref<1x1x80x125xi32, #tpu.memory_space<hbm>>
      %dma_start3A_167 = tpu.memref_squeeze %dma_start3A_166 : memref<1x1x80x125xi32, #tpu.memory_space<hbm>> -> memref<80x125xi32, #tpu.memory_space<hbm>>
      %dma_start3A_168 = arith.constant 0 : i32
      %dma_start3A_169 = arith.constant 0 : i32
      %dma_start3A_170 = tpu.memref_slice %arg3[%arg1, %run_scoped3A_13, %dma_start3A_168, %dma_start3A_169] : memref<16x2x80x125xi32, #tpu.memory_space<hbm>> -> memref<1x1x80x125xi32, #tpu.memory_space<hbm>>
      %dma_start3A_171 = tpu.memref_squeeze %dma_start3A_170 : memref<1x1x80x125xi32, #tpu.memory_space<hbm>> -> memref<80x125xi32, #tpu.memory_space<hbm>>
      tpu.enqueue_dma source(%dma_start3A_171 : memref<80x125xi32, #tpu.memory_space<hbm>>) target(%arg12 : memref<80x125xi32, #tpu.memory_space<vmem>>) target_semaphore(%run_scoped3A_163 : memref<!tpu.dma_semaphore, #tpu.memory_space<semaphore_mem>>)
      %dma_wait3A_172 = arith.constant 0 : i32
      %dma_wait3A_173 = arith.constant 0 : i32
      %dma_wait3A_174 = tpu.memref_slice %arg3[%arg1, %run_scoped3A_13, %dma_wait3A_172, %dma_wait3A_173] : memref<16x2x80x125xi32, #tpu.memory_space<hbm>> -> memref<1x1x80x125xi32, #tpu.memory_space<hbm>>
      %dma_wait3A_175 = tpu.memref_squeeze %dma_wait3A_174 : memref<1x1x80x125xi32, #tpu.memory_space<hbm>> -> memref<80x125xi32, #tpu.memory_space<hbm>>
      %dma_wait3A_176 = arith.constant 0 : i32
      %dma_wait3A_177 = arith.constant 0 : i32
      %dma_wait3A_178 = tpu.memref_slice %arg3[%arg1, %run_scoped3A_13, %dma_wait3A_176, %dma_wait3A_177] : memref<16x2x80x125xi32, #tpu.memory_space<hbm>> -> memref<1x1x80x125xi32, #tpu.memory_space<hbm>>
      %dma_wait3A_179 = tpu.memref_squeeze %dma_wait3A_178 : memref<1x1x80x125xi32, #tpu.memory_space<hbm>> -> memref<80x125xi32, #tpu.memory_space<hbm>>
      tpu.wait_dma2 semaphore(%run_scoped3A_163 : memref<!tpu.dma_semaphore, #tpu.memory_space<semaphore_mem>>) src(%dma_wait3A_179 : memref<80x125xi32, #tpu.memory_space<hbm>>) dst(%arg12 : memref<80x125xi32, #tpu.memory_space<vmem>>)
      tpu.yield
    }) : () -> ()
    %run_scoped3A_14 = arith.constant 1 : i32
    "tpu.region"() ({
      %run_scoped3A_163 = tpu.sem_alloc : memref<!tpu.dma_semaphore, #tpu.memory_space<semaphore_mem>>
      %dma_start3A_164 = arith.constant 0 : i32
      %dma_start3A_165 = arith.constant 0 : i32
      %dma_start3A_166 = tpu.memref_slice %arg4[%arg1, %run_scoped3A_14, %dma_start3A_164, %dma_start3A_165] : memref<16x2x80x125xi32, #tpu.memory_space<hbm>> -> memref<1x1x80x125xi32, #tpu.memory_space<hbm>>
      %dma_start3A_167 = tpu.memref_squeeze %dma_start3A_166 : memref<1x1x80x125xi32, #tpu.memory_space<hbm>> -> memref<80x125xi32, #tpu.memory_space<hbm>>
      %dma_start3A_168 = arith.constant 0 : i32
      %dma_start3A_169 = arith.constant 0 : i32
      %dma_start3A_170 = tpu.memref_slice %arg4[%arg1, %run_scoped3A_14, %dma_start3A_168, %dma_start3A_169] : memref<16x2x80x125xi32, #tpu.memory_space<hbm>> -> memref<1x1x80x125xi32, #tpu.memory_space<hbm>>
      %dma_start3A_171 = tpu.memref_squeeze %dma_start3A_170 : memref<1x1x80x125xi32, #tpu.memory_space<hbm>> -> memref<80x125xi32, #tpu.memory_space<hbm>>
      tpu.enqueue_dma source(%dma_start3A_171 : memref<80x125xi32, #tpu.memory_space<hbm>>) target(%arg13 : memref<80x125xi32, #tpu.memory_space<vmem>>) target_semaphore(%run_scoped3A_163 : memref<!tpu.dma_semaphore, #tpu.memory_space<semaphore_mem>>)
      %dma_wait3A_172 = arith.constant 0 : i32
      %dma_wait3A_173 = arith.constant 0 : i32
      %dma_wait3A_174 = tpu.memref_slice %arg4[%arg1, %run_scoped3A_14, %dma_wait3A_172, %dma_wait3A_173] : memref<16x2x80x125xi32, #tpu.memory_space<hbm>> -> memref<1x1x80x125xi32, #tpu.memory_space<hbm>>
      %dma_wait3A_175 = tpu.memref_squeeze %dma_wait3A_174 : memref<1x1x80x125xi32, #tpu.memory_space<hbm>> -> memref<80x125xi32, #tpu.memory_space<hbm>>
      %dma_wait3A_176 = arith.constant 0 : i32
      %dma_wait3A_177 = arith.constant 0 : i32
      %dma_wait3A_178 = tpu.memref_slice %arg4[%arg1, %run_scoped3A_14, %dma_wait3A_176, %dma_wait3A_177] : memref<16x2x80x125xi32, #tpu.memory_space<hbm>> -> memref<1x1x80x125xi32, #tpu.memory_space<hbm>>
      %dma_wait3A_179 = tpu.memref_squeeze %dma_wait3A_178 : memref<1x1x80x125xi32, #tpu.memory_space<hbm>> -> memref<80x125xi32, #tpu.memory_space<hbm>>
      tpu.wait_dma2 semaphore(%run_scoped3A_163 : memref<!tpu.dma_semaphore, #tpu.memory_space<semaphore_mem>>) src(%dma_wait3A_179 : memref<80x125xi32, #tpu.memory_space<hbm>>) dst(%arg13 : memref<80x125xi32, #tpu.memory_space<vmem>>)
      tpu.yield
    }) : () -> ()
    %eq3A_15 = arith.constant 0 : i32
    %eq3A_16 = arith.cmpi eq, %arg0, %eq3A_15 : i32
    %convert_element_type3A_17 = arith.extui %eq3A_16 : i1 to i32
    %cond3A_18 = arith.constant 0 : i32
    %cond3A_19 = arith.cmpi ne, %convert_element_type3A_17, %cond3A_18 : i32
    scf.if %cond3A_19 {
      %dma_start3A_163 = arith.constant 0 : i32
      %dma_start3A_164 = arith.constant 0 : i32
      %dma_start3A_165 = arith.constant 0 : i32
      %dma_start3A_166 = tpu.memref_slice %arg12[%dma_start3A_164, %dma_start3A_165] : memref<80x125xi32, #tpu.memory_space<vmem>> -> memref<1x125xi32, #tpu.memory_space<vmem>>
      %dma_start3A_167 = tpu.memref_squeeze %dma_start3A_166 : memref<1x125xi32, #tpu.memory_space<vmem>> -> memref<125xi32, #tpu.memory_space<vmem>>
      %dma_start3A_168 = arith.constant 0 : i32
      %dma_start3A_169 = arith.constant 0 : i32
      %dma_start3A_170 = tpu.memref_slice %arg2[%dma_start3A_163, %dma_start3A_168, %dma_start3A_169] : memref<2x10000x64xf32, #tpu.memory_space<hbm>> -> memref<1x10000x64xf32, #tpu.memory_space<hbm>>
      %dma_start3A_171 = tpu.memref_squeeze %dma_start3A_170 : memref<1x10000x64xf32, #tpu.memory_space<hbm>> -> memref<10000x64xf32, #tpu.memory_space<hbm>>
      %dma_start3A_172 = arith.constant 0 : i32
      %dma_start3A_173 = arith.constant 0 : i32
      %dma_start3A_174 = tpu.memref_slice %dma_start3A_171[%dma_start3A_172, %dma_start3A_173] : memref<10000x64xf32, #tpu.memory_space<hbm>> -> memref<10000x64xf32, #tpu.memory_space<hbm>>
      tpu.enqueue_indirect_dma source(%dma_start3A_174 : memref<10000x64xf32, #tpu.memory_space<hbm>>) target(%arg14 : memref<125x64xf32, #tpu.memory_space<vmem>>) offsets(%dma_start3A_167 : memref<125xi32, #tpu.memory_space<vmem>>) semaphore(%arg18 : memref<!tpu.dma_semaphore, #tpu.memory_space<semaphore_mem>>)
      %dma_start3A_175 = arith.constant 0 : i32
      %dma_start3A_176 = arith.constant 1 : i32
      %dma_start3A_177 = arith.constant 0 : i32
      %dma_start3A_178 = tpu.memref_slice %arg12[%dma_start3A_176, %dma_start3A_177] : memref<80x125xi32, #tpu.memory_space<vmem>> -> memref<1x125xi32, #tpu.memory_space<vmem>>
      %dma_start3A_179 = tpu.memref_squeeze %dma_start3A_178 : memref<1x125xi32, #tpu.memory_space<vmem>> -> memref<125xi32, #tpu.memory_space<vmem>>
      %dma_start3A_180 = arith.constant 0 : i32
      %dma_start3A_181 = arith.constant 0 : i32
      %dma_start3A_182 = tpu.memref_slice %arg2[%dma_start3A_175, %dma_start3A_180, %dma_start3A_181] : memref<2x10000x64xf32, #tpu.memory_space<hbm>> -> memref<1x10000x64xf32, #tpu.memory_space<hbm>>
      %dma_start3A_183 = tpu.memref_squeeze %dma_start3A_182 : memref<1x10000x64xf32, #tpu.memory_space<hbm>> -> memref<10000x64xf32, #tpu.memory_space<hbm>>
      %dma_start3A_184 = arith.constant 0 : i32
      %dma_start3A_185 = arith.constant 0 : i32
      %dma_start3A_186 = tpu.memref_slice %dma_start3A_183[%dma_start3A_184, %dma_start3A_185] : memref<10000x64xf32, #tpu.memory_space<hbm>> -> memref<10000x64xf32, #tpu.memory_space<hbm>>
      tpu.enqueue_indirect_dma source(%dma_start3A_186 : memref<10000x64xf32, #tpu.memory_space<hbm>>) target(%arg15 : memref<125x64xf32, #tpu.memory_space<vmem>>) offsets(%dma_start3A_179 : memref<125xi32, #tpu.memory_space<vmem>>) semaphore(%arg19 : memref<!tpu.dma_semaphore, #tpu.memory_space<semaphore_mem>>)
      %dma_start3A_187 = arith.constant 0 : i32
      %dma_start3A_188 = arith.constant 2 : i32
      %dma_start3A_189 = arith.constant 0 : i32
      %dma_start3A_190 = tpu.memref_slice %arg12[%dma_start3A_188, %dma_start3A_189] : memref<80x125xi32, #tpu.memory_space<vmem>> -> memref<1x125xi32, #tpu.memory_space<vmem>>
      %dma_start3A_191 = tpu.memref_squeeze %dma_start3A_190 : memref<1x125xi32, #tpu.memory_space<vmem>> -> memref<125xi32, #tpu.memory_space<vmem>>
      %dma_start3A_192 = arith.constant 0 : i32
      %dma_start3A_193 = arith.constant 0 : i32
      %dma_start3A_194 = tpu.memref_slice %arg2[%dma_start3A_187, %dma_start3A_192, %dma_start3A_193] : memref<2x10000x64xf32, #tpu.memory_space<hbm>> -> memref<1x10000x64xf32, #tpu.memory_space<hbm>>
      %dma_start3A_195 = tpu.memref_squeeze %dma_start3A_194 : memref<1x10000x64xf32, #tpu.memory_space<hbm>> -> memref<10000x64xf32, #tpu.memory_space<hbm>>
      %dma_start3A_196 = arith.constant 0 : i32
      %dma_start3A_197 = arith.constant 0 : i32
      %dma_start3A_198 = tpu.memref_slice %dma_start3A_195[%dma_start3A_196, %dma_start3A_197] : memref<10000x64xf32, #tpu.memory_space<hbm>> -> memref<10000x64xf32, #tpu.memory_space<hbm>>
      tpu.enqueue_indirect_dma source(%dma_start3A_198 : memref<10000x64xf32, #tpu.memory_space<hbm>>) target(%arg16 : memref<125x64xf32, #tpu.memory_space<vmem>>) offsets(%dma_start3A_191 : memref<125xi32, #tpu.memory_space<vmem>>) semaphore(%arg20 : memref<!tpu.dma_semaphore, #tpu.memory_space<semaphore_mem>>)
      %dma_start3A_199 = arith.constant 0 : i32
      %dma_start3A_200 = arith.constant 3 : i32
      %dma_start3A_201 = arith.constant 0 : i32
      %dma_start3A_202 = tpu.memref_slice %arg12[%dma_start3A_200, %dma_start3A_201] : memref<80x125xi32, #tpu.memory_space<vmem>> -> memref<1x125xi32, #tpu.memory_space<vmem>>
      %dma_start3A_203 = tpu.memref_squeeze %dma_start3A_202 : memref<1x125xi32, #tpu.memory_space<vmem>> -> memref<125xi32, #tpu.memory_space<vmem>>
      %dma_start3A_204 = arith.constant 0 : i32
      %dma_start3A_205 = arith.constant 0 : i32
      %dma_start3A_206 = tpu.memref_slice %arg2[%dma_start3A_199, %dma_start3A_204, %dma_start3A_205] : memref<2x10000x64xf32, #tpu.memory_space<hbm>> -> memref<1x10000x64xf32, #tpu.memory_space<hbm>>
      %dma_start3A_207 = tpu.memref_squeeze %dma_start3A_206 : memref<1x10000x64xf32, #tpu.memory_space<hbm>> -> memref<10000x64xf32, #tpu.memory_space<hbm>>
      %dma_start3A_208 = arith.constant 0 : i32
      %dma_start3A_209 = arith.constant 0 : i32
      %dma_start3A_210 = tpu.memref_slice %dma_start3A_207[%dma_start3A_208, %dma_start3A_209] : memref<10000x64xf32, #tpu.memory_space<hbm>> -> memref<10000x64xf32, #tpu.memory_space<hbm>>
      tpu.enqueue_indirect_dma source(%dma_start3A_210 : memref<10000x64xf32, #tpu.memory_space<hbm>>) target(%arg17 : memref<125x64xf32, #tpu.memory_space<vmem>>) offsets(%dma_start3A_203 : memref<125xi32, #tpu.memory_space<vmem>>) semaphore(%arg21 : memref<!tpu.dma_semaphore, #tpu.memory_space<semaphore_mem>>)
      %scan3A_211 = arith.constant 0 : i32
      %scan3A_212 = arith.constant 0 : i32
      %scan3A_213 = arith.constant 0 : i32
      %scan3A_214 = arith.constant 20 : i32
      %scan3A_215 = arith.addi %scan3A_213, %scan3A_214 : i32
      %scan3A_216 = arith.constant 1 : i32
      scf.for %scan3A_246 = %scan3A_213 to %scan3A_215 step %scan3A_216  : i32 {
        %mul3A_247 = arith.constant 4 : i32
        %mul3A_248 = arith.muli %mul3A_247, %scan3A_246 : i32
        %add3A = arith.constant 0 : i32
        %add3A_249 = arith.addi %mul3A_248, %add3A : i32
        %add3A_250 = arith.constant 2 : i32
        %add3A_251 = arith.addi %add3A_249, %add3A_250 : i32
        %ge3A = arith.constant 4 : i32
        %ge3A_252 = arith.cmpi sge, %add3A_251, %ge3A : i32
        %lt3A = arith.constant 80 : i32
        %lt3A_253 = arith.cmpi slt, %add3A_251, %lt3A : i32
        %and3A = arith.andi %ge3A_252, %lt3A_253 : i1
        %convert_element_type3A_254 = arith.extui %and3A : i1 to i32
        %cond3A_255 = arith.constant 0 : i32
        %cond3A_256 = arith.cmpi ne, %convert_element_type3A_254, %cond3A_255 : i32
        scf.if %cond3A_256 {
          %dma_wait3A_363 = arith.constant 0 : i32
          %dma_wait3A_364 = arith.constant 0 : i32
          %dma_wait3A_365 = tpu.memref_slice %arg13[%dma_wait3A_363, %dma_wait3A_364] : memref<80x125xi32, #tpu.memory_space<vmem>> -> memref<1x125xi32, #tpu.memory_space<vmem>>
          %dma_wait3A_366 = tpu.memref_squeeze %dma_wait3A_365 : memref<1x125xi32, #tpu.memory_space<vmem>> -> memref<125xi32, #tpu.memory_space<vmem>>
          %dma_wait3A_367 = arith.constant 0 : i32
          %dma_wait3A_368 = arith.constant 0 : i32
          %dma_wait3A_369 = tpu.memref_slice %arg29[%dma_wait3A_367, %dma_wait3A_368] : memref<2560x64xf32, #tpu.memory_space<vmem_shared>> -> memref<2560x64xf32, #tpu.memory_space<vmem_shared>>
          tpu.wait_indirect_dma semaphore(%arg24 : memref<!tpu.dma_semaphore, #tpu.memory_space<semaphore_mem>>) src(%arg16 : memref<125x64xf32, #tpu.memory_space<vmem>>) dst(%dma_wait3A_369 : memref<2560x64xf32, #tpu.memory_space<vmem_shared>>)
          %dma_start3A_370 = arith.constant 0 : i32
          %dma_start3A_371 = tpu.memref_slice %arg12[%add3A_251, %dma_start3A_370] : memref<80x125xi32, #tpu.memory_space<vmem>> -> memref<1x125xi32, #tpu.memory_space<vmem>>
          %dma_start3A_372 = tpu.memref_squeeze %dma_start3A_371 : memref<1x125xi32, #tpu.memory_space<vmem>> -> memref<125xi32, #tpu.memory_space<vmem>>
          %dma_start3A_373 = arith.constant 0 : i32
          %dma_start3A_374 = arith.constant 0 : i32
          %dma_start3A_375 = tpu.memref_slice %arg2[%scan3A_212, %dma_start3A_373, %dma_start3A_374] : memref<2x10000x64xf32, #tpu.memory_space<hbm>> -> memref<1x10000x64xf32, #tpu.memory_space<hbm>>
          %dma_start3A_376 = tpu.memref_squeeze %dma_start3A_375 : memref<1x10000x64xf32, #tpu.memory_space<hbm>> -> memref<10000x64xf32, #tpu.memory_space<hbm>>
          %dma_start3A_377 = arith.constant 0 : i32
          %dma_start3A_378 = arith.constant 0 : i32
          %dma_start3A_379 = tpu.memref_slice %dma_start3A_376[%dma_start3A_377, %dma_start3A_378] : memref<10000x64xf32, #tpu.memory_space<hbm>> -> memref<10000x64xf32, #tpu.memory_space<hbm>>
          tpu.enqueue_indirect_dma source(%dma_start3A_379 : memref<10000x64xf32, #tpu.memory_space<hbm>>) target(%arg16 : memref<125x64xf32, #tpu.memory_space<vmem>>) offsets(%dma_start3A_372 : memref<125xi32, #tpu.memory_space<vmem>>) semaphore(%arg20 : memref<!tpu.dma_semaphore, #tpu.memory_space<semaphore_mem>>)
        } else {
        }
        %dma_wait3A_257 = arith.constant 0 : i32
        %dma_wait3A_258 = tpu.memref_slice %arg12[%add3A_249, %dma_wait3A_257] : memref<80x125xi32, #tpu.memory_space<vmem>> -> memref<1x125xi32, #tpu.memory_space<vmem>>
        %dma_wait3A_259 = tpu.memref_squeeze %dma_wait3A_258 : memref<1x125xi32, #tpu.memory_space<vmem>> -> memref<125xi32, #tpu.memory_space<vmem>>
        %dma_wait3A_260 = arith.constant 0 : i32
        %dma_wait3A_261 = arith.constant 0 : i32
        %dma_wait3A_262 = tpu.memref_slice %arg2[%scan3A_212, %dma_wait3A_260, %dma_wait3A_261] : memref<2x10000x64xf32, #tpu.memory_space<hbm>> -> memref<1x10000x64xf32, #tpu.memory_space<hbm>>
        %dma_wait3A_263 = tpu.memref_squeeze %dma_wait3A_262 : memref<1x10000x64xf32, #tpu.memory_space<hbm>> -> memref<10000x64xf32, #tpu.memory_space<hbm>>
        %dma_wait3A_264 = arith.constant 0 : i32
        %dma_wait3A_265 = arith.constant 0 : i32
        %dma_wait3A_266 = tpu.memref_slice %dma_wait3A_263[%dma_wait3A_264, %dma_wait3A_265] : memref<10000x64xf32, #tpu.memory_space<hbm>> -> memref<10000x64xf32, #tpu.memory_space<hbm>>
        tpu.wait_indirect_dma semaphore(%arg18 : memref<!tpu.dma_semaphore, #tpu.memory_space<semaphore_mem>>) src(%dma_wait3A_266 : memref<10000x64xf32, #tpu.memory_space<hbm>>) dst(%arg14 : memref<125x64xf32, #tpu.memory_space<vmem>>)
        %dma_start3A_267 = arith.constant 0 : i32
        %dma_start3A_268 = tpu.memref_slice %arg13[%add3A_249, %dma_start3A_267] : memref<80x125xi32, #tpu.memory_space<vmem>> -> memref<1x125xi32, #tpu.memory_space<vmem>>
        %dma_start3A_269 = tpu.memref_squeeze %dma_start3A_268 : memref<1x125xi32, #tpu.memory_space<vmem>> -> memref<125xi32, #tpu.memory_space<vmem>>
        %dma_start3A_270 = arith.constant 0 : i32
        %dma_start3A_271 = arith.constant 0 : i32
        %dma_start3A_272 = tpu.memref_slice %arg29[%dma_start3A_270, %dma_start3A_271] : memref<2560x64xf32, #tpu.memory_space<vmem_shared>> -> memref<2560x64xf32, #tpu.memory_space<vmem_shared>>
        tpu.enqueue_indirect_dma source(%arg14 : memref<125x64xf32, #tpu.memory_space<vmem>>) target(%dma_start3A_272 : memref<2560x64xf32, #tpu.memory_space<vmem_shared>>) offsets(%dma_start3A_269 : memref<125xi32, #tpu.memory_space<vmem>>) semaphore(%arg22 : memref<!tpu.dma_semaphore, #tpu.memory_space<semaphore_mem>>) {add = true}
        %mul3A_273 = arith.constant 4 : i32
        %mul3A_274 = arith.muli %mul3A_273, %scan3A_246 : i32
        %add3A_275 = arith.constant 1 : i32
        %add3A_276 = arith.addi %mul3A_274, %add3A_275 : i32
        %add3A_277 = arith.constant 2 : i32
        %add3A_278 = arith.addi %add3A_276, %add3A_277 : i32
        %ge3A_279 = arith.constant 4 : i32
        %ge3A_280 = arith.cmpi sge, %add3A_278, %ge3A_279 : i32
        %lt3A_281 = arith.constant 80 : i32
        %lt3A_282 = arith.cmpi slt, %add3A_278, %lt3A_281 : i32
        %and3A_283 = arith.andi %ge3A_280, %lt3A_282 : i1
        %convert_element_type3A_284 = arith.extui %and3A_283 : i1 to i32
        %cond3A_285 = arith.constant 0 : i32
        %cond3A_286 = arith.cmpi ne, %convert_element_type3A_284, %cond3A_285 : i32
        scf.if %cond3A_286 {
          %dma_wait3A_363 = arith.constant 0 : i32
          %dma_wait3A_364 = arith.constant 0 : i32
          %dma_wait3A_365 = tpu.memref_slice %arg13[%dma_wait3A_363, %dma_wait3A_364] : memref<80x125xi32, #tpu.memory_space<vmem>> -> memref<1x125xi32, #tpu.memory_space<vmem>>
          %dma_wait3A_366 = tpu.memref_squeeze %dma_wait3A_365 : memref<1x125xi32, #tpu.memory_space<vmem>> -> memref<125xi32, #tpu.memory_space<vmem>>
          %dma_wait3A_367 = arith.constant 0 : i32
          %dma_wait3A_368 = arith.constant 0 : i32
          %dma_wait3A_369 = tpu.memref_slice %arg29[%dma_wait3A_367, %dma_wait3A_368] : memref<2560x64xf32, #tpu.memory_space<vmem_shared>> -> memref<2560x64xf32, #tpu.memory_space<vmem_shared>>
          tpu.wait_indirect_dma semaphore(%arg25 : memref<!tpu.dma_semaphore, #tpu.memory_space<semaphore_mem>>) src(%arg17 : memref<125x64xf32, #tpu.memory_space<vmem>>) dst(%dma_wait3A_369 : memref<2560x64xf32, #tpu.memory_space<vmem_shared>>)
          %dma_start3A_370 = arith.constant 0 : i32
          %dma_start3A_371 = tpu.memref_slice %arg12[%add3A_278, %dma_start3A_370] : memref<80x125xi32, #tpu.memory_space<vmem>> -> memref<1x125xi32, #tpu.memory_space<vmem>>
          %dma_start3A_372 = tpu.memref_squeeze %dma_start3A_371 : memref<1x125xi32, #tpu.memory_space<vmem>> -> memref<125xi32, #tpu.memory_space<vmem>>
          %dma_start3A_373 = arith.constant 0 : i32
          %dma_start3A_374 = arith.constant 0 : i32
          %dma_start3A_375 = tpu.memref_slice %arg2[%scan3A_212, %dma_start3A_373, %dma_start3A_374] : memref<2x10000x64xf32, #tpu.memory_space<hbm>> -> memref<1x10000x64xf32, #tpu.memory_space<hbm>>
          %dma_start3A_376 = tpu.memref_squeeze %dma_start3A_375 : memref<1x10000x64xf32, #tpu.memory_space<hbm>> -> memref<10000x64xf32, #tpu.memory_space<hbm>>
          %dma_start3A_377 = arith.constant 0 : i32
          %dma_start3A_378 = arith.constant 0 : i32
          %dma_start3A_379 = tpu.memref_slice %dma_start3A_376[%dma_start3A_377, %dma_start3A_378] : memref<10000x64xf32, #tpu.memory_space<hbm>> -> memref<10000x64xf32, #tpu.memory_space<hbm>>
          tpu.enqueue_indirect_dma source(%dma_start3A_379 : memref<10000x64xf32, #tpu.memory_space<hbm>>) target(%arg17 : memref<125x64xf32, #tpu.memory_space<vmem>>) offsets(%dma_start3A_372 : memref<125xi32, #tpu.memory_space<vmem>>) semaphore(%arg21 : memref<!tpu.dma_semaphore, #tpu.memory_space<semaphore_mem>>)
        } else {
        }
        %dma_wait3A_287 = arith.constant 0 : i32
        %dma_wait3A_288 = tpu.memref_slice %arg12[%add3A_276, %dma_wait3A_287] : memref<80x125xi32, #tpu.memory_space<vmem>> -> memref<1x125xi32, #tpu.memory_space<vmem>>
        %dma_wait3A_289 = tpu.memref_squeeze %dma_wait3A_288 : memref<1x125xi32, #tpu.memory_space<vmem>> -> memref<125xi32, #tpu.memory_space<vmem>>
        %dma_wait3A_290 = arith.constant 0 : i32
        %dma_wait3A_291 = arith.constant 0 : i32
        %dma_wait3A_292 = tpu.memref_slice %arg2[%scan3A_212, %dma_wait3A_290, %dma_wait3A_291] : memref<2x10000x64xf32, #tpu.memory_space<hbm>> -> memref<1x10000x64xf32, #tpu.memory_space<hbm>>
        %dma_wait3A_293 = tpu.memref_squeeze %dma_wait3A_292 : memref<1x10000x64xf32, #tpu.memory_space<hbm>> -> memref<10000x64xf32, #tpu.memory_space<hbm>>
        %dma_wait3A_294 = arith.constant 0 : i32
        %dma_wait3A_295 = arith.constant 0 : i32
        %dma_wait3A_296 = tpu.memref_slice %dma_wait3A_293[%dma_wait3A_294, %dma_wait3A_295] : memref<10000x64xf32, #tpu.memory_space<hbm>> -> memref<10000x64xf32, #tpu.memory_space<hbm>>
        tpu.wait_indirect_dma semaphore(%arg19 : memref<!tpu.dma_semaphore, #tpu.memory_space<semaphore_mem>>) src(%dma_wait3A_296 : memref<10000x64xf32, #tpu.memory_space<hbm>>) dst(%arg15 : memref<125x64xf32, #tpu.memory_space<vmem>>)
        %dma_start3A_297 = arith.constant 0 : i32
        %dma_start3A_298 = tpu.memref_slice %arg13[%add3A_276, %dma_start3A_297] : memref<80x125xi32, #tpu.memory_space<vmem>> -> memref<1x125xi32, #tpu.memory_space<vmem>>
        %dma_start3A_299 = tpu.memref_squeeze %dma_start3A_298 : memref<1x125xi32, #tpu.memory_space<vmem>> -> memref<125xi32, #tpu.memory_space<vmem>>
        %dma_start3A_300 = arith.constant 0 : i32
        %dma_start3A_301 = arith.constant 0 : i32
        %dma_start3A_302 = tpu.memref_slice %arg29[%dma_start3A_300, %dma_start3A_301] : memref<2560x64xf32, #tpu.memory_space<vmem_shared>> -> memref<2560x64xf32, #tpu.memory_space<vmem_shared>>
        tpu.enqueue_indirect_dma source(%arg15 : memref<125x64xf32, #tpu.memory_space<vmem>>) target(%dma_start3A_302 : memref<2560x64xf32, #tpu.memory_space<vmem_shared>>) offsets(%dma_start3A_299 : memref<125xi32, #tpu.memory_space<vmem>>) semaphore(%arg23 : memref<!tpu.dma_semaphore, #tpu.memory_space<semaphore_mem>>) {add = true}
        %mul3A_303 = arith.constant 4 : i32
        %mul3A_304 = arith.muli %mul3A_303, %scan3A_246 : i32
        %add3A_305 = arith.constant 2 : i32
        %add3A_306 = arith.addi %mul3A_304, %add3A_305 : i32
        %add3A_307 = arith.constant 2 : i32
        %add3A_308 = arith.addi %add3A_306, %add3A_307 : i32
        %ge3A_309 = arith.constant 4 : i32
        %ge3A_310 = arith.cmpi sge, %add3A_308, %ge3A_309 : i32
        %lt3A_311 = arith.constant 80 : i32
        %lt3A_312 = arith.cmpi slt, %add3A_308, %lt3A_311 : i32
        %and3A_313 = arith.andi %ge3A_310, %lt3A_312 : i1
        %convert_element_type3A_314 = arith.extui %and3A_313 : i1 to i32
        %cond3A_315 = arith.constant 0 : i32
        %cond3A_316 = arith.cmpi ne, %convert_element_type3A_314, %cond3A_315 : i32
        scf.if %cond3A_316 {
          %dma_wait3A_363 = arith.constant 0 : i32
          %dma_wait3A_364 = arith.constant 0 : i32
          %dma_wait3A_365 = tpu.memref_slice %arg13[%dma_wait3A_363, %dma_wait3A_364] : memref<80x125xi32, #tpu.memory_space<vmem>> -> memref<1x125xi32, #tpu.memory_space<vmem>>
          %dma_wait3A_366 = tpu.memref_squeeze %dma_wait3A_365 : memref<1x125xi32, #tpu.memory_space<vmem>> -> memref<125xi32, #tpu.memory_space<vmem>>
          %dma_wait3A_367 = arith.constant 0 : i32
          %dma_wait3A_368 = arith.constant 0 : i32
          %dma_wait3A_369 = tpu.memref_slice %arg29[%dma_wait3A_367, %dma_wait3A_368] : memref<2560x64xf32, #tpu.memory_space<vmem_shared>> -> memref<2560x64xf32, #tpu.memory_space<vmem_shared>>
          tpu.wait_indirect_dma semaphore(%arg22 : memref<!tpu.dma_semaphore, #tpu.memory_space<semaphore_mem>>) src(%arg14 : memref<125x64xf32, #tpu.memory_space<vmem>>) dst(%dma_wait3A_369 : memref<2560x64xf32, #tpu.memory_space<vmem_shared>>)
          %dma_start3A_370 = arith.constant 0 : i32
          %dma_start3A_371 = tpu.memref_slice %arg12[%add3A_308, %dma_start3A_370] : memref<80x125xi32, #tpu.memory_space<vmem>> -> memref<1x125xi32, #tpu.memory_space<vmem>>
          %dma_start3A_372 = tpu.memref_squeeze %dma_start3A_371 : memref<1x125xi32, #tpu.memory_space<vmem>> -> memref<125xi32, #tpu.memory_space<vmem>>
          %dma_start3A_373 = arith.constant 0 : i32
          %dma_start3A_374 = arith.constant 0 : i32
          %dma_start3A_375 = tpu.memref_slice %arg2[%scan3A_212, %dma_start3A_373, %dma_start3A_374] : memref<2x10000x64xf32, #tpu.memory_space<hbm>> -> memref<1x10000x64xf32, #tpu.memory_space<hbm>>
          %dma_start3A_376 = tpu.memref_squeeze %dma_start3A_375 : memref<1x10000x64xf32, #tpu.memory_space<hbm>> -> memref<10000x64xf32, #tpu.memory_space<hbm>>
          %dma_start3A_377 = arith.constant 0 : i32
          %dma_start3A_378 = arith.constant 0 : i32
          %dma_start3A_379 = tpu.memref_slice %dma_start3A_376[%dma_start3A_377, %dma_start3A_378] : memref<10000x64xf32, #tpu.memory_space<hbm>> -> memref<10000x64xf32, #tpu.memory_space<hbm>>
          tpu.enqueue_indirect_dma source(%dma_start3A_379 : memref<10000x64xf32, #tpu.memory_space<hbm>>) target(%arg14 : memref<125x64xf32, #tpu.memory_space<vmem>>) offsets(%dma_start3A_372 : memref<125xi32, #tpu.memory_space<vmem>>) semaphore(%arg18 : memref<!tpu.dma_semaphore, #tpu.memory_space<semaphore_mem>>)
        } else {
        }
        %dma_wait3A_317 = arith.constant 0 : i32
        %dma_wait3A_318 = tpu.memref_slice %arg12[%add3A_306, %dma_wait3A_317] : memref<80x125xi32, #tpu.memory_space<vmem>> -> memref<1x125xi32, #tpu.memory_space<vmem>>
        %dma_wait3A_319 = tpu.memref_squeeze %dma_wait3A_318 : memref<1x125xi32, #tpu.memory_space<vmem>> -> memref<125xi32, #tpu.memory_space<vmem>>
        %dma_wait3A_320 = arith.constant 0 : i32
        %dma_wait3A_321 = arith.constant 0 : i32
        %dma_wait3A_322 = tpu.memref_slice %arg2[%scan3A_212, %dma_wait3A_320, %dma_wait3A_321] : memref<2x10000x64xf32, #tpu.memory_space<hbm>> -> memref<1x10000x64xf32, #tpu.memory_space<hbm>>
        %dma_wait3A_323 = tpu.memref_squeeze %dma_wait3A_322 : memref<1x10000x64xf32, #tpu.memory_space<hbm>> -> memref<10000x64xf32, #tpu.memory_space<hbm>>
        %dma_wait3A_324 = arith.constant 0 : i32
        %dma_wait3A_325 = arith.constant 0 : i32
        %dma_wait3A_326 = tpu.memref_slice %dma_wait3A_323[%dma_wait3A_324, %dma_wait3A_325] : memref<10000x64xf32, #tpu.memory_space<hbm>> -> memref<10000x64xf32, #tpu.memory_space<hbm>>
        tpu.wait_indirect_dma semaphore(%arg20 : memref<!tpu.dma_semaphore, #tpu.memory_space<semaphore_mem>>) src(%dma_wait3A_326 : memref<10000x64xf32, #tpu.memory_space<hbm>>) dst(%arg16 : memref<125x64xf32, #tpu.memory_space<vmem>>)
        %dma_start3A_327 = arith.constant 0 : i32
        %dma_start3A_328 = tpu.memref_slice %arg13[%add3A_306, %dma_start3A_327] : memref<80x125xi32, #tpu.memory_space<vmem>> -> memref<1x125xi32, #tpu.memory_space<vmem>>
        %dma_start3A_329 = tpu.memref_squeeze %dma_start3A_328 : memref<1x125xi32, #tpu.memory_space<vmem>> -> memref<125xi32, #tpu.memory_space<vmem>>
        %dma_start3A_330 = arith.constant 0 : i32
        %dma_start3A_331 = arith.constant 0 : i32
        %dma_start3A_332 = tpu.memref_slice %arg29[%dma_start3A_330, %dma_start3A_331] : memref<2560x64xf32, #tpu.memory_space<vmem_shared>> -> memref<2560x64xf32, #tpu.memory_space<vmem_shared>>
        tpu.enqueue_indirect_dma source(%arg16 : memref<125x64xf32, #tpu.memory_space<vmem>>) target(%dma_start3A_332 : memref<2560x64xf32, #tpu.memory_space<vmem_shared>>) offsets(%dma_start3A_329 : memref<125xi32, #tpu.memory_space<vmem>>) semaphore(%arg24 : memref<!tpu.dma_semaphore, #tpu.memory_space<semaphore_mem>>) {add = true}
        %mul3A_333 = arith.constant 4 : i32
        %mul3A_334 = arith.muli %mul3A_333, %scan3A_246 : i32
        %add3A_335 = arith.constant 3 : i32
        %add3A_336 = arith.addi %mul3A_334, %add3A_335 : i32
        %add3A_337 = arith.constant 2 : i32
        %add3A_338 = arith.addi %add3A_336, %add3A_337 : i32
        %ge3A_339 = arith.constant 4 : i32
        %ge3A_340 = arith.cmpi sge, %add3A_338, %ge3A_339 : i32
        %lt3A_341 = arith.constant 80 : i32
        %lt3A_342 = arith.cmpi slt, %add3A_338, %lt3A_341 : i32
        %and3A_343 = arith.andi %ge3A_340, %lt3A_342 : i1
        %convert_element_type3A_344 = arith.extui %and3A_343 : i1 to i32
        %cond3A_345 = arith.constant 0 : i32
        %cond3A_346 = arith.cmpi ne, %convert_element_type3A_344, %cond3A_345 : i32
        scf.if %cond3A_346 {
          %dma_wait3A_363 = arith.constant 0 : i32
          %dma_wait3A_364 = arith.constant 0 : i32
          %dma_wait3A_365 = tpu.memref_slice %arg13[%dma_wait3A_363, %dma_wait3A_364] : memref<80x125xi32, #tpu.memory_space<vmem>> -> memref<1x125xi32, #tpu.memory_space<vmem>>
          %dma_wait3A_366 = tpu.memref_squeeze %dma_wait3A_365 : memref<1x125xi32, #tpu.memory_space<vmem>> -> memref<125xi32, #tpu.memory_space<vmem>>
          %dma_wait3A_367 = arith.constant 0 : i32
          %dma_wait3A_368 = arith.constant 0 : i32
          %dma_wait3A_369 = tpu.memref_slice %arg29[%dma_wait3A_367, %dma_wait3A_368] : memref<2560x64xf32, #tpu.memory_space<vmem_shared>> -> memref<2560x64xf32, #tpu.memory_space<vmem_shared>>
          tpu.wait_indirect_dma semaphore(%arg23 : memref<!tpu.dma_semaphore, #tpu.memory_space<semaphore_mem>>) src(%arg15 : memref<125x64xf32, #tpu.memory_space<vmem>>) dst(%dma_wait3A_369 : memref<2560x64xf32, #tpu.memory_space<vmem_shared>>)
          %dma_start3A_370 = arith.constant 0 : i32
          %dma_start3A_371 = tpu.memref_slice %arg12[%add3A_338, %dma_start3A_370] : memref<80x125xi32, #tpu.memory_space<vmem>> -> memref<1x125xi32, #tpu.memory_space<vmem>>
          %dma_start3A_372 = tpu.memref_squeeze %dma_start3A_371 : memref<1x125xi32, #tpu.memory_space<vmem>> -> memref<125xi32, #tpu.memory_space<vmem>>
          %dma_start3A_373 = arith.constant 0 : i32
          %dma_start3A_374 = arith.constant 0 : i32
          %dma_start3A_375 = tpu.memref_slice %arg2[%scan3A_212, %dma_start3A_373, %dma_start3A_374] : memref<2x10000x64xf32, #tpu.memory_space<hbm>> -> memref<1x10000x64xf32, #tpu.memory_space<hbm>>
          %dma_start3A_376 = tpu.memref_squeeze %dma_start3A_375 : memref<1x10000x64xf32, #tpu.memory_space<hbm>> -> memref<10000x64xf32, #tpu.memory_space<hbm>>
          %dma_start3A_377 = arith.constant 0 : i32
          %dma_start3A_378 = arith.constant 0 : i32
          %dma_start3A_379 = tpu.memref_slice %dma_start3A_376[%dma_start3A_377, %dma_start3A_378] : memref<10000x64xf32, #tpu.memory_space<hbm>> -> memref<10000x64xf32, #tpu.memory_space<hbm>>
          tpu.enqueue_indirect_dma source(%dma_start3A_379 : memref<10000x64xf32, #tpu.memory_space<hbm>>) target(%arg15 : memref<125x64xf32, #tpu.memory_space<vmem>>) offsets(%dma_start3A_372 : memref<125xi32, #tpu.memory_space<vmem>>) semaphore(%arg19 : memref<!tpu.dma_semaphore, #tpu.memory_space<semaphore_mem>>)
        } else {
        }
        %dma_wait3A_347 = arith.constant 0 : i32
        %dma_wait3A_348 = tpu.memref_slice %arg12[%add3A_336, %dma_wait3A_347] : memref<80x125xi32, #tpu.memory_space<vmem>> -> memref<1x125xi32, #tpu.memory_space<vmem>>
        %dma_wait3A_349 = tpu.memref_squeeze %dma_wait3A_348 : memref<1x125xi32, #tpu.memory_space<vmem>> -> memref<125xi32, #tpu.memory_space<vmem>>
        %dma_wait3A_350 = arith.constant 0 : i32
        %dma_wait3A_351 = arith.constant 0 : i32
        %dma_wait3A_352 = tpu.memref_slice %arg2[%scan3A_212, %dma_wait3A_350, %dma_wait3A_351] : memref<2x10000x64xf32, #tpu.memory_space<hbm>> -> memref<1x10000x64xf32, #tpu.memory_space<hbm>>
        %dma_wait3A_353 = tpu.memref_squeeze %dma_wait3A_352 : memref<1x10000x64xf32, #tpu.memory_space<hbm>> -> memref<10000x64xf32, #tpu.memory_space<hbm>>
        %dma_wait3A_354 = arith.constant 0 : i32
        %dma_wait3A_355 = arith.constant 0 : i32
        %dma_wait3A_356 = tpu.memref_slice %dma_wait3A_353[%dma_wait3A_354, %dma_wait3A_355] : memref<10000x64xf32, #tpu.memory_space<hbm>> -> memref<10000x64xf32, #tpu.memory_space<hbm>>
        tpu.wait_indirect_dma semaphore(%arg21 : memref<!tpu.dma_semaphore, #tpu.memory_space<semaphore_mem>>) src(%dma_wait3A_356 : memref<10000x64xf32, #tpu.memory_space<hbm>>) dst(%arg17 : memref<125x64xf32, #tpu.memory_space<vmem>>)
        %dma_start3A_357 = arith.constant 0 : i32
        %dma_start3A_358 = tpu.memref_slice %arg13[%add3A_336, %dma_start3A_357] : memref<80x125xi32, #tpu.memory_space<vmem>> -> memref<1x125xi32, #tpu.memory_space<vmem>>
        %dma_start3A_359 = tpu.memref_squeeze %dma_start3A_358 : memref<1x125xi32, #tpu.memory_space<vmem>> -> memref<125xi32, #tpu.memory_space<vmem>>
        %dma_start3A_360 = arith.constant 0 : i32
        %dma_start3A_361 = arith.constant 0 : i32
        %dma_start3A_362 = tpu.memref_slice %arg29[%dma_start3A_360, %dma_start3A_361] : memref<2560x64xf32, #tpu.memory_space<vmem_shared>> -> memref<2560x64xf32, #tpu.memory_space<vmem_shared>>
        tpu.enqueue_indirect_dma source(%arg17 : memref<125x64xf32, #tpu.memory_space<vmem>>) target(%dma_start3A_362 : memref<2560x64xf32, #tpu.memory_space<vmem_shared>>) offsets(%dma_start3A_359 : memref<125xi32, #tpu.memory_space<vmem>>) semaphore(%arg25 : memref<!tpu.dma_semaphore, #tpu.memory_space<semaphore_mem>>) {add = true}
      }
      %scan3A_217 = arith.constant 20 : i32
      %dma_wait3A_218 = arith.constant 0 : i32
      %dma_wait3A_219 = arith.constant 0 : i32
      %dma_wait3A_220 = tpu.memref_slice %arg13[%dma_wait3A_218, %dma_wait3A_219] : memref<80x125xi32, #tpu.memory_space<vmem>> -> memref<1x125xi32, #tpu.memory_space<vmem>>
      %dma_wait3A_221 = tpu.memref_squeeze %dma_wait3A_220 : memref<1x125xi32, #tpu.memory_space<vmem>> -> memref<125xi32, #tpu.memory_space<vmem>>
      %dma_wait3A_222 = arith.constant 0 : i32
      %dma_wait3A_223 = arith.constant 0 : i32
      %dma_wait3A_224 = tpu.memref_slice %arg29[%dma_wait3A_222, %dma_wait3A_223] : memref<2560x64xf32, #tpu.memory_space<vmem_shared>> -> memref<2560x64xf32, #tpu.memory_space<vmem_shared>>
      tpu.wait_indirect_dma semaphore(%arg22 : memref<!tpu.dma_semaphore, #tpu.memory_space<semaphore_mem>>) src(%arg14 : memref<125x64xf32, #tpu.memory_space<vmem>>) dst(%dma_wait3A_224 : memref<2560x64xf32, #tpu.memory_space<vmem_shared>>)
      %dma_wait3A_225 = arith.constant 0 : i32
      %dma_wait3A_226 = arith.constant 0 : i32
      %dma_wait3A_227 = tpu.memref_slice %arg13[%dma_wait3A_225, %dma_wait3A_226] : memref<80x125xi32, #tpu.memory_space<vmem>> -> memref<1x125xi32, #tpu.memory_space<vmem>>
      %dma_wait3A_228 = tpu.memref_squeeze %dma_wait3A_227 : memref<1x125xi32, #tpu.memory_space<vmem>> -> memref<125xi32, #tpu.memory_space<vmem>>
      %dma_wait3A_229 = arith.constant 0 : i32
      %dma_wait3A_230 = arith.constant 0 : i32
      %dma_wait3A_231 = tpu.memref_slice %arg29[%dma_wait3A_229, %dma_wait3A_230] : memref<2560x64xf32, #tpu.memory_space<vmem_shared>> -> memref<2560x64xf32, #tpu.memory_space<vmem_shared>>
      tpu.wait_indirect_dma semaphore(%arg23 : memref<!tpu.dma_semaphore, #tpu.memory_space<semaphore_mem>>) src(%arg15 : memref<125x64xf32, #tpu.memory_space<vmem>>) dst(%dma_wait3A_231 : memref<2560x64xf32, #tpu.memory_space<vmem_shared>>)
      %dma_wait3A_232 = arith.constant 0 : i32
      %dma_wait3A_233 = arith.constant 0 : i32
      %dma_wait3A_234 = tpu.memref_slice %arg13[%dma_wait3A_232, %dma_wait3A_233] : memref<80x125xi32, #tpu.memory_space<vmem>> -> memref<1x125xi32, #tpu.memory_space<vmem>>
      %dma_wait3A_235 = tpu.memref_squeeze %dma_wait3A_234 : memref<1x125xi32, #tpu.memory_space<vmem>> -> memref<125xi32, #tpu.memory_space<vmem>>
      %dma_wait3A_236 = arith.constant 0 : i32
      %dma_wait3A_237 = arith.constant 0 : i32
      %dma_wait3A_238 = tpu.memref_slice %arg29[%dma_wait3A_236, %dma_wait3A_237] : memref<2560x64xf32, #tpu.memory_space<vmem_shared>> -> memref<2560x64xf32, #tpu.memory_space<vmem_shared>>
      tpu.wait_indirect_dma semaphore(%arg24 : memref<!tpu.dma_semaphore, #tpu.memory_space<semaphore_mem>>) src(%arg16 : memref<125x64xf32, #tpu.memory_space<vmem>>) dst(%dma_wait3A_238 : memref<2560x64xf32, #tpu.memory_space<vmem_shared>>)
      %dma_wait3A_239 = arith.constant 0 : i32
      %dma_wait3A_240 = arith.constant 0 : i32
      %dma_wait3A_241 = tpu.memref_slice %arg13[%dma_wait3A_239, %dma_wait3A_240] : memref<80x125xi32, #tpu.memory_space<vmem>> -> memref<1x125xi32, #tpu.memory_space<vmem>>
      %dma_wait3A_242 = tpu.memref_squeeze %dma_wait3A_241 : memref<1x125xi32, #tpu.memory_space<vmem>> -> memref<125xi32, #tpu.memory_space<vmem>>
      %dma_wait3A_243 = arith.constant 0 : i32
      %dma_wait3A_244 = arith.constant 0 : i32
      %dma_wait3A_245 = tpu.memref_slice %arg29[%dma_wait3A_243, %dma_wait3A_244] : memref<2560x64xf32, #tpu.memory_space<vmem_shared>> -> memref<2560x64xf32, #tpu.memory_space<vmem_shared>>
      tpu.wait_indirect_dma semaphore(%arg25 : memref<!tpu.dma_semaphore, #tpu.memory_space<semaphore_mem>>) src(%arg17 : memref<125x64xf32, #tpu.memory_space<vmem>>) dst(%dma_wait3A_245 : memref<2560x64xf32, #tpu.memory_space<vmem_shared>>)
    } else {
    }
    %eq3A_20 = arith.constant 1 : i32
    %eq3A_21 = arith.cmpi eq, %arg0, %eq3A_20 : i32
    %convert_element_type3A_22 = arith.extui %eq3A_21 : i1 to i32
    %cond3A_23 = arith.constant 0 : i32
    %cond3A_24 = arith.cmpi ne, %convert_element_type3A_22, %cond3A_23 : i32
    scf.if %cond3A_24 {
      %dma_start3A_163 = arith.constant 1 : i32
      %dma_start3A_164 = arith.constant 0 : i32
      %dma_start3A_165 = arith.constant 0 : i32
      %dma_start3A_166 = tpu.memref_slice %arg12[%dma_start3A_164, %dma_start3A_165] : memref<80x125xi32, #tpu.memory_space<vmem>> -> memref<1x125xi32, #tpu.memory_space<vmem>>
      %dma_start3A_167 = tpu.memref_squeeze %dma_start3A_166 : memref<1x125xi32, #tpu.memory_space<vmem>> -> memref<125xi32, #tpu.memory_space<vmem>>
      %dma_start3A_168 = arith.constant 0 : i32
      %dma_start3A_169 = arith.constant 0 : i32
      %dma_start3A_170 = tpu.memref_slice %arg2[%dma_start3A_163, %dma_start3A_168, %dma_start3A_169] : memref<2x10000x64xf32, #tpu.memory_space<hbm>> -> memref<1x10000x64xf32, #tpu.memory_space<hbm>>
      %dma_start3A_171 = tpu.memref_squeeze %dma_start3A_170 : memref<1x10000x64xf32, #tpu.memory_space<hbm>> -> memref<10000x64xf32, #tpu.memory_space<hbm>>
      %dma_start3A_172 = arith.constant 0 : i32
      %dma_start3A_173 = arith.constant 0 : i32
      %dma_start3A_174 = tpu.memref_slice %dma_start3A_171[%dma_start3A_172, %dma_start3A_173] : memref<10000x64xf32, #tpu.memory_space<hbm>> -> memref<10000x64xf32, #tpu.memory_space<hbm>>
      tpu.enqueue_indirect_dma source(%dma_start3A_174 : memref<10000x64xf32, #tpu.memory_space<hbm>>) target(%arg14 : memref<125x64xf32, #tpu.memory_space<vmem>>) offsets(%dma_start3A_167 : memref<125xi32, #tpu.memory_space<vmem>>) semaphore(%arg18 : memref<!tpu.dma_semaphore, #tpu.memory_space<semaphore_mem>>)
      %dma_start3A_175 = arith.constant 1 : i32
      %dma_start3A_176 = arith.constant 1 : i32
      %dma_start3A_177 = arith.constant 0 : i32
      %dma_start3A_178 = tpu.memref_slice %arg12[%dma_start3A_176, %dma_start3A_177] : memref<80x125xi32, #tpu.memory_space<vmem>> -> memref<1x125xi32, #tpu.memory_space<vmem>>
      %dma_start3A_179 = tpu.memref_squeeze %dma_start3A_178 : memref<1x125xi32, #tpu.memory_space<vmem>> -> memref<125xi32, #tpu.memory_space<vmem>>
      %dma_start3A_180 = arith.constant 0 : i32
      %dma_start3A_181 = arith.constant 0 : i32
      %dma_start3A_182 = tpu.memref_slice %arg2[%dma_start3A_175, %dma_start3A_180, %dma_start3A_181] : memref<2x10000x64xf32, #tpu.memory_space<hbm>> -> memref<1x10000x64xf32, #tpu.memory_space<hbm>>
      %dma_start3A_183 = tpu.memref_squeeze %dma_start3A_182 : memref<1x10000x64xf32, #tpu.memory_space<hbm>> -> memref<10000x64xf32, #tpu.memory_space<hbm>>
      %dma_start3A_184 = arith.constant 0 : i32
      %dma_start3A_185 = arith.constant 0 : i32
      %dma_start3A_186 = tpu.memref_slice %dma_start3A_183[%dma_start3A_184, %dma_start3A_185] : memref<10000x64xf32, #tpu.memory_space<hbm>> -> memref<10000x64xf32, #tpu.memory_space<hbm>>
      tpu.enqueue_indirect_dma source(%dma_start3A_186 : memref<10000x64xf32, #tpu.memory_space<hbm>>) target(%arg15 : memref<125x64xf32, #tpu.memory_space<vmem>>) offsets(%dma_start3A_179 : memref<125xi32, #tpu.memory_space<vmem>>) semaphore(%arg19 : memref<!tpu.dma_semaphore, #tpu.memory_space<semaphore_mem>>)
      %dma_start3A_187 = arith.constant 1 : i32
      %dma_start3A_188 = arith.constant 2 : i32
      %dma_start3A_189 = arith.constant 0 : i32
      %dma_start3A_190 = tpu.memref_slice %arg12[%dma_start3A_188, %dma_start3A_189] : memref<80x125xi32, #tpu.memory_space<vmem>> -> memref<1x125xi32, #tpu.memory_space<vmem>>
      %dma_start3A_191 = tpu.memref_squeeze %dma_start3A_190 : memref<1x125xi32, #tpu.memory_space<vmem>> -> memref<125xi32, #tpu.memory_space<vmem>>
      %dma_start3A_192 = arith.constant 0 : i32
      %dma_start3A_193 = arith.constant 0 : i32
      %dma_start3A_194 = tpu.memref_slice %arg2[%dma_start3A_187, %dma_start3A_192, %dma_start3A_193] : memref<2x10000x64xf32, #tpu.memory_space<hbm>> -> memref<1x10000x64xf32, #tpu.memory_space<hbm>>
      %dma_start3A_195 = tpu.memref_squeeze %dma_start3A_194 : memref<1x10000x64xf32, #tpu.memory_space<hbm>> -> memref<10000x64xf32, #tpu.memory_space<hbm>>
      %dma_start3A_196 = arith.constant 0 : i32
      %dma_start3A_197 = arith.constant 0 : i32
      %dma_start3A_198 = tpu.memref_slice %dma_start3A_195[%dma_start3A_196, %dma_start3A_197] : memref<10000x64xf32, #tpu.memory_space<hbm>> -> memref<10000x64xf32, #tpu.memory_space<hbm>>
      tpu.enqueue_indirect_dma source(%dma_start3A_198 : memref<10000x64xf32, #tpu.memory_space<hbm>>) target(%arg16 : memref<125x64xf32, #tpu.memory_space<vmem>>) offsets(%dma_start3A_191 : memref<125xi32, #tpu.memory_space<vmem>>) semaphore(%arg20 : memref<!tpu.dma_semaphore, #tpu.memory_space<semaphore_mem>>)
      %dma_start3A_199 = arith.constant 1 : i32
      %dma_start3A_200 = arith.constant 3 : i32
      %dma_start3A_201 = arith.constant 0 : i32
      %dma_start3A_202 = tpu.memref_slice %arg12[%dma_start3A_200, %dma_start3A_201] : memref<80x125xi32, #tpu.memory_space<vmem>> -> memref<1x125xi32, #tpu.memory_space<vmem>>
      %dma_start3A_203 = tpu.memref_squeeze %dma_start3A_202 : memref<1x125xi32, #tpu.memory_space<vmem>> -> memref<125xi32, #tpu.memory_space<vmem>>
      %dma_start3A_204 = arith.constant 0 : i32
      %dma_start3A_205 = arith.constant 0 : i32
      %dma_start3A_206 = tpu.memref_slice %arg2[%dma_start3A_199, %dma_start3A_204, %dma_start3A_205] : memref<2x10000x64xf32, #tpu.memory_space<hbm>> -> memref<1x10000x64xf32, #tpu.memory_space<hbm>>
      %dma_start3A_207 = tpu.memref_squeeze %dma_start3A_206 : memref<1x10000x64xf32, #tpu.memory_space<hbm>> -> memref<10000x64xf32, #tpu.memory_space<hbm>>
      %dma_start3A_208 = arith.constant 0 : i32
      %dma_start3A_209 = arith.constant 0 : i32
      %dma_start3A_210 = tpu.memref_slice %dma_start3A_207[%dma_start3A_208, %dma_start3A_209] : memref<10000x64xf32, #tpu.memory_space<hbm>> -> memref<10000x64xf32, #tpu.memory_space<hbm>>
      tpu.enqueue_indirect_dma source(%dma_start3A_210 : memref<10000x64xf32, #tpu.memory_space<hbm>>) target(%arg17 : memref<125x64xf32, #tpu.memory_space<vmem>>) offsets(%dma_start3A_203 : memref<125xi32, #tpu.memory_space<vmem>>) semaphore(%arg21 : memref<!tpu.dma_semaphore, #tpu.memory_space<semaphore_mem>>)
      %scan3A_211 = arith.constant 0 : i32
      %scan3A_212 = arith.constant 1 : i32
      %scan3A_213 = arith.constant 0 : i32
      %scan3A_214 = arith.constant 20 : i32
      %scan3A_215 = arith.addi %scan3A_213, %scan3A_214 : i32
      %scan3A_216 = arith.constant 1 : i32
      scf.for %scan3A_246 = %scan3A_213 to %scan3A_215 step %scan3A_216  : i32 {
        %mul3A_247 = arith.constant 4 : i32
        %mul3A_248 = arith.muli %mul3A_247, %scan3A_246 : i32
        %add3A = arith.constant 0 : i32
        %add3A_249 = arith.addi %mul3A_248, %add3A : i32
        %add3A_250 = arith.constant 2 : i32
        %add3A_251 = arith.addi %add3A_249, %add3A_250 : i32
        %ge3A = arith.constant 4 : i32
        %ge3A_252 = arith.cmpi sge, %add3A_251, %ge3A : i32
        %lt3A = arith.constant 80 : i32
        %lt3A_253 = arith.cmpi slt, %add3A_251, %lt3A : i32
        %and3A = arith.andi %ge3A_252, %lt3A_253 : i1
        %convert_element_type3A_254 = arith.extui %and3A : i1 to i32
        %cond3A_255 = arith.constant 0 : i32
        %cond3A_256 = arith.cmpi ne, %convert_element_type3A_254, %cond3A_255 : i32
        scf.if %cond3A_256 {
          %dma_wait3A_363 = arith.constant 0 : i32
          %dma_wait3A_364 = arith.constant 0 : i32
          %dma_wait3A_365 = tpu.memref_slice %arg13[%dma_wait3A_363, %dma_wait3A_364] : memref<80x125xi32, #tpu.memory_space<vmem>> -> memref<1x125xi32, #tpu.memory_space<vmem>>
          %dma_wait3A_366 = tpu.memref_squeeze %dma_wait3A_365 : memref<1x125xi32, #tpu.memory_space<vmem>> -> memref<125xi32, #tpu.memory_space<vmem>>
          %dma_wait3A_367 = arith.constant 0 : i32
          %dma_wait3A_368 = arith.constant 0 : i32
          %dma_wait3A_369 = tpu.memref_slice %arg29[%dma_wait3A_367, %dma_wait3A_368] : memref<2560x64xf32, #tpu.memory_space<vmem_shared>> -> memref<2560x64xf32, #tpu.memory_space<vmem_shared>>
          tpu.wait_indirect_dma semaphore(%arg24 : memref<!tpu.dma_semaphore, #tpu.memory_space<semaphore_mem>>) src(%arg16 : memref<125x64xf32, #tpu.memory_space<vmem>>) dst(%dma_wait3A_369 : memref<2560x64xf32, #tpu.memory_space<vmem_shared>>)
          %dma_start3A_370 = arith.constant 0 : i32
          %dma_start3A_371 = tpu.memref_slice %arg12[%add3A_251, %dma_start3A_370] : memref<80x125xi32, #tpu.memory_space<vmem>> -> memref<1x125xi32, #tpu.memory_space<vmem>>
          %dma_start3A_372 = tpu.memref_squeeze %dma_start3A_371 : memref<1x125xi32, #tpu.memory_space<vmem>> -> memref<125xi32, #tpu.memory_space<vmem>>
          %dma_start3A_373 = arith.constant 0 : i32
          %dma_start3A_374 = arith.constant 0 : i32
          %dma_start3A_375 = tpu.memref_slice %arg2[%scan3A_212, %dma_start3A_373, %dma_start3A_374] : memref<2x10000x64xf32, #tpu.memory_space<hbm>> -> memref<1x10000x64xf32, #tpu.memory_space<hbm>>
          %dma_start3A_376 = tpu.memref_squeeze %dma_start3A_375 : memref<1x10000x64xf32, #tpu.memory_space<hbm>> -> memref<10000x64xf32, #tpu.memory_space<hbm>>
          %dma_start3A_377 = arith.constant 0 : i32
          %dma_start3A_378 = arith.constant 0 : i32
          %dma_start3A_379 = tpu.memref_slice %dma_start3A_376[%dma_start3A_377, %dma_start3A_378] : memref<10000x64xf32, #tpu.memory_space<hbm>> -> memref<10000x64xf32, #tpu.memory_space<hbm>>
          tpu.enqueue_indirect_dma source(%dma_start3A_379 : memref<10000x64xf32, #tpu.memory_space<hbm>>) target(%arg16 : memref<125x64xf32, #tpu.memory_space<vmem>>) offsets(%dma_start3A_372 : memref<125xi32, #tpu.memory_space<vmem>>) semaphore(%arg20 : memref<!tpu.dma_semaphore, #tpu.memory_space<semaphore_mem>>)
        } else {
        }
        %dma_wait3A_257 = arith.constant 0 : i32
        %dma_wait3A_258 = tpu.memref_slice %arg12[%add3A_249, %dma_wait3A_257] : memref<80x125xi32, #tpu.memory_space<vmem>> -> memref<1x125xi32, #tpu.memory_space<vmem>>
        %dma_wait3A_259 = tpu.memref_squeeze %dma_wait3A_258 : memref<1x125xi32, #tpu.memory_space<vmem>> -> memref<125xi32, #tpu.memory_space<vmem>>
        %dma_wait3A_260 = arith.constant 0 : i32
        %dma_wait3A_261 = arith.constant 0 : i32
        %dma_wait3A_262 = tpu.memref_slice %arg2[%scan3A_212, %dma_wait3A_260, %dma_wait3A_261] : memref<2x10000x64xf32, #tpu.memory_space<hbm>> -> memref<1x10000x64xf32, #tpu.memory_space<hbm>>
        %dma_wait3A_263 = tpu.memref_squeeze %dma_wait3A_262 : memref<1x10000x64xf32, #tpu.memory_space<hbm>> -> memref<10000x64xf32, #tpu.memory_space<hbm>>
        %dma_wait3A_264 = arith.constant 0 : i32
        %dma_wait3A_265 = arith.constant 0 : i32
        %dma_wait3A_266 = tpu.memref_slice %dma_wait3A_263[%dma_wait3A_264, %dma_wait3A_265] : memref<10000x64xf32, #tpu.memory_space<hbm>> -> memref<10000x64xf32, #tpu.memory_space<hbm>>
        tpu.wait_indirect_dma semaphore(%arg18 : memref<!tpu.dma_semaphore, #tpu.memory_space<semaphore_mem>>) src(%dma_wait3A_266 : memref<10000x64xf32, #tpu.memory_space<hbm>>) dst(%arg14 : memref<125x64xf32, #tpu.memory_space<vmem>>)
        %dma_start3A_267 = arith.constant 0 : i32
        %dma_start3A_268 = tpu.memref_slice %arg13[%add3A_249, %dma_start3A_267] : memref<80x125xi32, #tpu.memory_space<vmem>> -> memref<1x125xi32, #tpu.memory_space<vmem>>
        %dma_start3A_269 = tpu.memref_squeeze %dma_start3A_268 : memref<1x125xi32, #tpu.memory_space<vmem>> -> memref<125xi32, #tpu.memory_space<vmem>>
        %dma_start3A_270 = arith.constant 0 : i32
        %dma_start3A_271 = arith.constant 0 : i32
        %dma_start3A_272 = tpu.memref_slice %arg29[%dma_start3A_270, %dma_start3A_271] : memref<2560x64xf32, #tpu.memory_space<vmem_shared>> -> memref<2560x64xf32, #tpu.memory_space<vmem_shared>>
        tpu.enqueue_indirect_dma source(%arg14 : memref<125x64xf32, #tpu.memory_space<vmem>>) target(%dma_start3A_272 : memref<2560x64xf32, #tpu.memory_space<vmem_shared>>) offsets(%dma_start3A_269 : memref<125xi32, #tpu.memory_space<vmem>>) semaphore(%arg22 : memref<!tpu.dma_semaphore, #tpu.memory_space<semaphore_mem>>) {add = true}
        %mul3A_273 = arith.constant 4 : i32
        %mul3A_274 = arith.muli %mul3A_273, %scan3A_246 : i32
        %add3A_275 = arith.constant 1 : i32
        %add3A_276 = arith.addi %mul3A_274, %add3A_275 : i32
        %add3A_277 = arith.constant 2 : i32
        %add3A_278 = arith.addi %add3A_276, %add3A_277 : i32
        %ge3A_279 = arith.constant 4 : i32
        %ge3A_280 = arith.cmpi sge, %add3A_278, %ge3A_279 : i32
        %lt3A_281 = arith.constant 80 : i32
        %lt3A_282 = arith.cmpi slt, %add3A_278, %lt3A_281 : i32
        %and3A_283 = arith.andi %ge3A_280, %lt3A_282 : i1
        %convert_element_type3A_284 = arith.extui %and3A_283 : i1 to i32
        %cond3A_285 = arith.constant 0 : i32
        %cond3A_286 = arith.cmpi ne, %convert_element_type3A_284, %cond3A_285 : i32
        scf.if %cond3A_286 {
          %dma_wait3A_363 = arith.constant 0 : i32
          %dma_wait3A_364 = arith.constant 0 : i32
          %dma_wait3A_365 = tpu.memref_slice %arg13[%dma_wait3A_363, %dma_wait3A_364] : memref<80x125xi32, #tpu.memory_space<vmem>> -> memref<1x125xi32, #tpu.memory_space<vmem>>
          %dma_wait3A_366 = tpu.memref_squeeze %dma_wait3A_365 : memref<1x125xi32, #tpu.memory_space<vmem>> -> memref<125xi32, #tpu.memory_space<vmem>>
          %dma_wait3A_367 = arith.constant 0 : i32
          %dma_wait3A_368 = arith.constant 0 : i32
          %dma_wait3A_369 = tpu.memref_slice %arg29[%dma_wait3A_367, %dma_wait3A_368] : memref<2560x64xf32, #tpu.memory_space<vmem_shared>> -> memref<2560x64xf32, #tpu.memory_space<vmem_shared>>
          tpu.wait_indirect_dma semaphore(%arg25 : memref<!tpu.dma_semaphore, #tpu.memory_space<semaphore_mem>>) src(%arg17 : memref<125x64xf32, #tpu.memory_space<vmem>>) dst(%dma_wait3A_369 : memref<2560x64xf32, #tpu.memory_space<vmem_shared>>)
          %dma_start3A_370 = arith.constant 0 : i32
          %dma_start3A_371 = tpu.memref_slice %arg12[%add3A_278, %dma_start3A_370] : memref<80x125xi32, #tpu.memory_space<vmem>> -> memref<1x125xi32, #tpu.memory_space<vmem>>
          %dma_start3A_372 = tpu.memref_squeeze %dma_start3A_371 : memref<1x125xi32, #tpu.memory_space<vmem>> -> memref<125xi32, #tpu.memory_space<vmem>>
          %dma_start3A_373 = arith.constant 0 : i32
          %dma_start3A_374 = arith.constant 0 : i32
          %dma_start3A_375 = tpu.memref_slice %arg2[%scan3A_212, %dma_start3A_373, %dma_start3A_374] : memref<2x10000x64xf32, #tpu.memory_space<hbm>> -> memref<1x10000x64xf32, #tpu.memory_space<hbm>>
          %dma_start3A_376 = tpu.memref_squeeze %dma_start3A_375 : memref<1x10000x64xf32, #tpu.memory_space<hbm>> -> memref<10000x64xf32, #tpu.memory_space<hbm>>
          %dma_start3A_377 = arith.constant 0 : i32
          %dma_start3A_378 = arith.constant 0 : i32
          %dma_start3A_379 = tpu.memref_slice %dma_start3A_376[%dma_start3A_377, %dma_start3A_378] : memref<10000x64xf32, #tpu.memory_space<hbm>> -> memref<10000x64xf32, #tpu.memory_space<hbm>>
          tpu.enqueue_indirect_dma source(%dma_start3A_379 : memref<10000x64xf32, #tpu.memory_space<hbm>>) target(%arg17 : memref<125x64xf32, #tpu.memory_space<vmem>>) offsets(%dma_start3A_372 : memref<125xi32, #tpu.memory_space<vmem>>) semaphore(%arg21 : memref<!tpu.dma_semaphore, #tpu.memory_space<semaphore_mem>>)
        } else {
        }
        %dma_wait3A_287 = arith.constant 0 : i32
        %dma_wait3A_288 = tpu.memref_slice %arg12[%add3A_276, %dma_wait3A_287] : memref<80x125xi32, #tpu.memory_space<vmem>> -> memref<1x125xi32, #tpu.memory_space<vmem>>
        %dma_wait3A_289 = tpu.memref_squeeze %dma_wait3A_288 : memref<1x125xi32, #tpu.memory_space<vmem>> -> memref<125xi32, #tpu.memory_space<vmem>>
        %dma_wait3A_290 = arith.constant 0 : i32
        %dma_wait3A_291 = arith.constant 0 : i32
        %dma_wait3A_292 = tpu.memref_slice %arg2[%scan3A_212, %dma_wait3A_290, %dma_wait3A_291] : memref<2x10000x64xf32, #tpu.memory_space<hbm>> -> memref<1x10000x64xf32, #tpu.memory_space<hbm>>
        %dma_wait3A_293 = tpu.memref_squeeze %dma_wait3A_292 : memref<1x10000x64xf32, #tpu.memory_space<hbm>> -> memref<10000x64xf32, #tpu.memory_space<hbm>>
        %dma_wait3A_294 = arith.constant 0 : i32
        %dma_wait3A_295 = arith.constant 0 : i32
        %dma_wait3A_296 = tpu.memref_slice %dma_wait3A_293[%dma_wait3A_294, %dma_wait3A_295] : memref<10000x64xf32, #tpu.memory_space<hbm>> -> memref<10000x64xf32, #tpu.memory_space<hbm>>
        tpu.wait_indirect_dma semaphore(%arg19 : memref<!tpu.dma_semaphore, #tpu.memory_space<semaphore_mem>>) src(%dma_wait3A_296 : memref<10000x64xf32, #tpu.memory_space<hbm>>) dst(%arg15 : memref<125x64xf32, #tpu.memory_space<vmem>>)
        %dma_start3A_297 = arith.constant 0 : i32
        %dma_start3A_298 = tpu.memref_slice %arg13[%add3A_276, %dma_start3A_297] : memref<80x125xi32, #tpu.memory_space<vmem>> -> memref<1x125xi32, #tpu.memory_space<vmem>>
        %dma_start3A_299 = tpu.memref_squeeze %dma_start3A_298 : memref<1x125xi32, #tpu.memory_space<vmem>> -> memref<125xi32, #tpu.memory_space<vmem>>
        %dma_start3A_300 = arith.constant 0 : i32
        %dma_start3A_301 = arith.constant 0 : i32
        %dma_start3A_302 = tpu.memref_slice %arg29[%dma_start3A_300, %dma_start3A_301] : memref<2560x64xf32, #tpu.memory_space<vmem_shared>> -> memref<2560x64xf32, #tpu.memory_space<vmem_shared>>
        tpu.enqueue_indirect_dma source(%arg15 : memref<125x64xf32, #tpu.memory_space<vmem>>) target(%dma_start3A_302 : memref<2560x64xf32, #tpu.memory_space<vmem_shared>>) offsets(%dma_start3A_299 : memref<125xi32, #tpu.memory_space<vmem>>) semaphore(%arg23 : memref<!tpu.dma_semaphore, #tpu.memory_space<semaphore_mem>>) {add = true}
        %mul3A_303 = arith.constant 4 : i32
        %mul3A_304 = arith.muli %mul3A_303, %scan3A_246 : i32
        %add3A_305 = arith.constant 2 : i32
        %add3A_306 = arith.addi %mul3A_304, %add3A_305 : i32
        %add3A_307 = arith.constant 2 : i32
        %add3A_308 = arith.addi %add3A_306, %add3A_307 : i32
        %ge3A_309 = arith.constant 4 : i32
        %ge3A_310 = arith.cmpi sge, %add3A_308, %ge3A_309 : i32
        %lt3A_311 = arith.constant 80 : i32
        %lt3A_312 = arith.cmpi slt, %add3A_308, %lt3A_311 : i32
        %and3A_313 = arith.andi %ge3A_310, %lt3A_312 : i1
        %convert_element_type3A_314 = arith.extui %and3A_313 : i1 to i32
        %cond3A_315 = arith.constant 0 : i32
        %cond3A_316 = arith.cmpi ne, %convert_element_type3A_314, %cond3A_315 : i32
        scf.if %cond3A_316 {
          %dma_wait3A_363 = arith.constant 0 : i32
          %dma_wait3A_364 = arith.constant 0 : i32
          %dma_wait3A_365 = tpu.memref_slice %arg13[%dma_wait3A_363, %dma_wait3A_364] : memref<80x125xi32, #tpu.memory_space<vmem>> -> memref<1x125xi32, #tpu.memory_space<vmem>>
          %dma_wait3A_366 = tpu.memref_squeeze %dma_wait3A_365 : memref<1x125xi32, #tpu.memory_space<vmem>> -> memref<125xi32, #tpu.memory_space<vmem>>
          %dma_wait3A_367 = arith.constant 0 : i32
          %dma_wait3A_368 = arith.constant 0 : i32
          %dma_wait3A_369 = tpu.memref_slice %arg29[%dma_wait3A_367, %dma_wait3A_368] : memref<2560x64xf32, #tpu.memory_space<vmem_shared>> -> memref<2560x64xf32, #tpu.memory_space<vmem_shared>>
          tpu.wait_indirect_dma semaphore(%arg22 : memref<!tpu.dma_semaphore, #tpu.memory_space<semaphore_mem>>) src(%arg14 : memref<125x64xf32, #tpu.memory_space<vmem>>) dst(%dma_wait3A_369 : memref<2560x64xf32, #tpu.memory_space<vmem_shared>>)
          %dma_start3A_370 = arith.constant 0 : i32
          %dma_start3A_371 = tpu.memref_slice %arg12[%add3A_308, %dma_start3A_370] : memref<80x125xi32, #tpu.memory_space<vmem>> -> memref<1x125xi32, #tpu.memory_space<vmem>>
          %dma_start3A_372 = tpu.memref_squeeze %dma_start3A_371 : memref<1x125xi32, #tpu.memory_space<vmem>> -> memref<125xi32, #tpu.memory_space<vmem>>
          %dma_start3A_373 = arith.constant 0 : i32
          %dma_start3A_374 = arith.constant 0 : i32
          %dma_start3A_375 = tpu.memref_slice %arg2[%scan3A_212, %dma_start3A_373, %dma_start3A_374] : memref<2x10000x64xf32, #tpu.memory_space<hbm>> -> memref<1x10000x64xf32, #tpu.memory_space<hbm>>
          %dma_start3A_376 = tpu.memref_squeeze %dma_start3A_375 : memref<1x10000x64xf32, #tpu.memory_space<hbm>> -> memref<10000x64xf32, #tpu.memory_space<hbm>>
          %dma_start3A_377 = arith.constant 0 : i32
          %dma_start3A_378 = arith.constant 0 : i32
          %dma_start3A_379 = tpu.memref_slice %dma_start3A_376[%dma_start3A_377, %dma_start3A_378] : memref<10000x64xf32, #tpu.memory_space<hbm>> -> memref<10000x64xf32, #tpu.memory_space<hbm>>
          tpu.enqueue_indirect_dma source(%dma_start3A_379 : memref<10000x64xf32, #tpu.memory_space<hbm>>) target(%arg14 : memref<125x64xf32, #tpu.memory_space<vmem>>) offsets(%dma_start3A_372 : memref<125xi32, #tpu.memory_space<vmem>>) semaphore(%arg18 : memref<!tpu.dma_semaphore, #tpu.memory_space<semaphore_mem>>)
        } else {
        }
        %dma_wait3A_317 = arith.constant 0 : i32
        %dma_wait3A_318 = tpu.memref_slice %arg12[%add3A_306, %dma_wait3A_317] : memref<80x125xi32, #tpu.memory_space<vmem>> -> memref<1x125xi32, #tpu.memory_space<vmem>>
        %dma_wait3A_319 = tpu.memref_squeeze %dma_wait3A_318 : memref<1x125xi32, #tpu.memory_space<vmem>> -> memref<125xi32, #tpu.memory_space<vmem>>
        %dma_wait3A_320 = arith.constant 0 : i32
        %dma_wait3A_321 = arith.constant 0 : i32
        %dma_wait3A_322 = tpu.memref_slice %arg2[%scan3A_212, %dma_wait3A_320, %dma_wait3A_321] : memref<2x10000x64xf32, #tpu.memory_space<hbm>> -> memref<1x10000x64xf32, #tpu.memory_space<hbm>>
        %dma_wait3A_323 = tpu.memref_squeeze %dma_wait3A_322 : memref<1x10000x64xf32, #tpu.memory_space<hbm>> -> memref<10000x64xf32, #tpu.memory_space<hbm>>
        %dma_wait3A_324 = arith.constant 0 : i32
        %dma_wait3A_325 = arith.constant 0 : i32
        %dma_wait3A_326 = tpu.memref_slice %dma_wait3A_323[%dma_wait3A_324, %dma_wait3A_325] : memref<10000x64xf32, #tpu.memory_space<hbm>> -> memref<10000x64xf32, #tpu.memory_space<hbm>>
        tpu.wait_indirect_dma semaphore(%arg20 : memref<!tpu.dma_semaphore, #tpu.memory_space<semaphore_mem>>) src(%dma_wait3A_326 : memref<10000x64xf32, #tpu.memory_space<hbm>>) dst(%arg16 : memref<125x64xf32, #tpu.memory_space<vmem>>)
        %dma_start3A_327 = arith.constant 0 : i32
        %dma_start3A_328 = tpu.memref_slice %arg13[%add3A_306, %dma_start3A_327] : memref<80x125xi32, #tpu.memory_space<vmem>> -> memref<1x125xi32, #tpu.memory_space<vmem>>
        %dma_start3A_329 = tpu.memref_squeeze %dma_start3A_328 : memref<1x125xi32, #tpu.memory_space<vmem>> -> memref<125xi32, #tpu.memory_space<vmem>>
        %dma_start3A_330 = arith.constant 0 : i32
        %dma_start3A_331 = arith.constant 0 : i32
        %dma_start3A_332 = tpu.memref_slice %arg29[%dma_start3A_330, %dma_start3A_331] : memref<2560x64xf32, #tpu.memory_space<vmem_shared>> -> memref<2560x64xf32, #tpu.memory_space<vmem_shared>>
        tpu.enqueue_indirect_dma source(%arg16 : memref<125x64xf32, #tpu.memory_space<vmem>>) target(%dma_start3A_332 : memref<2560x64xf32, #tpu.memory_space<vmem_shared>>) offsets(%dma_start3A_329 : memref<125xi32, #tpu.memory_space<vmem>>) semaphore(%arg24 : memref<!tpu.dma_semaphore, #tpu.memory_space<semaphore_mem>>) {add = true}
        %mul3A_333 = arith.constant 4 : i32
        %mul3A_334 = arith.muli %mul3A_333, %scan3A_246 : i32
        %add3A_335 = arith.constant 3 : i32
        %add3A_336 = arith.addi %mul3A_334, %add3A_335 : i32
        %add3A_337 = arith.constant 2 : i32
        %add3A_338 = arith.addi %add3A_336, %add3A_337 : i32
        %ge3A_339 = arith.constant 4 : i32
        %ge3A_340 = arith.cmpi sge, %add3A_338, %ge3A_339 : i32
        %lt3A_341 = arith.constant 80 : i32
        %lt3A_342 = arith.cmpi slt, %add3A_338, %lt3A_341 : i32
        %and3A_343 = arith.andi %ge3A_340, %lt3A_342 : i1
        %convert_element_type3A_344 = arith.extui %and3A_343 : i1 to i32
        %cond3A_345 = arith.constant 0 : i32
        %cond3A_346 = arith.cmpi ne, %convert_element_type3A_344, %cond3A_345 : i32
        scf.if %cond3A_346 {
          %dma_wait3A_363 = arith.constant 0 : i32
          %dma_wait3A_364 = arith.constant 0 : i32
          %dma_wait3A_365 = tpu.memref_slice %arg13[%dma_wait3A_363, %dma_wait3A_364] : memref<80x125xi32, #tpu.memory_space<vmem>> -> memref<1x125xi32, #tpu.memory_space<vmem>>
          %dma_wait3A_366 = tpu.memref_squeeze %dma_wait3A_365 : memref<1x125xi32, #tpu.memory_space<vmem>> -> memref<125xi32, #tpu.memory_space<vmem>>
          %dma_wait3A_367 = arith.constant 0 : i32
          %dma_wait3A_368 = arith.constant 0 : i32
          %dma_wait3A_369 = tpu.memref_slice %arg29[%dma_wait3A_367, %dma_wait3A_368] : memref<2560x64xf32, #tpu.memory_space<vmem_shared>> -> memref<2560x64xf32, #tpu.memory_space<vmem_shared>>
          tpu.wait_indirect_dma semaphore(%arg23 : memref<!tpu.dma_semaphore, #tpu.memory_space<semaphore_mem>>) src(%arg15 : memref<125x64xf32, #tpu.memory_space<vmem>>) dst(%dma_wait3A_369 : memref<2560x64xf32, #tpu.memory_space<vmem_shared>>)
          %dma_start3A_370 = arith.constant 0 : i32
          %dma_start3A_371 = tpu.memref_slice %arg12[%add3A_338, %dma_start3A_370] : memref<80x125xi32, #tpu.memory_space<vmem>> -> memref<1x125xi32, #tpu.memory_space<vmem>>
          %dma_start3A_372 = tpu.memref_squeeze %dma_start3A_371 : memref<1x125xi32, #tpu.memory_space<vmem>> -> memref<125xi32, #tpu.memory_space<vmem>>
          %dma_start3A_373 = arith.constant 0 : i32
          %dma_start3A_374 = arith.constant 0 : i32
          %dma_start3A_375 = tpu.memref_slice %arg2[%scan3A_212, %dma_start3A_373, %dma_start3A_374] : memref<2x10000x64xf32, #tpu.memory_space<hbm>> -> memref<1x10000x64xf32, #tpu.memory_space<hbm>>
          %dma_start3A_376 = tpu.memref_squeeze %dma_start3A_375 : memref<1x10000x64xf32, #tpu.memory_space<hbm>> -> memref<10000x64xf32, #tpu.memory_space<hbm>>
          %dma_start3A_377 = arith.constant 0 : i32
          %dma_start3A_378 = arith.constant 0 : i32
          %dma_start3A_379 = tpu.memref_slice %dma_start3A_376[%dma_start3A_377, %dma_start3A_378] : memref<10000x64xf32, #tpu.memory_space<hbm>> -> memref<10000x64xf32, #tpu.memory_space<hbm>>
          tpu.enqueue_indirect_dma source(%dma_start3A_379 : memref<10000x64xf32, #tpu.memory_space<hbm>>) target(%arg15 : memref<125x64xf32, #tpu.memory_space<vmem>>) offsets(%dma_start3A_372 : memref<125xi32, #tpu.memory_space<vmem>>) semaphore(%arg19 : memref<!tpu.dma_semaphore, #tpu.memory_space<semaphore_mem>>)
        } else {
        }
        %dma_wait3A_347 = arith.constant 0 : i32
        %dma_wait3A_348 = tpu.memref_slice %arg12[%add3A_336, %dma_wait3A_347] : memref<80x125xi32, #tpu.memory_space<vmem>> -> memref<1x125xi32, #tpu.memory_space<vmem>>
        %dma_wait3A_349 = tpu.memref_squeeze %dma_wait3A_348 : memref<1x125xi32, #tpu.memory_space<vmem>> -> memref<125xi32, #tpu.memory_space<vmem>>
        %dma_wait3A_350 = arith.constant 0 : i32
        %dma_wait3A_351 = arith.constant 0 : i32
        %dma_wait3A_352 = tpu.memref_slice %arg2[%scan3A_212, %dma_wait3A_350, %dma_wait3A_351] : memref<2x10000x64xf32, #tpu.memory_space<hbm>> -> memref<1x10000x64xf32, #tpu.memory_space<hbm>>
        %dma_wait3A_353 = tpu.memref_squeeze %dma_wait3A_352 : memref<1x10000x64xf32, #tpu.memory_space<hbm>> -> memref<10000x64xf32, #tpu.memory_space<hbm>>
        %dma_wait3A_354 = arith.constant 0 : i32
        %dma_wait3A_355 = arith.constant 0 : i32
        %dma_wait3A_356 = tpu.memref_slice %dma_wait3A_353[%dma_wait3A_354, %dma_wait3A_355] : memref<10000x64xf32, #tpu.memory_space<hbm>> -> memref<10000x64xf32, #tpu.memory_space<hbm>>
        tpu.wait_indirect_dma semaphore(%arg21 : memref<!tpu.dma_semaphore, #tpu.memory_space<semaphore_mem>>) src(%dma_wait3A_356 : memref<10000x64xf32, #tpu.memory_space<hbm>>) dst(%arg17 : memref<125x64xf32, #tpu.memory_space<vmem>>)
        %dma_start3A_357 = arith.constant 0 : i32
        %dma_start3A_358 = tpu.memref_slice %arg13[%add3A_336, %dma_start3A_357] : memref<80x125xi32, #tpu.memory_space<vmem>> -> memref<1x125xi32, #tpu.memory_space<vmem>>
        %dma_start3A_359 = tpu.memref_squeeze %dma_start3A_358 : memref<1x125xi32, #tpu.memory_space<vmem>> -> memref<125xi32, #tpu.memory_space<vmem>>
        %dma_start3A_360 = arith.constant 0 : i32
        %dma_start3A_361 = arith.constant 0 : i32
        %dma_start3A_362 = tpu.memref_slice %arg29[%dma_start3A_360, %dma_start3A_361] : memref<2560x64xf32, #tpu.memory_space<vmem_shared>> -> memref<2560x64xf32, #tpu.memory_space<vmem_shared>>
        tpu.enqueue_indirect_dma source(%arg17 : memref<125x64xf32, #tpu.memory_space<vmem>>) target(%dma_start3A_362 : memref<2560x64xf32, #tpu.memory_space<vmem_shared>>) offsets(%dma_start3A_359 : memref<125xi32, #tpu.memory_space<vmem>>) semaphore(%arg25 : memref<!tpu.dma_semaphore, #tpu.memory_space<semaphore_mem>>) {add = true}
      }
      %scan3A_217 = arith.constant 20 : i32
      %dma_wait3A_218 = arith.constant 0 : i32
      %dma_wait3A_219 = arith.constant 0 : i32
      %dma_wait3A_220 = tpu.memref_slice %arg13[%dma_wait3A_218, %dma_wait3A_219] : memref<80x125xi32, #tpu.memory_space<vmem>> -> memref<1x125xi32, #tpu.memory_space<vmem>>
      %dma_wait3A_221 = tpu.memref_squeeze %dma_wait3A_220 : memref<1x125xi32, #tpu.memory_space<vmem>> -> memref<125xi32, #tpu.memory_space<vmem>>
      %dma_wait3A_222 = arith.constant 0 : i32
      %dma_wait3A_223 = arith.constant 0 : i32
      %dma_wait3A_224 = tpu.memref_slice %arg29[%dma_wait3A_222, %dma_wait3A_223] : memref<2560x64xf32, #tpu.memory_space<vmem_shared>> -> memref<2560x64xf32, #tpu.memory_space<vmem_shared>>
      tpu.wait_indirect_dma semaphore(%arg22 : memref<!tpu.dma_semaphore, #tpu.memory_space<semaphore_mem>>) src(%arg14 : memref<125x64xf32, #tpu.memory_space<vmem>>) dst(%dma_wait3A_224 : memref<2560x64xf32, #tpu.memory_space<vmem_shared>>)
      %dma_wait3A_225 = arith.constant 0 : i32
      %dma_wait3A_226 = arith.constant 0 : i32
      %dma_wait3A_227 = tpu.memref_slice %arg13[%dma_wait3A_225, %dma_wait3A_226] : memref<80x125xi32, #tpu.memory_space<vmem>> -> memref<1x125xi32, #tpu.memory_space<vmem>>
      %dma_wait3A_228 = tpu.memref_squeeze %dma_wait3A_227 : memref<1x125xi32, #tpu.memory_space<vmem>> -> memref<125xi32, #tpu.memory_space<vmem>>
      %dma_wait3A_229 = arith.constant 0 : i32
      %dma_wait3A_230 = arith.constant 0 : i32
      %dma_wait3A_231 = tpu.memref_slice %arg29[%dma_wait3A_229, %dma_wait3A_230] : memref<2560x64xf32, #tpu.memory_space<vmem_shared>> -> memref<2560x64xf32, #tpu.memory_space<vmem_shared>>
      tpu.wait_indirect_dma semaphore(%arg23 : memref<!tpu.dma_semaphore, #tpu.memory_space<semaphore_mem>>) src(%arg15 : memref<125x64xf32, #tpu.memory_space<vmem>>) dst(%dma_wait3A_231 : memref<2560x64xf32, #tpu.memory_space<vmem_shared>>)
      %dma_wait3A_232 = arith.constant 0 : i32
      %dma_wait3A_233 = arith.constant 0 : i32
      %dma_wait3A_234 = tpu.memref_slice %arg13[%dma_wait3A_232, %dma_wait3A_233] : memref<80x125xi32, #tpu.memory_space<vmem>> -> memref<1x125xi32, #tpu.memory_space<vmem>>
      %dma_wait3A_235 = tpu.memref_squeeze %dma_wait3A_234 : memref<1x125xi32, #tpu.memory_space<vmem>> -> memref<125xi32, #tpu.memory_space<vmem>>
      %dma_wait3A_236 = arith.constant 0 : i32
      %dma_wait3A_237 = arith.constant 0 : i32
      %dma_wait3A_238 = tpu.memref_slice %arg29[%dma_wait3A_236, %dma_wait3A_237] : memref<2560x64xf32, #tpu.memory_space<vmem_shared>> -> memref<2560x64xf32, #tpu.memory_space<vmem_shared>>
      tpu.wait_indirect_dma semaphore(%arg24 : memref<!tpu.dma_semaphore, #tpu.memory_space<semaphore_mem>>) src(%arg16 : memref<125x64xf32, #tpu.memory_space<vmem>>) dst(%dma_wait3A_238 : memref<2560x64xf32, #tpu.memory_space<vmem_shared>>)
      %dma_wait3A_239 = arith.constant 0 : i32
      %dma_wait3A_240 = arith.constant 0 : i32
      %dma_wait3A_241 = tpu.memref_slice %arg13[%dma_wait3A_239, %dma_wait3A_240] : memref<80x125xi32, #tpu.memory_space<vmem>> -> memref<1x125xi32, #tpu.memory_space<vmem>>
      %dma_wait3A_242 = tpu.memref_squeeze %dma_wait3A_241 : memref<1x125xi32, #tpu.memory_space<vmem>> -> memref<125xi32, #tpu.memory_space<vmem>>
      %dma_wait3A_243 = arith.constant 0 : i32
      %dma_wait3A_244 = arith.constant 0 : i32
      %dma_wait3A_245 = tpu.memref_slice %arg29[%dma_wait3A_243, %dma_wait3A_244] : memref<2560x64xf32, #tpu.memory_space<vmem_shared>> -> memref<2560x64xf32, #tpu.memory_space<vmem_shared>>
      tpu.wait_indirect_dma semaphore(%arg25 : memref<!tpu.dma_semaphore, #tpu.memory_space<semaphore_mem>>) src(%arg17 : memref<125x64xf32, #tpu.memory_space<vmem>>) dst(%dma_wait3A_245 : memref<2560x64xf32, #tpu.memory_space<vmem_shared>>)
    } else {
    }
    %barrier3A_25 = arith.constant 0 : index
    tpu.barrier barrier_id(%barrier3A_25)
    "tpu.region"() ({
      %run_scoped3A_163 = tpu.sem_alloc : memref<!tpu.dma_semaphore, #tpu.memory_space<semaphore_mem>>
      %dma_start3A_164 = arith.constant 0 : i32
      %dma_start3A_165 = tpu.memref_slice %arg29[%mul3A_0, %dma_start3A_164] : memref<2560x64xf32, #tpu.memory_space<vmem_shared>> -> memref<160x64xf32, #tpu.memory_space<vmem_shared>>
      %dma_start3A_166 = arith.constant 0 : i32
      %dma_start3A_167 = tpu.memref_slice %arg29[%mul3A_0, %dma_start3A_166] : memref<2560x64xf32, #tpu.memory_space<vmem_shared>> -> memref<160x64xf32, #tpu.memory_space<vmem_shared>>
      tpu.enqueue_dma source(%dma_start3A_167 : memref<160x64xf32, #tpu.memory_space<vmem_shared>>) target(%arg26 : memref<160x64xf32, #tpu.memory_space<vmem>>) target_semaphore(%run_scoped3A_163 : memref<!tpu.dma_semaphore, #tpu.memory_space<semaphore_mem>>)
      %dma_wait3A_168 = arith.constant 0 : i32
      %dma_wait3A_169 = tpu.memref_slice %arg29[%mul3A_0, %dma_wait3A_168] : memref<2560x64xf32, #tpu.memory_space<vmem_shared>> -> memref<160x64xf32, #tpu.memory_space<vmem_shared>>
      %dma_wait3A_170 = arith.constant 0 : i32
      %dma_wait3A_171 = tpu.memref_slice %arg29[%mul3A_0, %dma_wait3A_170] : memref<2560x64xf32, #tpu.memory_space<vmem_shared>> -> memref<160x64xf32, #tpu.memory_space<vmem_shared>>
      tpu.wait_dma2 semaphore(%run_scoped3A_163 : memref<!tpu.dma_semaphore, #tpu.memory_space<semaphore_mem>>) src(%dma_wait3A_171 : memref<160x64xf32, #tpu.memory_space<vmem_shared>>) dst(%arg26 : memref<160x64xf32, #tpu.memory_space<vmem>>)
      tpu.yield
    }) : () -> ()
    %scan3A = arith.constant 0 : i32
    %scan3A_26 = arith.constant 0 : i32
    %scan3A_27 = arith.constant 10 : i32
    %scan3A_28 = arith.addi %scan3A_26, %scan3A_27 : i32
    %scan3A_29 = arith.constant 1 : i32
    scf.for %scan3A_163 = %scan3A_26 to %scan3A_28 step %scan3A_29  : i32 {
      %mul3A_164 = arith.constant 16 : i32
      %mul3A_165 = arith.muli %scan3A_163, %mul3A_164 : i32
      %get3A = arith.index_cast %mul3A_165 : i32 to index
      %get3A_166 = tpu.vector_load %arg27[%get3A] {strides = array<i32>} : memref<160xf32, #tpu.memory_space<vmem>>, vector<16xf32>,
      %get3A_167 = vector.shape_cast %get3A_166 : vector<16xf32> to vector<16xf32>
      %mul3A_168 = arith.constant 16 : i32
      %mul3A_169 = arith.muli %scan3A_163, %mul3A_168 : i32
      %get3A_170 = arith.index_cast %mul3A_169 : i32 to index
      %get3A_171 = tpu.vector_load %arg28[%get3A_170] {strides = array<i32>} : memref<160xf32, #tpu.memory_space<vmem>>, vector<16xf32>,
      %get3A_172 = vector.shape_cast %get3A_171 : vector<16xf32> to vector<16xf32>
      %mul3A_173 = arith.mulf %get3A_167, %get3A_172 : vector<16xf32>
      %broadcast_in_dim3A = arith.constant 0 : i32
      %broadcast_in_dim3A_174 = vector.broadcast %broadcast_in_dim3A : i32 to vector<16xi32>
      %lt3A = arith.constant 0 : i32
      %lt3A_175 = vector.broadcast %lt3A : i32 to vector<16xi32>
      %lt3A_176 = arith.cmpi slt, %broadcast_in_dim3A_174, %lt3A_175 : vector<16xi32>
      %add3A = arith.constant 16 : i32
      %add3A_177 = vector.broadcast %add3A : i32 to vector<16xi32>
      %add3A_178 = arith.addi %broadcast_in_dim3A_174, %add3A_177 : vector<16xi32>
      %select_n3A = arith.select %lt3A_176, %add3A_178, %broadcast_in_dim3A_174 : vector<16xi1>, vector<16xi32>
      %broadcast_in_dim3A_179 = vector.shape_cast %select_n3A : vector<16xi32> to vector<16x1xi32>
      %gather3A = vector.shape_cast %broadcast_in_dim3A_179 : vector<16x1xi32> to vector<16xi32>
      %gather3A_180 = tpu.dynamic_gather %mul3A_173[%gather3A] in [0] : vector<16xf32>, vector<16xi32> -> vector<16xf32>
      %mul3A_181 = arith.constant 16 : i32
      %mul3A_182 = arith.muli %scan3A_163, %mul3A_181 : i32
      %add3A_183 = arith.constant 0 : i32
      %add3A_184 = arith.addi %mul3A_182, %add3A_183 : i32
      %get3A_185 = arith.index_cast %add3A_184 : i32 to index
      %get3A_186 = arith.constant 0 : index
      %get3A_187 = tpu.vector_load %arg26[%get3A_185, %get3A_186] {strides = array<i32>} : memref<160x64xf32, #tpu.memory_space<vmem>>, vector<1x16xf32>,
      %get3A_188 = vector.shape_cast %get3A_187 : vector<1x16xf32> to vector<16xf32>
      %mul3A_189 = arith.mulf %get3A_188, %gather3A_180 : vector<16xf32>
      %swap3A = arith.index_cast %add3A_184 : i32 to index
      %swap3A_190 = arith.constant 0 : index
      %swap3A_191 = tpu.vector_load %arg26[%swap3A, %swap3A_190] {strides = array<i32>} : memref<160x64xf32, #tpu.memory_space<vmem>>, vector<1x16xf32>,
      %swap3A_192 = vector.shape_cast %swap3A_191 : vector<1x16xf32> to vector<16xf32>
      %swap3A_193 = vector.shape_cast %mul3A_189 : vector<16xf32> to vector<1x16xf32>
      tpu.vector_store %arg26[%swap3A, %swap3A_190], %swap3A_193 {strides = array<i32>} : memref<160x64xf32, #tpu.memory_space<vmem>>, vector<1x16xf32>,
      %get3A_194 = arith.index_cast %add3A_184 : i32 to index
      %get3A_195 = arith.constant 16 : index
      %get3A_196 = tpu.vector_load %arg26[%get3A_194, %get3A_195] {strides = array<i32>} : memref<160x64xf32, #tpu.memory_space<vmem>>, vector<1x16xf32>,
      %get3A_197 = vector.shape_cast %get3A_196 : vector<1x16xf32> to vector<16xf32>
      %mul3A_198 = arith.mulf %get3A_197, %gather3A_180 : vector<16xf32>
      %swap3A_199 = arith.index_cast %add3A_184 : i32 to index
      %swap3A_200 = arith.constant 16 : index
      %swap3A_201 = tpu.vector_load %arg26[%swap3A_199, %swap3A_200] {strides = array<i32>} : memref<160x64xf32, #tpu.memory_space<vmem>>, vector<1x16xf32>,
      %swap3A_202 = vector.shape_cast %swap3A_201 : vector<1x16xf32> to vector<16xf32>
      %swap3A_203 = vector.shape_cast %mul3A_198 : vector<16xf32> to vector<1x16xf32>
      tpu.vector_store %arg26[%swap3A_199, %swap3A_200], %swap3A_203 {strides = array<i32>} : memref<160x64xf32, #tpu.memory_space<vmem>>, vector<1x16xf32>,
      %get3A_204 = arith.index_cast %add3A_184 : i32 to index
      %get3A_205 = arith.constant 32 : index
      %get3A_206 = tpu.vector_load %arg26[%get3A_204, %get3A_205] {strides = array<i32>} : memref<160x64xf32, #tpu.memory_space<vmem>>, vector<1x16xf32>,
      %get3A_207 = vector.shape_cast %get3A_206 : vector<1x16xf32> to vector<16xf32>
      %mul3A_208 = arith.mulf %get3A_207, %gather3A_180 : vector<16xf32>
      %swap3A_209 = arith.index_cast %add3A_184 : i32 to index
      %swap3A_210 = arith.constant 32 : index
      %swap3A_211 = tpu.vector_load %arg26[%swap3A_209, %swap3A_210] {strides = array<i32>} : memref<160x64xf32, #tpu.memory_space<vmem>>, vector<1x16xf32>,
      %swap3A_212 = vector.shape_cast %swap3A_211 : vector<1x16xf32> to vector<16xf32>
      %swap3A_213 = vector.shape_cast %mul3A_208 : vector<16xf32> to vector<1x16xf32>
      tpu.vector_store %arg26[%swap3A_209, %swap3A_210], %swap3A_213 {strides = array<i32>} : memref<160x64xf32, #tpu.memory_space<vmem>>, vector<1x16xf32>,
      %get3A_214 = arith.index_cast %add3A_184 : i32 to index
      %get3A_215 = arith.constant 48 : index
      %get3A_216 = tpu.vector_load %arg26[%get3A_214, %get3A_215] {strides = array<i32>} : memref<160x64xf32, #tpu.memory_space<vmem>>, vector<1x16xf32>,
      %get3A_217 = vector.shape_cast %get3A_216 : vector<1x16xf32> to vector<16xf32>
      %mul3A_218 = arith.mulf %get3A_217, %gather3A_180 : vector<16xf32>
      %swap3A_219 = arith.index_cast %add3A_184 : i32 to index
      %swap3A_220 = arith.constant 48 : index
      %swap3A_221 = tpu.vector_load %arg26[%swap3A_219, %swap3A_220] {strides = array<i32>} : memref<160x64xf32, #tpu.memory_space<vmem>>, vector<1x16xf32>,
      %swap3A_222 = vector.shape_cast %swap3A_221 : vector<1x16xf32> to vector<16xf32>
      %swap3A_223 = vector.shape_cast %mul3A_218 : vector<16xf32> to vector<1x16xf32>
      tpu.vector_store %arg26[%swap3A_219, %swap3A_220], %swap3A_223 {strides = array<i32>} : memref<160x64xf32, #tpu.memory_space<vmem>>, vector<1x16xf32>,
      %broadcast_in_dim3A_224 = arith.constant 1 : i32
      %broadcast_in_dim3A_225 = vector.broadcast %broadcast_in_dim3A_224 : i32 to vector<16xi32>
      %lt3A_226 = arith.constant 0 : i32
      %lt3A_227 = vector.broadcast %lt3A_226 : i32 to vector<16xi32>
      %lt3A_228 = arith.cmpi slt, %broadcast_in_dim3A_225, %lt3A_227 : vector<16xi32>
      %add3A_229 = arith.constant 16 : i32
      %add3A_230 = vector.broadcast %add3A_229 : i32 to vector<16xi32>
      %add3A_231 = arith.addi %broadcast_in_dim3A_225, %add3A_230 : vector<16xi32>
      %select_n3A_232 = arith.select %lt3A_228, %add3A_231, %broadcast_in_dim3A_225 : vector<16xi1>, vector<16xi32>
      %broadcast_in_dim3A_233 = vector.shape_cast %select_n3A_232 : vector<16xi32> to vector<16x1xi32>
      %gather3A_234 = vector.shape_cast %broadcast_in_dim3A_233 : vector<16x1xi32> to vector<16xi32>
      %gather3A_235 = tpu.dynamic_gather %mul3A_173[%gather3A_234] in [0] : vector<16xf32>, vector<16xi32> -> vector<16xf32>
      %mul3A_236 = arith.constant 16 : i32
      %mul3A_237 = arith.muli %scan3A_163, %mul3A_236 : i32
      %add3A_238 = arith.constant 1 : i32
      %add3A_239 = arith.addi %mul3A_237, %add3A_238 : i32
      %get3A_240 = arith.index_cast %add3A_239 : i32 to index
      %get3A_241 = arith.constant 0 : index
      %get3A_242 = tpu.vector_load %arg26[%get3A_240, %get3A_241] {strides = array<i32>} : memref<160x64xf32, #tpu.memory_space<vmem>>, vector<1x16xf32>,
      %get3A_243 = vector.shape_cast %get3A_242 : vector<1x16xf32> to vector<16xf32>
      %mul3A_244 = arith.mulf %get3A_243, %gather3A_235 : vector<16xf32>
      %swap3A_245 = arith.index_cast %add3A_239 : i32 to index
      %swap3A_246 = arith.constant 0 : index
      %swap3A_247 = tpu.vector_load %arg26[%swap3A_245, %swap3A_246] {strides = array<i32>} : memref<160x64xf32, #tpu.memory_space<vmem>>, vector<1x16xf32>,
      %swap3A_248 = vector.shape_cast %swap3A_247 : vector<1x16xf32> to vector<16xf32>
      %swap3A_249 = vector.shape_cast %mul3A_244 : vector<16xf32> to vector<1x16xf32>
      tpu.vector_store %arg26[%swap3A_245, %swap3A_246], %swap3A_249 {strides = array<i32>} : memref<160x64xf32, #tpu.memory_space<vmem>>, vector<1x16xf32>,
      %get3A_250 = arith.index_cast %add3A_239 : i32 to index
      %get3A_251 = arith.constant 16 : index
      %get3A_252 = tpu.vector_load %arg26[%get3A_250, %get3A_251] {strides = array<i32>} : memref<160x64xf32, #tpu.memory_space<vmem>>, vector<1x16xf32>,
      %get3A_253 = vector.shape_cast %get3A_252 : vector<1x16xf32> to vector<16xf32>
      %mul3A_254 = arith.mulf %get3A_253, %gather3A_235 : vector<16xf32>
      %swap3A_255 = arith.index_cast %add3A_239 : i32 to index
      %swap3A_256 = arith.constant 16 : index
      %swap3A_257 = tpu.vector_load %arg26[%swap3A_255, %swap3A_256] {strides = array<i32>} : memref<160x64xf32, #tpu.memory_space<vmem>>, vector<1x16xf32>,
      %swap3A_258 = vector.shape_cast %swap3A_257 : vector<1x16xf32> to vector<16xf32>
      %swap3A_259 = vector.shape_cast %mul3A_254 : vector<16xf32> to vector<1x16xf32>
      tpu.vector_store %arg26[%swap3A_255, %swap3A_256], %swap3A_259 {strides = array<i32>} : memref<160x64xf32, #tpu.memory_space<vmem>>, vector<1x16xf32>,
      %get3A_260 = arith.index_cast %add3A_239 : i32 to index
      %get3A_261 = arith.constant 32 : index
      %get3A_262 = tpu.vector_load %arg26[%get3A_260, %get3A_261] {strides = array<i32>} : memref<160x64xf32, #tpu.memory_space<vmem>>, vector<1x16xf32>,
      %get3A_263 = vector.shape_cast %get3A_262 : vector<1x16xf32> to vector<16xf32>
      %mul3A_264 = arith.mulf %get3A_263, %gather3A_235 : vector<16xf32>
      %swap3A_265 = arith.index_cast %add3A_239 : i32 to index
      %swap3A_266 = arith.constant 32 : index
      %swap3A_267 = tpu.vector_load %arg26[%swap3A_265, %swap3A_266] {strides = array<i32>} : memref<160x64xf32, #tpu.memory_space<vmem>>, vector<1x16xf32>,
      %swap3A_268 = vector.shape_cast %swap3A_267 : vector<1x16xf32> to vector<16xf32>
      %swap3A_269 = vector.shape_cast %mul3A_264 : vector<16xf32> to vector<1x16xf32>
      tpu.vector_store %arg26[%swap3A_265, %swap3A_266], %swap3A_269 {strides = array<i32>} : memref<160x64xf32, #tpu.memory_space<vmem>>, vector<1x16xf32>,
      %get3A_270 = arith.index_cast %add3A_239 : i32 to index
      %get3A_271 = arith.constant 48 : index
      %get3A_272 = tpu.vector_load %arg26[%get3A_270, %get3A_271] {strides = array<i32>} : memref<160x64xf32, #tpu.memory_space<vmem>>, vector<1x16xf32>,
      %get3A_273 = vector.shape_cast %get3A_272 : vector<1x16xf32> to vector<16xf32>
      %mul3A_274 = arith.mulf %get3A_273, %gather3A_235 : vector<16xf32>
      %swap3A_275 = arith.index_cast %add3A_239 : i32 to index
      %swap3A_276 = arith.constant 48 : index
      %swap3A_277 = tpu.vector_load %arg26[%swap3A_275, %swap3A_276] {strides = array<i32>} : memref<160x64xf32, #tpu.memory_space<vmem>>, vector<1x16xf32>,
      %swap3A_278 = vector.shape_cast %swap3A_277 : vector<1x16xf32> to vector<16xf32>
      %swap3A_279 = vector.shape_cast %mul3A_274 : vector<16xf32> to vector<1x16xf32>
      tpu.vector_store %arg26[%swap3A_275, %swap3A_276], %swap3A_279 {strides = array<i32>} : memref<160x64xf32, #tpu.memory_space<vmem>>, vector<1x16xf32>,
      %broadcast_in_dim3A_280 = arith.constant 2 : i32
      %broadcast_in_dim3A_281 = vector.broadcast %broadcast_in_dim3A_280 : i32 to vector<16xi32>
      %lt3A_282 = arith.constant 0 : i32
      %lt3A_283 = vector.broadcast %lt3A_282 : i32 to vector<16xi32>
      %lt3A_284 = arith.cmpi slt, %broadcast_in_dim3A_281, %lt3A_283 : vector<16xi32>
      %add3A_285 = arith.constant 16 : i32
      %add3A_286 = vector.broadcast %add3A_285 : i32 to vector<16xi32>
      %add3A_287 = arith.addi %broadcast_in_dim3A_281, %add3A_286 : vector<16xi32>
      %select_n3A_288 = arith.select %lt3A_284, %add3A_287, %broadcast_in_dim3A_281 : vector<16xi1>, vector<16xi32>
      %broadcast_in_dim3A_289 = vector.shape_cast %select_n3A_288 : vector<16xi32> to vector<16x1xi32>
      %gather3A_290 = vector.shape_cast %broadcast_in_dim3A_289 : vector<16x1xi32> to vector<16xi32>
      %gather3A_291 = tpu.dynamic_gather %mul3A_173[%gather3A_290] in [0] : vector<16xf32>, vector<16xi32> -> vector<16xf32>
      %mul3A_292 = arith.constant 16 : i32
      %mul3A_293 = arith.muli %scan3A_163, %mul3A_292 : i32
      %add3A_294 = arith.constant 2 : i32
      %add3A_295 = arith.addi %mul3A_293, %add3A_294 : i32
      %get3A_296 = arith.index_cast %add3A_295 : i32 to index
      %get3A_297 = arith.constant 0 : index
      %get3A_298 = tpu.vector_load %arg26[%get3A_296, %get3A_297] {strides = array<i32>} : memref<160x64xf32, #tpu.memory_space<vmem>>, vector<1x16xf32>,
      %get3A_299 = vector.shape_cast %get3A_298 : vector<1x16xf32> to vector<16xf32>
      %mul3A_300 = arith.mulf %get3A_299, %gather3A_291 : vector<16xf32>
      %swap3A_301 = arith.index_cast %add3A_295 : i32 to index
      %swap3A_302 = arith.constant 0 : index
      %swap3A_303 = tpu.vector_load %arg26[%swap3A_301, %swap3A_302] {strides = array<i32>} : memref<160x64xf32, #tpu.memory_space<vmem>>, vector<1x16xf32>,
      %swap3A_304 = vector.shape_cast %swap3A_303 : vector<1x16xf32> to vector<16xf32>
      %swap3A_305 = vector.shape_cast %mul3A_300 : vector<16xf32> to vector<1x16xf32>
      tpu.vector_store %arg26[%swap3A_301, %swap3A_302], %swap3A_305 {strides = array<i32>} : memref<160x64xf32, #tpu.memory_space<vmem>>, vector<1x16xf32>,
      %get3A_306 = arith.index_cast %add3A_295 : i32 to index
      %get3A_307 = arith.constant 16 : index
      %get3A_308 = tpu.vector_load %arg26[%get3A_306, %get3A_307] {strides = array<i32>} : memref<160x64xf32, #tpu.memory_space<vmem>>, vector<1x16xf32>,
      %get3A_309 = vector.shape_cast %get3A_308 : vector<1x16xf32> to vector<16xf32>
      %mul3A_310 = arith.mulf %get3A_309, %gather3A_291 : vector<16xf32>
      %swap3A_311 = arith.index_cast %add3A_295 : i32 to index
      %swap3A_312 = arith.constant 16 : index
      %swap3A_313 = tpu.vector_load %arg26[%swap3A_311, %swap3A_312] {strides = array<i32>} : memref<160x64xf32, #tpu.memory_space<vmem>>, vector<1x16xf32>,
      %swap3A_314 = vector.shape_cast %swap3A_313 : vector<1x16xf32> to vector<16xf32>
      %swap3A_315 = vector.shape_cast %mul3A_310 : vector<16xf32> to vector<1x16xf32>
      tpu.vector_store %arg26[%swap3A_311, %swap3A_312], %swap3A_315 {strides = array<i32>} : memref<160x64xf32, #tpu.memory_space<vmem>>, vector<1x16xf32>,
      %get3A_316 = arith.index_cast %add3A_295 : i32 to index
      %get3A_317 = arith.constant 32 : index
      %get3A_318 = tpu.vector_load %arg26[%get3A_316, %get3A_317] {strides = array<i32>} : memref<160x64xf32, #tpu.memory_space<vmem>>, vector<1x16xf32>,
      %get3A_319 = vector.shape_cast %get3A_318 : vector<1x16xf32> to vector<16xf32>
      %mul3A_320 = arith.mulf %get3A_319, %gather3A_291 : vector<16xf32>
      %swap3A_321 = arith.index_cast %add3A_295 : i32 to index
      %swap3A_322 = arith.constant 32 : index
      %swap3A_323 = tpu.vector_load %arg26[%swap3A_321, %swap3A_322] {strides = array<i32>} : memref<160x64xf32, #tpu.memory_space<vmem>>, vector<1x16xf32>,
      %swap3A_324 = vector.shape_cast %swap3A_323 : vector<1x16xf32> to vector<16xf32>
      %swap3A_325 = vector.shape_cast %mul3A_320 : vector<16xf32> to vector<1x16xf32>
      tpu.vector_store %arg26[%swap3A_321, %swap3A_322], %swap3A_325 {strides = array<i32>} : memref<160x64xf32, #tpu.memory_space<vmem>>, vector<1x16xf32>,
      %get3A_326 = arith.index_cast %add3A_295 : i32 to index
      %get3A_327 = arith.constant 48 : index
      %get3A_328 = tpu.vector_load %arg26[%get3A_326, %get3A_327] {strides = array<i32>} : memref<160x64xf32, #tpu.memory_space<vmem>>, vector<1x16xf32>,
      %get3A_329 = vector.shape_cast %get3A_328 : vector<1x16xf32> to vector<16xf32>
      %mul3A_330 = arith.mulf %get3A_329, %gather3A_291 : vector<16xf32>
      %swap3A_331 = arith.index_cast %add3A_295 : i32 to index
      %swap3A_332 = arith.constant 48 : index
      %swap3A_333 = tpu.vector_load %arg26[%swap3A_331, %swap3A_332] {strides = array<i32>} : memref<160x64xf32, #tpu.memory_space<vmem>>, vector<1x16xf32>,
      %swap3A_334 = vector.shape_cast %swap3A_333 : vector<1x16xf32> to vector<16xf32>
      %swap3A_335 = vector.shape_cast %mul3A_330 : vector<16xf32> to vector<1x16xf32>
      tpu.vector_store %arg26[%swap3A_331, %swap3A_332], %swap3A_335 {strides = array<i32>} : memref<160x64xf32, #tpu.memory_space<vmem>>, vector<1x16xf32>,
      %broadcast_in_dim3A_336 = arith.constant 3 : i32
      %broadcast_in_dim3A_337 = vector.broadcast %broadcast_in_dim3A_336 : i32 to vector<16xi32>
      %lt3A_338 = arith.constant 0 : i32
      %lt3A_339 = vector.broadcast %lt3A_338 : i32 to vector<16xi32>
      %lt3A_340 = arith.cmpi slt, %broadcast_in_dim3A_337, %lt3A_339 : vector<16xi32>
      %add3A_341 = arith.constant 16 : i32
      %add3A_342 = vector.broadcast %add3A_341 : i32 to vector<16xi32>
      %add3A_343 = arith.addi %broadcast_in_dim3A_337, %add3A_342 : vector<16xi32>
      %select_n3A_344 = arith.select %lt3A_340, %add3A_343, %broadcast_in_dim3A_337 : vector<16xi1>, vector<16xi32>
      %broadcast_in_dim3A_345 = vector.shape_cast %select_n3A_344 : vector<16xi32> to vector<16x1xi32>
      %gather3A_346 = vector.shape_cast %broadcast_in_dim3A_345 : vector<16x1xi32> to vector<16xi32>
      %gather3A_347 = tpu.dynamic_gather %mul3A_173[%gather3A_346] in [0] : vector<16xf32>, vector<16xi32> -> vector<16xf32>
      %mul3A_348 = arith.constant 16 : i32
      %mul3A_349 = arith.muli %scan3A_163, %mul3A_348 : i32
      %add3A_350 = arith.constant 3 : i32
      %add3A_351 = arith.addi %mul3A_349, %add3A_350 : i32
      %get3A_352 = arith.index_cast %add3A_351 : i32 to index
      %get3A_353 = arith.constant 0 : index
      %get3A_354 = tpu.vector_load %arg26[%get3A_352, %get3A_353] {strides = array<i32>} : memref<160x64xf32, #tpu.memory_space<vmem>>, vector<1x16xf32>,
      %get3A_355 = vector.shape_cast %get3A_354 : vector<1x16xf32> to vector<16xf32>
      %mul3A_356 = arith.mulf %get3A_355, %gather3A_347 : vector<16xf32>
      %swap3A_357 = arith.index_cast %add3A_351 : i32 to index
      %swap3A_358 = arith.constant 0 : index
      %swap3A_359 = tpu.vector_load %arg26[%swap3A_357, %swap3A_358] {strides = array<i32>} : memref<160x64xf32, #tpu.memory_space<vmem>>, vector<1x16xf32>,
      %swap3A_360 = vector.shape_cast %swap3A_359 : vector<1x16xf32> to vector<16xf32>
      %swap3A_361 = vector.shape_cast %mul3A_356 : vector<16xf32> to vector<1x16xf32>
      tpu.vector_store %arg26[%swap3A_357, %swap3A_358], %swap3A_361 {strides = array<i32>} : memref<160x64xf32, #tpu.memory_space<vmem>>, vector<1x16xf32>,
      %get3A_362 = arith.index_cast %add3A_351 : i32 to index
      %get3A_363 = arith.constant 16 : index
      %get3A_364 = tpu.vector_load %arg26[%get3A_362, %get3A_363] {strides = array<i32>} : memref<160x64xf32, #tpu.memory_space<vmem>>, vector<1x16xf32>,
      %get3A_365 = vector.shape_cast %get3A_364 : vector<1x16xf32> to vector<16xf32>
      %mul3A_366 = arith.mulf %get3A_365, %gather3A_347 : vector<16xf32>
      %swap3A_367 = arith.index_cast %add3A_351 : i32 to index
      %swap3A_368 = arith.constant 16 : index
      %swap3A_369 = tpu.vector_load %arg26[%swap3A_367, %swap3A_368] {strides = array<i32>} : memref<160x64xf32, #tpu.memory_space<vmem>>, vector<1x16xf32>,
      %swap3A_370 = vector.shape_cast %swap3A_369 : vector<1x16xf32> to vector<16xf32>
      %swap3A_371 = vector.shape_cast %mul3A_366 : vector<16xf32> to vector<1x16xf32>
      tpu.vector_store %arg26[%swap3A_367, %swap3A_368], %swap3A_371 {strides = array<i32>} : memref<160x64xf32, #tpu.memory_space<vmem>>, vector<1x16xf32>,
      %get3A_372 = arith.index_cast %add3A_351 : i32 to index
      %get3A_373 = arith.constant 32 : index
      %get3A_374 = tpu.vector_load %arg26[%get3A_372, %get3A_373] {strides = array<i32>} : memref<160x64xf32, #tpu.memory_space<vmem>>, vector<1x16xf32>,
      %get3A_375 = vector.shape_cast %get3A_374 : vector<1x16xf32> to vector<16xf32>
      %mul3A_376 = arith.mulf %get3A_375, %gather3A_347 : vector<16xf32>
      %swap3A_377 = arith.index_cast %add3A_351 : i32 to index
      %swap3A_378 = arith.constant 32 : index
      %swap3A_379 = tpu.vector_load %arg26[%swap3A_377, %swap3A_378] {strides = array<i32>} : memref<160x64xf32, #tpu.memory_space<vmem>>, vector<1x16xf32>,
      %swap3A_380 = vector.shape_cast %swap3A_379 : vector<1x16xf32> to vector<16xf32>
      %swap3A_381 = vector.shape_cast %mul3A_376 : vector<16xf32> to vector<1x16xf32>
      tpu.vector_store %arg26[%swap3A_377, %swap3A_378], %swap3A_381 {strides = array<i32>} : memref<160x64xf32, #tpu.memory_space<vmem>>, vector<1x16xf32>,
      %get3A_382 = arith.index_cast %add3A_351 : i32 to index
      %get3A_383 = arith.constant 48 : index
      %get3A_384 = tpu.vector_load %arg26[%get3A_382, %get3A_383] {strides = array<i32>} : memref<160x64xf32, #tpu.memory_space<vmem>>, vector<1x16xf32>,
      %get3A_385 = vector.shape_cast %get3A_384 : vector<1x16xf32> to vector<16xf32>
      %mul3A_386 = arith.mulf %get3A_385, %gather3A_347 : vector<16xf32>
      %swap3A_387 = arith.index_cast %add3A_351 : i32 to index
      %swap3A_388 = arith.constant 48 : index
      %swap3A_389 = tpu.vector_load %arg26[%swap3A_387, %swap3A_388] {strides = array<i32>} : memref<160x64xf32, #tpu.memory_space<vmem>>, vector<1x16xf32>,
      %swap3A_390 = vector.shape_cast %swap3A_389 : vector<1x16xf32> to vector<16xf32>
      %swap3A_391 = vector.shape_cast %mul3A_386 : vector<16xf32> to vector<1x16xf32>
      tpu.vector_store %arg26[%swap3A_387, %swap3A_388], %swap3A_391 {strides = array<i32>} : memref<160x64xf32, #tpu.memory_space<vmem>>, vector<1x16xf32>,
      %broadcast_in_dim3A_392 = arith.constant 4 : i32
      %broadcast_in_dim3A_393 = vector.broadcast %broadcast_in_dim3A_392 : i32 to vector<16xi32>
      %lt3A_394 = arith.constant 0 : i32
      %lt3A_395 = vector.broadcast %lt3A_394 : i32 to vector<16xi32>
      %lt3A_396 = arith.cmpi slt, %broadcast_in_dim3A_393, %lt3A_395 : vector<16xi32>
      %add3A_397 = arith.constant 16 : i32
      %add3A_398 = vector.broadcast %add3A_397 : i32 to vector<16xi32>
      %add3A_399 = arith.addi %broadcast_in_dim3A_393, %add3A_398 : vector<16xi32>
      %select_n3A_400 = arith.select %lt3A_396, %add3A_399, %broadcast_in_dim3A_393 : vector<16xi1>, vector<16xi32>
      %broadcast_in_dim3A_401 = vector.shape_cast %select_n3A_400 : vector<16xi32> to vector<16x1xi32>
      %gather3A_402 = vector.shape_cast %broadcast_in_dim3A_401 : vector<16x1xi32> to vector<16xi32>
      %gather3A_403 = tpu.dynamic_gather %mul3A_173[%gather3A_402] in [0] : vector<16xf32>, vector<16xi32> -> vector<16xf32>
      %mul3A_404 = arith.constant 16 : i32
      %mul3A_405 = arith.muli %scan3A_163, %mul3A_404 : i32
      %add3A_406 = arith.constant 4 : i32
      %add3A_407 = arith.addi %mul3A_405, %add3A_406 : i32
      %get3A_408 = arith.index_cast %add3A_407 : i32 to index
      %get3A_409 = arith.constant 0 : index
      %get3A_410 = tpu.vector_load %arg26[%get3A_408, %get3A_409] {strides = array<i32>} : memref<160x64xf32, #tpu.memory_space<vmem>>, vector<1x16xf32>,
      %get3A_411 = vector.shape_cast %get3A_410 : vector<1x16xf32> to vector<16xf32>
      %mul3A_412 = arith.mulf %get3A_411, %gather3A_403 : vector<16xf32>
      %swap3A_413 = arith.index_cast %add3A_407 : i32 to index
      %swap3A_414 = arith.constant 0 : index
      %swap3A_415 = tpu.vector_load %arg26[%swap3A_413, %swap3A_414] {strides = array<i32>} : memref<160x64xf32, #tpu.memory_space<vmem>>, vector<1x16xf32>,
      %swap3A_416 = vector.shape_cast %swap3A_415 : vector<1x16xf32> to vector<16xf32>
      %swap3A_417 = vector.shape_cast %mul3A_412 : vector<16xf32> to vector<1x16xf32>
      tpu.vector_store %arg26[%swap3A_413, %swap3A_414], %swap3A_417 {strides = array<i32>} : memref<160x64xf32, #tpu.memory_space<vmem>>, vector<1x16xf32>,
      %get3A_418 = arith.index_cast %add3A_407 : i32 to index
      %get3A_419 = arith.constant 16 : index
      %get3A_420 = tpu.vector_load %arg26[%get3A_418, %get3A_419] {strides = array<i32>} : memref<160x64xf32, #tpu.memory_space<vmem>>, vector<1x16xf32>,
      %get3A_421 = vector.shape_cast %get3A_420 : vector<1x16xf32> to vector<16xf32>
      %mul3A_422 = arith.mulf %get3A_421, %gather3A_403 : vector<16xf32>
      %swap3A_423 = arith.index_cast %add3A_407 : i32 to index
      %swap3A_424 = arith.constant 16 : index
      %swap3A_425 = tpu.vector_load %arg26[%swap3A_423, %swap3A_424] {strides = array<i32>} : memref<160x64xf32, #tpu.memory_space<vmem>>, vector<1x16xf32>,
      %swap3A_426 = vector.shape_cast %swap3A_425 : vector<1x16xf32> to vector<16xf32>
      %swap3A_427 = vector.shape_cast %mul3A_422 : vector<16xf32> to vector<1x16xf32>
      tpu.vector_store %arg26[%swap3A_423, %swap3A_424], %swap3A_427 {strides = array<i32>} : memref<160x64xf32, #tpu.memory_space<vmem>>, vector<1x16xf32>,
      %get3A_428 = arith.index_cast %add3A_407 : i32 to index
      %get3A_429 = arith.constant 32 : index
      %get3A_430 = tpu.vector_load %arg26[%get3A_428, %get3A_429] {strides = array<i32>} : memref<160x64xf32, #tpu.memory_space<vmem>>, vector<1x16xf32>,
      %get3A_431 = vector.shape_cast %get3A_430 : vector<1x16xf32> to vector<16xf32>
      %mul3A_432 = arith.mulf %get3A_431, %gather3A_403 : vector<16xf32>
      %swap3A_433 = arith.index_cast %add3A_407 : i32 to index
      %swap3A_434 = arith.constant 32 : index
      %swap3A_435 = tpu.vector_load %arg26[%swap3A_433, %swap3A_434] {strides = array<i32>} : memref<160x64xf32, #tpu.memory_space<vmem>>, vector<1x16xf32>,
      %swap3A_436 = vector.shape_cast %swap3A_435 : vector<1x16xf32> to vector<16xf32>
      %swap3A_437 = vector.shape_cast %mul3A_432 : vector<16xf32> to vector<1x16xf32>
      tpu.vector_store %arg26[%swap3A_433, %swap3A_434], %swap3A_437 {strides = array<i32>} : memref<160x64xf32, #tpu.memory_space<vmem>>, vector<1x16xf32>,
      %get3A_438 = arith.index_cast %add3A_407 : i32 to index
      %get3A_439 = arith.constant 48 : index
      %get3A_440 = tpu.vector_load %arg26[%get3A_438, %get3A_439] {strides = array<i32>} : memref<160x64xf32, #tpu.memory_space<vmem>>, vector<1x16xf32>,
      %get3A_441 = vector.shape_cast %get3A_440 : vector<1x16xf32> to vector<16xf32>
      %mul3A_442 = arith.mulf %get3A_441, %gather3A_403 : vector<16xf32>
      %swap3A_443 = arith.index_cast %add3A_407 : i32 to index
      %swap3A_444 = arith.constant 48 : index
      %swap3A_445 = tpu.vector_load %arg26[%swap3A_443, %swap3A_444] {strides = array<i32>} : memref<160x64xf32, #tpu.memory_space<vmem>>, vector<1x16xf32>,
      %swap3A_446 = vector.shape_cast %swap3A_445 : vector<1x16xf32> to vector<16xf32>
      %swap3A_447 = vector.shape_cast %mul3A_442 : vector<16xf32> to vector<1x16xf32>
      tpu.vector_store %arg26[%swap3A_443, %swap3A_444], %swap3A_447 {strides = array<i32>} : memref<160x64xf32, #tpu.memory_space<vmem>>, vector<1x16xf32>,
      %broadcast_in_dim3A_448 = arith.constant 5 : i32
      %broadcast_in_dim3A_449 = vector.broadcast %broadcast_in_dim3A_448 : i32 to vector<16xi32>
      %lt3A_450 = arith.constant 0 : i32
      %lt3A_451 = vector.broadcast %lt3A_450 : i32 to vector<16xi32>
      %lt3A_452 = arith.cmpi slt, %broadcast_in_dim3A_449, %lt3A_451 : vector<16xi32>
      %add3A_453 = arith.constant 16 : i32
      %add3A_454 = vector.broadcast %add3A_453 : i32 to vector<16xi32>
      %add3A_455 = arith.addi %broadcast_in_dim3A_449, %add3A_454 : vector<16xi32>
      %select_n3A_456 = arith.select %lt3A_452, %add3A_455, %broadcast_in_dim3A_449 : vector<16xi1>, vector<16xi32>
      %broadcast_in_dim3A_457 = vector.shape_cast %select_n3A_456 : vector<16xi32> to vector<16x1xi32>
      %gather3A_458 = vector.shape_cast %broadcast_in_dim3A_457 : vector<16x1xi32> to vector<16xi32>
      %gather3A_459 = tpu.dynamic_gather %mul3A_173[%gather3A_458] in [0] : vector<16xf32>, vector<16xi32> -> vector<16xf32>
      %mul3A_460 = arith.constant 16 : i32
      %mul3A_461 = arith.muli %scan3A_163, %mul3A_460 : i32
      %add3A_462 = arith.constant 5 : i32
      %add3A_463 = arith.addi %mul3A_461, %add3A_462 : i32
      %get3A_464 = arith.index_cast %add3A_463 : i32 to index
      %get3A_465 = arith.constant 0 : index
      %get3A_466 = tpu.vector_load %arg26[%get3A_464, %get3A_465] {strides = array<i32>} : memref<160x64xf32, #tpu.memory_space<vmem>>, vector<1x16xf32>,
      %get3A_467 = vector.shape_cast %get3A_466 : vector<1x16xf32> to vector<16xf32>
      %mul3A_468 = arith.mulf %get3A_467, %gather3A_459 : vector<16xf32>
      %swap3A_469 = arith.index_cast %add3A_463 : i32 to index
      %swap3A_470 = arith.constant 0 : index
      %swap3A_471 = tpu.vector_load %arg26[%swap3A_469, %swap3A_470] {strides = array<i32>} : memref<160x64xf32, #tpu.memory_space<vmem>>, vector<1x16xf32>,
      %swap3A_472 = vector.shape_cast %swap3A_471 : vector<1x16xf32> to vector<16xf32>
      %swap3A_473 = vector.shape_cast %mul3A_468 : vector<16xf32> to vector<1x16xf32>
      tpu.vector_store %arg26[%swap3A_469, %swap3A_470], %swap3A_473 {strides = array<i32>} : memref<160x64xf32, #tpu.memory_space<vmem>>, vector<1x16xf32>,
      %get3A_474 = arith.index_cast %add3A_463 : i32 to index
      %get3A_475 = arith.constant 16 : index
      %get3A_476 = tpu.vector_load %arg26[%get3A_474, %get3A_475] {strides = array<i32>} : memref<160x64xf32, #tpu.memory_space<vmem>>, vector<1x16xf32>,
      %get3A_477 = vector.shape_cast %get3A_476 : vector<1x16xf32> to vector<16xf32>
      %mul3A_478 = arith.mulf %get3A_477, %gather3A_459 : vector<16xf32>
      %swap3A_479 = arith.index_cast %add3A_463 : i32 to index
      %swap3A_480 = arith.constant 16 : index
      %swap3A_481 = tpu.vector_load %arg26[%swap3A_479, %swap3A_480] {strides = array<i32>} : memref<160x64xf32, #tpu.memory_space<vmem>>, vector<1x16xf32>,
      %swap3A_482 = vector.shape_cast %swap3A_481 : vector<1x16xf32> to vector<16xf32>
      %swap3A_483 = vector.shape_cast %mul3A_478 : vector<16xf32> to vector<1x16xf32>
      tpu.vector_store %arg26[%swap3A_479, %swap3A_480], %swap3A_483 {strides = array<i32>} : memref<160x64xf32, #tpu.memory_space<vmem>>, vector<1x16xf32>,
      %get3A_484 = arith.index_cast %add3A_463 : i32 to index
      %get3A_485 = arith.constant 32 : index
      %get3A_486 = tpu.vector_load %arg26[%get3A_484, %get3A_485] {strides = array<i32>} : memref<160x64xf32, #tpu.memory_space<vmem>>, vector<1x16xf32>,
      %get3A_487 = vector.shape_cast %get3A_486 : vector<1x16xf32> to vector<16xf32>
      %mul3A_488 = arith.mulf %get3A_487, %gather3A_459 : vector<16xf32>
      %swap3A_489 = arith.index_cast %add3A_463 : i32 to index
      %swap3A_490 = arith.constant 32 : index
      %swap3A_491 = tpu.vector_load %arg26[%swap3A_489, %swap3A_490] {strides = array<i32>} : memref<160x64xf32, #tpu.memory_space<vmem>>, vector<1x16xf32>,
      %swap3A_492 = vector.shape_cast %swap3A_491 : vector<1x16xf32> to vector<16xf32>
      %swap3A_493 = vector.shape_cast %mul3A_488 : vector<16xf32> to vector<1x16xf32>
      tpu.vector_store %arg26[%swap3A_489, %swap3A_490], %swap3A_493 {strides = array<i32>} : memref<160x64xf32, #tpu.memory_space<vmem>>, vector<1x16xf32>,
      %get3A_494 = arith.index_cast %add3A_463 : i32 to index
      %get3A_495 = arith.constant 48 : index
      %get3A_496 = tpu.vector_load %arg26[%get3A_494, %get3A_495] {strides = array<i32>} : memref<160x64xf32, #tpu.memory_space<vmem>>, vector<1x16xf32>,
      %get3A_497 = vector.shape_cast %get3A_496 : vector<1x16xf32> to vector<16xf32>
      %mul3A_498 = arith.mulf %get3A_497, %gather3A_459 : vector<16xf32>
      %swap3A_499 = arith.index_cast %add3A_463 : i32 to index
      %swap3A_500 = arith.constant 48 : index
      %swap3A_501 = tpu.vector_load %arg26[%swap3A_499, %swap3A_500] {strides = array<i32>} : memref<160x64xf32, #tpu.memory_space<vmem>>, vector<1x16xf32>,
      %swap3A_502 = vector.shape_cast %swap3A_501 : vector<1x16xf32> to vector<16xf32>
      %swap3A_503 = vector.shape_cast %mul3A_498 : vector<16xf32> to vector<1x16xf32>
      tpu.vector_store %arg26[%swap3A_499, %swap3A_500], %swap3A_503 {strides = array<i32>} : memref<160x64xf32, #tpu.memory_space<vmem>>, vector<1x16xf32>,
      %broadcast_in_dim3A_504 = arith.constant 6 : i32
      %broadcast_in_dim3A_505 = vector.broadcast %broadcast_in_dim3A_504 : i32 to vector<16xi32>
      %lt3A_506 = arith.constant 0 : i32
      %lt3A_507 = vector.broadcast %lt3A_506 : i32 to vector<16xi32>
      %lt3A_508 = arith.cmpi slt, %broadcast_in_dim3A_505, %lt3A_507 : vector<16xi32>
      %add3A_509 = arith.constant 16 : i32
      %add3A_510 = vector.broadcast %add3A_509 : i32 to vector<16xi32>
      %add3A_511 = arith.addi %broadcast_in_dim3A_505, %add3A_510 : vector<16xi32>
      %select_n3A_512 = arith.select %lt3A_508, %add3A_511, %broadcast_in_dim3A_505 : vector<16xi1>, vector<16xi32>
      %broadcast_in_dim3A_513 = vector.shape_cast %select_n3A_512 : vector<16xi32> to vector<16x1xi32>
      %gather3A_514 = vector.shape_cast %broadcast_in_dim3A_513 : vector<16x1xi32> to vector<16xi32>
      %gather3A_515 = tpu.dynamic_gather %mul3A_173[%gather3A_514] in [0] : vector<16xf32>, vector<16xi32> -> vector<16xf32>
      %mul3A_516 = arith.constant 16 : i32
      %mul3A_517 = arith.muli %scan3A_163, %mul3A_516 : i32
      %add3A_518 = arith.constant 6 : i32
      %add3A_519 = arith.addi %mul3A_517, %add3A_518 : i32
      %get3A_520 = arith.index_cast %add3A_519 : i32 to index
      %get3A_521 = arith.constant 0 : index
      %get3A_522 = tpu.vector_load %arg26[%get3A_520, %get3A_521] {strides = array<i32>} : memref<160x64xf32, #tpu.memory_space<vmem>>, vector<1x16xf32>,
      %get3A_523 = vector.shape_cast %get3A_522 : vector<1x16xf32> to vector<16xf32>
      %mul3A_524 = arith.mulf %get3A_523, %gather3A_515 : vector<16xf32>
      %swap3A_525 = arith.index_cast %add3A_519 : i32 to index
      %swap3A_526 = arith.constant 0 : index
      %swap3A_527 = tpu.vector_load %arg26[%swap3A_525, %swap3A_526] {strides = array<i32>} : memref<160x64xf32, #tpu.memory_space<vmem>>, vector<1x16xf32>,
      %swap3A_528 = vector.shape_cast %swap3A_527 : vector<1x16xf32> to vector<16xf32>
      %swap3A_529 = vector.shape_cast %mul3A_524 : vector<16xf32> to vector<1x16xf32>
      tpu.vector_store %arg26[%swap3A_525, %swap3A_526], %swap3A_529 {strides = array<i32>} : memref<160x64xf32, #tpu.memory_space<vmem>>, vector<1x16xf32>,
      %get3A_530 = arith.index_cast %add3A_519 : i32 to index
      %get3A_531 = arith.constant 16 : index
      %get3A_532 = tpu.vector_load %arg26[%get3A_530, %get3A_531] {strides = array<i32>} : memref<160x64xf32, #tpu.memory_space<vmem>>, vector<1x16xf32>,
      %get3A_533 = vector.shape_cast %get3A_532 : vector<1x16xf32> to vector<16xf32>
      %mul3A_534 = arith.mulf %get3A_533, %gather3A_515 : vector<16xf32>
      %swap3A_535 = arith.index_cast %add3A_519 : i32 to index
      %swap3A_536 = arith.constant 16 : index
      %swap3A_537 = tpu.vector_load %arg26[%swap3A_535, %swap3A_536] {strides = array<i32>} : memref<160x64xf32, #tpu.memory_space<vmem>>, vector<1x16xf32>,
      %swap3A_538 = vector.shape_cast %swap3A_537 : vector<1x16xf32> to vector<16xf32>
      %swap3A_539 = vector.shape_cast %mul3A_534 : vector<16xf32> to vector<1x16xf32>
      tpu.vector_store %arg26[%swap3A_535, %swap3A_536], %swap3A_539 {strides = array<i32>} : memref<160x64xf32, #tpu.memory_space<vmem>>, vector<1x16xf32>,
      %get3A_540 = arith.index_cast %add3A_519 : i32 to index
      %get3A_541 = arith.constant 32 : index
      %get3A_542 = tpu.vector_load %arg26[%get3A_540, %get3A_541] {strides = array<i32>} : memref<160x64xf32, #tpu.memory_space<vmem>>, vector<1x16xf32>,
      %get3A_543 = vector.shape_cast %get3A_542 : vector<1x16xf32> to vector<16xf32>
      %mul3A_544 = arith.mulf %get3A_543, %gather3A_515 : vector<16xf32>
      %swap3A_545 = arith.index_cast %add3A_519 : i32 to index
      %swap3A_546 = arith.constant 32 : index
      %swap3A_547 = tpu.vector_load %arg26[%swap3A_545, %swap3A_546] {strides = array<i32>} : memref<160x64xf32, #tpu.memory_space<vmem>>, vector<1x16xf32>,
      %swap3A_548 = vector.shape_cast %swap3A_547 : vector<1x16xf32> to vector<16xf32>
      %swap3A_549 = vector.shape_cast %mul3A_544 : vector<16xf32> to vector<1x16xf32>
      tpu.vector_store %arg26[%swap3A_545, %swap3A_546], %swap3A_549 {strides = array<i32>} : memref<160x64xf32, #tpu.memory_space<vmem>>, vector<1x16xf32>,
      %get3A_550 = arith.index_cast %add3A_519 : i32 to index
      %get3A_551 = arith.constant 48 : index
      %get3A_552 = tpu.vector_load %arg26[%get3A_550, %get3A_551] {strides = array<i32>} : memref<160x64xf32, #tpu.memory_space<vmem>>, vector<1x16xf32>,
      %get3A_553 = vector.shape_cast %get3A_552 : vector<1x16xf32> to vector<16xf32>
      %mul3A_554 = arith.mulf %get3A_553, %gather3A_515 : vector<16xf32>
      %swap3A_555 = arith.index_cast %add3A_519 : i32 to index
      %swap3A_556 = arith.constant 48 : index
      %swap3A_557 = tpu.vector_load %arg26[%swap3A_555, %swap3A_556] {strides = array<i32>} : memref<160x64xf32, #tpu.memory_space<vmem>>, vector<1x16xf32>,
      %swap3A_558 = vector.shape_cast %swap3A_557 : vector<1x16xf32> to vector<16xf32>
      %swap3A_559 = vector.shape_cast %mul3A_554 : vector<16xf32> to vector<1x16xf32>
      tpu.vector_store %arg26[%swap3A_555, %swap3A_556], %swap3A_559 {strides = array<i32>} : memref<160x64xf32, #tpu.memory_space<vmem>>, vector<1x16xf32>,
      %broadcast_in_dim3A_560 = arith.constant 7 : i32
      %broadcast_in_dim3A_561 = vector.broadcast %broadcast_in_dim3A_560 : i32 to vector<16xi32>
      %lt3A_562 = arith.constant 0 : i32
      %lt3A_563 = vector.broadcast %lt3A_562 : i32 to vector<16xi32>
      %lt3A_564 = arith.cmpi slt, %broadcast_in_dim3A_561, %lt3A_563 : vector<16xi32>
      %add3A_565 = arith.constant 16 : i32
      %add3A_566 = vector.broadcast %add3A_565 : i32 to vector<16xi32>
      %add3A_567 = arith.addi %broadcast_in_dim3A_561, %add3A_566 : vector<16xi32>
      %select_n3A_568 = arith.select %lt3A_564, %add3A_567, %broadcast_in_dim3A_561 : vector<16xi1>, vector<16xi32>
      %broadcast_in_dim3A_569 = vector.shape_cast %select_n3A_568 : vector<16xi32> to vector<16x1xi32>
      %gather3A_570 = vector.shape_cast %broadcast_in_dim3A_569 : vector<16x1xi32> to vector<16xi32>
      %gather3A_571 = tpu.dynamic_gather %mul3A_173[%gather3A_570] in [0] : vector<16xf32>, vector<16xi32> -> vector<16xf32>
      %mul3A_572 = arith.constant 16 : i32
      %mul3A_573 = arith.muli %scan3A_163, %mul3A_572 : i32
      %add3A_574 = arith.constant 7 : i32
      %add3A_575 = arith.addi %mul3A_573, %add3A_574 : i32
      %get3A_576 = arith.index_cast %add3A_575 : i32 to index
      %get3A_577 = arith.constant 0 : index
      %get3A_578 = tpu.vector_load %arg26[%get3A_576, %get3A_577] {strides = array<i32>} : memref<160x64xf32, #tpu.memory_space<vmem>>, vector<1x16xf32>,
      %get3A_579 = vector.shape_cast %get3A_578 : vector<1x16xf32> to vector<16xf32>
      %mul3A_580 = arith.mulf %get3A_579, %gather3A_571 : vector<16xf32>
      %swap3A_581 = arith.index_cast %add3A_575 : i32 to index
      %swap3A_582 = arith.constant 0 : index
      %swap3A_583 = tpu.vector_load %arg26[%swap3A_581, %swap3A_582] {strides = array<i32>} : memref<160x64xf32, #tpu.memory_space<vmem>>, vector<1x16xf32>,
      %swap3A_584 = vector.shape_cast %swap3A_583 : vector<1x16xf32> to vector<16xf32>
      %swap3A_585 = vector.shape_cast %mul3A_580 : vector<16xf32> to vector<1x16xf32>
      tpu.vector_store %arg26[%swap3A_581, %swap3A_582], %swap3A_585 {strides = array<i32>} : memref<160x64xf32, #tpu.memory_space<vmem>>, vector<1x16xf32>,
      %get3A_586 = arith.index_cast %add3A_575 : i32 to index
      %get3A_587 = arith.constant 16 : index
      %get3A_588 = tpu.vector_load %arg26[%get3A_586, %get3A_587] {strides = array<i32>} : memref<160x64xf32, #tpu.memory_space<vmem>>, vector<1x16xf32>,
      %get3A_589 = vector.shape_cast %get3A_588 : vector<1x16xf32> to vector<16xf32>
      %mul3A_590 = arith.mulf %get3A_589, %gather3A_571 : vector<16xf32>
      %swap3A_591 = arith.index_cast %add3A_575 : i32 to index
      %swap3A_592 = arith.constant 16 : index
      %swap3A_593 = tpu.vector_load %arg26[%swap3A_591, %swap3A_592] {strides = array<i32>} : memref<160x64xf32, #tpu.memory_space<vmem>>, vector<1x16xf32>,
      %swap3A_594 = vector.shape_cast %swap3A_593 : vector<1x16xf32> to vector<16xf32>
      %swap3A_595 = vector.shape_cast %mul3A_590 : vector<16xf32> to vector<1x16xf32>
      tpu.vector_store %arg26[%swap3A_591, %swap3A_592], %swap3A_595 {strides = array<i32>} : memref<160x64xf32, #tpu.memory_space<vmem>>, vector<1x16xf32>,
      %get3A_596 = arith.index_cast %add3A_575 : i32 to index
      %get3A_597 = arith.constant 32 : index
      %get3A_598 = tpu.vector_load %arg26[%get3A_596, %get3A_597] {strides = array<i32>} : memref<160x64xf32, #tpu.memory_space<vmem>>, vector<1x16xf32>,
      %get3A_599 = vector.shape_cast %get3A_598 : vector<1x16xf32> to vector<16xf32>
      %mul3A_600 = arith.mulf %get3A_599, %gather3A_571 : vector<16xf32>
      %swap3A_601 = arith.index_cast %add3A_575 : i32 to index
      %swap3A_602 = arith.constant 32 : index
      %swap3A_603 = tpu.vector_load %arg26[%swap3A_601, %swap3A_602] {strides = array<i32>} : memref<160x64xf32, #tpu.memory_space<vmem>>, vector<1x16xf32>,
      %swap3A_604 = vector.shape_cast %swap3A_603 : vector<1x16xf32> to vector<16xf32>
      %swap3A_605 = vector.shape_cast %mul3A_600 : vector<16xf32> to vector<1x16xf32>
      tpu.vector_store %arg26[%swap3A_601, %swap3A_602], %swap3A_605 {strides = array<i32>} : memref<160x64xf32, #tpu.memory_space<vmem>>, vector<1x16xf32>,
      %get3A_606 = arith.index_cast %add3A_575 : i32 to index
      %get3A_607 = arith.constant 48 : index
      %get3A_608 = tpu.vector_load %arg26[%get3A_606, %get3A_607] {strides = array<i32>} : memref<160x64xf32, #tpu.memory_space<vmem>>, vector<1x16xf32>,
      %get3A_609 = vector.shape_cast %get3A_608 : vector<1x16xf32> to vector<16xf32>
      %mul3A_610 = arith.mulf %get3A_609, %gather3A_571 : vector<16xf32>
      %swap3A_611 = arith.index_cast %add3A_575 : i32 to index
      %swap3A_612 = arith.constant 48 : index
      %swap3A_613 = tpu.vector_load %arg26[%swap3A_611, %swap3A_612] {strides = array<i32>} : memref<160x64xf32, #tpu.memory_space<vmem>>, vector<1x16xf32>,
      %swap3A_614 = vector.shape_cast %swap3A_613 : vector<1x16xf32> to vector<16xf32>
      %swap3A_615 = vector.shape_cast %mul3A_610 : vector<16xf32> to vector<1x16xf32>
      tpu.vector_store %arg26[%swap3A_611, %swap3A_612], %swap3A_615 {strides = array<i32>} : memref<160x64xf32, #tpu.memory_space<vmem>>, vector<1x16xf32>,
      %broadcast_in_dim3A_616 = arith.constant 8 : i32
      %broadcast_in_dim3A_617 = vector.broadcast %broadcast_in_dim3A_616 : i32 to vector<16xi32>
      %lt3A_618 = arith.constant 0 : i32
      %lt3A_619 = vector.broadcast %lt3A_618 : i32 to vector<16xi32>
      %lt3A_620 = arith.cmpi slt, %broadcast_in_dim3A_617, %lt3A_619 : vector<16xi32>
      %add3A_621 = arith.constant 16 : i32
      %add3A_622 = vector.broadcast %add3A_621 : i32 to vector<16xi32>
      %add3A_623 = arith.addi %broadcast_in_dim3A_617, %add3A_622 : vector<16xi32>
      %select_n3A_624 = arith.select %lt3A_620, %add3A_623, %broadcast_in_dim3A_617 : vector<16xi1>, vector<16xi32>
      %broadcast_in_dim3A_625 = vector.shape_cast %select_n3A_624 : vector<16xi32> to vector<16x1xi32>
      %gather3A_626 = vector.shape_cast %broadcast_in_dim3A_625 : vector<16x1xi32> to vector<16xi32>
      %gather3A_627 = tpu.dynamic_gather %mul3A_173[%gather3A_626] in [0] : vector<16xf32>, vector<16xi32> -> vector<16xf32>
      %mul3A_628 = arith.constant 16 : i32
      %mul3A_629 = arith.muli %scan3A_163, %mul3A_628 : i32
      %add3A_630 = arith.constant 8 : i32
      %add3A_631 = arith.addi %mul3A_629, %add3A_630 : i32
      %get3A_632 = arith.index_cast %add3A_631 : i32 to index
      %get3A_633 = arith.constant 0 : index
      %get3A_634 = tpu.vector_load %arg26[%get3A_632, %get3A_633] {strides = array<i32>} : memref<160x64xf32, #tpu.memory_space<vmem>>, vector<1x16xf32>,
      %get3A_635 = vector.shape_cast %get3A_634 : vector<1x16xf32> to vector<16xf32>
      %mul3A_636 = arith.mulf %get3A_635, %gather3A_627 : vector<16xf32>
      %swap3A_637 = arith.index_cast %add3A_631 : i32 to index
      %swap3A_638 = arith.constant 0 : index
      %swap3A_639 = tpu.vector_load %arg26[%swap3A_637, %swap3A_638] {strides = array<i32>} : memref<160x64xf32, #tpu.memory_space<vmem>>, vector<1x16xf32>,
      %swap3A_640 = vector.shape_cast %swap3A_639 : vector<1x16xf32> to vector<16xf32>
      %swap3A_641 = vector.shape_cast %mul3A_636 : vector<16xf32> to vector<1x16xf32>
      tpu.vector_store %arg26[%swap3A_637, %swap3A_638], %swap3A_641 {strides = array<i32>} : memref<160x64xf32, #tpu.memory_space<vmem>>, vector<1x16xf32>,
      %get3A_642 = arith.index_cast %add3A_631 : i32 to index
      %get3A_643 = arith.constant 16 : index
      %get3A_644 = tpu.vector_load %arg26[%get3A_642, %get3A_643] {strides = array<i32>} : memref<160x64xf32, #tpu.memory_space<vmem>>, vector<1x16xf32>,
      %get3A_645 = vector.shape_cast %get3A_644 : vector<1x16xf32> to vector<16xf32>
      %mul3A_646 = arith.mulf %get3A_645, %gather3A_627 : vector<16xf32>
      %swap3A_647 = arith.index_cast %add3A_631 : i32 to index
      %swap3A_648 = arith.constant 16 : index
      %swap3A_649 = tpu.vector_load %arg26[%swap3A_647, %swap3A_648] {strides = array<i32>} : memref<160x64xf32, #tpu.memory_space<vmem>>, vector<1x16xf32>,
      %swap3A_650 = vector.shape_cast %swap3A_649 : vector<1x16xf32> to vector<16xf32>
      %swap3A_651 = vector.shape_cast %mul3A_646 : vector<16xf32> to vector<1x16xf32>
      tpu.vector_store %arg26[%swap3A_647, %swap3A_648], %swap3A_651 {strides = array<i32>} : memref<160x64xf32, #tpu.memory_space<vmem>>, vector<1x16xf32>,
      %get3A_652 = arith.index_cast %add3A_631 : i32 to index
      %get3A_653 = arith.constant 32 : index
      %get3A_654 = tpu.vector_load %arg26[%get3A_652, %get3A_653] {strides = array<i32>} : memref<160x64xf32, #tpu.memory_space<vmem>>, vector<1x16xf32>,
      %get3A_655 = vector.shape_cast %get3A_654 : vector<1x16xf32> to vector<16xf32>
      %mul3A_656 = arith.mulf %get3A_655, %gather3A_627 : vector<16xf32>
      %swap3A_657 = arith.index_cast %add3A_631 : i32 to index
      %swap3A_658 = arith.constant 32 : index
      %swap3A_659 = tpu.vector_load %arg26[%swap3A_657, %swap3A_658] {strides = array<i32>} : memref<160x64xf32, #tpu.memory_space<vmem>>, vector<1x16xf32>,
      %swap3A_660 = vector.shape_cast %swap3A_659 : vector<1x16xf32> to vector<16xf32>
      %swap3A_661 = vector.shape_cast %mul3A_656 : vector<16xf32> to vector<1x16xf32>
      tpu.vector_store %arg26[%swap3A_657, %swap3A_658], %swap3A_661 {strides = array<i32>} : memref<160x64xf32, #tpu.memory_space<vmem>>, vector<1x16xf32>,
      %get3A_662 = arith.index_cast %add3A_631 : i32 to index
      %get3A_663 = arith.constant 48 : index
      %get3A_664 = tpu.vector_load %arg26[%get3A_662, %get3A_663] {strides = array<i32>} : memref<160x64xf32, #tpu.memory_space<vmem>>, vector<1x16xf32>,
      %get3A_665 = vector.shape_cast %get3A_664 : vector<1x16xf32> to vector<16xf32>
      %mul3A_666 = arith.mulf %get3A_665, %gather3A_627 : vector<16xf32>
      %swap3A_667 = arith.index_cast %add3A_631 : i32 to index
      %swap3A_668 = arith.constant 48 : index
      %swap3A_669 = tpu.vector_load %arg26[%swap3A_667, %swap3A_668] {strides = array<i32>} : memref<160x64xf32, #tpu.memory_space<vmem>>, vector<1x16xf32>,
      %swap3A_670 = vector.shape_cast %swap3A_669 : vector<1x16xf32> to vector<16xf32>
      %swap3A_671 = vector.shape_cast %mul3A_666 : vector<16xf32> to vector<1x16xf32>
      tpu.vector_store %arg26[%swap3A_667, %swap3A_668], %swap3A_671 {strides = array<i32>} : memref<160x64xf32, #tpu.memory_space<vmem>>, vector<1x16xf32>,
      %broadcast_in_dim3A_672 = arith.constant 9 : i32
      %broadcast_in_dim3A_673 = vector.broadcast %broadcast_in_dim3A_672 : i32 to vector<16xi32>
      %lt3A_674 = arith.constant 0 : i32
      %lt3A_675 = vector.broadcast %lt3A_674 : i32 to vector<16xi32>
      %lt3A_676 = arith.cmpi slt, %broadcast_in_dim3A_673, %lt3A_675 : vector<16xi32>
      %add3A_677 = arith.constant 16 : i32
      %add3A_678 = vector.broadcast %add3A_677 : i32 to vector<16xi32>
      %add3A_679 = arith.addi %broadcast_in_dim3A_673, %add3A_678 : vector<16xi32>
      %select_n3A_680 = arith.select %lt3A_676, %add3A_679, %broadcast_in_dim3A_673 : vector<16xi1>, vector<16xi32>
      %broadcast_in_dim3A_681 = vector.shape_cast %select_n3A_680 : vector<16xi32> to vector<16x1xi32>
      %gather3A_682 = vector.shape_cast %broadcast_in_dim3A_681 : vector<16x1xi32> to vector<16xi32>
      %gather3A_683 = tpu.dynamic_gather %mul3A_173[%gather3A_682] in [0] : vector<16xf32>, vector<16xi32> -> vector<16xf32>
      %mul3A_684 = arith.constant 16 : i32
      %mul3A_685 = arith.muli %scan3A_163, %mul3A_684 : i32
      %add3A_686 = arith.constant 9 : i32
      %add3A_687 = arith.addi %mul3A_685, %add3A_686 : i32
      %get3A_688 = arith.index_cast %add3A_687 : i32 to index
      %get3A_689 = arith.constant 0 : index
      %get3A_690 = tpu.vector_load %arg26[%get3A_688, %get3A_689] {strides = array<i32>} : memref<160x64xf32, #tpu.memory_space<vmem>>, vector<1x16xf32>,
      %get3A_691 = vector.shape_cast %get3A_690 : vector<1x16xf32> to vector<16xf32>
      %mul3A_692 = arith.mulf %get3A_691, %gather3A_683 : vector<16xf32>
      %swap3A_693 = arith.index_cast %add3A_687 : i32 to index
      %swap3A_694 = arith.constant 0 : index
      %swap3A_695 = tpu.vector_load %arg26[%swap3A_693, %swap3A_694] {strides = array<i32>} : memref<160x64xf32, #tpu.memory_space<vmem>>, vector<1x16xf32>,
      %swap3A_696 = vector.shape_cast %swap3A_695 : vector<1x16xf32> to vector<16xf32>
      %swap3A_697 = vector.shape_cast %mul3A_692 : vector<16xf32> to vector<1x16xf32>
      tpu.vector_store %arg26[%swap3A_693, %swap3A_694], %swap3A_697 {strides = array<i32>} : memref<160x64xf32, #tpu.memory_space<vmem>>, vector<1x16xf32>,
      %get3A_698 = arith.index_cast %add3A_687 : i32 to index
      %get3A_699 = arith.constant 16 : index
      %get3A_700 = tpu.vector_load %arg26[%get3A_698, %get3A_699] {strides = array<i32>} : memref<160x64xf32, #tpu.memory_space<vmem>>, vector<1x16xf32>,
      %get3A_701 = vector.shape_cast %get3A_700 : vector<1x16xf32> to vector<16xf32>
      %mul3A_702 = arith.mulf %get3A_701, %gather3A_683 : vector<16xf32>
      %swap3A_703 = arith.index_cast %add3A_687 : i32 to index
      %swap3A_704 = arith.constant 16 : index
      %swap3A_705 = tpu.vector_load %arg26[%swap3A_703, %swap3A_704] {strides = array<i32>} : memref<160x64xf32, #tpu.memory_space<vmem>>, vector<1x16xf32>,
      %swap3A_706 = vector.shape_cast %swap3A_705 : vector<1x16xf32> to vector<16xf32>
      %swap3A_707 = vector.shape_cast %mul3A_702 : vector<16xf32> to vector<1x16xf32>
      tpu.vector_store %arg26[%swap3A_703, %swap3A_704], %swap3A_707 {strides = array<i32>} : memref<160x64xf32, #tpu.memory_space<vmem>>, vector<1x16xf32>,
      %get3A_708 = arith.index_cast %add3A_687 : i32 to index
      %get3A_709 = arith.constant 32 : index
      %get3A_710 = tpu.vector_load %arg26[%get3A_708, %get3A_709] {strides = array<i32>} : memref<160x64xf32, #tpu.memory_space<vmem>>, vector<1x16xf32>,
      %get3A_711 = vector.shape_cast %get3A_710 : vector<1x16xf32> to vector<16xf32>
      %mul3A_712 = arith.mulf %get3A_711, %gather3A_683 : vector<16xf32>
      %swap3A_713 = arith.index_cast %add3A_687 : i32 to index
      %swap3A_714 = arith.constant 32 : index
      %swap3A_715 = tpu.vector_load %arg26[%swap3A_713, %swap3A_714] {strides = array<i32>} : memref<160x64xf32, #tpu.memory_space<vmem>>, vector<1x16xf32>,
      %swap3A_716 = vector.shape_cast %swap3A_715 : vector<1x16xf32> to vector<16xf32>
      %swap3A_717 = vector.shape_cast %mul3A_712 : vector<16xf32> to vector<1x16xf32>
      tpu.vector_store %arg26[%swap3A_713, %swap3A_714], %swap3A_717 {strides = array<i32>} : memref<160x64xf32, #tpu.memory_space<vmem>>, vector<1x16xf32>,
      %get3A_718 = arith.index_cast %add3A_687 : i32 to index
      %get3A_719 = arith.constant 48 : index
      %get3A_720 = tpu.vector_load %arg26[%get3A_718, %get3A_719] {strides = array<i32>} : memref<160x64xf32, #tpu.memory_space<vmem>>, vector<1x16xf32>,
      %get3A_721 = vector.shape_cast %get3A_720 : vector<1x16xf32> to vector<16xf32>
      %mul3A_722 = arith.mulf %get3A_721, %gather3A_683 : vector<16xf32>
      %swap3A_723 = arith.index_cast %add3A_687 : i32 to index
      %swap3A_724 = arith.constant 48 : index
      %swap3A_725 = tpu.vector_load %arg26[%swap3A_723, %swap3A_724] {strides = array<i32>} : memref<160x64xf32, #tpu.memory_space<vmem>>, vector<1x16xf32>,
      %swap3A_726 = vector.shape_cast %swap3A_725 : vector<1x16xf32> to vector<16xf32>
      %swap3A_727 = vector.shape_cast %mul3A_722 : vector<16xf32> to vector<1x16xf32>
      tpu.vector_store %arg26[%swap3A_723, %swap3A_724], %swap3A_727 {strides = array<i32>} : memref<160x64xf32, #tpu.memory_space<vmem>>, vector<1x16xf32>,
      %broadcast_in_dim3A_728 = arith.constant 10 : i32
      %broadcast_in_dim3A_729 = vector.broadcast %broadcast_in_dim3A_728 : i32 to vector<16xi32>
      %lt3A_730 = arith.constant 0 : i32
      %lt3A_731 = vector.broadcast %lt3A_730 : i32 to vector<16xi32>
      %lt3A_732 = arith.cmpi slt, %broadcast_in_dim3A_729, %lt3A_731 : vector<16xi32>
      %add3A_733 = arith.constant 16 : i32
      %add3A_734 = vector.broadcast %add3A_733 : i32 to vector<16xi32>
      %add3A_735 = arith.addi %broadcast_in_dim3A_729, %add3A_734 : vector<16xi32>
      %select_n3A_736 = arith.select %lt3A_732, %add3A_735, %broadcast_in_dim3A_729 : vector<16xi1>, vector<16xi32>
      %broadcast_in_dim3A_737 = vector.shape_cast %select_n3A_736 : vector<16xi32> to vector<16x1xi32>
      %gather3A_738 = vector.shape_cast %broadcast_in_dim3A_737 : vector<16x1xi32> to vector<16xi32>
      %gather3A_739 = tpu.dynamic_gather %mul3A_173[%gather3A_738] in [0] : vector<16xf32>, vector<16xi32> -> vector<16xf32>
      %mul3A_740 = arith.constant 16 : i32
      %mul3A_741 = arith.muli %scan3A_163, %mul3A_740 : i32
      %add3A_742 = arith.constant 10 : i32
      %add3A_743 = arith.addi %mul3A_741, %add3A_742 : i32
      %get3A_744 = arith.index_cast %add3A_743 : i32 to index
      %get3A_745 = arith.constant 0 : index
      %get3A_746 = tpu.vector_load %arg26[%get3A_744, %get3A_745] {strides = array<i32>} : memref<160x64xf32, #tpu.memory_space<vmem>>, vector<1x16xf32>,
      %get3A_747 = vector.shape_cast %get3A_746 : vector<1x16xf32> to vector<16xf32>
      %mul3A_748 = arith.mulf %get3A_747, %gather3A_739 : vector<16xf32>
      %swap3A_749 = arith.index_cast %add3A_743 : i32 to index
      %swap3A_750 = arith.constant 0 : index
      %swap3A_751 = tpu.vector_load %arg26[%swap3A_749, %swap3A_750] {strides = array<i32>} : memref<160x64xf32, #tpu.memory_space<vmem>>, vector<1x16xf32>,
      %swap3A_752 = vector.shape_cast %swap3A_751 : vector<1x16xf32> to vector<16xf32>
      %swap3A_753 = vector.shape_cast %mul3A_748 : vector<16xf32> to vector<1x16xf32>
      tpu.vector_store %arg26[%swap3A_749, %swap3A_750], %swap3A_753 {strides = array<i32>} : memref<160x64xf32, #tpu.memory_space<vmem>>, vector<1x16xf32>,
      %get3A_754 = arith.index_cast %add3A_743 : i32 to index
      %get3A_755 = arith.constant 16 : index
      %get3A_756 = tpu.vector_load %arg26[%get3A_754, %get3A_755] {strides = array<i32>} : memref<160x64xf32, #tpu.memory_space<vmem>>, vector<1x16xf32>,
      %get3A_757 = vector.shape_cast %get3A_756 : vector<1x16xf32> to vector<16xf32>
      %mul3A_758 = arith.mulf %get3A_757, %gather3A_739 : vector<16xf32>
      %swap3A_759 = arith.index_cast %add3A_743 : i32 to index
      %swap3A_760 = arith.constant 16 : index
      %swap3A_761 = tpu.vector_load %arg26[%swap3A_759, %swap3A_760] {strides = array<i32>} : memref<160x64xf32, #tpu.memory_space<vmem>>, vector<1x16xf32>,
      %swap3A_762 = vector.shape_cast %swap3A_761 : vector<1x16xf32> to vector<16xf32>
      %swap3A_763 = vector.shape_cast %mul3A_758 : vector<16xf32> to vector<1x16xf32>
      tpu.vector_store %arg26[%swap3A_759, %swap3A_760], %swap3A_763 {strides = array<i32>} : memref<160x64xf32, #tpu.memory_space<vmem>>, vector<1x16xf32>,
      %get3A_764 = arith.index_cast %add3A_743 : i32 to index
      %get3A_765 = arith.constant 32 : index
      %get3A_766 = tpu.vector_load %arg26[%get3A_764, %get3A_765] {strides = array<i32>} : memref<160x64xf32, #tpu.memory_space<vmem>>, vector<1x16xf32>,
      %get3A_767 = vector.shape_cast %get3A_766 : vector<1x16xf32> to vector<16xf32>
      %mul3A_768 = arith.mulf %get3A_767, %gather3A_739 : vector<16xf32>
      %swap3A_769 = arith.index_cast %add3A_743 : i32 to index
      %swap3A_770 = arith.constant 32 : index
      %swap3A_771 = tpu.vector_load %arg26[%swap3A_769, %swap3A_770] {strides = array<i32>} : memref<160x64xf32, #tpu.memory_space<vmem>>, vector<1x16xf32>,
      %swap3A_772 = vector.shape_cast %swap3A_771 : vector<1x16xf32> to vector<16xf32>
      %swap3A_773 = vector.shape_cast %mul3A_768 : vector<16xf32> to vector<1x16xf32>
      tpu.vector_store %arg26[%swap3A_769, %swap3A_770], %swap3A_773 {strides = array<i32>} : memref<160x64xf32, #tpu.memory_space<vmem>>, vector<1x16xf32>,
      %get3A_774 = arith.index_cast %add3A_743 : i32 to index
      %get3A_775 = arith.constant 48 : index
      %get3A_776 = tpu.vector_load %arg26[%get3A_774, %get3A_775] {strides = array<i32>} : memref<160x64xf32, #tpu.memory_space<vmem>>, vector<1x16xf32>,
      %get3A_777 = vector.shape_cast %get3A_776 : vector<1x16xf32> to vector<16xf32>
      %mul3A_778 = arith.mulf %get3A_777, %gather3A_739 : vector<16xf32>
      %swap3A_779 = arith.index_cast %add3A_743 : i32 to index
      %swap3A_780 = arith.constant 48 : index
      %swap3A_781 = tpu.vector_load %arg26[%swap3A_779, %swap3A_780] {strides = array<i32>} : memref<160x64xf32, #tpu.memory_space<vmem>>, vector<1x16xf32>,
      %swap3A_782 = vector.shape_cast %swap3A_781 : vector<1x16xf32> to vector<16xf32>
      %swap3A_783 = vector.shape_cast %mul3A_778 : vector<16xf32> to vector<1x16xf32>
      tpu.vector_store %arg26[%swap3A_779, %swap3A_780], %swap3A_783 {strides = array<i32>} : memref<160x64xf32, #tpu.memory_space<vmem>>, vector<1x16xf32>,
      %broadcast_in_dim3A_784 = arith.constant 11 : i32
      %broadcast_in_dim3A_785 = vector.broadcast %broadcast_in_dim3A_784 : i32 to vector<16xi32>
      %lt3A_786 = arith.constant 0 : i32
      %lt3A_787 = vector.broadcast %lt3A_786 : i32 to vector<16xi32>
      %lt3A_788 = arith.cmpi slt, %broadcast_in_dim3A_785, %lt3A_787 : vector<16xi32>
      %add3A_789 = arith.constant 16 : i32
      %add3A_790 = vector.broadcast %add3A_789 : i32 to vector<16xi32>
      %add3A_791 = arith.addi %broadcast_in_dim3A_785, %add3A_790 : vector<16xi32>
      %select_n3A_792 = arith.select %lt3A_788, %add3A_791, %broadcast_in_dim3A_785 : vector<16xi1>, vector<16xi32>
      %broadcast_in_dim3A_793 = vector.shape_cast %select_n3A_792 : vector<16xi32> to vector<16x1xi32>
      %gather3A_794 = vector.shape_cast %broadcast_in_dim3A_793 : vector<16x1xi32> to vector<16xi32>
      %gather3A_795 = tpu.dynamic_gather %mul3A_173[%gather3A_794] in [0] : vector<16xf32>, vector<16xi32> -> vector<16xf32>
      %mul3A_796 = arith.constant 16 : i32
      %mul3A_797 = arith.muli %scan3A_163, %mul3A_796 : i32
      %add3A_798 = arith.constant 11 : i32
      %add3A_799 = arith.addi %mul3A_797, %add3A_798 : i32
      %get3A_800 = arith.index_cast %add3A_799 : i32 to index
      %get3A_801 = arith.constant 0 : index
      %get3A_802 = tpu.vector_load %arg26[%get3A_800, %get3A_801] {strides = array<i32>} : memref<160x64xf32, #tpu.memory_space<vmem>>, vector<1x16xf32>,
      %get3A_803 = vector.shape_cast %get3A_802 : vector<1x16xf32> to vector<16xf32>
      %mul3A_804 = arith.mulf %get3A_803, %gather3A_795 : vector<16xf32>
      %swap3A_805 = arith.index_cast %add3A_799 : i32 to index
      %swap3A_806 = arith.constant 0 : index
      %swap3A_807 = tpu.vector_load %arg26[%swap3A_805, %swap3A_806] {strides = array<i32>} : memref<160x64xf32, #tpu.memory_space<vmem>>, vector<1x16xf32>,
      %swap3A_808 = vector.shape_cast %swap3A_807 : vector<1x16xf32> to vector<16xf32>
      %swap3A_809 = vector.shape_cast %mul3A_804 : vector<16xf32> to vector<1x16xf32>
      tpu.vector_store %arg26[%swap3A_805, %swap3A_806], %swap3A_809 {strides = array<i32>} : memref<160x64xf32, #tpu.memory_space<vmem>>, vector<1x16xf32>,
      %get3A_810 = arith.index_cast %add3A_799 : i32 to index
      %get3A_811 = arith.constant 16 : index
      %get3A_812 = tpu.vector_load %arg26[%get3A_810, %get3A_811] {strides = array<i32>} : memref<160x64xf32, #tpu.memory_space<vmem>>, vector<1x16xf32>,
      %get3A_813 = vector.shape_cast %get3A_812 : vector<1x16xf32> to vector<16xf32>
      %mul3A_814 = arith.mulf %get3A_813, %gather3A_795 : vector<16xf32>
      %swap3A_815 = arith.index_cast %add3A_799 : i32 to index
      %swap3A_816 = arith.constant 16 : index
      %swap3A_817 = tpu.vector_load %arg26[%swap3A_815, %swap3A_816] {strides = array<i32>} : memref<160x64xf32, #tpu.memory_space<vmem>>, vector<1x16xf32>,
      %swap3A_818 = vector.shape_cast %swap3A_817 : vector<1x16xf32> to vector<16xf32>
      %swap3A_819 = vector.shape_cast %mul3A_814 : vector<16xf32> to vector<1x16xf32>
      tpu.vector_store %arg26[%swap3A_815, %swap3A_816], %swap3A_819 {strides = array<i32>} : memref<160x64xf32, #tpu.memory_space<vmem>>, vector<1x16xf32>,
      %get3A_820 = arith.index_cast %add3A_799 : i32 to index
      %get3A_821 = arith.constant 32 : index
      %get3A_822 = tpu.vector_load %arg26[%get3A_820, %get3A_821] {strides = array<i32>} : memref<160x64xf32, #tpu.memory_space<vmem>>, vector<1x16xf32>,
      %get3A_823 = vector.shape_cast %get3A_822 : vector<1x16xf32> to vector<16xf32>
      %mul3A_824 = arith.mulf %get3A_823, %gather3A_795 : vector<16xf32>
      %swap3A_825 = arith.index_cast %add3A_799 : i32 to index
      %swap3A_826 = arith.constant 32 : index
      %swap3A_827 = tpu.vector_load %arg26[%swap3A_825, %swap3A_826] {strides = array<i32>} : memref<160x64xf32, #tpu.memory_space<vmem>>, vector<1x16xf32>,
      %swap3A_828 = vector.shape_cast %swap3A_827 : vector<1x16xf32> to vector<16xf32>
      %swap3A_829 = vector.shape_cast %mul3A_824 : vector<16xf32> to vector<1x16xf32>
      tpu.vector_store %arg26[%swap3A_825, %swap3A_826], %swap3A_829 {strides = array<i32>} : memref<160x64xf32, #tpu.memory_space<vmem>>, vector<1x16xf32>,
      %get3A_830 = arith.index_cast %add3A_799 : i32 to index
      %get3A_831 = arith.constant 48 : index
      %get3A_832 = tpu.vector_load %arg26[%get3A_830, %get3A_831] {strides = array<i32>} : memref<160x64xf32, #tpu.memory_space<vmem>>, vector<1x16xf32>,
      %get3A_833 = vector.shape_cast %get3A_832 : vector<1x16xf32> to vector<16xf32>
      %mul3A_834 = arith.mulf %get3A_833, %gather3A_795 : vector<16xf32>
      %swap3A_835 = arith.index_cast %add3A_799 : i32 to index
      %swap3A_836 = arith.constant 48 : index
      %swap3A_837 = tpu.vector_load %arg26[%swap3A_835, %swap3A_836] {strides = array<i32>} : memref<160x64xf32, #tpu.memory_space<vmem>>, vector<1x16xf32>,
      %swap3A_838 = vector.shape_cast %swap3A_837 : vector<1x16xf32> to vector<16xf32>
      %swap3A_839 = vector.shape_cast %mul3A_834 : vector<16xf32> to vector<1x16xf32>
      tpu.vector_store %arg26[%swap3A_835, %swap3A_836], %swap3A_839 {strides = array<i32>} : memref<160x64xf32, #tpu.memory_space<vmem>>, vector<1x16xf32>,
      %broadcast_in_dim3A_840 = arith.constant 12 : i32
      %broadcast_in_dim3A_841 = vector.broadcast %broadcast_in_dim3A_840 : i32 to vector<16xi32>
      %lt3A_842 = arith.constant 0 : i32
      %lt3A_843 = vector.broadcast %lt3A_842 : i32 to vector<16xi32>
      %lt3A_844 = arith.cmpi slt, %broadcast_in_dim3A_841, %lt3A_843 : vector<16xi32>
      %add3A_845 = arith.constant 16 : i32
      %add3A_846 = vector.broadcast %add3A_845 : i32 to vector<16xi32>
      %add3A_847 = arith.addi %broadcast_in_dim3A_841, %add3A_846 : vector<16xi32>
      %select_n3A_848 = arith.select %lt3A_844, %add3A_847, %broadcast_in_dim3A_841 : vector<16xi1>, vector<16xi32>
      %broadcast_in_dim3A_849 = vector.shape_cast %select_n3A_848 : vector<16xi32> to vector<16x1xi32>
      %gather3A_850 = vector.shape_cast %broadcast_in_dim3A_849 : vector<16x1xi32> to vector<16xi32>
      %gather3A_851 = tpu.dynamic_gather %mul3A_173[%gather3A_850] in [0] : vector<16xf32>, vector<16xi32> -> vector<16xf32>
      %mul3A_852 = arith.constant 16 : i32
      %mul3A_853 = arith.muli %scan3A_163, %mul3A_852 : i32
      %add3A_854 = arith.constant 12 : i32
      %add3A_855 = arith.addi %mul3A_853, %add3A_854 : i32
      %get3A_856 = arith.index_cast %add3A_855 : i32 to index
      %get3A_857 = arith.constant 0 : index
      %get3A_858 = tpu.vector_load %arg26[%get3A_856, %get3A_857] {strides = array<i32>} : memref<160x64xf32, #tpu.memory_space<vmem>>, vector<1x16xf32>,
      %get3A_859 = vector.shape_cast %get3A_858 : vector<1x16xf32> to vector<16xf32>
      %mul3A_860 = arith.mulf %get3A_859, %gather3A_851 : vector<16xf32>
      %swap3A_861 = arith.index_cast %add3A_855 : i32 to index
      %swap3A_862 = arith.constant 0 : index
      %swap3A_863 = tpu.vector_load %arg26[%swap3A_861, %swap3A_862] {strides = array<i32>} : memref<160x64xf32, #tpu.memory_space<vmem>>, vector<1x16xf32>,
      %swap3A_864 = vector.shape_cast %swap3A_863 : vector<1x16xf32> to vector<16xf32>
      %swap3A_865 = vector.shape_cast %mul3A_860 : vector<16xf32> to vector<1x16xf32>
      tpu.vector_store %arg26[%swap3A_861, %swap3A_862], %swap3A_865 {strides = array<i32>} : memref<160x64xf32, #tpu.memory_space<vmem>>, vector<1x16xf32>,
      %get3A_866 = arith.index_cast %add3A_855 : i32 to index
      %get3A_867 = arith.constant 16 : index
      %get3A_868 = tpu.vector_load %arg26[%get3A_866, %get3A_867] {strides = array<i32>} : memref<160x64xf32, #tpu.memory_space<vmem>>, vector<1x16xf32>,
      %get3A_869 = vector.shape_cast %get3A_868 : vector<1x16xf32> to vector<16xf32>
      %mul3A_870 = arith.mulf %get3A_869, %gather3A_851 : vector<16xf32>
      %swap3A_871 = arith.index_cast %add3A_855 : i32 to index
      %swap3A_872 = arith.constant 16 : index
      %swap3A_873 = tpu.vector_load %arg26[%swap3A_871, %swap3A_872] {strides = array<i32>} : memref<160x64xf32, #tpu.memory_space<vmem>>, vector<1x16xf32>,
      %swap3A_874 = vector.shape_cast %swap3A_873 : vector<1x16xf32> to vector<16xf32>
      %swap3A_875 = vector.shape_cast %mul3A_870 : vector<16xf32> to vector<1x16xf32>
      tpu.vector_store %arg26[%swap3A_871, %swap3A_872], %swap3A_875 {strides = array<i32>} : memref<160x64xf32, #tpu.memory_space<vmem>>, vector<1x16xf32>,
      %get3A_876 = arith.index_cast %add3A_855 : i32 to index
      %get3A_877 = arith.constant 32 : index
      %get3A_878 = tpu.vector_load %arg26[%get3A_876, %get3A_877] {strides = array<i32>} : memref<160x64xf32, #tpu.memory_space<vmem>>, vector<1x16xf32>,
      %get3A_879 = vector.shape_cast %get3A_878 : vector<1x16xf32> to vector<16xf32>
      %mul3A_880 = arith.mulf %get3A_879, %gather3A_851 : vector<16xf32>
      %swap3A_881 = arith.index_cast %add3A_855 : i32 to index
      %swap3A_882 = arith.constant 32 : index
      %swap3A_883 = tpu.vector_load %arg26[%swap3A_881, %swap3A_882] {strides = array<i32>} : memref<160x64xf32, #tpu.memory_space<vmem>>, vector<1x16xf32>,
      %swap3A_884 = vector.shape_cast %swap3A_883 : vector<1x16xf32> to vector<16xf32>
      %swap3A_885 = vector.shape_cast %mul3A_880 : vector<16xf32> to vector<1x16xf32>
      tpu.vector_store %arg26[%swap3A_881, %swap3A_882], %swap3A_885 {strides = array<i32>} : memref<160x64xf32, #tpu.memory_space<vmem>>, vector<1x16xf32>,
      %get3A_886 = arith.index_cast %add3A_855 : i32 to index
      %get3A_887 = arith.constant 48 : index
      %get3A_888 = tpu.vector_load %arg26[%get3A_886, %get3A_887] {strides = array<i32>} : memref<160x64xf32, #tpu.memory_space<vmem>>, vector<1x16xf32>,
      %get3A_889 = vector.shape_cast %get3A_888 : vector<1x16xf32> to vector<16xf32>
      %mul3A_890 = arith.mulf %get3A_889, %gather3A_851 : vector<16xf32>
      %swap3A_891 = arith.index_cast %add3A_855 : i32 to index
      %swap3A_892 = arith.constant 48 : index
      %swap3A_893 = tpu.vector_load %arg26[%swap3A_891, %swap3A_892] {strides = array<i32>} : memref<160x64xf32, #tpu.memory_space<vmem>>, vector<1x16xf32>,
      %swap3A_894 = vector.shape_cast %swap3A_893 : vector<1x16xf32> to vector<16xf32>
      %swap3A_895 = vector.shape_cast %mul3A_890 : vector<16xf32> to vector<1x16xf32>
      tpu.vector_store %arg26[%swap3A_891, %swap3A_892], %swap3A_895 {strides = array<i32>} : memref<160x64xf32, #tpu.memory_space<vmem>>, vector<1x16xf32>,
      %broadcast_in_dim3A_896 = arith.constant 13 : i32
      %broadcast_in_dim3A_897 = vector.broadcast %broadcast_in_dim3A_896 : i32 to vector<16xi32>
      %lt3A_898 = arith.constant 0 : i32
      %lt3A_899 = vector.broadcast %lt3A_898 : i32 to vector<16xi32>
      %lt3A_900 = arith.cmpi slt, %broadcast_in_dim3A_897, %lt3A_899 : vector<16xi32>
      %add3A_901 = arith.constant 16 : i32
      %add3A_902 = vector.broadcast %add3A_901 : i32 to vector<16xi32>
      %add3A_903 = arith.addi %broadcast_in_dim3A_897, %add3A_902 : vector<16xi32>
      %select_n3A_904 = arith.select %lt3A_900, %add3A_903, %broadcast_in_dim3A_897 : vector<16xi1>, vector<16xi32>
      %broadcast_in_dim3A_905 = vector.shape_cast %select_n3A_904 : vector<16xi32> to vector<16x1xi32>
      %gather3A_906 = vector.shape_cast %broadcast_in_dim3A_905 : vector<16x1xi32> to vector<16xi32>
      %gather3A_907 = tpu.dynamic_gather %mul3A_173[%gather3A_906] in [0] : vector<16xf32>, vector<16xi32> -> vector<16xf32>
      %mul3A_908 = arith.constant 16 : i32
      %mul3A_909 = arith.muli %scan3A_163, %mul3A_908 : i32
      %add3A_910 = arith.constant 13 : i32
      %add3A_911 = arith.addi %mul3A_909, %add3A_910 : i32
      %get3A_912 = arith.index_cast %add3A_911 : i32 to index
      %get3A_913 = arith.constant 0 : index
      %get3A_914 = tpu.vector_load %arg26[%get3A_912, %get3A_913] {strides = array<i32>} : memref<160x64xf32, #tpu.memory_space<vmem>>, vector<1x16xf32>,
      %get3A_915 = vector.shape_cast %get3A_914 : vector<1x16xf32> to vector<16xf32>
      %mul3A_916 = arith.mulf %get3A_915, %gather3A_907 : vector<16xf32>
      %swap3A_917 = arith.index_cast %add3A_911 : i32 to index
      %swap3A_918 = arith.constant 0 : index
      %swap3A_919 = tpu.vector_load %arg26[%swap3A_917, %swap3A_918] {strides = array<i32>} : memref<160x64xf32, #tpu.memory_space<vmem>>, vector<1x16xf32>,
      %swap3A_920 = vector.shape_cast %swap3A_919 : vector<1x16xf32> to vector<16xf32>
      %swap3A_921 = vector.shape_cast %mul3A_916 : vector<16xf32> to vector<1x16xf32>
      tpu.vector_store %arg26[%swap3A_917, %swap3A_918], %swap3A_921 {strides = array<i32>} : memref<160x64xf32, #tpu.memory_space<vmem>>, vector<1x16xf32>,
      %get3A_922 = arith.index_cast %add3A_911 : i32 to index
      %get3A_923 = arith.constant 16 : index
      %get3A_924 = tpu.vector_load %arg26[%get3A_922, %get3A_923] {strides = array<i32>} : memref<160x64xf32, #tpu.memory_space<vmem>>, vector<1x16xf32>,
      %get3A_925 = vector.shape_cast %get3A_924 : vector<1x16xf32> to vector<16xf32>
      %mul3A_926 = arith.mulf %get3A_925, %gather3A_907 : vector<16xf32>
      %swap3A_927 = arith.index_cast %add3A_911 : i32 to index
      %swap3A_928 = arith.constant 16 : index
      %swap3A_929 = tpu.vector_load %arg26[%swap3A_927, %swap3A_928] {strides = array<i32>} : memref<160x64xf32, #tpu.memory_space<vmem>>, vector<1x16xf32>,
      %swap3A_930 = vector.shape_cast %swap3A_929 : vector<1x16xf32> to vector<16xf32>
      %swap3A_931 = vector.shape_cast %mul3A_926 : vector<16xf32> to vector<1x16xf32>
      tpu.vector_store %arg26[%swap3A_927, %swap3A_928], %swap3A_931 {strides = array<i32>} : memref<160x64xf32, #tpu.memory_space<vmem>>, vector<1x16xf32>,
      %get3A_932 = arith.index_cast %add3A_911 : i32 to index
      %get3A_933 = arith.constant 32 : index
      %get3A_934 = tpu.vector_load %arg26[%get3A_932, %get3A_933] {strides = array<i32>} : memref<160x64xf32, #tpu.memory_space<vmem>>, vector<1x16xf32>,
      %get3A_935 = vector.shape_cast %get3A_934 : vector<1x16xf32> to vector<16xf32>
      %mul3A_936 = arith.mulf %get3A_935, %gather3A_907 : vector<16xf32>
      %swap3A_937 = arith.index_cast %add3A_911 : i32 to index
      %swap3A_938 = arith.constant 32 : index
      %swap3A_939 = tpu.vector_load %arg26[%swap3A_937, %swap3A_938] {strides = array<i32>} : memref<160x64xf32, #tpu.memory_space<vmem>>, vector<1x16xf32>,
      %swap3A_940 = vector.shape_cast %swap3A_939 : vector<1x16xf32> to vector<16xf32>
      %swap3A_941 = vector.shape_cast %mul3A_936 : vector<16xf32> to vector<1x16xf32>
      tpu.vector_store %arg26[%swap3A_937, %swap3A_938], %swap3A_941 {strides = array<i32>} : memref<160x64xf32, #tpu.memory_space<vmem>>, vector<1x16xf32>,
      %get3A_942 = arith.index_cast %add3A_911 : i32 to index
      %get3A_943 = arith.constant 48 : index
      %get3A_944 = tpu.vector_load %arg26[%get3A_942, %get3A_943] {strides = array<i32>} : memref<160x64xf32, #tpu.memory_space<vmem>>, vector<1x16xf32>,
      %get3A_945 = vector.shape_cast %get3A_944 : vector<1x16xf32> to vector<16xf32>
      %mul3A_946 = arith.mulf %get3A_945, %gather3A_907 : vector<16xf32>
      %swap3A_947 = arith.index_cast %add3A_911 : i32 to index
      %swap3A_948 = arith.constant 48 : index
      %swap3A_949 = tpu.vector_load %arg26[%swap3A_947, %swap3A_948] {strides = array<i32>} : memref<160x64xf32, #tpu.memory_space<vmem>>, vector<1x16xf32>,
      %swap3A_950 = vector.shape_cast %swap3A_949 : vector<1x16xf32> to vector<16xf32>
      %swap3A_951 = vector.shape_cast %mul3A_946 : vector<16xf32> to vector<1x16xf32>
      tpu.vector_store %arg26[%swap3A_947, %swap3A_948], %swap3A_951 {strides = array<i32>} : memref<160x64xf32, #tpu.memory_space<vmem>>, vector<1x16xf32>,
      %broadcast_in_dim3A_952 = arith.constant 14 : i32
      %broadcast_in_dim3A_953 = vector.broadcast %broadcast_in_dim3A_952 : i32 to vector<16xi32>
      %lt3A_954 = arith.constant 0 : i32
      %lt3A_955 = vector.broadcast %lt3A_954 : i32 to vector<16xi32>
      %lt3A_956 = arith.cmpi slt, %broadcast_in_dim3A_953, %lt3A_955 : vector<16xi32>
      %add3A_957 = arith.constant 16 : i32
      %add3A_958 = vector.broadcast %add3A_957 : i32 to vector<16xi32>
      %add3A_959 = arith.addi %broadcast_in_dim3A_953, %add3A_958 : vector<16xi32>
      %select_n3A_960 = arith.select %lt3A_956, %add3A_959, %broadcast_in_dim3A_953 : vector<16xi1>, vector<16xi32>
      %broadcast_in_dim3A_961 = vector.shape_cast %select_n3A_960 : vector<16xi32> to vector<16x1xi32>
      %gather3A_962 = vector.shape_cast %broadcast_in_dim3A_961 : vector<16x1xi32> to vector<16xi32>
      %gather3A_963 = tpu.dynamic_gather %mul3A_173[%gather3A_962] in [0] : vector<16xf32>, vector<16xi32> -> vector<16xf32>
      %mul3A_964 = arith.constant 16 : i32
      %mul3A_965 = arith.muli %scan3A_163, %mul3A_964 : i32
      %add3A_966 = arith.constant 14 : i32
      %add3A_967 = arith.addi %mul3A_965, %add3A_966 : i32
      %get3A_968 = arith.index_cast %add3A_967 : i32 to index
      %get3A_969 = arith.constant 0 : index
      %get3A_970 = tpu.vector_load %arg26[%get3A_968, %get3A_969] {strides = array<i32>} : memref<160x64xf32, #tpu.memory_space<vmem>>, vector<1x16xf32>,
      %get3A_971 = vector.shape_cast %get3A_970 : vector<1x16xf32> to vector<16xf32>
      %mul3A_972 = arith.mulf %get3A_971, %gather3A_963 : vector<16xf32>
      %swap3A_973 = arith.index_cast %add3A_967 : i32 to index
      %swap3A_974 = arith.constant 0 : index
      %swap3A_975 = tpu.vector_load %arg26[%swap3A_973, %swap3A_974] {strides = array<i32>} : memref<160x64xf32, #tpu.memory_space<vmem>>, vector<1x16xf32>,
      %swap3A_976 = vector.shape_cast %swap3A_975 : vector<1x16xf32> to vector<16xf32>
      %swap3A_977 = vector.shape_cast %mul3A_972 : vector<16xf32> to vector<1x16xf32>
      tpu.vector_store %arg26[%swap3A_973, %swap3A_974], %swap3A_977 {strides = array<i32>} : memref<160x64xf32, #tpu.memory_space<vmem>>, vector<1x16xf32>,
      %get3A_978 = arith.index_cast %add3A_967 : i32 to index
      %get3A_979 = arith.constant 16 : index
      %get3A_980 = tpu.vector_load %arg26[%get3A_978, %get3A_979] {strides = array<i32>} : memref<160x64xf32, #tpu.memory_space<vmem>>, vector<1x16xf32>,
      %get3A_981 = vector.shape_cast %get3A_980 : vector<1x16xf32> to vector<16xf32>
      %mul3A_982 = arith.mulf %get3A_981, %gather3A_963 : vector<16xf32>
      %swap3A_983 = arith.index_cast %add3A_967 : i32 to index
      %swap3A_984 = arith.constant 16 : index
      %swap3A_985 = tpu.vector_load %arg26[%swap3A_983, %swap3A_984] {strides = array<i32>} : memref<160x64xf32, #tpu.memory_space<vmem>>, vector<1x16xf32>,
      %swap3A_986 = vector.shape_cast %swap3A_985 : vector<1x16xf32> to vector<16xf32>
      %swap3A_987 = vector.shape_cast %mul3A_982 : vector<16xf32> to vector<1x16xf32>
      tpu.vector_store %arg26[%swap3A_983, %swap3A_984], %swap3A_987 {strides = array<i32>} : memref<160x64xf32, #tpu.memory_space<vmem>>, vector<1x16xf32>,
      %get3A_988 = arith.index_cast %add3A_967 : i32 to index
      %get3A_989 = arith.constant 32 : index
      %get3A_990 = tpu.vector_load %arg26[%get3A_988, %get3A_989] {strides = array<i32>} : memref<160x64xf32, #tpu.memory_space<vmem>>, vector<1x16xf32>,
      %get3A_991 = vector.shape_cast %get3A_990 : vector<1x16xf32> to vector<16xf32>
      %mul3A_992 = arith.mulf %get3A_991, %gather3A_963 : vector<16xf32>
      %swap3A_993 = arith.index_cast %add3A_967 : i32 to index
      %swap3A_994 = arith.constant 32 : index
      %swap3A_995 = tpu.vector_load %arg26[%swap3A_993, %swap3A_994] {strides = array<i32>} : memref<160x64xf32, #tpu.memory_space<vmem>>, vector<1x16xf32>,
      %swap3A_996 = vector.shape_cast %swap3A_995 : vector<1x16xf32> to vector<16xf32>
      %swap3A_997 = vector.shape_cast %mul3A_992 : vector<16xf32> to vector<1x16xf32>
      tpu.vector_store %arg26[%swap3A_993, %swap3A_994], %swap3A_997 {strides = array<i32>} : memref<160x64xf32, #tpu.memory_space<vmem>>, vector<1x16xf32>,
      %get3A_998 = arith.index_cast %add3A_967 : i32 to index
      %get3A_999 = arith.constant 48 : index
      %get3A_1000 = tpu.vector_load %arg26[%get3A_998, %get3A_999] {strides = array<i32>} : memref<160x64xf32, #tpu.memory_space<vmem>>, vector<1x16xf32>,
      %get3A_1001 = vector.shape_cast %get3A_1000 : vector<1x16xf32> to vector<16xf32>
      %mul3A_1002 = arith.mulf %get3A_1001, %gather3A_963 : vector<16xf32>
      %swap3A_1003 = arith.index_cast %add3A_967 : i32 to index
      %swap3A_1004 = arith.constant 48 : index
      %swap3A_1005 = tpu.vector_load %arg26[%swap3A_1003, %swap3A_1004] {strides = array<i32>} : memref<160x64xf32, #tpu.memory_space<vmem>>, vector<1x16xf32>,
      %swap3A_1006 = vector.shape_cast %swap3A_1005 : vector<1x16xf32> to vector<16xf32>
      %swap3A_1007 = vector.shape_cast %mul3A_1002 : vector<16xf32> to vector<1x16xf32>
      tpu.vector_store %arg26[%swap3A_1003, %swap3A_1004], %swap3A_1007 {strides = array<i32>} : memref<160x64xf32, #tpu.memory_space<vmem>>, vector<1x16xf32>,
      %broadcast_in_dim3A_1008 = arith.constant 15 : i32
      %broadcast_in_dim3A_1009 = vector.broadcast %broadcast_in_dim3A_1008 : i32 to vector<16xi32>
      %lt3A_1010 = arith.constant 0 : i32
      %lt3A_1011 = vector.broadcast %lt3A_1010 : i32 to vector<16xi32>
      %lt3A_1012 = arith.cmpi slt, %broadcast_in_dim3A_1009, %lt3A_1011 : vector<16xi32>
      %add3A_1013 = arith.constant 16 : i32
      %add3A_1014 = vector.broadcast %add3A_1013 : i32 to vector<16xi32>
      %add3A_1015 = arith.addi %broadcast_in_dim3A_1009, %add3A_1014 : vector<16xi32>
      %select_n3A_1016 = arith.select %lt3A_1012, %add3A_1015, %broadcast_in_dim3A_1009 : vector<16xi1>, vector<16xi32>
      %broadcast_in_dim3A_1017 = vector.shape_cast %select_n3A_1016 : vector<16xi32> to vector<16x1xi32>
      %gather3A_1018 = vector.shape_cast %broadcast_in_dim3A_1017 : vector<16x1xi32> to vector<16xi32>
      %gather3A_1019 = tpu.dynamic_gather %mul3A_173[%gather3A_1018] in [0] : vector<16xf32>, vector<16xi32> -> vector<16xf32>
      %mul3A_1020 = arith.constant 16 : i32
      %mul3A_1021 = arith.muli %scan3A_163, %mul3A_1020 : i32
      %add3A_1022 = arith.constant 15 : i32
      %add3A_1023 = arith.addi %mul3A_1021, %add3A_1022 : i32
      %get3A_1024 = arith.index_cast %add3A_1023 : i32 to index
      %get3A_1025 = arith.constant 0 : index
      %get3A_1026 = tpu.vector_load %arg26[%get3A_1024, %get3A_1025] {strides = array<i32>} : memref<160x64xf32, #tpu.memory_space<vmem>>, vector<1x16xf32>,
      %get3A_1027 = vector.shape_cast %get3A_1026 : vector<1x16xf32> to vector<16xf32>
      %mul3A_1028 = arith.mulf %get3A_1027, %gather3A_1019 : vector<16xf32>
      %swap3A_1029 = arith.index_cast %add3A_1023 : i32 to index
      %swap3A_1030 = arith.constant 0 : index
      %swap3A_1031 = tpu.vector_load %arg26[%swap3A_1029, %swap3A_1030] {strides = array<i32>} : memref<160x64xf32, #tpu.memory_space<vmem>>, vector<1x16xf32>,
      %swap3A_1032 = vector.shape_cast %swap3A_1031 : vector<1x16xf32> to vector<16xf32>
      %swap3A_1033 = vector.shape_cast %mul3A_1028 : vector<16xf32> to vector<1x16xf32>
      tpu.vector_store %arg26[%swap3A_1029, %swap3A_1030], %swap3A_1033 {strides = array<i32>} : memref<160x64xf32, #tpu.memory_space<vmem>>, vector<1x16xf32>,
      %get3A_1034 = arith.index_cast %add3A_1023 : i32 to index
      %get3A_1035 = arith.constant 16 : index
      %get3A_1036 = tpu.vector_load %arg26[%get3A_1034, %get3A_1035] {strides = array<i32>} : memref<160x64xf32, #tpu.memory_space<vmem>>, vector<1x16xf32>,
      %get3A_1037 = vector.shape_cast %get3A_1036 : vector<1x16xf32> to vector<16xf32>
      %mul3A_1038 = arith.mulf %get3A_1037, %gather3A_1019 : vector<16xf32>
      %swap3A_1039 = arith.index_cast %add3A_1023 : i32 to index
      %swap3A_1040 = arith.constant 16 : index
      %swap3A_1041 = tpu.vector_load %arg26[%swap3A_1039, %swap3A_1040] {strides = array<i32>} : memref<160x64xf32, #tpu.memory_space<vmem>>, vector<1x16xf32>,
      %swap3A_1042 = vector.shape_cast %swap3A_1041 : vector<1x16xf32> to vector<16xf32>
      %swap3A_1043 = vector.shape_cast %mul3A_1038 : vector<16xf32> to vector<1x16xf32>
      tpu.vector_store %arg26[%swap3A_1039, %swap3A_1040], %swap3A_1043 {strides = array<i32>} : memref<160x64xf32, #tpu.memory_space<vmem>>, vector<1x16xf32>,
      %get3A_1044 = arith.index_cast %add3A_1023 : i32 to index
      %get3A_1045 = arith.constant 32 : index
      %get3A_1046 = tpu.vector_load %arg26[%get3A_1044, %get3A_1045] {strides = array<i32>} : memref<160x64xf32, #tpu.memory_space<vmem>>, vector<1x16xf32>,
      %get3A_1047 = vector.shape_cast %get3A_1046 : vector<1x16xf32> to vector<16xf32>
      %mul3A_1048 = arith.mulf %get3A_1047, %gather3A_1019 : vector<16xf32>
      %swap3A_1049 = arith.index_cast %add3A_1023 : i32 to index
      %swap3A_1050 = arith.constant 32 : index
      %swap3A_1051 = tpu.vector_load %arg26[%swap3A_1049, %swap3A_1050] {strides = array<i32>} : memref<160x64xf32, #tpu.memory_space<vmem>>, vector<1x16xf32>,
      %swap3A_1052 = vector.shape_cast %swap3A_1051 : vector<1x16xf32> to vector<16xf32>
      %swap3A_1053 = vector.shape_cast %mul3A_1048 : vector<16xf32> to vector<1x16xf32>
      tpu.vector_store %arg26[%swap3A_1049, %swap3A_1050], %swap3A_1053 {strides = array<i32>} : memref<160x64xf32, #tpu.memory_space<vmem>>, vector<1x16xf32>,
      %get3A_1054 = arith.index_cast %add3A_1023 : i32 to index
      %get3A_1055 = arith.constant 48 : index
      %get3A_1056 = tpu.vector_load %arg26[%get3A_1054, %get3A_1055] {strides = array<i32>} : memref<160x64xf32, #tpu.memory_space<vmem>>, vector<1x16xf32>,
      %get3A_1057 = vector.shape_cast %get3A_1056 : vector<1x16xf32> to vector<16xf32>
      %mul3A_1058 = arith.mulf %get3A_1057, %gather3A_1019 : vector<16xf32>
      %swap3A_1059 = arith.index_cast %add3A_1023 : i32 to index
      %swap3A_1060 = arith.constant 48 : index
      %swap3A_1061 = tpu.vector_load %arg26[%swap3A_1059, %swap3A_1060] {strides = array<i32>} : memref<160x64xf32, #tpu.memory_space<vmem>>, vector<1x16xf32>,
      %swap3A_1062 = vector.shape_cast %swap3A_1061 : vector<1x16xf32> to vector<16xf32>
      %swap3A_1063 = vector.shape_cast %mul3A_1058 : vector<16xf32> to vector<1x16xf32>
      tpu.vector_store %arg26[%swap3A_1059, %swap3A_1060], %swap3A_1063 {strides = array<i32>} : memref<160x64xf32, #tpu.memory_space<vmem>>, vector<1x16xf32>,
    }
    %scan3A_30 = arith.constant 10 : i32
    "tpu.region"() ({
      %run_scoped3A_163 = tpu.sem_alloc : memref<!tpu.dma_semaphore, #tpu.memory_space<semaphore_mem>>
      %dma_start3A_164 = arith.constant 0 : i32
      %dma_start3A_165 = tpu.memref_slice %arg29[%mul3A_0, %dma_start3A_164] : memref<2560x64xf32, #tpu.memory_space<vmem_shared>> -> memref<160x64xf32, #tpu.memory_space<vmem_shared>>
      %dma_start3A_166 = arith.constant 0 : i32
      %dma_start3A_167 = tpu.memref_slice %arg29[%mul3A_0, %dma_start3A_166] : memref<2560x64xf32, #tpu.memory_space<vmem_shared>> -> memref<160x64xf32, #tpu.memory_space<vmem_shared>>
      tpu.enqueue_dma source(%arg26 : memref<160x64xf32, #tpu.memory_space<vmem>>) target(%dma_start3A_167 : memref<160x64xf32, #tpu.memory_space<vmem_shared>>) target_semaphore(%run_scoped3A_163 : memref<!tpu.dma_semaphore, #tpu.memory_space<semaphore_mem>>)
      %dma_wait3A_168 = arith.constant 0 : i32
      %dma_wait3A_169 = tpu.memref_slice %arg29[%mul3A_0, %dma_wait3A_168] : memref<2560x64xf32, #tpu.memory_space<vmem_shared>> -> memref<160x64xf32, #tpu.memory_space<vmem_shared>>
      %dma_wait3A_170 = arith.constant 0 : i32
      %dma_wait3A_171 = tpu.memref_slice %arg29[%mul3A_0, %dma_wait3A_170] : memref<2560x64xf32, #tpu.memory_space<vmem_shared>> -> memref<160x64xf32, #tpu.memory_space<vmem_shared>>
      tpu.wait_dma2 semaphore(%run_scoped3A_163 : memref<!tpu.dma_semaphore, #tpu.memory_space<semaphore_mem>>) src(%arg26 : memref<160x64xf32, #tpu.memory_space<vmem>>) dst(%dma_wait3A_171 : memref<160x64xf32, #tpu.memory_space<vmem_shared>>)
      tpu.yield
    }) : () -> ()
    %barrier3A_31 = arith.constant 0 : index
    tpu.barrier barrier_id(%barrier3A_31)
    %run_scoped3A_32 = arith.constant 0 : i32
    "tpu.region"() ({
      %run_scoped3A_163 = tpu.sem_alloc : memref<!tpu.dma_semaphore, #tpu.memory_space<semaphore_mem>>
      %dma_start3A_164 = arith.constant 0 : i32
      %dma_start3A_165 = arith.constant 0 : i32
      %dma_start3A_166 = tpu.memref_slice %arg5[%arg1, %run_scoped3A_32, %dma_start3A_164, %dma_start3A_165] : memref<16x2x80x125xi32, #tpu.memory_space<hbm>> -> memref<1x1x80x125xi32, #tpu.memory_space<hbm>>
      %dma_start3A_167 = tpu.memref_squeeze %dma_start3A_166 : memref<1x1x80x125xi32, #tpu.memory_space<hbm>> -> memref<80x125xi32, #tpu.memory_space<hbm>>
      %dma_start3A_168 = arith.constant 0 : i32
      %dma_start3A_169 = arith.constant 0 : i32
      %dma_start3A_170 = tpu.memref_slice %arg5[%arg1, %run_scoped3A_32, %dma_start3A_168, %dma_start3A_169] : memref<16x2x80x125xi32, #tpu.memory_space<hbm>> -> memref<1x1x80x125xi32, #tpu.memory_space<hbm>>
      %dma_start3A_171 = tpu.memref_squeeze %dma_start3A_170 : memref<1x1x80x125xi32, #tpu.memory_space<hbm>> -> memref<80x125xi32, #tpu.memory_space<hbm>>
      tpu.enqueue_dma source(%dma_start3A_171 : memref<80x125xi32, #tpu.memory_space<hbm>>) target(%arg12 : memref<80x125xi32, #tpu.memory_space<vmem>>) target_semaphore(%run_scoped3A_163 : memref<!tpu.dma_semaphore, #tpu.memory_space<semaphore_mem>>)
      %dma_wait3A_172 = arith.constant 0 : i32
      %dma_wait3A_173 = arith.constant 0 : i32
      %dma_wait3A_174 = tpu.memref_slice %arg5[%arg1, %run_scoped3A_32, %dma_wait3A_172, %dma_wait3A_173] : memref<16x2x80x125xi32, #tpu.memory_space<hbm>> -> memref<1x1x80x125xi32, #tpu.memory_space<hbm>>
      %dma_wait3A_175 = tpu.memref_squeeze %dma_wait3A_174 : memref<1x1x80x125xi32, #tpu.memory_space<hbm>> -> memref<80x125xi32, #tpu.memory_space<hbm>>
      %dma_wait3A_176 = arith.constant 0 : i32
      %dma_wait3A_177 = arith.constant 0 : i32
      %dma_wait3A_178 = tpu.memref_slice %arg5[%arg1, %run_scoped3A_32, %dma_wait3A_176, %dma_wait3A_177] : memref<16x2x80x125xi32, #tpu.memory_space<hbm>> -> memref<1x1x80x125xi32, #tpu.memory_space<hbm>>
      %dma_wait3A_179 = tpu.memref_squeeze %dma_wait3A_178 : memref<1x1x80x125xi32, #tpu.memory_space<hbm>> -> memref<80x125xi32, #tpu.memory_space<hbm>>
      tpu.wait_dma2 semaphore(%run_scoped3A_163 : memref<!tpu.dma_semaphore, #tpu.memory_space<semaphore_mem>>) src(%dma_wait3A_179 : memref<80x125xi32, #tpu.memory_space<hbm>>) dst(%arg12 : memref<80x125xi32, #tpu.memory_space<vmem>>)
      tpu.yield
    }) : () -> ()
    %run_scoped3A_33 = arith.constant 0 : i32
    "tpu.region"() ({
      %run_scoped3A_163 = tpu.sem_alloc : memref<!tpu.dma_semaphore, #tpu.memory_space<semaphore_mem>>
      %dma_start3A_164 = arith.constant 0 : i32
      %dma_start3A_165 = arith.constant 0 : i32
      %dma_start3A_166 = tpu.memref_slice %arg6[%arg1, %run_scoped3A_33, %dma_start3A_164, %dma_start3A_165] : memref<16x2x80x125xi32, #tpu.memory_space<hbm>> -> memref<1x1x80x125xi32, #tpu.memory_space<hbm>>
      %dma_start3A_167 = tpu.memref_squeeze %dma_start3A_166 : memref<1x1x80x125xi32, #tpu.memory_space<hbm>> -> memref<80x125xi32, #tpu.memory_space<hbm>>
      %dma_start3A_168 = arith.constant 0 : i32
      %dma_start3A_169 = arith.constant 0 : i32
      %dma_start3A_170 = tpu.memref_slice %arg6[%arg1, %run_scoped3A_33, %dma_start3A_168, %dma_start3A_169] : memref<16x2x80x125xi32, #tpu.memory_space<hbm>> -> memref<1x1x80x125xi32, #tpu.memory_space<hbm>>
      %dma_start3A_171 = tpu.memref_squeeze %dma_start3A_170 : memref<1x1x80x125xi32, #tpu.memory_space<hbm>> -> memref<80x125xi32, #tpu.memory_space<hbm>>
      tpu.enqueue_dma source(%dma_start3A_171 : memref<80x125xi32, #tpu.memory_space<hbm>>) target(%arg13 : memref<80x125xi32, #tpu.memory_space<vmem>>) target_semaphore(%run_scoped3A_163 : memref<!tpu.dma_semaphore, #tpu.memory_space<semaphore_mem>>)
      %dma_wait3A_172 = arith.constant 0 : i32
      %dma_wait3A_173 = arith.constant 0 : i32
      %dma_wait3A_174 = tpu.memref_slice %arg6[%arg1, %run_scoped3A_33, %dma_wait3A_172, %dma_wait3A_173] : memref<16x2x80x125xi32, #tpu.memory_space<hbm>> -> memref<1x1x80x125xi32, #tpu.memory_space<hbm>>
      %dma_wait3A_175 = tpu.memref_squeeze %dma_wait3A_174 : memref<1x1x80x125xi32, #tpu.memory_space<hbm>> -> memref<80x125xi32, #tpu.memory_space<hbm>>
      %dma_wait3A_176 = arith.constant 0 : i32
      %dma_wait3A_177 = arith.constant 0 : i32
      %dma_wait3A_178 = tpu.memref_slice %arg6[%arg1, %run_scoped3A_33, %dma_wait3A_176, %dma_wait3A_177] : memref<16x2x80x125xi32, #tpu.memory_space<hbm>> -> memref<1x1x80x125xi32, #tpu.memory_space<hbm>>
      %dma_wait3A_179 = tpu.memref_squeeze %dma_wait3A_178 : memref<1x1x80x125xi32, #tpu.memory_space<hbm>> -> memref<80x125xi32, #tpu.memory_space<hbm>>
      tpu.wait_dma2 semaphore(%run_scoped3A_163 : memref<!tpu.dma_semaphore, #tpu.memory_space<semaphore_mem>>) src(%dma_wait3A_179 : memref<80x125xi32, #tpu.memory_space<hbm>>) dst(%arg13 : memref<80x125xi32, #tpu.memory_space<vmem>>)
      tpu.yield
    }) : () -> ()
    %dma_start3A = arith.constant 0 : i32
    %dma_start3A_34 = arith.constant 0 : i32
    %dma_start3A_35 = tpu.memref_slice %arg12[%dma_start3A, %dma_start3A_34] : memref<80x125xi32, #tpu.memory_space<vmem>> -> memref<1x125xi32, #tpu.memory_space<vmem>>
    %dma_start3A_36 = tpu.memref_squeeze %dma_start3A_35 : memref<1x125xi32, #tpu.memory_space<vmem>> -> memref<125xi32, #tpu.memory_space<vmem>>
    %dma_start3A_37 = arith.constant 0 : i32
    %dma_start3A_38 = arith.constant 0 : i32
    %dma_start3A_39 = tpu.memref_slice %arg29[%dma_start3A_37, %dma_start3A_38] : memref<2560x64xf32, #tpu.memory_space<vmem_shared>> -> memref<2560x64xf32, #tpu.memory_space<vmem_shared>>
    tpu.enqueue_indirect_dma source(%dma_start3A_39 : memref<2560x64xf32, #tpu.memory_space<vmem_shared>>) target(%arg14 : memref<125x64xf32, #tpu.memory_space<vmem>>) offsets(%dma_start3A_36 : memref<125xi32, #tpu.memory_space<vmem>>) semaphore(%arg18 : memref<!tpu.dma_semaphore, #tpu.memory_space<semaphore_mem>>)
    %dma_start3A_40 = arith.constant 1 : i32
    %dma_start3A_41 = arith.constant 0 : i32
    %dma_start3A_42 = tpu.memref_slice %arg12[%dma_start3A_40, %dma_start3A_41] : memref<80x125xi32, #tpu.memory_space<vmem>> -> memref<1x125xi32, #tpu.memory_space<vmem>>
    %dma_start3A_43 = tpu.memref_squeeze %dma_start3A_42 : memref<1x125xi32, #tpu.memory_space<vmem>> -> memref<125xi32, #tpu.memory_space<vmem>>
    %dma_start3A_44 = arith.constant 0 : i32
    %dma_start3A_45 = arith.constant 0 : i32
    %dma_start3A_46 = tpu.memref_slice %arg29[%dma_start3A_44, %dma_start3A_45] : memref<2560x64xf32, #tpu.memory_space<vmem_shared>> -> memref<2560x64xf32, #tpu.memory_space<vmem_shared>>
    tpu.enqueue_indirect_dma source(%dma_start3A_46 : memref<2560x64xf32, #tpu.memory_space<vmem_shared>>) target(%arg15 : memref<125x64xf32, #tpu.memory_space<vmem>>) offsets(%dma_start3A_43 : memref<125xi32, #tpu.memory_space<vmem>>) semaphore(%arg19 : memref<!tpu.dma_semaphore, #tpu.memory_space<semaphore_mem>>)
    %dma_start3A_47 = arith.constant 2 : i32
    %dma_start3A_48 = arith.constant 0 : i32
    %dma_start3A_49 = tpu.memref_slice %arg12[%dma_start3A_47, %dma_start3A_48] : memref<80x125xi32, #tpu.memory_space<vmem>> -> memref<1x125xi32, #tpu.memory_space<vmem>>
    %dma_start3A_50 = tpu.memref_squeeze %dma_start3A_49 : memref<1x125xi32, #tpu.memory_space<vmem>> -> memref<125xi32, #tpu.memory_space<vmem>>
    %dma_start3A_51 = arith.constant 0 : i32
    %dma_start3A_52 = arith.constant 0 : i32
    %dma_start3A_53 = tpu.memref_slice %arg29[%dma_start3A_51, %dma_start3A_52] : memref<2560x64xf32, #tpu.memory_space<vmem_shared>> -> memref<2560x64xf32, #tpu.memory_space<vmem_shared>>
    tpu.enqueue_indirect_dma source(%dma_start3A_53 : memref<2560x64xf32, #tpu.memory_space<vmem_shared>>) target(%arg16 : memref<125x64xf32, #tpu.memory_space<vmem>>) offsets(%dma_start3A_50 : memref<125xi32, #tpu.memory_space<vmem>>) semaphore(%arg20 : memref<!tpu.dma_semaphore, #tpu.memory_space<semaphore_mem>>)
    %dma_start3A_54 = arith.constant 3 : i32
    %dma_start3A_55 = arith.constant 0 : i32
    %dma_start3A_56 = tpu.memref_slice %arg12[%dma_start3A_54, %dma_start3A_55] : memref<80x125xi32, #tpu.memory_space<vmem>> -> memref<1x125xi32, #tpu.memory_space<vmem>>
    %dma_start3A_57 = tpu.memref_squeeze %dma_start3A_56 : memref<1x125xi32, #tpu.memory_space<vmem>> -> memref<125xi32, #tpu.memory_space<vmem>>
    %dma_start3A_58 = arith.constant 0 : i32
    %dma_start3A_59 = arith.constant 0 : i32
    %dma_start3A_60 = tpu.memref_slice %arg29[%dma_start3A_58, %dma_start3A_59] : memref<2560x64xf32, #tpu.memory_space<vmem_shared>> -> memref<2560x64xf32, #tpu.memory_space<vmem_shared>>
    tpu.enqueue_indirect_dma source(%dma_start3A_60 : memref<2560x64xf32, #tpu.memory_space<vmem_shared>>) target(%arg17 : memref<125x64xf32, #tpu.memory_space<vmem>>) offsets(%dma_start3A_57 : memref<125xi32, #tpu.memory_space<vmem>>) semaphore(%arg21 : memref<!tpu.dma_semaphore, #tpu.memory_space<semaphore_mem>>)
    %scan3A_61 = arith.constant 0 : i32
    %scan3A_62 = arith.constant 0 : i32
    %scan3A_63 = arith.constant 20 : i32
    %scan3A_64 = arith.addi %scan3A_62, %scan3A_63 : i32
    %scan3A_65 = arith.constant 1 : i32
    scf.for %scan3A_163 = %scan3A_62 to %scan3A_64 step %scan3A_65  : i32 {
      %mul3A_164 = arith.constant 4 : i32
      %mul3A_165 = arith.muli %mul3A_164, %scan3A_163 : i32
      %add3A = arith.constant 0 : i32
      %add3A_166 = arith.addi %mul3A_165, %add3A : i32
      %add3A_167 = arith.constant 2 : i32
      %add3A_168 = arith.addi %add3A_166, %add3A_167 : i32
      %ge3A = arith.constant 4 : i32
      %ge3A_169 = arith.cmpi sge, %add3A_168, %ge3A : i32
      %lt3A = arith.constant 80 : i32
      %lt3A_170 = arith.cmpi slt, %add3A_168, %lt3A : i32
      %and3A = arith.andi %ge3A_169, %lt3A_170 : i1
      %convert_element_type3A_171 = arith.extui %and3A : i1 to i32
      %cond3A_172 = arith.constant 0 : i32
      %cond3A_173 = arith.cmpi ne, %convert_element_type3A_171, %cond3A_172 : i32
      scf.if %cond3A_173 {
        %dma_wait3A_264 = arith.constant 0 : i32
        %dma_wait3A_265 = arith.constant 0 : i32
        %dma_wait3A_266 = tpu.memref_slice %arg13[%dma_wait3A_264, %dma_wait3A_265] : memref<80x125xi32, #tpu.memory_space<vmem>> -> memref<1x125xi32, #tpu.memory_space<vmem>>
        %dma_wait3A_267 = tpu.memref_squeeze %dma_wait3A_266 : memref<1x125xi32, #tpu.memory_space<vmem>> -> memref<125xi32, #tpu.memory_space<vmem>>
        %dma_wait3A_268 = arith.constant 0 : i32
        %dma_wait3A_269 = arith.constant 0 : i32
        %dma_wait3A_270 = tpu.memref_slice %arg30[%dma_wait3A_268, %dma_wait3A_269] : memref<10240x64xf32, #tpu.memory_space<vmem_shared>> -> memref<10240x64xf32, #tpu.memory_space<vmem_shared>>
        tpu.wait_indirect_dma semaphore(%arg24 : memref<!tpu.dma_semaphore, #tpu.memory_space<semaphore_mem>>) src(%arg16 : memref<125x64xf32, #tpu.memory_space<vmem>>) dst(%dma_wait3A_270 : memref<10240x64xf32, #tpu.memory_space<vmem_shared>>)
        %dma_start3A_271 = arith.constant 0 : i32
        %dma_start3A_272 = tpu.memref_slice %arg12[%add3A_168, %dma_start3A_271] : memref<80x125xi32, #tpu.memory_space<vmem>> -> memref<1x125xi32, #tpu.memory_space<vmem>>
        %dma_start3A_273 = tpu.memref_squeeze %dma_start3A_272 : memref<1x125xi32, #tpu.memory_space<vmem>> -> memref<125xi32, #tpu.memory_space<vmem>>
        %dma_start3A_274 = arith.constant 0 : i32
        %dma_start3A_275 = arith.constant 0 : i32
        %dma_start3A_276 = tpu.memref_slice %arg29[%dma_start3A_274, %dma_start3A_275] : memref<2560x64xf32, #tpu.memory_space<vmem_shared>> -> memref<2560x64xf32, #tpu.memory_space<vmem_shared>>
        tpu.enqueue_indirect_dma source(%dma_start3A_276 : memref<2560x64xf32, #tpu.memory_space<vmem_shared>>) target(%arg16 : memref<125x64xf32, #tpu.memory_space<vmem>>) offsets(%dma_start3A_273 : memref<125xi32, #tpu.memory_space<vmem>>) semaphore(%arg20 : memref<!tpu.dma_semaphore, #tpu.memory_space<semaphore_mem>>)
      } else {
      }
      %dma_wait3A_174 = arith.constant 0 : i32
      %dma_wait3A_175 = tpu.memref_slice %arg12[%add3A_166, %dma_wait3A_174] : memref<80x125xi32, #tpu.memory_space<vmem>> -> memref<1x125xi32, #tpu.memory_space<vmem>>
      %dma_wait3A_176 = tpu.memref_squeeze %dma_wait3A_175 : memref<1x125xi32, #tpu.memory_space<vmem>> -> memref<125xi32, #tpu.memory_space<vmem>>
      %dma_wait3A_177 = arith.constant 0 : i32
      %dma_wait3A_178 = arith.constant 0 : i32
      %dma_wait3A_179 = tpu.memref_slice %arg29[%dma_wait3A_177, %dma_wait3A_178] : memref<2560x64xf32, #tpu.memory_space<vmem_shared>> -> memref<2560x64xf32, #tpu.memory_space<vmem_shared>>
      tpu.wait_indirect_dma semaphore(%arg18 : memref<!tpu.dma_semaphore, #tpu.memory_space<semaphore_mem>>) src(%dma_wait3A_179 : memref<2560x64xf32, #tpu.memory_space<vmem_shared>>) dst(%arg14 : memref<125x64xf32, #tpu.memory_space<vmem>>)
      %dma_start3A_180 = arith.constant 0 : i32
      %dma_start3A_181 = tpu.memref_slice %arg13[%add3A_166, %dma_start3A_180] : memref<80x125xi32, #tpu.memory_space<vmem>> -> memref<1x125xi32, #tpu.memory_space<vmem>>
      %dma_start3A_182 = tpu.memref_squeeze %dma_start3A_181 : memref<1x125xi32, #tpu.memory_space<vmem>> -> memref<125xi32, #tpu.memory_space<vmem>>
      %dma_start3A_183 = arith.constant 0 : i32
      %dma_start3A_184 = arith.constant 0 : i32
      %dma_start3A_185 = tpu.memref_slice %arg30[%dma_start3A_183, %dma_start3A_184] : memref<10240x64xf32, #tpu.memory_space<vmem_shared>> -> memref<10240x64xf32, #tpu.memory_space<vmem_shared>>
      tpu.enqueue_indirect_dma source(%arg14 : memref<125x64xf32, #tpu.memory_space<vmem>>) target(%dma_start3A_185 : memref<10240x64xf32, #tpu.memory_space<vmem_shared>>) offsets(%dma_start3A_182 : memref<125xi32, #tpu.memory_space<vmem>>) semaphore(%arg22 : memref<!tpu.dma_semaphore, #tpu.memory_space<semaphore_mem>>) {add = true}
      %mul3A_186 = arith.constant 4 : i32
      %mul3A_187 = arith.muli %mul3A_186, %scan3A_163 : i32
      %add3A_188 = arith.constant 1 : i32
      %add3A_189 = arith.addi %mul3A_187, %add3A_188 : i32
      %add3A_190 = arith.constant 2 : i32
      %add3A_191 = arith.addi %add3A_189, %add3A_190 : i32
      %ge3A_192 = arith.constant 4 : i32
      %ge3A_193 = arith.cmpi sge, %add3A_191, %ge3A_192 : i32
      %lt3A_194 = arith.constant 80 : i32
      %lt3A_195 = arith.cmpi slt, %add3A_191, %lt3A_194 : i32
      %and3A_196 = arith.andi %ge3A_193, %lt3A_195 : i1
      %convert_element_type3A_197 = arith.extui %and3A_196 : i1 to i32
      %cond3A_198 = arith.constant 0 : i32
      %cond3A_199 = arith.cmpi ne, %convert_element_type3A_197, %cond3A_198 : i32
      scf.if %cond3A_199 {
        %dma_wait3A_264 = arith.constant 0 : i32
        %dma_wait3A_265 = arith.constant 0 : i32
        %dma_wait3A_266 = tpu.memref_slice %arg13[%dma_wait3A_264, %dma_wait3A_265] : memref<80x125xi32, #tpu.memory_space<vmem>> -> memref<1x125xi32, #tpu.memory_space<vmem>>
        %dma_wait3A_267 = tpu.memref_squeeze %dma_wait3A_266 : memref<1x125xi32, #tpu.memory_space<vmem>> -> memref<125xi32, #tpu.memory_space<vmem>>
        %dma_wait3A_268 = arith.constant 0 : i32
        %dma_wait3A_269 = arith.constant 0 : i32
        %dma_wait3A_270 = tpu.memref_slice %arg30[%dma_wait3A_268, %dma_wait3A_269] : memref<10240x64xf32, #tpu.memory_space<vmem_shared>> -> memref<10240x64xf32, #tpu.memory_space<vmem_shared>>
        tpu.wait_indirect_dma semaphore(%arg25 : memref<!tpu.dma_semaphore, #tpu.memory_space<semaphore_mem>>) src(%arg17 : memref<125x64xf32, #tpu.memory_space<vmem>>) dst(%dma_wait3A_270 : memref<10240x64xf32, #tpu.memory_space<vmem_shared>>)
        %dma_start3A_271 = arith.constant 0 : i32
        %dma_start3A_272 = tpu.memref_slice %arg12[%add3A_191, %dma_start3A_271] : memref<80x125xi32, #tpu.memory_space<vmem>> -> memref<1x125xi32, #tpu.memory_space<vmem>>
        %dma_start3A_273 = tpu.memref_squeeze %dma_start3A_272 : memref<1x125xi32, #tpu.memory_space<vmem>> -> memref<125xi32, #tpu.memory_space<vmem>>
        %dma_start3A_274 = arith.constant 0 : i32
        %dma_start3A_275 = arith.constant 0 : i32
        %dma_start3A_276 = tpu.memref_slice %arg29[%dma_start3A_274, %dma_start3A_275] : memref<2560x64xf32, #tpu.memory_space<vmem_shared>> -> memref<2560x64xf32, #tpu.memory_space<vmem_shared>>
        tpu.enqueue_indirect_dma source(%dma_start3A_276 : memref<2560x64xf32, #tpu.memory_space<vmem_shared>>) target(%arg17 : memref<125x64xf32, #tpu.memory_space<vmem>>) offsets(%dma_start3A_273 : memref<125xi32, #tpu.memory_space<vmem>>) semaphore(%arg21 : memref<!tpu.dma_semaphore, #tpu.memory_space<semaphore_mem>>)
      } else {
      }
      %dma_wait3A_200 = arith.constant 0 : i32
      %dma_wait3A_201 = tpu.memref_slice %arg12[%add3A_189, %dma_wait3A_200] : memref<80x125xi32, #tpu.memory_space<vmem>> -> memref<1x125xi32, #tpu.memory_space<vmem>>
      %dma_wait3A_202 = tpu.memref_squeeze %dma_wait3A_201 : memref<1x125xi32, #tpu.memory_space<vmem>> -> memref<125xi32, #tpu.memory_space<vmem>>
      %dma_wait3A_203 = arith.constant 0 : i32
      %dma_wait3A_204 = arith.constant 0 : i32
      %dma_wait3A_205 = tpu.memref_slice %arg29[%dma_wait3A_203, %dma_wait3A_204] : memref<2560x64xf32, #tpu.memory_space<vmem_shared>> -> memref<2560x64xf32, #tpu.memory_space<vmem_shared>>
      tpu.wait_indirect_dma semaphore(%arg19 : memref<!tpu.dma_semaphore, #tpu.memory_space<semaphore_mem>>) src(%dma_wait3A_205 : memref<2560x64xf32, #tpu.memory_space<vmem_shared>>) dst(%arg15 : memref<125x64xf32, #tpu.memory_space<vmem>>)
      %dma_start3A_206 = arith.constant 0 : i32
      %dma_start3A_207 = tpu.memref_slice %arg13[%add3A_189, %dma_start3A_206] : memref<80x125xi32, #tpu.memory_space<vmem>> -> memref<1x125xi32, #tpu.memory_space<vmem>>
      %dma_start3A_208 = tpu.memref_squeeze %dma_start3A_207 : memref<1x125xi32, #tpu.memory_space<vmem>> -> memref<125xi32, #tpu.memory_space<vmem>>
      %dma_start3A_209 = arith.constant 0 : i32
      %dma_start3A_210 = arith.constant 0 : i32
      %dma_start3A_211 = tpu.memref_slice %arg30[%dma_start3A_209, %dma_start3A_210] : memref<10240x64xf32, #tpu.memory_space<vmem_shared>> -> memref<10240x64xf32, #tpu.memory_space<vmem_shared>>
      tpu.enqueue_indirect_dma source(%arg15 : memref<125x64xf32, #tpu.memory_space<vmem>>) target(%dma_start3A_211 : memref<10240x64xf32, #tpu.memory_space<vmem_shared>>) offsets(%dma_start3A_208 : memref<125xi32, #tpu.memory_space<vmem>>) semaphore(%arg23 : memref<!tpu.dma_semaphore, #tpu.memory_space<semaphore_mem>>) {add = true}
      %mul3A_212 = arith.constant 4 : i32
      %mul3A_213 = arith.muli %mul3A_212, %scan3A_163 : i32
      %add3A_214 = arith.constant 2 : i32
      %add3A_215 = arith.addi %mul3A_213, %add3A_214 : i32
      %add3A_216 = arith.constant 2 : i32
      %add3A_217 = arith.addi %add3A_215, %add3A_216 : i32
      %ge3A_218 = arith.constant 4 : i32
      %ge3A_219 = arith.cmpi sge, %add3A_217, %ge3A_218 : i32
      %lt3A_220 = arith.constant 80 : i32
      %lt3A_221 = arith.cmpi slt, %add3A_217, %lt3A_220 : i32
      %and3A_222 = arith.andi %ge3A_219, %lt3A_221 : i1
      %convert_element_type3A_223 = arith.extui %and3A_222 : i1 to i32
      %cond3A_224 = arith.constant 0 : i32
      %cond3A_225 = arith.cmpi ne, %convert_element_type3A_223, %cond3A_224 : i32
      scf.if %cond3A_225 {
        %dma_wait3A_264 = arith.constant 0 : i32
        %dma_wait3A_265 = arith.constant 0 : i32
        %dma_wait3A_266 = tpu.memref_slice %arg13[%dma_wait3A_264, %dma_wait3A_265] : memref<80x125xi32, #tpu.memory_space<vmem>> -> memref<1x125xi32, #tpu.memory_space<vmem>>
        %dma_wait3A_267 = tpu.memref_squeeze %dma_wait3A_266 : memref<1x125xi32, #tpu.memory_space<vmem>> -> memref<125xi32, #tpu.memory_space<vmem>>
        %dma_wait3A_268 = arith.constant 0 : i32
        %dma_wait3A_269 = arith.constant 0 : i32
        %dma_wait3A_270 = tpu.memref_slice %arg30[%dma_wait3A_268, %dma_wait3A_269] : memref<10240x64xf32, #tpu.memory_space<vmem_shared>> -> memref<10240x64xf32, #tpu.memory_space<vmem_shared>>
        tpu.wait_indirect_dma semaphore(%arg22 : memref<!tpu.dma_semaphore, #tpu.memory_space<semaphore_mem>>) src(%arg14 : memref<125x64xf32, #tpu.memory_space<vmem>>) dst(%dma_wait3A_270 : memref<10240x64xf32, #tpu.memory_space<vmem_shared>>)
        %dma_start3A_271 = arith.constant 0 : i32
        %dma_start3A_272 = tpu.memref_slice %arg12[%add3A_217, %dma_start3A_271] : memref<80x125xi32, #tpu.memory_space<vmem>> -> memref<1x125xi32, #tpu.memory_space<vmem>>
        %dma_start3A_273 = tpu.memref_squeeze %dma_start3A_272 : memref<1x125xi32, #tpu.memory_space<vmem>> -> memref<125xi32, #tpu.memory_space<vmem>>
        %dma_start3A_274 = arith.constant 0 : i32
        %dma_start3A_275 = arith.constant 0 : i32
        %dma_start3A_276 = tpu.memref_slice %arg29[%dma_start3A_274, %dma_start3A_275] : memref<2560x64xf32, #tpu.memory_space<vmem_shared>> -> memref<2560x64xf32, #tpu.memory_space<vmem_shared>>
        tpu.enqueue_indirect_dma source(%dma_start3A_276 : memref<2560x64xf32, #tpu.memory_space<vmem_shared>>) target(%arg14 : memref<125x64xf32, #tpu.memory_space<vmem>>) offsets(%dma_start3A_273 : memref<125xi32, #tpu.memory_space<vmem>>) semaphore(%arg18 : memref<!tpu.dma_semaphore, #tpu.memory_space<semaphore_mem>>)
      } else {
      }
      %dma_wait3A_226 = arith.constant 0 : i32
      %dma_wait3A_227 = tpu.memref_slice %arg12[%add3A_215, %dma_wait3A_226] : memref<80x125xi32, #tpu.memory_space<vmem>> -> memref<1x125xi32, #tpu.memory_space<vmem>>
      %dma_wait3A_228 = tpu.memref_squeeze %dma_wait3A_227 : memref<1x125xi32, #tpu.memory_space<vmem>> -> memref<125xi32, #tpu.memory_space<vmem>>
      %dma_wait3A_229 = arith.constant 0 : i32
      %dma_wait3A_230 = arith.constant 0 : i32
      %dma_wait3A_231 = tpu.memref_slice %arg29[%dma_wait3A_229, %dma_wait3A_230] : memref<2560x64xf32, #tpu.memory_space<vmem_shared>> -> memref<2560x64xf32, #tpu.memory_space<vmem_shared>>
      tpu.wait_indirect_dma semaphore(%arg20 : memref<!tpu.dma_semaphore, #tpu.memory_space<semaphore_mem>>) src(%dma_wait3A_231 : memref<2560x64xf32, #tpu.memory_space<vmem_shared>>) dst(%arg16 : memref<125x64xf32, #tpu.memory_space<vmem>>)
      %dma_start3A_232 = arith.constant 0 : i32
      %dma_start3A_233 = tpu.memref_slice %arg13[%add3A_215, %dma_start3A_232] : memref<80x125xi32, #tpu.memory_space<vmem>> -> memref<1x125xi32, #tpu.memory_space<vmem>>
      %dma_start3A_234 = tpu.memref_squeeze %dma_start3A_233 : memref<1x125xi32, #tpu.memory_space<vmem>> -> memref<125xi32, #tpu.memory_space<vmem>>
      %dma_start3A_235 = arith.constant 0 : i32
      %dma_start3A_236 = arith.constant 0 : i32
      %dma_start3A_237 = tpu.memref_slice %arg30[%dma_start3A_235, %dma_start3A_236] : memref<10240x64xf32, #tpu.memory_space<vmem_shared>> -> memref<10240x64xf32, #tpu.memory_space<vmem_shared>>
      tpu.enqueue_indirect_dma source(%arg16 : memref<125x64xf32, #tpu.memory_space<vmem>>) target(%dma_start3A_237 : memref<10240x64xf32, #tpu.memory_space<vmem_shared>>) offsets(%dma_start3A_234 : memref<125xi32, #tpu.memory_space<vmem>>) semaphore(%arg24 : memref<!tpu.dma_semaphore, #tpu.memory_space<semaphore_mem>>) {add = true}
      %mul3A_238 = arith.constant 4 : i32
      %mul3A_239 = arith.muli %mul3A_238, %scan3A_163 : i32
      %add3A_240 = arith.constant 3 : i32
      %add3A_241 = arith.addi %mul3A_239, %add3A_240 : i32
      %add3A_242 = arith.constant 2 : i32
      %add3A_243 = arith.addi %add3A_241, %add3A_242 : i32
      %ge3A_244 = arith.constant 4 : i32
      %ge3A_245 = arith.cmpi sge, %add3A_243, %ge3A_244 : i32
      %lt3A_246 = arith.constant 80 : i32
      %lt3A_247 = arith.cmpi slt, %add3A_243, %lt3A_246 : i32
      %and3A_248 = arith.andi %ge3A_245, %lt3A_247 : i1
      %convert_element_type3A_249 = arith.extui %and3A_248 : i1 to i32
      %cond3A_250 = arith.constant 0 : i32
      %cond3A_251 = arith.cmpi ne, %convert_element_type3A_249, %cond3A_250 : i32
      scf.if %cond3A_251 {
        %dma_wait3A_264 = arith.constant 0 : i32
        %dma_wait3A_265 = arith.constant 0 : i32
        %dma_wait3A_266 = tpu.memref_slice %arg13[%dma_wait3A_264, %dma_wait3A_265] : memref<80x125xi32, #tpu.memory_space<vmem>> -> memref<1x125xi32, #tpu.memory_space<vmem>>
        %dma_wait3A_267 = tpu.memref_squeeze %dma_wait3A_266 : memref<1x125xi32, #tpu.memory_space<vmem>> -> memref<125xi32, #tpu.memory_space<vmem>>
        %dma_wait3A_268 = arith.constant 0 : i32
        %dma_wait3A_269 = arith.constant 0 : i32
        %dma_wait3A_270 = tpu.memref_slice %arg30[%dma_wait3A_268, %dma_wait3A_269] : memref<10240x64xf32, #tpu.memory_space<vmem_shared>> -> memref<10240x64xf32, #tpu.memory_space<vmem_shared>>
        tpu.wait_indirect_dma semaphore(%arg23 : memref<!tpu.dma_semaphore, #tpu.memory_space<semaphore_mem>>) src(%arg15 : memref<125x64xf32, #tpu.memory_space<vmem>>) dst(%dma_wait3A_270 : memref<10240x64xf32, #tpu.memory_space<vmem_shared>>)
        %dma_start3A_271 = arith.constant 0 : i32
        %dma_start3A_272 = tpu.memref_slice %arg12[%add3A_243, %dma_start3A_271] : memref<80x125xi32, #tpu.memory_space<vmem>> -> memref<1x125xi32, #tpu.memory_space<vmem>>
        %dma_start3A_273 = tpu.memref_squeeze %dma_start3A_272 : memref<1x125xi32, #tpu.memory_space<vmem>> -> memref<125xi32, #tpu.memory_space<vmem>>
        %dma_start3A_274 = arith.constant 0 : i32
        %dma_start3A_275 = arith.constant 0 : i32
        %dma_start3A_276 = tpu.memref_slice %arg29[%dma_start3A_274, %dma_start3A_275] : memref<2560x64xf32, #tpu.memory_space<vmem_shared>> -> memref<2560x64xf32, #tpu.memory_space<vmem_shared>>
        tpu.enqueue_indirect_dma source(%dma_start3A_276 : memref<2560x64xf32, #tpu.memory_space<vmem_shared>>) target(%arg15 : memref<125x64xf32, #tpu.memory_space<vmem>>) offsets(%dma_start3A_273 : memref<125xi32, #tpu.memory_space<vmem>>) semaphore(%arg19 : memref<!tpu.dma_semaphore, #tpu.memory_space<semaphore_mem>>)
      } else {
      }
      %dma_wait3A_252 = arith.constant 0 : i32
      %dma_wait3A_253 = tpu.memref_slice %arg12[%add3A_241, %dma_wait3A_252] : memref<80x125xi32, #tpu.memory_space<vmem>> -> memref<1x125xi32, #tpu.memory_space<vmem>>
      %dma_wait3A_254 = tpu.memref_squeeze %dma_wait3A_253 : memref<1x125xi32, #tpu.memory_space<vmem>> -> memref<125xi32, #tpu.memory_space<vmem>>
      %dma_wait3A_255 = arith.constant 0 : i32
      %dma_wait3A_256 = arith.constant 0 : i32
      %dma_wait3A_257 = tpu.memref_slice %arg29[%dma_wait3A_255, %dma_wait3A_256] : memref<2560x64xf32, #tpu.memory_space<vmem_shared>> -> memref<2560x64xf32, #tpu.memory_space<vmem_shared>>
      tpu.wait_indirect_dma semaphore(%arg21 : memref<!tpu.dma_semaphore, #tpu.memory_space<semaphore_mem>>) src(%dma_wait3A_257 : memref<2560x64xf32, #tpu.memory_space<vmem_shared>>) dst(%arg17 : memref<125x64xf32, #tpu.memory_space<vmem>>)
      %dma_start3A_258 = arith.constant 0 : i32
      %dma_start3A_259 = tpu.memref_slice %arg13[%add3A_241, %dma_start3A_258] : memref<80x125xi32, #tpu.memory_space<vmem>> -> memref<1x125xi32, #tpu.memory_space<vmem>>
      %dma_start3A_260 = tpu.memref_squeeze %dma_start3A_259 : memref<1x125xi32, #tpu.memory_space<vmem>> -> memref<125xi32, #tpu.memory_space<vmem>>
      %dma_start3A_261 = arith.constant 0 : i32
      %dma_start3A_262 = arith.constant 0 : i32
      %dma_start3A_263 = tpu.memref_slice %arg30[%dma_start3A_261, %dma_start3A_262] : memref<10240x64xf32, #tpu.memory_space<vmem_shared>> -> memref<10240x64xf32, #tpu.memory_space<vmem_shared>>
      tpu.enqueue_indirect_dma source(%arg17 : memref<125x64xf32, #tpu.memory_space<vmem>>) target(%dma_start3A_263 : memref<10240x64xf32, #tpu.memory_space<vmem_shared>>) offsets(%dma_start3A_260 : memref<125xi32, #tpu.memory_space<vmem>>) semaphore(%arg25 : memref<!tpu.dma_semaphore, #tpu.memory_space<semaphore_mem>>) {add = true}
    }
    %scan3A_66 = arith.constant 20 : i32
    %dma_wait3A = arith.constant 0 : i32
    %dma_wait3A_67 = arith.constant 0 : i32
    %dma_wait3A_68 = tpu.memref_slice %arg13[%dma_wait3A, %dma_wait3A_67] : memref<80x125xi32, #tpu.memory_space<vmem>> -> memref<1x125xi32, #tpu.memory_space<vmem>>
    %dma_wait3A_69 = tpu.memref_squeeze %dma_wait3A_68 : memref<1x125xi32, #tpu.memory_space<vmem>> -> memref<125xi32, #tpu.memory_space<vmem>>
    %dma_wait3A_70 = arith.constant 0 : i32
    %dma_wait3A_71 = arith.constant 0 : i32
    %dma_wait3A_72 = tpu.memref_slice %arg30[%dma_wait3A_70, %dma_wait3A_71] : memref<10240x64xf32, #tpu.memory_space<vmem_shared>> -> memref<10240x64xf32, #tpu.memory_space<vmem_shared>>
    tpu.wait_indirect_dma semaphore(%arg22 : memref<!tpu.dma_semaphore, #tpu.memory_space<semaphore_mem>>) src(%arg14 : memref<125x64xf32, #tpu.memory_space<vmem>>) dst(%dma_wait3A_72 : memref<10240x64xf32, #tpu.memory_space<vmem_shared>>)
    %dma_wait3A_73 = arith.constant 0 : i32
    %dma_wait3A_74 = arith.constant 0 : i32
    %dma_wait3A_75 = tpu.memref_slice %arg13[%dma_wait3A_73, %dma_wait3A_74] : memref<80x125xi32, #tpu.memory_space<vmem>> -> memref<1x125xi32, #tpu.memory_space<vmem>>
    %dma_wait3A_76 = tpu.memref_squeeze %dma_wait3A_75 : memref<1x125xi32, #tpu.memory_space<vmem>> -> memref<125xi32, #tpu.memory_space<vmem>>
    %dma_wait3A_77 = arith.constant 0 : i32
    %dma_wait3A_78 = arith.constant 0 : i32
    %dma_wait3A_79 = tpu.memref_slice %arg30[%dma_wait3A_77, %dma_wait3A_78] : memref<10240x64xf32, #tpu.memory_space<vmem_shared>> -> memref<10240x64xf32, #tpu.memory_space<vmem_shared>>
    tpu.wait_indirect_dma semaphore(%arg23 : memref<!tpu.dma_semaphore, #tpu.memory_space<semaphore_mem>>) src(%arg15 : memref<125x64xf32, #tpu.memory_space<vmem>>) dst(%dma_wait3A_79 : memref<10240x64xf32, #tpu.memory_space<vmem_shared>>)
    %dma_wait3A_80 = arith.constant 0 : i32
    %dma_wait3A_81 = arith.constant 0 : i32
    %dma_wait3A_82 = tpu.memref_slice %arg13[%dma_wait3A_80, %dma_wait3A_81] : memref<80x125xi32, #tpu.memory_space<vmem>> -> memref<1x125xi32, #tpu.memory_space<vmem>>
    %dma_wait3A_83 = tpu.memref_squeeze %dma_wait3A_82 : memref<1x125xi32, #tpu.memory_space<vmem>> -> memref<125xi32, #tpu.memory_space<vmem>>
    %dma_wait3A_84 = arith.constant 0 : i32
    %dma_wait3A_85 = arith.constant 0 : i32
    %dma_wait3A_86 = tpu.memref_slice %arg30[%dma_wait3A_84, %dma_wait3A_85] : memref<10240x64xf32, #tpu.memory_space<vmem_shared>> -> memref<10240x64xf32, #tpu.memory_space<vmem_shared>>
    tpu.wait_indirect_dma semaphore(%arg24 : memref<!tpu.dma_semaphore, #tpu.memory_space<semaphore_mem>>) src(%arg16 : memref<125x64xf32, #tpu.memory_space<vmem>>) dst(%dma_wait3A_86 : memref<10240x64xf32, #tpu.memory_space<vmem_shared>>)
    %dma_wait3A_87 = arith.constant 0 : i32
    %dma_wait3A_88 = arith.constant 0 : i32
    %dma_wait3A_89 = tpu.memref_slice %arg13[%dma_wait3A_87, %dma_wait3A_88] : memref<80x125xi32, #tpu.memory_space<vmem>> -> memref<1x125xi32, #tpu.memory_space<vmem>>
    %dma_wait3A_90 = tpu.memref_squeeze %dma_wait3A_89 : memref<1x125xi32, #tpu.memory_space<vmem>> -> memref<125xi32, #tpu.memory_space<vmem>>
    %dma_wait3A_91 = arith.constant 0 : i32
    %dma_wait3A_92 = arith.constant 0 : i32
    %dma_wait3A_93 = tpu.memref_slice %arg30[%dma_wait3A_91, %dma_wait3A_92] : memref<10240x64xf32, #tpu.memory_space<vmem_shared>> -> memref<10240x64xf32, #tpu.memory_space<vmem_shared>>
    tpu.wait_indirect_dma semaphore(%arg25 : memref<!tpu.dma_semaphore, #tpu.memory_space<semaphore_mem>>) src(%arg17 : memref<125x64xf32, #tpu.memory_space<vmem>>) dst(%dma_wait3A_93 : memref<10240x64xf32, #tpu.memory_space<vmem_shared>>)
    %run_scoped3A_94 = arith.constant 1 : i32
    "tpu.region"() ({
      %run_scoped3A_163 = tpu.sem_alloc : memref<!tpu.dma_semaphore, #tpu.memory_space<semaphore_mem>>
      %dma_start3A_164 = arith.constant 0 : i32
      %dma_start3A_165 = arith.constant 0 : i32
      %dma_start3A_166 = tpu.memref_slice %arg5[%arg1, %run_scoped3A_94, %dma_start3A_164, %dma_start3A_165] : memref<16x2x80x125xi32, #tpu.memory_space<hbm>> -> memref<1x1x80x125xi32, #tpu.memory_space<hbm>>
      %dma_start3A_167 = tpu.memref_squeeze %dma_start3A_166 : memref<1x1x80x125xi32, #tpu.memory_space<hbm>> -> memref<80x125xi32, #tpu.memory_space<hbm>>
      %dma_start3A_168 = arith.constant 0 : i32
      %dma_start3A_169 = arith.constant 0 : i32
      %dma_start3A_170 = tpu.memref_slice %arg5[%arg1, %run_scoped3A_94, %dma_start3A_168, %dma_start3A_169] : memref<16x2x80x125xi32, #tpu.memory_space<hbm>> -> memref<1x1x80x125xi32, #tpu.memory_space<hbm>>
      %dma_start3A_171 = tpu.memref_squeeze %dma_start3A_170 : memref<1x1x80x125xi32, #tpu.memory_space<hbm>> -> memref<80x125xi32, #tpu.memory_space<hbm>>
      tpu.enqueue_dma source(%dma_start3A_171 : memref<80x125xi32, #tpu.memory_space<hbm>>) target(%arg12 : memref<80x125xi32, #tpu.memory_space<vmem>>) target_semaphore(%run_scoped3A_163 : memref<!tpu.dma_semaphore, #tpu.memory_space<semaphore_mem>>)
      %dma_wait3A_172 = arith.constant 0 : i32
      %dma_wait3A_173 = arith.constant 0 : i32
      %dma_wait3A_174 = tpu.memref_slice %arg5[%arg1, %run_scoped3A_94, %dma_wait3A_172, %dma_wait3A_173] : memref<16x2x80x125xi32, #tpu.memory_space<hbm>> -> memref<1x1x80x125xi32, #tpu.memory_space<hbm>>
      %dma_wait3A_175 = tpu.memref_squeeze %dma_wait3A_174 : memref<1x1x80x125xi32, #tpu.memory_space<hbm>> -> memref<80x125xi32, #tpu.memory_space<hbm>>
      %dma_wait3A_176 = arith.constant 0 : i32
      %dma_wait3A_177 = arith.constant 0 : i32
      %dma_wait3A_178 = tpu.memref_slice %arg5[%arg1, %run_scoped3A_94, %dma_wait3A_176, %dma_wait3A_177] : memref<16x2x80x125xi32, #tpu.memory_space<hbm>> -> memref<1x1x80x125xi32, #tpu.memory_space<hbm>>
      %dma_wait3A_179 = tpu.memref_squeeze %dma_wait3A_178 : memref<1x1x80x125xi32, #tpu.memory_space<hbm>> -> memref<80x125xi32, #tpu.memory_space<hbm>>
      tpu.wait_dma2 semaphore(%run_scoped3A_163 : memref<!tpu.dma_semaphore, #tpu.memory_space<semaphore_mem>>) src(%dma_wait3A_179 : memref<80x125xi32, #tpu.memory_space<hbm>>) dst(%arg12 : memref<80x125xi32, #tpu.memory_space<vmem>>)
      tpu.yield
    }) : () -> ()
    %run_scoped3A_95 = arith.constant 1 : i32
    "tpu.region"() ({
      %run_scoped3A_163 = tpu.sem_alloc : memref<!tpu.dma_semaphore, #tpu.memory_space<semaphore_mem>>
      %dma_start3A_164 = arith.constant 0 : i32
      %dma_start3A_165 = arith.constant 0 : i32
      %dma_start3A_166 = tpu.memref_slice %arg6[%arg1, %run_scoped3A_95, %dma_start3A_164, %dma_start3A_165] : memref<16x2x80x125xi32, #tpu.memory_space<hbm>> -> memref<1x1x80x125xi32, #tpu.memory_space<hbm>>
      %dma_start3A_167 = tpu.memref_squeeze %dma_start3A_166 : memref<1x1x80x125xi32, #tpu.memory_space<hbm>> -> memref<80x125xi32, #tpu.memory_space<hbm>>
      %dma_start3A_168 = arith.constant 0 : i32
      %dma_start3A_169 = arith.constant 0 : i32
      %dma_start3A_170 = tpu.memref_slice %arg6[%arg1, %run_scoped3A_95, %dma_start3A_168, %dma_start3A_169] : memref<16x2x80x125xi32, #tpu.memory_space<hbm>> -> memref<1x1x80x125xi32, #tpu.memory_space<hbm>>
      %dma_start3A_171 = tpu.memref_squeeze %dma_start3A_170 : memref<1x1x80x125xi32, #tpu.memory_space<hbm>> -> memref<80x125xi32, #tpu.memory_space<hbm>>
      tpu.enqueue_dma source(%dma_start3A_171 : memref<80x125xi32, #tpu.memory_space<hbm>>) target(%arg13 : memref<80x125xi32, #tpu.memory_space<vmem>>) target_semaphore(%run_scoped3A_163 : memref<!tpu.dma_semaphore, #tpu.memory_space<semaphore_mem>>)
      %dma_wait3A_172 = arith.constant 0 : i32
      %dma_wait3A_173 = arith.constant 0 : i32
      %dma_wait3A_174 = tpu.memref_slice %arg6[%arg1, %run_scoped3A_95, %dma_wait3A_172, %dma_wait3A_173] : memref<16x2x80x125xi32, #tpu.memory_space<hbm>> -> memref<1x1x80x125xi32, #tpu.memory_space<hbm>>
      %dma_wait3A_175 = tpu.memref_squeeze %dma_wait3A_174 : memref<1x1x80x125xi32, #tpu.memory_space<hbm>> -> memref<80x125xi32, #tpu.memory_space<hbm>>
      %dma_wait3A_176 = arith.constant 0 : i32
      %dma_wait3A_177 = arith.constant 0 : i32
      %dma_wait3A_178 = tpu.memref_slice %arg6[%arg1, %run_scoped3A_95, %dma_wait3A_176, %dma_wait3A_177] : memref<16x2x80x125xi32, #tpu.memory_space<hbm>> -> memref<1x1x80x125xi32, #tpu.memory_space<hbm>>
      %dma_wait3A_179 = tpu.memref_squeeze %dma_wait3A_178 : memref<1x1x80x125xi32, #tpu.memory_space<hbm>> -> memref<80x125xi32, #tpu.memory_space<hbm>>
      tpu.wait_dma2 semaphore(%run_scoped3A_163 : memref<!tpu.dma_semaphore, #tpu.memory_space<semaphore_mem>>) src(%dma_wait3A_179 : memref<80x125xi32, #tpu.memory_space<hbm>>) dst(%arg13 : memref<80x125xi32, #tpu.memory_space<vmem>>)
      tpu.yield
    }) : () -> ()
    %dma_start3A_96 = arith.constant 0 : i32
    %dma_start3A_97 = arith.constant 0 : i32
    %dma_start3A_98 = tpu.memref_slice %arg12[%dma_start3A_96, %dma_start3A_97] : memref<80x125xi32, #tpu.memory_space<vmem>> -> memref<1x125xi32, #tpu.memory_space<vmem>>
    %dma_start3A_99 = tpu.memref_squeeze %dma_start3A_98 : memref<1x125xi32, #tpu.memory_space<vmem>> -> memref<125xi32, #tpu.memory_space<vmem>>
    %dma_start3A_100 = arith.constant 0 : i32
    %dma_start3A_101 = arith.constant 0 : i32
    %dma_start3A_102 = tpu.memref_slice %arg29[%dma_start3A_100, %dma_start3A_101] : memref<2560x64xf32, #tpu.memory_space<vmem_shared>> -> memref<2560x64xf32, #tpu.memory_space<vmem_shared>>
    tpu.enqueue_indirect_dma source(%dma_start3A_102 : memref<2560x64xf32, #tpu.memory_space<vmem_shared>>) target(%arg14 : memref<125x64xf32, #tpu.memory_space<vmem>>) offsets(%dma_start3A_99 : memref<125xi32, #tpu.memory_space<vmem>>) semaphore(%arg18 : memref<!tpu.dma_semaphore, #tpu.memory_space<semaphore_mem>>)
    %dma_start3A_103 = arith.constant 1 : i32
    %dma_start3A_104 = arith.constant 0 : i32
    %dma_start3A_105 = tpu.memref_slice %arg12[%dma_start3A_103, %dma_start3A_104] : memref<80x125xi32, #tpu.memory_space<vmem>> -> memref<1x125xi32, #tpu.memory_space<vmem>>
    %dma_start3A_106 = tpu.memref_squeeze %dma_start3A_105 : memref<1x125xi32, #tpu.memory_space<vmem>> -> memref<125xi32, #tpu.memory_space<vmem>>
    %dma_start3A_107 = arith.constant 0 : i32
    %dma_start3A_108 = arith.constant 0 : i32
    %dma_start3A_109 = tpu.memref_slice %arg29[%dma_start3A_107, %dma_start3A_108] : memref<2560x64xf32, #tpu.memory_space<vmem_shared>> -> memref<2560x64xf32, #tpu.memory_space<vmem_shared>>
    tpu.enqueue_indirect_dma source(%dma_start3A_109 : memref<2560x64xf32, #tpu.memory_space<vmem_shared>>) target(%arg15 : memref<125x64xf32, #tpu.memory_space<vmem>>) offsets(%dma_start3A_106 : memref<125xi32, #tpu.memory_space<vmem>>) semaphore(%arg19 : memref<!tpu.dma_semaphore, #tpu.memory_space<semaphore_mem>>)
    %dma_start3A_110 = arith.constant 2 : i32
    %dma_start3A_111 = arith.constant 0 : i32
    %dma_start3A_112 = tpu.memref_slice %arg12[%dma_start3A_110, %dma_start3A_111] : memref<80x125xi32, #tpu.memory_space<vmem>> -> memref<1x125xi32, #tpu.memory_space<vmem>>
    %dma_start3A_113 = tpu.memref_squeeze %dma_start3A_112 : memref<1x125xi32, #tpu.memory_space<vmem>> -> memref<125xi32, #tpu.memory_space<vmem>>
    %dma_start3A_114 = arith.constant 0 : i32
    %dma_start3A_115 = arith.constant 0 : i32
    %dma_start3A_116 = tpu.memref_slice %arg29[%dma_start3A_114, %dma_start3A_115] : memref<2560x64xf32, #tpu.memory_space<vmem_shared>> -> memref<2560x64xf32, #tpu.memory_space<vmem_shared>>
    tpu.enqueue_indirect_dma source(%dma_start3A_116 : memref<2560x64xf32, #tpu.memory_space<vmem_shared>>) target(%arg16 : memref<125x64xf32, #tpu.memory_space<vmem>>) offsets(%dma_start3A_113 : memref<125xi32, #tpu.memory_space<vmem>>) semaphore(%arg20 : memref<!tpu.dma_semaphore, #tpu.memory_space<semaphore_mem>>)
    %dma_start3A_117 = arith.constant 3 : i32
    %dma_start3A_118 = arith.constant 0 : i32
    %dma_start3A_119 = tpu.memref_slice %arg12[%dma_start3A_117, %dma_start3A_118] : memref<80x125xi32, #tpu.memory_space<vmem>> -> memref<1x125xi32, #tpu.memory_space<vmem>>
    %dma_start3A_120 = tpu.memref_squeeze %dma_start3A_119 : memref<1x125xi32, #tpu.memory_space<vmem>> -> memref<125xi32, #tpu.memory_space<vmem>>
    %dma_start3A_121 = arith.constant 0 : i32
    %dma_start3A_122 = arith.constant 0 : i32
    %dma_start3A_123 = tpu.memref_slice %arg29[%dma_start3A_121, %dma_start3A_122] : memref<2560x64xf32, #tpu.memory_space<vmem_shared>> -> memref<2560x64xf32, #tpu.memory_space<vmem_shared>>
    tpu.enqueue_indirect_dma source(%dma_start3A_123 : memref<2560x64xf32, #tpu.memory_space<vmem_shared>>) target(%arg17 : memref<125x64xf32, #tpu.memory_space<vmem>>) offsets(%dma_start3A_120 : memref<125xi32, #tpu.memory_space<vmem>>) semaphore(%arg21 : memref<!tpu.dma_semaphore, #tpu.memory_space<semaphore_mem>>)
    %scan3A_124 = arith.constant 0 : i32
    %scan3A_125 = arith.constant 0 : i32
    %scan3A_126 = arith.constant 20 : i32
    %scan3A_127 = arith.addi %scan3A_125, %scan3A_126 : i32
    %scan3A_128 = arith.constant 1 : i32
    scf.for %scan3A_163 = %scan3A_125 to %scan3A_127 step %scan3A_128  : i32 {
      %mul3A_164 = arith.constant 4 : i32
      %mul3A_165 = arith.muli %mul3A_164, %scan3A_163 : i32
      %add3A = arith.constant 0 : i32
      %add3A_166 = arith.addi %mul3A_165, %add3A : i32
      %add3A_167 = arith.constant 2 : i32
      %add3A_168 = arith.addi %add3A_166, %add3A_167 : i32
      %ge3A = arith.constant 4 : i32
      %ge3A_169 = arith.cmpi sge, %add3A_168, %ge3A : i32
      %lt3A = arith.constant 80 : i32
      %lt3A_170 = arith.cmpi slt, %add3A_168, %lt3A : i32
      %and3A = arith.andi %ge3A_169, %lt3A_170 : i1
      %convert_element_type3A_171 = arith.extui %and3A : i1 to i32
      %cond3A_172 = arith.constant 0 : i32
      %cond3A_173 = arith.cmpi ne, %convert_element_type3A_171, %cond3A_172 : i32
      scf.if %cond3A_173 {
        %dma_wait3A_264 = arith.constant 0 : i32
        %dma_wait3A_265 = arith.constant 0 : i32
        %dma_wait3A_266 = tpu.memref_slice %arg13[%dma_wait3A_264, %dma_wait3A_265] : memref<80x125xi32, #tpu.memory_space<vmem>> -> memref<1x125xi32, #tpu.memory_space<vmem>>
        %dma_wait3A_267 = tpu.memref_squeeze %dma_wait3A_266 : memref<1x125xi32, #tpu.memory_space<vmem>> -> memref<125xi32, #tpu.memory_space<vmem>>
        %dma_wait3A_268 = arith.constant 0 : i32
        %dma_wait3A_269 = arith.constant 0 : i32
        %dma_wait3A_270 = tpu.memref_slice %arg30[%dma_wait3A_268, %dma_wait3A_269] : memref<10240x64xf32, #tpu.memory_space<vmem_shared>> -> memref<10240x64xf32, #tpu.memory_space<vmem_shared>>
        tpu.wait_indirect_dma semaphore(%arg24 : memref<!tpu.dma_semaphore, #tpu.memory_space<semaphore_mem>>) src(%arg16 : memref<125x64xf32, #tpu.memory_space<vmem>>) dst(%dma_wait3A_270 : memref<10240x64xf32, #tpu.memory_space<vmem_shared>>)
        %dma_start3A_271 = arith.constant 0 : i32
        %dma_start3A_272 = tpu.memref_slice %arg12[%add3A_168, %dma_start3A_271] : memref<80x125xi32, #tpu.memory_space<vmem>> -> memref<1x125xi32, #tpu.memory_space<vmem>>
        %dma_start3A_273 = tpu.memref_squeeze %dma_start3A_272 : memref<1x125xi32, #tpu.memory_space<vmem>> -> memref<125xi32, #tpu.memory_space<vmem>>
        %dma_start3A_274 = arith.constant 0 : i32
        %dma_start3A_275 = arith.constant 0 : i32
        %dma_start3A_276 = tpu.memref_slice %arg29[%dma_start3A_274, %dma_start3A_275] : memref<2560x64xf32, #tpu.memory_space<vmem_shared>> -> memref<2560x64xf32, #tpu.memory_space<vmem_shared>>
        tpu.enqueue_indirect_dma source(%dma_start3A_276 : memref<2560x64xf32, #tpu.memory_space<vmem_shared>>) target(%arg16 : memref<125x64xf32, #tpu.memory_space<vmem>>) offsets(%dma_start3A_273 : memref<125xi32, #tpu.memory_space<vmem>>) semaphore(%arg20 : memref<!tpu.dma_semaphore, #tpu.memory_space<semaphore_mem>>)
      } else {
      }
      %dma_wait3A_174 = arith.constant 0 : i32
      %dma_wait3A_175 = tpu.memref_slice %arg12[%add3A_166, %dma_wait3A_174] : memref<80x125xi32, #tpu.memory_space<vmem>> -> memref<1x125xi32, #tpu.memory_space<vmem>>
      %dma_wait3A_176 = tpu.memref_squeeze %dma_wait3A_175 : memref<1x125xi32, #tpu.memory_space<vmem>> -> memref<125xi32, #tpu.memory_space<vmem>>
      %dma_wait3A_177 = arith.constant 0 : i32
      %dma_wait3A_178 = arith.constant 0 : i32
      %dma_wait3A_179 = tpu.memref_slice %arg29[%dma_wait3A_177, %dma_wait3A_178] : memref<2560x64xf32, #tpu.memory_space<vmem_shared>> -> memref<2560x64xf32, #tpu.memory_space<vmem_shared>>
      tpu.wait_indirect_dma semaphore(%arg18 : memref<!tpu.dma_semaphore, #tpu.memory_space<semaphore_mem>>) src(%dma_wait3A_179 : memref<2560x64xf32, #tpu.memory_space<vmem_shared>>) dst(%arg14 : memref<125x64xf32, #tpu.memory_space<vmem>>)
      %dma_start3A_180 = arith.constant 0 : i32
      %dma_start3A_181 = tpu.memref_slice %arg13[%add3A_166, %dma_start3A_180] : memref<80x125xi32, #tpu.memory_space<vmem>> -> memref<1x125xi32, #tpu.memory_space<vmem>>
      %dma_start3A_182 = tpu.memref_squeeze %dma_start3A_181 : memref<1x125xi32, #tpu.memory_space<vmem>> -> memref<125xi32, #tpu.memory_space<vmem>>
      %dma_start3A_183 = arith.constant 0 : i32
      %dma_start3A_184 = arith.constant 0 : i32
      %dma_start3A_185 = tpu.memref_slice %arg30[%dma_start3A_183, %dma_start3A_184] : memref<10240x64xf32, #tpu.memory_space<vmem_shared>> -> memref<10240x64xf32, #tpu.memory_space<vmem_shared>>
      tpu.enqueue_indirect_dma source(%arg14 : memref<125x64xf32, #tpu.memory_space<vmem>>) target(%dma_start3A_185 : memref<10240x64xf32, #tpu.memory_space<vmem_shared>>) offsets(%dma_start3A_182 : memref<125xi32, #tpu.memory_space<vmem>>) semaphore(%arg22 : memref<!tpu.dma_semaphore, #tpu.memory_space<semaphore_mem>>) {add = true}
      %mul3A_186 = arith.constant 4 : i32
      %mul3A_187 = arith.muli %mul3A_186, %scan3A_163 : i32
      %add3A_188 = arith.constant 1 : i32
      %add3A_189 = arith.addi %mul3A_187, %add3A_188 : i32
      %add3A_190 = arith.constant 2 : i32
      %add3A_191 = arith.addi %add3A_189, %add3A_190 : i32
      %ge3A_192 = arith.constant 4 : i32
      %ge3A_193 = arith.cmpi sge, %add3A_191, %ge3A_192 : i32
      %lt3A_194 = arith.constant 80 : i32
      %lt3A_195 = arith.cmpi slt, %add3A_191, %lt3A_194 : i32
      %and3A_196 = arith.andi %ge3A_193, %lt3A_195 : i1
      %convert_element_type3A_197 = arith.extui %and3A_196 : i1 to i32
      %cond3A_198 = arith.constant 0 : i32
      %cond3A_199 = arith.cmpi ne, %convert_element_type3A_197, %cond3A_198 : i32
      scf.if %cond3A_199 {
        %dma_wait3A_264 = arith.constant 0 : i32
        %dma_wait3A_265 = arith.constant 0 : i32
        %dma_wait3A_266 = tpu.memref_slice %arg13[%dma_wait3A_264, %dma_wait3A_265] : memref<80x125xi32, #tpu.memory_space<vmem>> -> memref<1x125xi32, #tpu.memory_space<vmem>>
        %dma_wait3A_267 = tpu.memref_squeeze %dma_wait3A_266 : memref<1x125xi32, #tpu.memory_space<vmem>> -> memref<125xi32, #tpu.memory_space<vmem>>
        %dma_wait3A_268 = arith.constant 0 : i32
        %dma_wait3A_269 = arith.constant 0 : i32
        %dma_wait3A_270 = tpu.memref_slice %arg30[%dma_wait3A_268, %dma_wait3A_269] : memref<10240x64xf32, #tpu.memory_space<vmem_shared>> -> memref<10240x64xf32, #tpu.memory_space<vmem_shared>>
        tpu.wait_indirect_dma semaphore(%arg25 : memref<!tpu.dma_semaphore, #tpu.memory_space<semaphore_mem>>) src(%arg17 : memref<125x64xf32, #tpu.memory_space<vmem>>) dst(%dma_wait3A_270 : memref<10240x64xf32, #tpu.memory_space<vmem_shared>>)
        %dma_start3A_271 = arith.constant 0 : i32
        %dma_start3A_272 = tpu.memref_slice %arg12[%add3A_191, %dma_start3A_271] : memref<80x125xi32, #tpu.memory_space<vmem>> -> memref<1x125xi32, #tpu.memory_space<vmem>>
        %dma_start3A_273 = tpu.memref_squeeze %dma_start3A_272 : memref<1x125xi32, #tpu.memory_space<vmem>> -> memref<125xi32, #tpu.memory_space<vmem>>
        %dma_start3A_274 = arith.constant 0 : i32
        %dma_start3A_275 = arith.constant 0 : i32
        %dma_start3A_276 = tpu.memref_slice %arg29[%dma_start3A_274, %dma_start3A_275] : memref<2560x64xf32, #tpu.memory_space<vmem_shared>> -> memref<2560x64xf32, #tpu.memory_space<vmem_shared>>
        tpu.enqueue_indirect_dma source(%dma_start3A_276 : memref<2560x64xf32, #tpu.memory_space<vmem_shared>>) target(%arg17 : memref<125x64xf32, #tpu.memory_space<vmem>>) offsets(%dma_start3A_273 : memref<125xi32, #tpu.memory_space<vmem>>) semaphore(%arg21 : memref<!tpu.dma_semaphore, #tpu.memory_space<semaphore_mem>>)
      } else {
      }
      %dma_wait3A_200 = arith.constant 0 : i32
      %dma_wait3A_201 = tpu.memref_slice %arg12[%add3A_189, %dma_wait3A_200] : memref<80x125xi32, #tpu.memory_space<vmem>> -> memref<1x125xi32, #tpu.memory_space<vmem>>
      %dma_wait3A_202 = tpu.memref_squeeze %dma_wait3A_201 : memref<1x125xi32, #tpu.memory_space<vmem>> -> memref<125xi32, #tpu.memory_space<vmem>>
      %dma_wait3A_203 = arith.constant 0 : i32
      %dma_wait3A_204 = arith.constant 0 : i32
      %dma_wait3A_205 = tpu.memref_slice %arg29[%dma_wait3A_203, %dma_wait3A_204] : memref<2560x64xf32, #tpu.memory_space<vmem_shared>> -> memref<2560x64xf32, #tpu.memory_space<vmem_shared>>
      tpu.wait_indirect_dma semaphore(%arg19 : memref<!tpu.dma_semaphore, #tpu.memory_space<semaphore_mem>>) src(%dma_wait3A_205 : memref<2560x64xf32, #tpu.memory_space<vmem_shared>>) dst(%arg15 : memref<125x64xf32, #tpu.memory_space<vmem>>)
      %dma_start3A_206 = arith.constant 0 : i32
      %dma_start3A_207 = tpu.memref_slice %arg13[%add3A_189, %dma_start3A_206] : memref<80x125xi32, #tpu.memory_space<vmem>> -> memref<1x125xi32, #tpu.memory_space<vmem>>
      %dma_start3A_208 = tpu.memref_squeeze %dma_start3A_207 : memref<1x125xi32, #tpu.memory_space<vmem>> -> memref<125xi32, #tpu.memory_space<vmem>>
      %dma_start3A_209 = arith.constant 0 : i32
      %dma_start3A_210 = arith.constant 0 : i32
      %dma_start3A_211 = tpu.memref_slice %arg30[%dma_start3A_209, %dma_start3A_210] : memref<10240x64xf32, #tpu.memory_space<vmem_shared>> -> memref<10240x64xf32, #tpu.memory_space<vmem_shared>>
      tpu.enqueue_indirect_dma source(%arg15 : memref<125x64xf32, #tpu.memory_space<vmem>>) target(%dma_start3A_211 : memref<10240x64xf32, #tpu.memory_space<vmem_shared>>) offsets(%dma_start3A_208 : memref<125xi32, #tpu.memory_space<vmem>>) semaphore(%arg23 : memref<!tpu.dma_semaphore, #tpu.memory_space<semaphore_mem>>) {add = true}
      %mul3A_212 = arith.constant 4 : i32
      %mul3A_213 = arith.muli %mul3A_212, %scan3A_163 : i32
      %add3A_214 = arith.constant 2 : i32
      %add3A_215 = arith.addi %mul3A_213, %add3A_214 : i32
      %add3A_216 = arith.constant 2 : i32
      %add3A_217 = arith.addi %add3A_215, %add3A_216 : i32
      %ge3A_218 = arith.constant 4 : i32
      %ge3A_219 = arith.cmpi sge, %add3A_217, %ge3A_218 : i32
      %lt3A_220 = arith.constant 80 : i32
      %lt3A_221 = arith.cmpi slt, %add3A_217, %lt3A_220 : i32
      %and3A_222 = arith.andi %ge3A_219, %lt3A_221 : i1
      %convert_element_type3A_223 = arith.extui %and3A_222 : i1 to i32
      %cond3A_224 = arith.constant 0 : i32
      %cond3A_225 = arith.cmpi ne, %convert_element_type3A_223, %cond3A_224 : i32
      scf.if %cond3A_225 {
        %dma_wait3A_264 = arith.constant 0 : i32
        %dma_wait3A_265 = arith.constant 0 : i32
        %dma_wait3A_266 = tpu.memref_slice %arg13[%dma_wait3A_264, %dma_wait3A_265] : memref<80x125xi32, #tpu.memory_space<vmem>> -> memref<1x125xi32, #tpu.memory_space<vmem>>
        %dma_wait3A_267 = tpu.memref_squeeze %dma_wait3A_266 : memref<1x125xi32, #tpu.memory_space<vmem>> -> memref<125xi32, #tpu.memory_space<vmem>>
        %dma_wait3A_268 = arith.constant 0 : i32
        %dma_wait3A_269 = arith.constant 0 : i32
        %dma_wait3A_270 = tpu.memref_slice %arg30[%dma_wait3A_268, %dma_wait3A_269] : memref<10240x64xf32, #tpu.memory_space<vmem_shared>> -> memref<10240x64xf32, #tpu.memory_space<vmem_shared>>
        tpu.wait_indirect_dma semaphore(%arg22 : memref<!tpu.dma_semaphore, #tpu.memory_space<semaphore_mem>>) src(%arg14 : memref<125x64xf32, #tpu.memory_space<vmem>>) dst(%dma_wait3A_270 : memref<10240x64xf32, #tpu.memory_space<vmem_shared>>)
        %dma_start3A_271 = arith.constant 0 : i32
        %dma_start3A_272 = tpu.memref_slice %arg12[%add3A_217, %dma_start3A_271] : memref<80x125xi32, #tpu.memory_space<vmem>> -> memref<1x125xi32, #tpu.memory_space<vmem>>
        %dma_start3A_273 = tpu.memref_squeeze %dma_start3A_272 : memref<1x125xi32, #tpu.memory_space<vmem>> -> memref<125xi32, #tpu.memory_space<vmem>>
        %dma_start3A_274 = arith.constant 0 : i32
        %dma_start3A_275 = arith.constant 0 : i32
        %dma_start3A_276 = tpu.memref_slice %arg29[%dma_start3A_274, %dma_start3A_275] : memref<2560x64xf32, #tpu.memory_space<vmem_shared>> -> memref<2560x64xf32, #tpu.memory_space<vmem_shared>>
        tpu.enqueue_indirect_dma source(%dma_start3A_276 : memref<2560x64xf32, #tpu.memory_space<vmem_shared>>) target(%arg14 : memref<125x64xf32, #tpu.memory_space<vmem>>) offsets(%dma_start3A_273 : memref<125xi32, #tpu.memory_space<vmem>>) semaphore(%arg18 : memref<!tpu.dma_semaphore, #tpu.memory_space<semaphore_mem>>)
      } else {
      }
      %dma_wait3A_226 = arith.constant 0 : i32
      %dma_wait3A_227 = tpu.memref_slice %arg12[%add3A_215, %dma_wait3A_226] : memref<80x125xi32, #tpu.memory_space<vmem>> -> memref<1x125xi32, #tpu.memory_space<vmem>>
      %dma_wait3A_228 = tpu.memref_squeeze %dma_wait3A_227 : memref<1x125xi32, #tpu.memory_space<vmem>> -> memref<125xi32, #tpu.memory_space<vmem>>
      %dma_wait3A_229 = arith.constant 0 : i32
      %dma_wait3A_230 = arith.constant 0 : i32
      %dma_wait3A_231 = tpu.memref_slice %arg29[%dma_wait3A_229, %dma_wait3A_230] : memref<2560x64xf32, #tpu.memory_space<vmem_shared>> -> memref<2560x64xf32, #tpu.memory_space<vmem_shared>>
      tpu.wait_indirect_dma semaphore(%arg20 : memref<!tpu.dma_semaphore, #tpu.memory_space<semaphore_mem>>) src(%dma_wait3A_231 : memref<2560x64xf32, #tpu.memory_space<vmem_shared>>) dst(%arg16 : memref<125x64xf32, #tpu.memory_space<vmem>>)
      %dma_start3A_232 = arith.constant 0 : i32
      %dma_start3A_233 = tpu.memref_slice %arg13[%add3A_215, %dma_start3A_232] : memref<80x125xi32, #tpu.memory_space<vmem>> -> memref<1x125xi32, #tpu.memory_space<vmem>>
      %dma_start3A_234 = tpu.memref_squeeze %dma_start3A_233 : memref<1x125xi32, #tpu.memory_space<vmem>> -> memref<125xi32, #tpu.memory_space<vmem>>
      %dma_start3A_235 = arith.constant 0 : i32
      %dma_start3A_236 = arith.constant 0 : i32
      %dma_start3A_237 = tpu.memref_slice %arg30[%dma_start3A_235, %dma_start3A_236] : memref<10240x64xf32, #tpu.memory_space<vmem_shared>> -> memref<10240x64xf32, #tpu.memory_space<vmem_shared>>
      tpu.enqueue_indirect_dma source(%arg16 : memref<125x64xf32, #tpu.memory_space<vmem>>) target(%dma_start3A_237 : memref<10240x64xf32, #tpu.memory_space<vmem_shared>>) offsets(%dma_start3A_234 : memref<125xi32, #tpu.memory_space<vmem>>) semaphore(%arg24 : memref<!tpu.dma_semaphore, #tpu.memory_space<semaphore_mem>>) {add = true}
      %mul3A_238 = arith.constant 4 : i32
      %mul3A_239 = arith.muli %mul3A_238, %scan3A_163 : i32
      %add3A_240 = arith.constant 3 : i32
      %add3A_241 = arith.addi %mul3A_239, %add3A_240 : i32
      %add3A_242 = arith.constant 2 : i32
      %add3A_243 = arith.addi %add3A_241, %add3A_242 : i32
      %ge3A_244 = arith.constant 4 : i32
      %ge3A_245 = arith.cmpi sge, %add3A_243, %ge3A_244 : i32
      %lt3A_246 = arith.constant 80 : i32
      %lt3A_247 = arith.cmpi slt, %add3A_243, %lt3A_246 : i32
      %and3A_248 = arith.andi %ge3A_245, %lt3A_247 : i1
      %convert_element_type3A_249 = arith.extui %and3A_248 : i1 to i32
      %cond3A_250 = arith.constant 0 : i32
      %cond3A_251 = arith.cmpi ne, %convert_element_type3A_249, %cond3A_250 : i32
      scf.if %cond3A_251 {
        %dma_wait3A_264 = arith.constant 0 : i32
        %dma_wait3A_265 = arith.constant 0 : i32
        %dma_wait3A_266 = tpu.memref_slice %arg13[%dma_wait3A_264, %dma_wait3A_265] : memref<80x125xi32, #tpu.memory_space<vmem>> -> memref<1x125xi32, #tpu.memory_space<vmem>>
        %dma_wait3A_267 = tpu.memref_squeeze %dma_wait3A_266 : memref<1x125xi32, #tpu.memory_space<vmem>> -> memref<125xi32, #tpu.memory_space<vmem>>
        %dma_wait3A_268 = arith.constant 0 : i32
        %dma_wait3A_269 = arith.constant 0 : i32
        %dma_wait3A_270 = tpu.memref_slice %arg30[%dma_wait3A_268, %dma_wait3A_269] : memref<10240x64xf32, #tpu.memory_space<vmem_shared>> -> memref<10240x64xf32, #tpu.memory_space<vmem_shared>>
        tpu.wait_indirect_dma semaphore(%arg23 : memref<!tpu.dma_semaphore, #tpu.memory_space<semaphore_mem>>) src(%arg15 : memref<125x64xf32, #tpu.memory_space<vmem>>) dst(%dma_wait3A_270 : memref<10240x64xf32, #tpu.memory_space<vmem_shared>>)
        %dma_start3A_271 = arith.constant 0 : i32
        %dma_start3A_272 = tpu.memref_slice %arg12[%add3A_243, %dma_start3A_271] : memref<80x125xi32, #tpu.memory_space<vmem>> -> memref<1x125xi32, #tpu.memory_space<vmem>>
        %dma_start3A_273 = tpu.memref_squeeze %dma_start3A_272 : memref<1x125xi32, #tpu.memory_space<vmem>> -> memref<125xi32, #tpu.memory_space<vmem>>
        %dma_start3A_274 = arith.constant 0 : i32
        %dma_start3A_275 = arith.constant 0 : i32
        %dma_start3A_276 = tpu.memref_slice %arg29[%dma_start3A_274, %dma_start3A_275] : memref<2560x64xf32, #tpu.memory_space<vmem_shared>> -> memref<2560x64xf32, #tpu.memory_space<vmem_shared>>
        tpu.enqueue_indirect_dma source(%dma_start3A_276 : memref<2560x64xf32, #tpu.memory_space<vmem_shared>>) target(%arg15 : memref<125x64xf32, #tpu.memory_space<vmem>>) offsets(%dma_start3A_273 : memref<125xi32, #tpu.memory_space<vmem>>) semaphore(%arg19 : memref<!tpu.dma_semaphore, #tpu.memory_space<semaphore_mem>>)
      } else {
      }
      %dma_wait3A_252 = arith.constant 0 : i32
      %dma_wait3A_253 = tpu.memref_slice %arg12[%add3A_241, %dma_wait3A_252] : memref<80x125xi32, #tpu.memory_space<vmem>> -> memref<1x125xi32, #tpu.memory_space<vmem>>
      %dma_wait3A_254 = tpu.memref_squeeze %dma_wait3A_253 : memref<1x125xi32, #tpu.memory_space<vmem>> -> memref<125xi32, #tpu.memory_space<vmem>>
      %dma_wait3A_255 = arith.constant 0 : i32
      %dma_wait3A_256 = arith.constant 0 : i32
      %dma_wait3A_257 = tpu.memref_slice %arg29[%dma_wait3A_255, %dma_wait3A_256] : memref<2560x64xf32, #tpu.memory_space<vmem_shared>> -> memref<2560x64xf32, #tpu.memory_space<vmem_shared>>
      tpu.wait_indirect_dma semaphore(%arg21 : memref<!tpu.dma_semaphore, #tpu.memory_space<semaphore_mem>>) src(%dma_wait3A_257 : memref<2560x64xf32, #tpu.memory_space<vmem_shared>>) dst(%arg17 : memref<125x64xf32, #tpu.memory_space<vmem>>)
      %dma_start3A_258 = arith.constant 0 : i32
      %dma_start3A_259 = tpu.memref_slice %arg13[%add3A_241, %dma_start3A_258] : memref<80x125xi32, #tpu.memory_space<vmem>> -> memref<1x125xi32, #tpu.memory_space<vmem>>
      %dma_start3A_260 = tpu.memref_squeeze %dma_start3A_259 : memref<1x125xi32, #tpu.memory_space<vmem>> -> memref<125xi32, #tpu.memory_space<vmem>>
      %dma_start3A_261 = arith.constant 0 : i32
      %dma_start3A_262 = arith.constant 0 : i32
      %dma_start3A_263 = tpu.memref_slice %arg30[%dma_start3A_261, %dma_start3A_262] : memref<10240x64xf32, #tpu.memory_space<vmem_shared>> -> memref<10240x64xf32, #tpu.memory_space<vmem_shared>>
      tpu.enqueue_indirect_dma source(%arg17 : memref<125x64xf32, #tpu.memory_space<vmem>>) target(%dma_start3A_263 : memref<10240x64xf32, #tpu.memory_space<vmem_shared>>) offsets(%dma_start3A_260 : memref<125xi32, #tpu.memory_space<vmem>>) semaphore(%arg25 : memref<!tpu.dma_semaphore, #tpu.memory_space<semaphore_mem>>) {add = true}
    }
    %scan3A_129 = arith.constant 20 : i32
    %dma_wait3A_130 = arith.constant 0 : i32
    %dma_wait3A_131 = arith.constant 0 : i32
    %dma_wait3A_132 = tpu.memref_slice %arg13[%dma_wait3A_130, %dma_wait3A_131] : memref<80x125xi32, #tpu.memory_space<vmem>> -> memref<1x125xi32, #tpu.memory_space<vmem>>
    %dma_wait3A_133 = tpu.memref_squeeze %dma_wait3A_132 : memref<1x125xi32, #tpu.memory_space<vmem>> -> memref<125xi32, #tpu.memory_space<vmem>>
    %dma_wait3A_134 = arith.constant 0 : i32
    %dma_wait3A_135 = arith.constant 0 : i32
    %dma_wait3A_136 = tpu.memref_slice %arg30[%dma_wait3A_134, %dma_wait3A_135] : memref<10240x64xf32, #tpu.memory_space<vmem_shared>> -> memref<10240x64xf32, #tpu.memory_space<vmem_shared>>
    tpu.wait_indirect_dma semaphore(%arg22 : memref<!tpu.dma_semaphore, #tpu.memory_space<semaphore_mem>>) src(%arg14 : memref<125x64xf32, #tpu.memory_space<vmem>>) dst(%dma_wait3A_136 : memref<10240x64xf32, #tpu.memory_space<vmem_shared>>)
    %dma_wait3A_137 = arith.constant 0 : i32
    %dma_wait3A_138 = arith.constant 0 : i32
    %dma_wait3A_139 = tpu.memref_slice %arg13[%dma_wait3A_137, %dma_wait3A_138] : memref<80x125xi32, #tpu.memory_space<vmem>> -> memref<1x125xi32, #tpu.memory_space<vmem>>
    %dma_wait3A_140 = tpu.memref_squeeze %dma_wait3A_139 : memref<1x125xi32, #tpu.memory_space<vmem>> -> memref<125xi32, #tpu.memory_space<vmem>>
    %dma_wait3A_141 = arith.constant 0 : i32
    %dma_wait3A_142 = arith.constant 0 : i32
    %dma_wait3A_143 = tpu.memref_slice %arg30[%dma_wait3A_141, %dma_wait3A_142] : memref<10240x64xf32, #tpu.memory_space<vmem_shared>> -> memref<10240x64xf32, #tpu.memory_space<vmem_shared>>
    tpu.wait_indirect_dma semaphore(%arg23 : memref<!tpu.dma_semaphore, #tpu.memory_space<semaphore_mem>>) src(%arg15 : memref<125x64xf32, #tpu.memory_space<vmem>>) dst(%dma_wait3A_143 : memref<10240x64xf32, #tpu.memory_space<vmem_shared>>)
    %dma_wait3A_144 = arith.constant 0 : i32
    %dma_wait3A_145 = arith.constant 0 : i32
    %dma_wait3A_146 = tpu.memref_slice %arg13[%dma_wait3A_144, %dma_wait3A_145] : memref<80x125xi32, #tpu.memory_space<vmem>> -> memref<1x125xi32, #tpu.memory_space<vmem>>
    %dma_wait3A_147 = tpu.memref_squeeze %dma_wait3A_146 : memref<1x125xi32, #tpu.memory_space<vmem>> -> memref<125xi32, #tpu.memory_space<vmem>>
    %dma_wait3A_148 = arith.constant 0 : i32
    %dma_wait3A_149 = arith.constant 0 : i32
    %dma_wait3A_150 = tpu.memref_slice %arg30[%dma_wait3A_148, %dma_wait3A_149] : memref<10240x64xf32, #tpu.memory_space<vmem_shared>> -> memref<10240x64xf32, #tpu.memory_space<vmem_shared>>
    tpu.wait_indirect_dma semaphore(%arg24 : memref<!tpu.dma_semaphore, #tpu.memory_space<semaphore_mem>>) src(%arg16 : memref<125x64xf32, #tpu.memory_space<vmem>>) dst(%dma_wait3A_150 : memref<10240x64xf32, #tpu.memory_space<vmem_shared>>)
    %dma_wait3A_151 = arith.constant 0 : i32
    %dma_wait3A_152 = arith.constant 0 : i32
    %dma_wait3A_153 = tpu.memref_slice %arg13[%dma_wait3A_151, %dma_wait3A_152] : memref<80x125xi32, #tpu.memory_space<vmem>> -> memref<1x125xi32, #tpu.memory_space<vmem>>
    %dma_wait3A_154 = tpu.memref_squeeze %dma_wait3A_153 : memref<1x125xi32, #tpu.memory_space<vmem>> -> memref<125xi32, #tpu.memory_space<vmem>>
    %dma_wait3A_155 = arith.constant 0 : i32
    %dma_wait3A_156 = arith.constant 0 : i32
    %dma_wait3A_157 = tpu.memref_slice %arg30[%dma_wait3A_155, %dma_wait3A_156] : memref<10240x64xf32, #tpu.memory_space<vmem_shared>> -> memref<10240x64xf32, #tpu.memory_space<vmem_shared>>
    tpu.wait_indirect_dma semaphore(%arg25 : memref<!tpu.dma_semaphore, #tpu.memory_space<semaphore_mem>>) src(%arg17 : memref<125x64xf32, #tpu.memory_space<vmem>>) dst(%dma_wait3A_157 : memref<10240x64xf32, #tpu.memory_space<vmem_shared>>)
    %barrier3A_158 = arith.constant 0 : index
    tpu.barrier barrier_id(%barrier3A_158)
    %mul3A_159 = arith.constant 640 : i32
    %mul3A_160 = arith.muli %arg1, %mul3A_159 : i32
    %mul3A_161 = arith.constant 640 : i32
    %mul3A_162 = arith.muli %arg1, %mul3A_161 : i32
    "tpu.region"() ({
      %run_scoped3A_163 = tpu.sem_alloc : memref<!tpu.dma_semaphore, #tpu.memory_space<semaphore_mem>>
      %dma_start3A_164 = arith.constant 0 : i32
      %dma_start3A_165 = tpu.memref_slice %arg11[%arg0, %mul3A_162, %dma_start3A_164] : memref<2x10240x64xf32, #tpu.memory_space<hbm>> -> memref<1x640x64xf32, #tpu.memory_space<hbm>>
      %dma_start3A_166 = tpu.memref_squeeze %dma_start3A_165 : memref<1x640x64xf32, #tpu.memory_space<hbm>> -> memref<640x64xf32, #tpu.memory_space<hbm>>
      %dma_start3A_167 = arith.constant 0 : i32
      %dma_start3A_168 = tpu.memref_slice %arg30[%mul3A_160, %dma_start3A_167] : memref<10240x64xf32, #tpu.memory_space<vmem_shared>> -> memref<640x64xf32, #tpu.memory_space<vmem_shared>>
      tpu.enqueue_dma source(%dma_start3A_168 : memref<640x64xf32, #tpu.memory_space<vmem_shared>>) target(%dma_start3A_166 : memref<640x64xf32, #tpu.memory_space<hbm>>) target_semaphore(%run_scoped3A_163 : memref<!tpu.dma_semaphore, #tpu.memory_space<semaphore_mem>>)
      %dma_wait3A_169 = arith.constant 0 : i32
      %dma_wait3A_170 = tpu.memref_slice %arg11[%arg0, %mul3A_162, %dma_wait3A_169] : memref<2x10240x64xf32, #tpu.memory_space<hbm>> -> memref<1x640x64xf32, #tpu.memory_space<hbm>>
      %dma_wait3A_171 = tpu.memref_squeeze %dma_wait3A_170 : memref<1x640x64xf32, #tpu.memory_space<hbm>> -> memref<640x64xf32, #tpu.memory_space<hbm>>
      %dma_wait3A_172 = arith.constant 0 : i32
      %dma_wait3A_173 = tpu.memref_slice %arg30[%mul3A_160, %dma_wait3A_172] : memref<10240x64xf32, #tpu.memory_space<vmem_shared>> -> memref<640x64xf32, #tpu.memory_space<vmem_shared>>
      tpu.wait_dma2 semaphore(%run_scoped3A_163 : memref<!tpu.dma_semaphore, #tpu.memory_space<semaphore_mem>>) src(%dma_wait3A_173 : memref<640x64xf32, #tpu.memory_space<vmem_shared>>) dst(%dma_wait3A_171 : memref<640x64xf32, #tpu.memory_space<hbm>>)
      tpu.yield
    }) : () -> ()
    return
  }
}

module attributes {stable_mosaic.version = 14 : i64} {
  func.func @body(%arg0: i32, %arg1: i32, %arg2: memref<1000x128xf32, #tpu.memory_space<vmem>>, %arg3: memref<1x128x64xf32, #tpu.memory_space<vmem>>, %arg4: memref<1x1000x64xf32, #tpu.memory_space<vmem>>) attributes {dimension_semantics = [#tpu.dimension_semantics<arbitrary>, #tpu.dimension_semantics<arbitrary>], iteration_bounds = array<i64: 2, 10>, scalar_prefetch = 0 : i64, scratch_operands = 0 : i64, tpu.core_type = #tpu.core_type<tc>, window_params = [{transform_indices = @transform_0, window_bounds = array<i64: 1000, 128>}, {transform_indices = @transform_1, window_bounds = array<i64: 1, 128, 64>}, {transform_indices = @transform_2, window_bounds = array<i64: 1, 1000, 64>}]} {
    %get3A = arith.constant 0 : index
    %get3A_0 = arith.constant 0 : index
    %get3A_1 = vector.load %arg2[%get3A, %get3A_0] : memref<1000x128xf32, #tpu.memory_space<vmem>>, vector<1000x128xf32>
    %get3A_2 = arith.constant 0 : index
    %get3A_3 = arith.constant 0 : index
    %get3A_4 = arith.constant 0 : index
    %get3A_5 = vector.load %arg3[%get3A_2, %get3A_3, %get3A_4] : memref<1x128x64xf32, #tpu.memory_space<vmem>>, vector<1x128x64xf32>
    %get3A_6 = vector.shape_cast %get3A_5 : vector<1x128x64xf32> to vector<128x64xf32>
    %dot_general3A = arith.constant dense<0.000000e+00> : vector<1000x64xf32>
    %dot_general3A_7 = tpu.matmul %get3A_1, %get3A_6, %dot_general3A {dimension_numbers = #tpu.dot_dimension_numbers<[1], [0], [0], [1], [0, 0, 1, 1], [], []>, transpose_lhs_hint = false} : vector<1000x128xf32>, vector<128x64xf32>, vector<1000x64xf32> -> vector<1000x64xf32>
    %swap3A = arith.constant 0 : index
    %swap3A_8 = arith.constant 0 : index
    %swap3A_9 = arith.constant 0 : index
    %swap3A_10 = vector.load %arg4[%swap3A, %swap3A_8, %swap3A_9] : memref<1x1000x64xf32, #tpu.memory_space<vmem>>, vector<1x1000x64xf32>
    %swap3A_11 = vector.shape_cast %swap3A_10 : vector<1x1000x64xf32> to vector<1000x64xf32>
    %swap3A_12 = vector.shape_cast %dot_general3A_7 : vector<1000x64xf32> to vector<1x1000x64xf32>
    tpu.vector_store %arg4[%swap3A, %swap3A_8, %swap3A_9], %swap3A_12 {strides = array<i32>} : memref<1x1000x64xf32, #tpu.memory_space<vmem>>, vector<1x1000x64xf32>,
    return
  }
  func.func @transform_0(%arg0: i32, %arg1: i32) -> (i32, i32) {
    %c0_i32 = arith.constant 0 : i32
    %c0_i32_0 = arith.constant 0 : i32
    return %arg1, %c0_i32 : i32, i32
  }
  func.func @transform_1(%arg0: i32, %arg1: i32) -> (i32, i32, i32) {
    %c0_i32 = arith.constant 0 : i32
    %c0_i32_0 = arith.constant 0 : i32
    %c0_i32_1 = arith.constant 0 : i32
    return %arg0, %c0_i32, %c0_i32_0 : i32, i32, i32
  }
  func.func @transform_2(%arg0: i32, %arg1: i32) -> (i32, i32, i32) {
    %c0_i32 = arith.constant 0 : i32
    %c0_i32_0 = arith.constant 0 : i32
    return %arg0, %arg1, %c0_i32 : i32, i32, i32
  }
}

module attributes {stable_mosaic.version = 14 : i64} {
  func.func @body(%arg0: i32, %arg1: memref<2x1000x64xf32, #tpu.memory_space<vmem>>, %arg2: memref<1000x1xf32, #tpu.memory_space<vmem>>, %arg3: memref<1000x128xf32, #tpu.memory_space<vmem>>) attributes {dimension_semantics = [#tpu.dimension_semantics<arbitrary>], iteration_bounds = array<i64: 10>, scalar_prefetch = 0 : i64, scratch_operands = 0 : i64, tpu.core_type = #tpu.core_type<tc>, window_params = [{transform_indices = @transform_0, window_bounds = array<i64: 2, 1000, 64>}, {transform_indices = @transform_1, window_bounds = array<i64: 1000, 1>}, {transform_indices = @transform_2, window_bounds = array<i64: 1000, 128>}]} {
    %get3A = arith.constant 0 : index
    %get3A_0 = arith.constant 0 : index
    %get3A_1 = arith.constant 0 : index
    %get3A_2 = vector.load %arg1[%get3A, %get3A_0, %get3A_1] : memref<2x1000x64xf32, #tpu.memory_space<vmem>>, vector<1x1000x64xf32>
    %get3A_3 = vector.shape_cast %get3A_2 : vector<1x1000x64xf32> to vector<1000x64xf32>
    %get3A_4 = arith.constant 0 : index
    %get3A_5 = arith.constant 0 : index
    %get3A_6 = vector.load %arg2[%get3A_4, %get3A_5] : memref<1000x1xf32, #tpu.memory_space<vmem>>, vector<1000x1xf32>
    %mul3A = vector.broadcast %get3A_6 : vector<1000x1xf32> to vector<1000x64xf32>
    %mul3A_7 = arith.mulf %get3A_3, %mul3A : vector<1000x64xf32>
    %swap3A = arith.constant 0 : index
    %swap3A_8 = arith.constant 0 : index
    %swap3A_9 = vector.load %arg3[%swap3A, %swap3A_8] : memref<1000x128xf32, #tpu.memory_space<vmem>>, vector<1000x64xf32>
    tpu.vector_store %arg3[%swap3A, %swap3A_8], %mul3A_7 {strides = array<i32>} : memref<1000x128xf32, #tpu.memory_space<vmem>>, vector<1000x64xf32>,
    %get3A_10 = arith.constant 1 : index
    %get3A_11 = arith.constant 0 : index
    %get3A_12 = arith.constant 0 : index
    %get3A_13 = vector.load %arg1[%get3A_10, %get3A_11, %get3A_12] : memref<2x1000x64xf32, #tpu.memory_space<vmem>>, vector<1x1000x64xf32>
    %get3A_14 = vector.shape_cast %get3A_13 : vector<1x1000x64xf32> to vector<1000x64xf32>
    %get3A_15 = arith.constant 0 : index
    %get3A_16 = arith.constant 0 : index
    %get3A_17 = vector.load %arg2[%get3A_15, %get3A_16] : memref<1000x1xf32, #tpu.memory_space<vmem>>, vector<1000x1xf32>
    %mul3A_18 = vector.broadcast %get3A_17 : vector<1000x1xf32> to vector<1000x64xf32>
    %mul3A_19 = arith.mulf %get3A_14, %mul3A_18 : vector<1000x64xf32>
    %swap3A_20 = arith.constant 0 : index
    %swap3A_21 = arith.constant 64 : index
    %swap3A_22 = vector.load %arg3[%swap3A_20, %swap3A_21] : memref<1000x128xf32, #tpu.memory_space<vmem>>, vector<1000x64xf32>
    tpu.vector_store %arg3[%swap3A_20, %swap3A_21], %mul3A_19 {strides = array<i32>} : memref<1000x128xf32, #tpu.memory_space<vmem>>, vector<1000x64xf32>,
    return
  }
  func.func @transform_0(%arg0: i32) -> (i32, i32, i32) {
    %c0_i32 = arith.constant 0 : i32
    %c0_i32_0 = arith.constant 0 : i32
    %c0_i32_1 = arith.constant 0 : i32
    return %c0_i32, %arg0, %c0_i32_0 : i32, i32, i32
  }
  func.func @transform_1(%arg0: i32) -> (i32, i32) {
    %c0_i32 = arith.constant 0 : i32
    %c0_i32_0 = arith.constant 0 : i32
    return %arg0, %c0_i32 : i32, i32
  }
  func.func @transform_2(%arg0: i32) -> (i32, i32) {
    %c0_i32 = arith.constant 0 : i32
    %c0_i32_0 = arith.constant 0 : i32
    return %arg0, %c0_i32 : i32, i32
  }
}

</mosaic_0001>

<sc_bundles>
// kernel: kernel.5.cloned.1.call-start
scs
__scs_entry_jumppad:
0x0: {  	(pc) =	sbr.rel $0x88, $3  }
0x1: {  	(tag) =	ssettag $0x0;
	lr =	simm.s32 $0x1  }
0x2: {  	[smem:$0x3F98] =	sst lr;
	_ =	strace $0xD0000000  }
0x3: {  	_ = 	snop  }
0x4: {  	_ = 	snop  }
0x5: {  	_ = 	snop  }
0x6: {  	_ = 	snop  }
0x7: {  	_ = 	snop  }
__scs_overlays_trampoline_lowered:
0x8: {  	[smem:$0x3FA7] =	sst s0  }
0x9: {  	[smem:$0x3FA8] =	sst s1  }
0xa: {  	[smem:$0x3FA9] =	sst s2  }
0xb: {  	[smem:$0x3FAA] =	sst s3  }
0xc: {  	[smem:$0x3FAB] =	sst s4  }
0xd: {  	[smem:$0x3FAC] =	sst s5  }
0xe: {  	[smem:$0x3FAD] =	sst s6  }
0xf: {  	[smem:$0x3FAE] =	sst s7  }
0x10: {  	[smem:$0x3FAF] =	sst s8  }
0x11: {  	[smem:$0x3FB0] =	sst s9;
	s0 =	simm.s32 @!p0 $0x0  }
0x12: {  	s1 =	sld [smem:$0x3F96];
	s0 =	simm.s32 @p0 $0x1  }
0x13: {  	[smem:$0x3FB1] =	sst s0;
	s0 =	simm.s32 @!p1 $0x0  }
0x14: {  	s2 =	sld [smem:$0x3F95];
	s0 =	simm.s32 @p1 $0x1  }
0x15: {  	[smem:$0x3FB2] =	sst s0;
	s0 =	simm.s32 @!p2 $0x0  }
0x16: {  	s3 =	sld [smem:$0x3FDB];
	s0 =	simm.s32 @p2 $0x1  }
0x17: {  	s4 =	simm.s32 $0x1BF5;
	[smem:$0x3FB4] =	sst s0  }
0x18: {  	s0 =	sld [smem:$0x3F97];
	_ =	swait.ge [sflag:s4], $0x0  }
0x19: {  	s7 =	sld [smem:$0x3F98]  }
0x1a: {  	s8 =	sadd.s32 $0xFFFFE003, lr  }
0x1b: {  	s9 =	sadd.s32 $0xFFFFFEF7, lr;
	s5 =	simm.s32 $0xFFFFFFFF;
	p2 =	slt.u32 s8, $0xFFFFF086  }
0x1c: {  	p1 =	slt.u32 s9, $0xF7A;
	s5 =	simm.s32 @!p2 $0x0  }
0x1d: {  	s5 =	simm.s32 @p1 $0x1;
	p0 =	seq.s32 s7, s2  }
0x1e: {  	s7 =	smul.u32 @!p0 $0xF7A, s2;
	p2 =	seq.s32 @!p0 s5, $0x0  }
0x1f: {  	s9 =	smul.u32 $0xF7A, s1;
	s8 =	simm.s32 @!p0 $0x1BF5;
	p2 =	por !p2, p0  }
0x20: {  	[sflag:s8] =	ssyncset.s32 @!p0 $0xFFFFF086;
	s6 =	sadd.s32 @!p0 s3, s7;
	s7 =	simm.s32 @!p0 $0x108  }
0x21: {  	s3 =	sadd.s32 s3, s9;
	s6 =	sadd.s32 @!p0 $0x88, s6;
	s7 =	simm.s32 @p2 $0x1082  }
0x22: {  	[simem:s7], [sflag:s8] =	dma.local @!p0 [hbm:s6], $0xF7A  }
0x23: {  	s9 =	sor.u32 $0xD0000000, s2;
	s6 =	simm.s32 $0x108;
	_ =	swait.ge @!p0 [sflag:s8], $0x0  }
0x24: {  	s3 =	sadd.s32 $0x88, s3;
	s6 =	simm.s32 @!p1 $0x1082;
	[sflag:s4] =	ssyncset.s32 $0xFFFFF086  }
0x25: {  	[simem:s6], [sflag:s4] =	dma.local [hbm:s3], $0xF7A  }
0x26: {  	[smem:$0x3F98] =	sst s1;
	(tag) =	ssettag s2;
	_ =	strace s9  }
0x27: {  	s1 =	sld [smem:$0x3FA8]  }
0x28: {  	s2 =	sld [smem:$0x3FA9]  }
0x29: {  	s4 =	sld [smem:$0x3FAB]  }
0x2a: {  	p0 =	seq.s32 s5, $0x0;
	s5 =	sld [smem:$0x3FAC]  }
0x2b: {  	s6 =	sld [smem:$0x3FAD]  }
0x2c: {  	s7 =	sld [smem:$0x3FAE]  }
0x2d: {  	s3 =	simm.s32 $0x108;
	s8 =	sld [smem:$0x3FAF]  }
0x2e: {  	s3 =	simm.s32 @!p0 $0x1082;
	s9 =	sld [smem:$0x3FB0]  }
0x2f: {  	lr =	sadd.s32 s0, s3;
	s0 =	sld [smem:$0x3FA7]  }
0x30: {  	s3 =	sld [smem:$0x3FAA]  }
0x31: {  	[smem:$0x3FB3] =	sst s10  }
0x32: {  	s10 =	sld [smem:$0x3FB1];
	_ =	sdelay $0x3  }
0x33: {  	p0 =	seq.s32 s10, $0x1;
	s10 =	sld [smem:$0x3FB3];
	_ =	sdelay $0x3  }
0x34: {  	[smem:$0x3FB3] =	sst s10  }
0x35: {  	s10 =	sld [smem:$0x3FB2];
	_ =	sdelay $0x3  }
0x36: {  	p1 =	seq.s32 s10, $0x1;
	s10 =	sld [smem:$0x3FB3];
	_ =	sdelay $0x3  }
0x37: {  	[smem:$0x3FB3] =	sst s10  }
0x38: {  	s10 =	sld [smem:$0x3FB4]  }
0x39: {  	_ = 	snop;
	(pc) =	sbr.ind lr, $3  }
0x3a: {  	_ = 	snop  }
0x3b: {  	_ = 	snop  }
0x3c: {  	p2 =	seq.s32 s10, $0x1;
	s10 =	sld [smem:$0x3FB3]  }
0x3d: {  	_ =	shalt  }
0x3e: {  	_ =	shalt  }
0x3f: {  	_ =	shalt  }
0x40: {  	_ =	shalt  }
0x41: {  	_ =	shalt  }
0x42: {  	_ =	shalt  }
0x43: {  	_ =	shalt  }
0x44: {  	_ =	shalt  }
0x45: {  	_ =	shalt  }
0x46: {  	_ =	shalt  }
0x47: {  	_ =	shalt  }
0x48: {  	_ =	shalt  }
0x49: {  	_ =	shalt  }
0x4a: {  	_ =	shalt  }
0x4b: {  	_ =	shalt  }
0x4c: {  	_ =	shalt  }
0x4d: {  	_ =	shalt  }
0x4e: {  	_ =	shalt  }
0x4f: {  	_ =	shalt  }
0x50: {  	_ =	shalt  }
0x51: {  	_ =	shalt  }
0x52: {  	_ =	shalt  }
0x53: {  	_ =	shalt  }
0x54: {  	_ =	shalt  }
0x55: {  	_ =	shalt  }
0x56: {  	_ =	shalt  }
0x57: {  	_ =	shalt  }
0x58: {  	_ =	shalt  }
0x59: {  	_ =	shalt  }
0x5a: {  	_ =	shalt  }
0x5b: {  	_ =	shalt  }
0x5c: {  	_ =	shalt  }
0x5d: {  	_ =	shalt  }
0x5e: {  	_ =	shalt  }
0x5f: {  	_ =	shalt  }
0x60: {  	_ =	shalt  }
0x61: {  	_ =	shalt  }
0x62: {  	_ =	shalt  }
0x63: {  	_ =	shalt  }
0x64: {  	_ =	shalt  }
0x65: {  	_ =	shalt  }
0x66: {  	_ =	shalt  }
0x67: {  	_ =	shalt  }
0x68: {  	_ =	shalt  }
0x69: {  	_ =	shalt  }
0x6a: {  	_ =	shalt  }
0x6b: {  	_ =	shalt  }
0x6c: {  	_ =	shalt  }
0x6d: {  	_ =	shalt  }
0x6e: {  	_ =	shalt  }
0x6f: {  	_ =	shalt  }
0x70: {  	_ =	shalt  }
0x71: {  	_ =	shalt  }
0x72: {  	_ =	shalt  }
0x73: {  	_ =	shalt  }
0x74: {  	_ =	shalt  }
0x75: {  	_ =	shalt  }
0x76: {  	_ =	shalt  }
0x77: {  	_ =	shalt  }
0x78: {  	_ =	shalt  }
0x79: {  	_ =	shalt  }
0x7a: {  	_ =	shalt  }
0x7b: {  	_ =	shalt  }
0x7c: {  	_ =	shalt  }
0x7d: {  	_ =	shalt  }
0x7e: {  	_ =	shalt  }
0x7f: {  	_ =	shalt  }
0x80: {  	_ =	shalt  }
0x81: {  	_ =	shalt  }
0x82: {  	_ =	shalt  }
0x83: {  	_ =	shalt  }
0x84: {  	_ =	shalt  }
0x85: {  	_ =	shalt  }
0x86: {  	_ =	shalt  }
0x87: {  	_ =	shalt  }
.Lfunc_end0:
.L_simem_size_0:
called_computation_lowered:
.L_overlay_start_0:
0x88: {  	s2 =	sld [smem:$0x3FD9]  }
0x89: {  	s3 =	sld [smem:$0x3FFE];
	_ =	sdelay $0x1  }
0x8a: {  	s1 =	srdreg.scid  }
0x8b: {  	s0 =	sand.u32 $0x1, s1  }
0x8c: {  	s17 =	sshll.u32 s0, $0xA;
	s2 =	sadd.s32 s3, s2  }
0x8d: {  	s2 =	sadd.s32 s2, s17  }
0x8e: {  	[smem:$0x3FBF] =	sst s2  }
0x8f: {  	_ = 	snop  }
0x90: {  	s2 =	sld [smem:$0x3FD0];
	(tm) =	ssettm $0x1  }
0x91: {  	s18 =	sld [smem:$0x3FFB];
	_ =	sdelay $0x3  }
0x92: {  	_ =	strace s18  }
0x93: {  	s3 =	sld [smem:$0x3FFC];
	_ =	sdelay $0x3  }
0x94: {  	_ =	strace s3  }
0x95: {  	s3 =	sld [smem:$0x3FFD];
	_ =	sdelay $0x3  }
0x96: {  	_ =	strace s3  }
0x97: {  	_ =	strace $0x8FFFFFFF  }
0x98: {  	s19 =	sld [smem:$0x3FDB];
	_ =	sdelay $0x1  }
0x99: {  	s4 =	simm.s32 $_scs_section_size  }
0x9a: {  	s5 =	simm.s32 $_size__tile_overlayer_lowered;
	s6 =	simm.s32 $_tile_overlayer_lowered  }
0x9b: {  	s22 =	simm.s32 $0x1BFF;
	s21 =	sshll.u32 s6, $0x1;
	s3 =	sadd.s32 s4, s19  }
0x9c: {  	s7 =	simm.s32 $0x0;
	s20 =	sshll.u32 s5, $0x1;
	s5 =	sadd.s32 s21, s3  }
0x9d: {  	[timem:s7], [sflag:s22] =	dma.local [hbm:s5], s20  }
0x9e: {  	_ =	swait.ge [sflag:s22], s20  }
0x9f: {  	s4 =	ssub.s32 $0x0, s20;
	[sflag:s22] =	ssyncset.done $0x0  }
0xa0: {  	[sflag:s22] =	ssyncadd.s32 s4;
	_ =	sdelay $0x1  }
0xa1: {  	s23 =	simm.s32 $0x1B8B  }
0xa2: {  	_ =	swait.ge [sflag:s23], $0x1  }
0xa3: {  	[sflag:s23] =	ssyncset.done $0x0  }
0xa4: {  	s25 =	simm.s32 $0x1B8E;
	s24 =	sld [smem:$0x3FFE];
	[sflag:s23] =	ssyncadd.s32 $0xFFFFFFFF  }
0xa5: {  	s26 =	simm.s32 $execute0_lowered;
	[smem:$0x3FD2] =	sst s25  }
0xa6: {  	s5 =	sshll.u32 s26, $0x1;
	_ =	strace $0x80000046;
	[dreg:$0x1] =	wrdreg $0xFFFFFFFF  }
0xa7: {  	s28 =	simm.s32 $_size_execute0_lowered;
	s3 =	sadd.s32 s3, s5;
	[dreg:$0x0] =	wrdreg $0x0  }
0xa8: {  	s5 =	sshll.u32 s28, $0x1;
	[dreg:$0x2] =	wrdreg s3  }
0xa9: {  	[dreg:$0x3] =	wrdreg s5  }
0xaa: {  	[dreg:$0x4] =	wrdreg $0xC0  }
0xab: {  	_ =	task [dreg:s7], $0x5FFFF  }
0xac: {  	[dreg:$0x1] =	wrdreg $0xFFFFFFFF  }
0xad: {  	[dreg:$0x0] =	wrdreg $0x60  }
0xae: {  	[dreg:$0x2] =	wrdreg s2  }
0xaf: {  	[dreg:$0x3] =	wrdreg s24  }
0xb0: {  	[dreg:$0x4] =	wrdreg $0xF6400  }
0xb1: {  	[dreg:$0x5] =	wrdreg $0x11E400  }
0xb2: {  	[dreg:$0x6] =	wrdreg $0x9  }
0xb3: {  	_ =	task.clear_ibuf [dreg:s7], $0x7FFFF;
	_ =	strace $0x90000046  }
0xb4: {  	s29 =	simm.s32 $0x9;
	_ =	strace $0x80000048  }
0xb5: {  	_ =	swait.ge [sflag:s29], $0x1  }
0xb6: {  	[sflag:s29] =	ssyncadd.s32 $0xFFFFFFFF  }
0xb7: {  	_ =	strace $0x90000048  }
0xb8: {  	_ =	sfence  }
0xb9: {  	s30 =	sld [smem:$0x0];
	_ =	sdelay $0x2  }
0xba: {  	s31 =	sshll.u32 s1, $0xD;
	s1 =	sshrl.u32 s1, $0x2  }
0xbb: {  	s3 =	sand.u32 $0x4000, s31;
	s1 =	sadd.s32 s1, s30  }
0xbc: {  	s0 =	sor.u32 s3, s0;
	s1 =	sshll.u32 s1, $0x11  }
0xbd: {  	s0 =	sor.u32 s1, s0  }
0xbe: {  	s0 =	sadd.s32 $0x8F2B, s0  }
0xbf: {  	[sflag:s0] =	ssyncadd.remote.s32 $0x1  }
0xc0: {  	_ =	sfence.sel $0xFFFF  }
0xc1: {  	[dreg:$0x0] =	wrdreg $0xFFFFFFFF;
	(pc) =	sbr.abs _section_cstart, $3  }
0xc2: {  	[dreg:$0x1] =	wrdreg $0xFFFFFFFF  }
0xc3: {  	_ =	task.clear_ibuf [dreg:s7], $0x2FFFF;
	_ =	strace $0x9FFFFFFF  }
0xc4: {  	(tm) =	ssettm $0x7FFFFFFF  }
0xc5: {  	_ =	shalt  }
tec
execute0_lowered:
.L_overlay_start_1:
0x0: {  	(tag) =	ssettag $0x1  }
0x1: {  	s1 =	rddreg [dreg:$0x0]  }
0x2: {  	s0 =	rddreg [dreg:$0x1]  }
0x3: {  	s3 =	rddreg [dreg:$0x2]  }
0x4: {  	s4 =	rddreg [dreg:$0x3];
	s5 =	simm.s32 $0x0;
	s17 =	stileid.u32  }
0x5: {  	s7 =	srdreg.scid;
	s28 =	simm.s32 $0x2800;
	s2 =	smul.u32 $0x14, s17  }
0x6: {  	s29 =	simm.s32 $0x7D;
	s30 =	simm.s32 $0x5000;
	s6 =	smul.u32 $0x2800, s17  }
0x7: {  	[smem:$0x7FF] =	sst s5;
	s9 =	smul.u32 $0xA000, s17;
	s7 =	sand.u32 $0x1, s7  }
0x8: {  	s10 =	sadd.s32 $0x1EA00, s0;
	s11 =	sadd.s32 $0x14A00, s0;
	s12 =	sadd.s32 $0xAA00, s0  }
0x9: {  	s13 =	sadd.s32 $0xA00, s0;
	s31 =	sshll.u32 s17, $0x6;
	s17 =	smul.u32 $0x5000, s17  }
0xa: {  	_ =	strace $0x80000047;
	s8 =	smul.u32 $0xA0000, s7;
	s16 =	ssub.s32 $0x2, s7  }
0xb: {  	p0 =	sne.s32 s7, $0x0;
	s7 =	simm.s32 $0xADC0;
	s14 =	sshrl.u32 s6, $0x3  }
0xc: {  	s2 =	sadd.s32 s2, s0;
	s15 =	sshrl.u32 s9, $0x3;
	s26 =	sshrl.u32 s16, $0x1  }
0xd: {  	s6 =	sadd.s32 s6, s3;
	s19 =	sshrl.u32 s17, $0x3;
	s17 =	simm.s32 $0x6  }
0xe: {  	s14 =	sadd.s32 s14, s0;
	s8 =	sadd.s32 s9, s8;
	s9 =	sadd.s32 s9, s4  }
0xf: {  	s15 =	sadd.s32 s15, s0;
	s20 =	sadd.s32 $0x28C00, s2;
	[dreg:$0x6] =	wrdreg s9  }
0x10: {  	s16 =	ssub.s32 s16, s26;
	s2 =	sadd.s32 $0x28A00, s2;
	[dreg:$0x8] =	wrdreg s20  }
0x11: {  	s21 =	sadd.s32 s10, s19;
	s22 =	sadd.s32 s11, s19;
	[dreg:$0x9] =	wrdreg s2  }
0x12: {  	s23 =	sadd.s32 $0x500, s19;
	s25 =	sadd.s32 s12, s19;
	[dreg:$0xa] =	wrdreg s21  }
0x13: {  	s8 =	sshrl.u32 s8, $0x3;
	s14 =	sadd.s32 $0x3CE00, s14;
	[dreg:$0xb] =	wrdreg s22  }
0x14: {  	s18 =	sadd.s32 $0x28E00, s15;
	s15 =	sadd.s32 $0x13880, s1;
	[dreg:$0xe] =	wrdreg s25  }
0x15: {  	s10 =	sadd.s32 s10, s23;
	s24 =	sadd.s32 s11, s23;
	[dreg:$0x5] =	wrdreg s14  }
0x16: {  	s9 =	sadd.s32 s13, s19;
	s26 =	sadd.s32 s12, s23;
	[dreg:$0x7] =	wrdreg s18  }
0x17: {  	s2 =	sadd.s32 s13, s23;
	s25 =	simm.s32 $0x8E80;
	[dreg:$0xc] =	wrdreg s10  }
0x18: {  	s12 =	simm.s32 $0x5;
	s19 =	simm.s32 $0x4;
	[dreg:$0xd] =	wrdreg s24  }
0x19: {  	s21 =	simm.s32 $0x7;
	s22 =	simm.s32 $0x8;
	[dreg:$0xf] =	wrdreg s9  }
0x1a: {  	v0 =	vimm.s32 $0x0;
	s11 =	simm.s32 $0x4F00;
	s13 =	simm.s32 $0x4F80;
	[dreg:$0x10] =	wrdreg s26  }
0x1b: {  	v1 =	vimm.s32 $0x1;
	v2 =	vimm.s32 $0x2;
	v3 =	vimm.s32 $0x3;
	s0 =	sadd.s32 s8, s0;
	s8 =	sor.u32 $0x1C09, s31;
	[dreg:$0x11] =	wrdreg s2  }
0x1c: {  	v4 =	vimm.s32 $0x4;
	v5 =	vimm.s32 $0x5;
	v6 =	vimm.s32 $0x6;
	s31 =	smax.u32 s16, $0x1;
	s24 =	simm.s32 $0x9;
	s9 =	simm.s32 $0x1  }
0x1d: {  	v7 =	vimm.s32 $0x7;
	v8 =	vimm.s32 $0x8;
	v9 =	vimm.s32 $0x9;
	s10 =	simm.s32 $0x2;
	s14 =	simm.s32 $0x3;
	s2 =	simm.s32 $0x2780  }
0x1e: {  	v10 =	vimm.s32 $0xA;
	v11 =	vimm.s32 $0xB;
	v12 =	vimm.s32 $0xC;
	s26 =	simm.s32 $0x4E80;
	s0 =	sadd.s32 $0x41E00, s0;
	[dreg:$0x13] =	wrdreg s31  }
0x1f: {  	v13 =	vimm.s32 $0xD;
	v14 =	vimm.s32 $0xE;
	v15 =	vimm.s32 $0xF;
	s16 =	simm.s32 $0x0;
	[dreg:$0x12] =	wrdreg s0;
	s0 =	simm.s32 $0x6F40  }
.LBB2_1:
0x20: {  	s18 =	sshrl.u32 s6, $0x3;
	s20 =	rddreg [dreg:$0x5]  }
0x21: {  	[spmem:s18], [sflag:s8] =	dma.local [hbm:s20], $0x500  }
0x22: {  	_ =	swait.ge [sflag:s24], $0x500  }
0x23: {  	[sflag:s24] =	ssyncset.done $0x0;
	s20 =	rddreg [dreg:$0x6]  }
0x24: {  	s23 =	rddreg [dreg:$0x7];
	[sflag:s24] =	ssyncadd.s32 $0xFFFFFB00;
	s18 =	sshrl.u32 s20, $0x3  }
0x25: {  	[spmem:s18], [sflag:s8] =	dma.local [hbm:s23], $0x1400  }
0x26: {  	_ =	swait.ge [sflag:s24], $0x1400  }
0x27: {  	[sflag:s24] =	ssyncset.done $0x0  }
0x28: {  	s23 =	simm.s32 $0xF500;
	s31 =	rddreg [dreg:$0x8];
	[sflag:s24] =	ssyncadd.s32 $0xFFFFEC00  }
0x29: {  	[tilespmem:s23], [sflag:$0x9] =	stream.linear.gather [hbm4b:s31+s5], $0xA0, $0x38;
	[tilespmem:$0x1BE40] =	vst v63  }
0x2a: {  	_ =	swait.ge [sflag:s24], $0xA0  }
0x2b: {  	[sflag:s24] =	ssyncset.done $0x0  }
0x2c: {  	s31 =	simm.s32 $0xF5A0;
	s23 =	rddreg [dreg:$0x9];
	[sflag:s24] =	ssyncadd.s32 $0xFFFFFF60  }
0x2d: {  	[tilespmem:s31], [sflag:$0x9] =	stream.linear.gather [hbm4b:s23+s5], $0xA0, $0x38;
	[tilespmem:$0x1BE40] =	vst v63  }
0x2e: {  	_ =	swait.ge [sflag:s24], $0xA0  }
0x2f: {  	[sflag:s24] =	ssyncset.done $0x0  }
0x30: {  	[sflag:s24] =	ssyncadd.s32 $0xFFFFFF60  }
0x31: {  	[bflag:$0x0] =	sbarrier.arrive $0xFFFF  }
0x32: {  	s23 =	rddreg [dreg:$0xa]  }
0x33: {  	[tilespmem:s5], [sflag:$0x9] =	stream.linear.gather [hbm4b:s23+s5], $0x2800, $0x38;
	[tilespmem:$0x1BE40] =	vst v63  }
0x34: {  	_ =	swait.ge [sflag:s24], $0x2800  }
0x35: {  	[sflag:s24] =	ssyncset.done $0x0  }
.Ltmp0:
0x36: {  	s31 =	rddreg [dreg:$0xb];
	[sflag:s24] =	ssyncadd.s32 $0xFFFFD800;
	(pc) =	sbr.rel @p0 .LBB2_5-.Ltmp0, $4  }
0x37: {  	[tilespmem:s28], [sflag:$0x9] =	stream.linear.gather [hbm4b:s31+s5], $0x2800, $0x38;
	[tilespmem:$0x1BE40] =	vst v63  }
0x38: {  	_ =	swait.ge [sflag:s24], $0x2800  }
0x39: {  	[sflag:s24] =	ssyncset.done $0x0  }
0x3a: {  	s20 =	simm.s32 $0x0;
	[sflag:s24] =	ssyncadd.s32 $0xFFFFD800  }
0x3b: {  	[tilespmem:s30], [sflag:$0x1] =	stream.indirect.gather [hbm4b:s1+s29], $0x40, s20, s29, $0xb8;
	[tilespmem:$0x1BE40] =	vst v63  }
0x3c: {  	s31 =	simm.s32 $0x80  }
0x3d: {  	[tilespmem:s0], [sflag:$0x2] =	stream.indirect.gather [hbm4b:s1+s29], $0x40, s31, s29, $0xb8;
	[tilespmem:$0x1BE40] =	vst v63  }
0x3e: {  	s23 =	simm.s32 $0x100  }
0x3f: {  	[tilespmem:s25], [sflag:$0x3] =	stream.indirect.gather [hbm4b:s1+s29], $0x40, s23, s29, $0xb8;
	[tilespmem:$0x1BE40] =	vst v63  }
0x40: {  	s31 =	simm.s32 $0x180  }
0x41: {  	[tilespmem:s7], [sflag:$0x4] =	stream.indirect.gather [hbm4b:s1+s29], $0x40, s31, s29, $0xb8;
	[tilespmem:$0x1BE40] =	vst v63  }
0x42: {  	_ =	swait.ge [sflag:s9], $0x1F40  }
0x43: {  	[sflag:s9] =	ssyncset.done $0x0  }
0x44: {  	[sflag:s9] =	ssyncadd.s32 $0xFFFFE0C0  }
0x45: {  	[spmem:s3] =	stream.indirect.scatter.add.f32 [tilespmem:s30], [sflag:$0x5], $0x40, s28, s29, $0xb8;
	[tilespmem:$0x1BE40] =	vst v63  }
0x46: {  	_ =	swait.ge [sflag:s10], $0x1F40  }
0x47: {  	[sflag:s10] =	ssyncset.done $0x0  }
0x48: {  	s23 =	simm.s32 $0x2880;
	[sflag:s10] =	ssyncadd.s32 $0xFFFFE0C0  }
0x49: {  	[spmem:s3] =	stream.indirect.scatter.add.f32 [tilespmem:s0], [sflag:$0x6], $0x40, s23, s29, $0xb8;
	[tilespmem:$0x1BE40] =	vst v63  }
0x4a: {  	_ =	swait.ge [sflag:s12], $0x1F40  }
0x4b: {  	[sflag:s12] =	ssyncset.done $0x0  }
0x4c: {  	s31 =	simm.s32 $0x200;
	[sflag:s12] =	ssyncadd.s32 $0xFFFFE0C0  }
0x4d: {  	[tilespmem:s30], [sflag:$0x1] =	stream.indirect.gather [hbm4b:s1+s29], $0x40, s31, s29, $0xb8;
	[tilespmem:$0x1BE40] =	vst v63  }
0x4e: {  	_ =	swait.ge [sflag:s14], $0x1F40  }
0x4f: {  	[sflag:s14] =	ssyncset.done $0x0  }
0x50: {  	s23 =	simm.s32 $0x2900;
	[sflag:s14] =	ssyncadd.s32 $0xFFFFE0C0  }
0x51: {  	[spmem:s3] =	stream.indirect.scatter.add.f32 [tilespmem:s25], [sflag:$0x7], $0x40, s23, s29, $0xb8;
	[tilespmem:$0x1BE40] =	vst v63  }
0x52: {  	_ =	swait.ge [sflag:s17], $0x1F40  }
0x53: {  	[sflag:s17] =	ssyncset.done $0x0  }
0x54: {  	s31 =	simm.s32 $0x280;
	[sflag:s17] =	ssyncadd.s32 $0xFFFFE0C0  }
0x55: {  	[tilespmem:s0], [sflag:$0x2] =	stream.indirect.gather [hbm4b:s1+s29], $0x40, s31, s29, $0xb8;
	[tilespmem:$0x1BE40] =	vst v63  }
0x56: {  	_ =	swait.ge [sflag:s19], $0x1F40  }
0x57: {  	[sflag:s19] =	ssyncset.done $0x0  }
0x58: {  	s23 =	simm.s32 $0x2980;
	[sflag:s19] =	ssyncadd.s32 $0xFFFFE0C0  }
0x59: {  	[spmem:s3] =	stream.indirect.scatter.add.f32 [tilespmem:s7], [sflag:$0x8], $0x40, s23, s29, $0xb8;
	[tilespmem:$0x1BE40] =	vst v63  }
0x5a: {  	_ =	swait.ge [sflag:s21], $0x1F40  }
0x5b: {  	[sflag:s21] =	ssyncset.done $0x0  }
0x5c: {  	s31 =	simm.s32 $0x300;
	[sflag:s21] =	ssyncadd.s32 $0xFFFFE0C0  }
0x5d: {  	[tilespmem:s25], [sflag:$0x3] =	stream.indirect.gather [hbm4b:s1+s29], $0x40, s31, s29, $0xb8;
	[tilespmem:$0x1BE40] =	vst v63  }
0x5e: {  	_ =	swait.ge [sflag:s9], $0x1F40  }
0x5f: {  	[sflag:s9] =	ssyncset.done $0x0  }
0x60: {  	s23 =	simm.s32 $0x2A00;
	[sflag:s9] =	ssyncadd.s32 $0xFFFFE0C0  }
0x61: {  	[spmem:s3] =	stream.indirect.scatter.add.f32 [tilespmem:s30], [sflag:$0x5], $0x40, s23, s29, $0xb8;
	[tilespmem:$0x1BE40] =	vst v63  }
0x62: {  	_ =	swait.ge [sflag:s22], $0x1F40  }
0x63: {  	[sflag:s22] =	ssyncset.done $0x0  }
0x64: {  	s31 =	simm.s32 $0x380;
	[sflag:s22] =	ssyncadd.s32 $0xFFFFE0C0  }
0x65: {  	[tilespmem:s7], [sflag:$0x4] =	stream.indirect.gather [hbm4b:s1+s29], $0x40, s31, s29, $0xb8;
	[tilespmem:$0x1BE40] =	vst v63  }
0x66: {  	_ =	swait.ge [sflag:s10], $0x1F40  }
0x67: {  	[sflag:s10] =	ssyncset.done $0x0  }
0x68: {  	s23 =	simm.s32 $0x2A80;
	[sflag:s10] =	ssyncadd.s32 $0xFFFFE0C0  }
0x69: {  	[spmem:s3] =	stream.indirect.scatter.add.f32 [tilespmem:s0], [sflag:$0x6], $0x40, s23, s29, $0xb8;
	[tilespmem:$0x1BE40] =	vst v63  }
0x6a: {  	_ =	swait.ge [sflag:s12], $0x1F40  }
0x6b: {  	[sflag:s12] =	ssyncset.done $0x0  }
0x6c: {  	s31 =	simm.s32 $0x400;
	[sflag:s12] =	ssyncadd.s32 $0xFFFFE0C0  }
0x6d: {  	[tilespmem:s30], [sflag:$0x1] =	stream.indirect.gather [hbm4b:s1+s29], $0x40, s31, s29, $0xb8;
	[tilespmem:$0x1BE40] =	vst v63  }
0x6e: {  	_ =	swait.ge [sflag:s14], $0x1F40  }
0x6f: {  	[sflag:s14] =	ssyncset.done $0x0  }
0x70: {  	s23 =	simm.s32 $0x2B00;
	[sflag:s14] =	ssyncadd.s32 $0xFFFFE0C0  }
0x71: {  	[spmem:s3] =	stream.indirect.scatter.add.f32 [tilespmem:s25], [sflag:$0x7], $0x40, s23, s29, $0xb8;
	[tilespmem:$0x1BE40] =	vst v63  }
0x72: {  	_ =	swait.ge [sflag:s17], $0x1F40  }
0x73: {  	[sflag:s17] =	ssyncset.done $0x0  }
0x74: {  	s31 =	simm.s32 $0x480;
	[sflag:s17] =	ssyncadd.s32 $0xFFFFE0C0  }
0x75: {  	[tilespmem:s0], [sflag:$0x2] =	stream.indirect.gather [hbm4b:s1+s29], $0x40, s31, s29, $0xb8;
	[tilespmem:$0x1BE40] =	vst v63  }
0x76: {  	_ =	swait.ge [sflag:s19], $0x1F40  }
0x77: {  	[sflag:s19] =	ssyncset.done $0x0  }
0x78: {  	s20 =	simm.s32 $0x800;
	s23 =	simm.s32 $0x2B80;
	[sflag:s19] =	ssyncadd.s32 $0xFFFFE0C0  }
.LBB2_3:
0x79: {  	[spmem:s3] =	stream.indirect.scatter.add.f32 [tilespmem:s7], [sflag:$0x8], $0x40, s23, s29, $0xb8;
	[tilespmem:$0x1BE40] =	vst v63  }
0x7a: {  	s23 =	smov.u32 s20  }
0x7b: {  	p1 =	seq.s32 s20, $0x8800;
	s20 =	sadd.s32 $0x800, s20;
	_ =	swait.ge [sflag:s21], $0x1F40  }
0x7c: {  	s23 =	sshra.s32 s23, $0x2;
	[sflag:s21] =	ssyncset.done $0x0  }
0x7d: {  	s31 =	sadd.s32 $0x300, s23;
	[sflag:s21] =	ssyncadd.s32 $0xFFFFE0C0  }
0x7e: {  	[tilespmem:s25], [sflag:$0x3] =	stream.indirect.gather [hbm4b:s1+s29], $0x40, s31, s29, $0xb8;
	[tilespmem:$0x1BE40] =	vst v63  }
0x7f: {  	_ =	swait.ge [sflag:s9], $0x1F40  }
0x80: {  	[sflag:s9] =	ssyncset.done $0x0  }
0x81: {  	s31 =	sadd.s32 $0x2A00, s23;
	[sflag:s9] =	ssyncadd.s32 $0xFFFFE0C0  }
0x82: {  	[spmem:s3] =	stream.indirect.scatter.add.f32 [tilespmem:s30], [sflag:$0x5], $0x40, s31, s29, $0xb8;
	[tilespmem:$0x1BE40] =	vst v63  }
0x83: {  	_ =	swait.ge [sflag:s22], $0x1F40  }
0x84: {  	[sflag:s22] =	ssyncset.done $0x0  }
0x85: {  	s31 =	sadd.s32 $0x380, s23;
	[sflag:s22] =	ssyncadd.s32 $0xFFFFE0C0  }
0x86: {  	[tilespmem:s7], [sflag:$0x4] =	stream.indirect.gather [hbm4b:s1+s29], $0x40, s31, s29, $0xb8;
	[tilespmem:$0x1BE40] =	vst v63  }
0x87: {  	_ =	swait.ge [sflag:s10], $0x1F40  }
0x88: {  	[sflag:s10] =	ssyncset.done $0x0  }
0x89: {  	s31 =	sadd.s32 $0x2A80, s23;
	[sflag:s10] =	ssyncadd.s32 $0xFFFFE0C0  }
0x8a: {  	[spmem:s3] =	stream.indirect.scatter.add.f32 [tilespmem:s0], [sflag:$0x6], $0x40, s31, s29, $0xb8;
	[tilespmem:$0x1BE40] =	vst v63  }
0x8b: {  	_ =	swait.ge [sflag:s12], $0x1F40  }
0x8c: {  	[sflag:s12] =	ssyncset.done $0x0  }
0x8d: {  	s31 =	sadd.s32 $0x400, s23;
	[sflag:s12] =	ssyncadd.s32 $0xFFFFE0C0  }
0x8e: {  	[tilespmem:s30], [sflag:$0x1] =	stream.indirect.gather [hbm4b:s1+s29], $0x40, s31, s29, $0xb8;
	[tilespmem:$0x1BE40] =	vst v63  }
0x8f: {  	_ =	swait.ge [sflag:s14], $0x1F40  }
0x90: {  	[sflag:s14] =	ssyncset.done $0x0  }
0x91: {  	s31 =	sadd.s32 $0x2B00, s23;
	[sflag:s14] =	ssyncadd.s32 $0xFFFFE0C0  }
0x92: {  	[spmem:s3] =	stream.indirect.scatter.add.f32 [tilespmem:s25], [sflag:$0x7], $0x40, s31, s29, $0xb8;
	[tilespmem:$0x1BE40] =	vst v63  }
0x93: {  	_ =	swait.ge [sflag:s17], $0x1F40  }
0x94: {  	[sflag:s17] =	ssyncset.done $0x0  }
.Ltmp1:
0x95: {  	s31 =	sadd.s32 $0x480, s23;
	[sflag:s17] =	ssyncadd.s32 $0xFFFFE0C0;
	(pc) =	sbr.rel @!p1 .LBB2_3-.Ltmp1, $4  }
0x96: {  	[tilespmem:s0], [sflag:$0x2] =	stream.indirect.gather [hbm4b:s1+s29], $0x40, s31, s29, $0xb8;
	[tilespmem:$0x1BE40] =	vst v63  }
0x97: {  	_ =	swait.ge [sflag:s19], $0x1F40  }
0x98: {  	[sflag:s19] =	ssyncset.done $0x0  }
0x99: {  	s23 =	sadd.s32 $0x2B80, s23;
	[sflag:s19] =	ssyncadd.s32 $0xFFFFE0C0  }
0x9a: {  	[spmem:s3] =	stream.indirect.scatter.add.f32 [tilespmem:s7], [sflag:$0x8], $0x40, s23, s29, $0xb8;
	[tilespmem:$0x1BE40] =	vst v63  }
0x9b: {  	_ =	swait.ge [sflag:s21], $0x1F40  }
0x9c: {  	[sflag:s21] =	ssyncset.done $0x0  }
0x9d: {  	s20 =	simm.s32 $0x2700;
	[sflag:s21] =	ssyncadd.s32 $0xFFFFE0C0  }
0x9e: {  	[tilespmem:s25], [sflag:$0x3] =	stream.indirect.gather [hbm4b:s1+s29], $0x40, s20, s29, $0xb8;
	[tilespmem:$0x1BE40] =	vst v63  }
0x9f: {  	_ =	swait.ge [sflag:s9], $0x1F40  }
0xa0: {  	[sflag:s9] =	ssyncset.done $0x0  }
0xa1: {  	s31 =	simm.s32 $0x4E00;
	[sflag:s9] =	ssyncadd.s32 $0xFFFFE0C0  }
0xa2: {  	[spmem:s3] =	stream.indirect.scatter.add.f32 [tilespmem:s30], [sflag:$0x5], $0x40, s31, s29, $0xb8;
	[tilespmem:$0x1BE40] =	vst v63  }
0xa3: {  	_ =	swait.ge [sflag:s22], $0x1F40  }
0xa4: {  	[sflag:s22] =	ssyncset.done $0x0  }
0xa5: {  	[sflag:s22] =	ssyncadd.s32 $0xFFFFE0C0  }
0xa6: {  	[tilespmem:s7], [sflag:$0x4] =	stream.indirect.gather [hbm4b:s1+s29], $0x40, s2, s29, $0xb8;
	[tilespmem:$0x1BE40] =	vst v63  }
0xa7: {  	_ =	swait.ge [sflag:s10], $0x1F40  }
0xa8: {  	[sflag:s10] =	ssyncset.done $0x0  }
0xa9: {  	[sflag:s10] =	ssyncadd.s32 $0xFFFFE0C0  }
0xaa: {  	[spmem:s3] =	stream.indirect.scatter.add.f32 [tilespmem:s0], [sflag:$0x6], $0x40, s26, s29, $0xb8;
	[tilespmem:$0x1BE40] =	vst v63  }
0xab: {  	_ =	swait.ge [sflag:s14], $0x1F40  }
0xac: {  	[sflag:s14] =	ssyncset.done $0x0  }
0xad: {  	[sflag:s14] =	ssyncadd.s32 $0xFFFFE0C0  }
0xae: {  	[spmem:s3] =	stream.indirect.scatter.add.f32 [tilespmem:s25], [sflag:$0x7], $0x40, s11, s29, $0xb8;
	[tilespmem:$0x1BE40] =	vst v63  }
.Ltmp2:
0xaf: {  	_ = 	snop;
	(pc) =	sbr.rel .LBB2_8-.Ltmp2, $4  }
0xb0: {  	_ =	swait.ge [sflag:s19], $0x1F40  }
0xb1: {  	[sflag:s19] =	ssyncset.done $0x0  }
0xb2: {  	[sflag:s19] =	ssyncadd.s32 $0xFFFFE0C0  }
0xb3: {  	[spmem:s3] =	stream.indirect.scatter.add.f32 [tilespmem:s7], [sflag:$0x8], $0x40, s13, s29, $0xb8;
	[tilespmem:$0x1BE40] =	vst v63  }
.LBB2_5:
0xb4: {  	[tilespmem:s30], [sflag:$0x1] =	stream.indirect.gather [hbm4b:s15+s29], $0x40, s20, s29, $0xb8;
	[tilespmem:$0x1BE40] =	vst v63  }
0xb5: {  	s31 =	simm.s32 $0x80  }
0xb6: {  	[tilespmem:s0], [sflag:$0x2] =	stream.indirect.gather [hbm4b:s15+s29], $0x40, s31, s29, $0xb8;
	[tilespmem:$0x1BE40] =	vst v63  }
0xb7: {  	s23 =	simm.s32 $0x100  }
0xb8: {  	[tilespmem:s25], [sflag:$0x3] =	stream.indirect.gather [hbm4b:s15+s29], $0x40, s23, s29, $0xb8;
	[tilespmem:$0x1BE40] =	vst v63  }
0xb9: {  	s31 =	simm.s32 $0x180  }
0xba: {  	[tilespmem:s7], [sflag:$0x4] =	stream.indirect.gather [hbm4b:s15+s29], $0x40, s31, s29, $0xb8;
	[tilespmem:$0x1BE40] =	vst v63  }
0xbb: {  	_ =	swait.ge [sflag:s9], $0x1F40  }
0xbc: {  	[sflag:s9] =	ssyncset.done $0x0  }
0xbd: {  	[sflag:s9] =	ssyncadd.s32 $0xFFFFE0C0  }
0xbe: {  	[spmem:s3] =	stream.indirect.scatter.add.f32 [tilespmem:s30], [sflag:$0x5], $0x40, s28, s29, $0xb8;
	[tilespmem:$0x1BE40] =	vst v63  }
0xbf: {  	_ =	swait.ge [sflag:s10], $0x1F40  }
0xc0: {  	[sflag:s10] =	ssyncset.done $0x0  }
0xc1: {  	s23 =	simm.s32 $0x2880;
	[sflag:s10] =	ssyncadd.s32 $0xFFFFE0C0  }
0xc2: {  	[spmem:s3] =	stream.indirect.scatter.add.f32 [tilespmem:s0], [sflag:$0x6], $0x40, s23, s29, $0xb8;
	[tilespmem:$0x1BE40] =	vst v63  }
0xc3: {  	_ =	swait.ge [sflag:s12], $0x1F40  }
0xc4: {  	[sflag:s12] =	ssyncset.done $0x0  }
0xc5: {  	s31 =	simm.s32 $0x200;
	[sflag:s12] =	ssyncadd.s32 $0xFFFFE0C0  }
0xc6: {  	[tilespmem:s30], [sflag:$0x1] =	stream.indirect.gather [hbm4b:s15+s29], $0x40, s31, s29, $0xb8;
	[tilespmem:$0x1BE40] =	vst v63  }
0xc7: {  	_ =	swait.ge [sflag:s14], $0x1F40  }
0xc8: {  	[sflag:s14] =	ssyncset.done $0x0  }
0xc9: {  	s23 =	simm.s32 $0x2900;
	[sflag:s14] =	ssyncadd.s32 $0xFFFFE0C0  }
0xca: {  	[spmem:s3] =	stream.indirect.scatter.add.f32 [tilespmem:s25], [sflag:$0x7], $0x40, s23, s29, $0xb8;
	[tilespmem:$0x1BE40] =	vst v63  }
0xcb: {  	_ =	swait.ge [sflag:s17], $0x1F40  }
0xcc: {  	[sflag:s17] =	ssyncset.done $0x0  }
0xcd: {  	s31 =	simm.s32 $0x280;
	[sflag:s17] =	ssyncadd.s32 $0xFFFFE0C0  }
0xce: {  	[tilespmem:s0], [sflag:$0x2] =	stream.indirect.gather [hbm4b:s15+s29], $0x40, s31, s29, $0xb8;
	[tilespmem:$0x1BE40] =	vst v63  }
0xcf: {  	_ =	swait.ge [sflag:s19], $0x1F40  }
0xd0: {  	[sflag:s19] =	ssyncset.done $0x0  }
0xd1: {  	s23 =	simm.s32 $0x2980;
	[sflag:s19] =	ssyncadd.s32 $0xFFFFE0C0  }
0xd2: {  	[spmem:s3] =	stream.indirect.scatter.add.f32 [tilespmem:s7], [sflag:$0x8], $0x40, s23, s29, $0xb8;
	[tilespmem:$0x1BE40] =	vst v63  }
0xd3: {  	_ =	swait.ge [sflag:s21], $0x1F40  }
0xd4: {  	[sflag:s21] =	ssyncset.done $0x0  }
0xd5: {  	s31 =	simm.s32 $0x300;
	[sflag:s21] =	ssyncadd.s32 $0xFFFFE0C0  }
0xd6: {  	[tilespmem:s25], [sflag:$0x3] =	stream.indirect.gather [hbm4b:s15+s29], $0x40, s31, s29, $0xb8;
	[tilespmem:$0x1BE40] =	vst v63  }
0xd7: {  	_ =	swait.ge [sflag:s9], $0x1F40  }
0xd8: {  	[sflag:s9] =	ssyncset.done $0x0  }
0xd9: {  	s23 =	simm.s32 $0x2A00;
	[sflag:s9] =	ssyncadd.s32 $0xFFFFE0C0  }
0xda: {  	[spmem:s3] =	stream.indirect.scatter.add.f32 [tilespmem:s30], [sflag:$0x5], $0x40, s23, s29, $0xb8;
	[tilespmem:$0x1BE40] =	vst v63  }
0xdb: {  	_ =	swait.ge [sflag:s22], $0x1F40  }
0xdc: {  	[sflag:s22] =	ssyncset.done $0x0  }
0xdd: {  	s31 =	simm.s32 $0x380;
	[sflag:s22] =	ssyncadd.s32 $0xFFFFE0C0  }
0xde: {  	[tilespmem:s7], [sflag:$0x4] =	stream.indirect.gather [hbm4b:s15+s29], $0x40, s31, s29, $0xb8;
	[tilespmem:$0x1BE40] =	vst v63  }
0xdf: {  	_ =	swait.ge [sflag:s10], $0x1F40  }
0xe0: {  	[sflag:s10] =	ssyncset.done $0x0  }
0xe1: {  	s23 =	simm.s32 $0x2A80;
	[sflag:s10] =	ssyncadd.s32 $0xFFFFE0C0  }
0xe2: {  	[spmem:s3] =	stream.indirect.scatter.add.f32 [tilespmem:s0], [sflag:$0x6], $0x40, s23, s29, $0xb8;
	[tilespmem:$0x1BE40] =	vst v63  }
0xe3: {  	_ =	swait.ge [sflag:s12], $0x1F40  }
0xe4: {  	[sflag:s12] =	ssyncset.done $0x0  }
0xe5: {  	s31 =	simm.s32 $0x400;
	[sflag:s12] =	ssyncadd.s32 $0xFFFFE0C0  }
0xe6: {  	[tilespmem:s30], [sflag:$0x1] =	stream.indirect.gather [hbm4b:s15+s29], $0x40, s31, s29, $0xb8;
	[tilespmem:$0x1BE40] =	vst v63  }
0xe7: {  	_ =	swait.ge [sflag:s14], $0x1F40  }
0xe8: {  	[sflag:s14] =	ssyncset.done $0x0  }
0xe9: {  	s23 =	simm.s32 $0x2B00;
	[sflag:s14] =	ssyncadd.s32 $0xFFFFE0C0  }
0xea: {  	[spmem:s3] =	stream.indirect.scatter.add.f32 [tilespmem:s25], [sflag:$0x7], $0x40, s23, s29, $0xb8;
	[tilespmem:$0x1BE40] =	vst v63  }
0xeb: {  	_ =	swait.ge [sflag:s17], $0x1F40  }
0xec: {  	[sflag:s17] =	ssyncset.done $0x0  }
0xed: {  	s31 =	simm.s32 $0x480;
	[sflag:s17] =	ssyncadd.s32 $0xFFFFE0C0  }
0xee: {  	[tilespmem:s0], [sflag:$0x2] =	stream.indirect.gather [hbm4b:s15+s29], $0x40, s31, s29, $0xb8;
	[tilespmem:$0x1BE40] =	vst v63  }
0xef: {  	_ =	swait.ge [sflag:s19], $0x1F40  }
0xf0: {  	[sflag:s19] =	ssyncset.done $0x0  }
0xf1: {  	s20 =	simm.s32 $0x800;
	s23 =	simm.s32 $0x2B80;
	[sflag:s19] =	ssyncadd.s32 $0xFFFFE0C0  }
.LBB2_6:
0xf2: {  	[spmem:s3] =	stream.indirect.scatter.add.f32 [tilespmem:s7], [sflag:$0x8], $0x40, s23, s29, $0xb8;
	[tilespmem:$0x1BE40] =	vst v63  }
0xf3: {  	s23 =	smov.u32 s20  }
0xf4: {  	p1 =	seq.s32 s20, $0x8800;
	s20 =	sadd.s32 $0x800, s20;
	_ =	swait.ge [sflag:s21], $0x1F40  }
0xf5: {  	s23 =	sshra.s32 s23, $0x2;
	[sflag:s21] =	ssyncset.done $0x0  }
0xf6: {  	s31 =	sadd.s32 $0x300, s23;
	[sflag:s21] =	ssyncadd.s32 $0xFFFFE0C0  }
0xf7: {  	[tilespmem:s25], [sflag:$0x3] =	stream.indirect.gather [hbm4b:s15+s29], $0x40, s31, s29, $0xb8;
	[tilespmem:$0x1BE40] =	vst v63  }
0xf8: {  	_ =	swait.ge [sflag:s9], $0x1F40  }
0xf9: {  	[sflag:s9] =	ssyncset.done $0x0  }
0xfa: {  	s31 =	sadd.s32 $0x2A00, s23;
	[sflag:s9] =	ssyncadd.s32 $0xFFFFE0C0  }
0xfb: {  	[spmem:s3] =	stream.indirect.scatter.add.f32 [tilespmem:s30], [sflag:$0x5], $0x40, s31, s29, $0xb8;
	[tilespmem:$0x1BE40] =	vst v63  }
0xfc: {  	_ =	swait.ge [sflag:s22], $0x1F40  }
0xfd: {  	[sflag:s22] =	ssyncset.done $0x0  }
0xfe: {  	s31 =	sadd.s32 $0x380, s23;
	[sflag:s22] =	ssyncadd.s32 $0xFFFFE0C0  }
0xff: {  	[tilespmem:s7], [sflag:$0x4] =	stream.indirect.gather [hbm4b:s15+s29], $0x40, s31, s29, $0xb8;
	[tilespmem:$0x1BE40] =	vst v63  }
0x100: {  	_ =	swait.ge [sflag:s10], $0x1F40  }
0x101: {  	[sflag:s10] =	ssyncset.done $0x0  }
0x102: {  	s31 =	sadd.s32 $0x2A80, s23;
	[sflag:s10] =	ssyncadd.s32 $0xFFFFE0C0  }
0x103: {  	[spmem:s3] =	stream.indirect.scatter.add.f32 [tilespmem:s0], [sflag:$0x6], $0x40, s31, s29, $0xb8;
	[tilespmem:$0x1BE40] =	vst v63  }
0x104: {  	_ =	swait.ge [sflag:s12], $0x1F40  }
0x105: {  	[sflag:s12] =	ssyncset.done $0x0  }
0x106: {  	s31 =	sadd.s32 $0x400, s23;
	[sflag:s12] =	ssyncadd.s32 $0xFFFFE0C0  }
0x107: {  	[tilespmem:s30], [sflag:$0x1] =	stream.indirect.gather [hbm4b:s15+s29], $0x40, s31, s29, $0xb8;
	[tilespmem:$0x1BE40] =	vst v63  }
0x108: {  	_ =	swait.ge [sflag:s14], $0x1F40  }
0x109: {  	[sflag:s14] =	ssyncset.done $0x0  }
0x10a: {  	s31 =	sadd.s32 $0x2B00, s23;
	[sflag:s14] =	ssyncadd.s32 $0xFFFFE0C0  }
0x10b: {  	[spmem:s3] =	stream.indirect.scatter.add.f32 [tilespmem:s25], [sflag:$0x7], $0x40, s31, s29, $0xb8;
	[tilespmem:$0x1BE40] =	vst v63  }
0x10c: {  	_ =	swait.ge [sflag:s17], $0x1F40  }
0x10d: {  	[sflag:s17] =	ssyncset.done $0x0  }
.Ltmp3:
0x10e: {  	s31 =	sadd.s32 $0x480, s23;
	[sflag:s17] =	ssyncadd.s32 $0xFFFFE0C0;
	(pc) =	sbr.rel @!p1 .LBB2_6-.Ltmp3, $4  }
0x10f: {  	[tilespmem:s0], [sflag:$0x2] =	stream.indirect.gather [hbm4b:s15+s29], $0x40, s31, s29, $0xb8;
	[tilespmem:$0x1BE40] =	vst v63  }
0x110: {  	_ =	swait.ge [sflag:s19], $0x1F40  }
0x111: {  	[sflag:s19] =	ssyncset.done $0x0  }
0x112: {  	s23 =	sadd.s32 $0x2B80, s23;
	[sflag:s19] =	ssyncadd.s32 $0xFFFFE0C0  }
0x113: {  	[spmem:s3] =	stream.indirect.scatter.add.f32 [tilespmem:s7], [sflag:$0x8], $0x40, s23, s29, $0xb8;
	[tilespmem:$0x1BE40] =	vst v63  }
0x114: {  	_ =	swait.ge [sflag:s21], $0x1F40  }
0x115: {  	[sflag:s21] =	ssyncset.done $0x0  }
0x116: {  	s20 =	simm.s32 $0x2700;
	[sflag:s21] =	ssyncadd.s32 $0xFFFFE0C0  }
0x117: {  	[tilespmem:s25], [sflag:$0x3] =	stream.indirect.gather [hbm4b:s15+s29], $0x40, s20, s29, $0xb8;
	[tilespmem:$0x1BE40] =	vst v63  }
0x118: {  	_ =	swait.ge [sflag:s9], $0x1F40  }
0x119: {  	[sflag:s9] =	ssyncset.done $0x0  }
0x11a: {  	s31 =	simm.s32 $0x4E00;
	[sflag:s9] =	ssyncadd.s32 $0xFFFFE0C0  }
0x11b: {  	[spmem:s3] =	stream.indirect.scatter.add.f32 [tilespmem:s30], [sflag:$0x5], $0x40, s31, s29, $0xb8;
	[tilespmem:$0x1BE40] =	vst v63  }
0x11c: {  	_ =	swait.ge [sflag:s22], $0x1F40  }
0x11d: {  	[sflag:s22] =	ssyncset.done $0x0  }
0x11e: {  	[sflag:s22] =	ssyncadd.s32 $0xFFFFE0C0  }
0x11f: {  	[tilespmem:s7], [sflag:$0x4] =	stream.indirect.gather [hbm4b:s15+s29], $0x40, s2, s29, $0xb8;
	[tilespmem:$0x1BE40] =	vst v63  }
0x120: {  	_ =	swait.ge [sflag:s10], $0x1F40  }
0x121: {  	[sflag:s10] =	ssyncset.done $0x0  }
0x122: {  	[sflag:s10] =	ssyncadd.s32 $0xFFFFE0C0  }
0x123: {  	[spmem:s3] =	stream.indirect.scatter.add.f32 [tilespmem:s0], [sflag:$0x6], $0x40, s26, s29, $0xb8;
	[tilespmem:$0x1BE40] =	vst v63  }
0x124: {  	_ =	swait.ge [sflag:s14], $0x1F40  }
0x125: {  	[sflag:s14] =	ssyncset.done $0x0  }
0x126: {  	[sflag:s14] =	ssyncadd.s32 $0xFFFFE0C0  }
0x127: {  	[spmem:s3] =	stream.indirect.scatter.add.f32 [tilespmem:s25], [sflag:$0x7], $0x40, s11, s29, $0xb8;
	[tilespmem:$0x1BE40] =	vst v63  }
0x128: {  	_ =	swait.ge [sflag:s19], $0x1F40  }
0x129: {  	[sflag:s19] =	ssyncset.done $0x0  }
0x12a: {  	[sflag:s19] =	ssyncadd.s32 $0xFFFFE0C0  }
0x12b: {  	[spmem:s3] =	stream.indirect.scatter.add.f32 [tilespmem:s7], [sflag:$0x8], $0x40, s13, s29, $0xb8;
	[tilespmem:$0x1BE40] =	vst v63  }
.LBB2_8:
0x12c: {  	_ =	swait.ge [sflag:s12], $0x1F40  }
0x12d: {  	[sflag:s12] =	ssyncset.done $0x0  }
0x12e: {  	[sflag:s12] =	ssyncadd.s32 $0xFFFFE0C0  }
0x12f: {  	_ =	swait.ge [sflag:s17], $0x1F40  }
0x130: {  	[sflag:s17] =	ssyncset.done $0x0  }
0x131: {  	[sflag:s17] =	ssyncadd.s32 $0xFFFFE0C0  }
0x132: {  	_ =	swait.ge [sflag:s21], $0x1F40  }
0x133: {  	[sflag:s21] =	ssyncset.done $0x0  }
0x134: {  	[sflag:s21] =	ssyncadd.s32 $0xFFFFE0C0  }
0x135: {  	_ =	swait.ge [sflag:s22], $0x1F40  }
0x136: {  	[sflag:s22] =	ssyncset.done $0x0  }
0x137: {  	s20 =	rddreg [dreg:$0xc];
	[sflag:s22] =	ssyncadd.s32 $0xFFFFE0C0  }
0x138: {  	[tilespmem:s5], [sflag:$0x9] =	stream.linear.gather [hbm4b:s20+s5], $0x2800, $0x38;
	[tilespmem:$0x1BE40] =	vst v63  }
0x139: {  	_ =	swait.ge [sflag:s24], $0x2800  }
0x13a: {  	[sflag:s24] =	ssyncset.done $0x0  }
.Ltmp4:
0x13b: {  	s31 =	rddreg [dreg:$0xd];
	[sflag:s24] =	ssyncadd.s32 $0xFFFFD800;
	(pc) =	sbr.rel @p0 .LBB2_12-.Ltmp4, $4  }
0x13c: {  	[tilespmem:s28], [sflag:$0x9] =	stream.linear.gather [hbm4b:s31+s5], $0x2800, $0x38;
	[tilespmem:$0x1BE40] =	vst v63  }
0x13d: {  	_ =	swait.ge [sflag:s24], $0x2800  }
0x13e: {  	[sflag:s24] =	ssyncset.done $0x0  }
0x13f: {  	s20 =	simm.s32 $0x0;
	[sflag:s24] =	ssyncadd.s32 $0xFFFFD800  }
0x140: {  	[tilespmem:s30], [sflag:$0x1] =	stream.indirect.gather [hbm4b:s1+s29], $0x40, s20, s29, $0xb8;
	[tilespmem:$0x1BE40] =	vst v63  }
0x141: {  	s31 =	simm.s32 $0x80  }
0x142: {  	[tilespmem:s0], [sflag:$0x2] =	stream.indirect.gather [hbm4b:s1+s29], $0x40, s31, s29, $0xb8;
	[tilespmem:$0x1BE40] =	vst v63  }
0x143: {  	s23 =	simm.s32 $0x100  }
0x144: {  	[tilespmem:s25], [sflag:$0x3] =	stream.indirect.gather [hbm4b:s1+s29], $0x40, s23, s29, $0xb8;
	[tilespmem:$0x1BE40] =	vst v63  }
0x145: {  	s31 =	simm.s32 $0x180  }
0x146: {  	[tilespmem:s7], [sflag:$0x4] =	stream.indirect.gather [hbm4b:s1+s29], $0x40, s31, s29, $0xb8;
	[tilespmem:$0x1BE40] =	vst v63  }
0x147: {  	_ =	swait.ge [sflag:s9], $0x1F40  }
0x148: {  	[sflag:s9] =	ssyncset.done $0x0  }
0x149: {  	[sflag:s9] =	ssyncadd.s32 $0xFFFFE0C0  }
0x14a: {  	[spmem:s3] =	stream.indirect.scatter.add.f32 [tilespmem:s30], [sflag:$0x5], $0x40, s28, s29, $0xb8;
	[tilespmem:$0x1BE40] =	vst v63  }
0x14b: {  	_ =	swait.ge [sflag:s10], $0x1F40  }
0x14c: {  	[sflag:s10] =	ssyncset.done $0x0  }
0x14d: {  	s23 =	simm.s32 $0x2880;
	[sflag:s10] =	ssyncadd.s32 $0xFFFFE0C0  }
0x14e: {  	[spmem:s3] =	stream.indirect.scatter.add.f32 [tilespmem:s0], [sflag:$0x6], $0x40, s23, s29, $0xb8;
	[tilespmem:$0x1BE40] =	vst v63  }
0x14f: {  	_ =	swait.ge [sflag:s12], $0x1F40  }
0x150: {  	[sflag:s12] =	ssyncset.done $0x0  }
0x151: {  	s31 =	simm.s32 $0x200;
	[sflag:s12] =	ssyncadd.s32 $0xFFFFE0C0  }
0x152: {  	[tilespmem:s30], [sflag:$0x1] =	stream.indirect.gather [hbm4b:s1+s29], $0x40, s31, s29, $0xb8;
	[tilespmem:$0x1BE40] =	vst v63  }
0x153: {  	_ =	swait.ge [sflag:s14], $0x1F40  }
0x154: {  	[sflag:s14] =	ssyncset.done $0x0  }
0x155: {  	s23 =	simm.s32 $0x2900;
	[sflag:s14] =	ssyncadd.s32 $0xFFFFE0C0  }
0x156: {  	[spmem:s3] =	stream.indirect.scatter.add.f32 [tilespmem:s25], [sflag:$0x7], $0x40, s23, s29, $0xb8;
	[tilespmem:$0x1BE40] =	vst v63  }
0x157: {  	_ =	swait.ge [sflag:s17], $0x1F40  }
0x158: {  	[sflag:s17] =	ssyncset.done $0x0  }
0x159: {  	s31 =	simm.s32 $0x280;
	[sflag:s17] =	ssyncadd.s32 $0xFFFFE0C0  }
0x15a: {  	[tilespmem:s0], [sflag:$0x2] =	stream.indirect.gather [hbm4b:s1+s29], $0x40, s31, s29, $0xb8;
	[tilespmem:$0x1BE40] =	vst v63  }
0x15b: {  	_ =	swait.ge [sflag:s19], $0x1F40  }
0x15c: {  	[sflag:s19] =	ssyncset.done $0x0  }
0x15d: {  	s23 =	simm.s32 $0x2980;
	[sflag:s19] =	ssyncadd.s32 $0xFFFFE0C0  }
0x15e: {  	[spmem:s3] =	stream.indirect.scatter.add.f32 [tilespmem:s7], [sflag:$0x8], $0x40, s23, s29, $0xb8;
	[tilespmem:$0x1BE40] =	vst v63  }
0x15f: {  	_ =	swait.ge [sflag:s21], $0x1F40  }
0x160: {  	[sflag:s21] =	ssyncset.done $0x0  }
0x161: {  	s31 =	simm.s32 $0x300;
	[sflag:s21] =	ssyncadd.s32 $0xFFFFE0C0  }
0x162: {  	[tilespmem:s25], [sflag:$0x3] =	stream.indirect.gather [hbm4b:s1+s29], $0x40, s31, s29, $0xb8;
	[tilespmem:$0x1BE40] =	vst v63  }
0x163: {  	_ =	swait.ge [sflag:s9], $0x1F40  }
0x164: {  	[sflag:s9] =	ssyncset.done $0x0  }
0x165: {  	s23 =	simm.s32 $0x2A00;
	[sflag:s9] =	ssyncadd.s32 $0xFFFFE0C0  }
0x166: {  	[spmem:s3] =	stream.indirect.scatter.add.f32 [tilespmem:s30], [sflag:$0x5], $0x40, s23, s29, $0xb8;
	[tilespmem:$0x1BE40] =	vst v63  }
0x167: {  	_ =	swait.ge [sflag:s22], $0x1F40  }
0x168: {  	[sflag:s22] =	ssyncset.done $0x0  }
0x169: {  	s31 =	simm.s32 $0x380;
	[sflag:s22] =	ssyncadd.s32 $0xFFFFE0C0  }
0x16a: {  	[tilespmem:s7], [sflag:$0x4] =	stream.indirect.gather [hbm4b:s1+s29], $0x40, s31, s29, $0xb8;
	[tilespmem:$0x1BE40] =	vst v63  }
0x16b: {  	_ =	swait.ge [sflag:s10], $0x1F40  }
0x16c: {  	[sflag:s10] =	ssyncset.done $0x0  }
0x16d: {  	s23 =	simm.s32 $0x2A80;
	[sflag:s10] =	ssyncadd.s32 $0xFFFFE0C0  }
0x16e: {  	[spmem:s3] =	stream.indirect.scatter.add.f32 [tilespmem:s0], [sflag:$0x6], $0x40, s23, s29, $0xb8;
	[tilespmem:$0x1BE40] =	vst v63  }
0x16f: {  	_ =	swait.ge [sflag:s12], $0x1F40  }
0x170: {  	[sflag:s12] =	ssyncset.done $0x0  }
0x171: {  	s31 =	simm.s32 $0x400;
	[sflag:s12] =	ssyncadd.s32 $0xFFFFE0C0  }
0x172: {  	[tilespmem:s30], [sflag:$0x1] =	stream.indirect.gather [hbm4b:s1+s29], $0x40, s31, s29, $0xb8;
	[tilespmem:$0x1BE40] =	vst v63  }
0x173: {  	_ =	swait.ge [sflag:s14], $0x1F40  }
0x174: {  	[sflag:s14] =	ssyncset.done $0x0  }
0x175: {  	s23 =	simm.s32 $0x2B00;
	[sflag:s14] =	ssyncadd.s32 $0xFFFFE0C0  }
0x176: {  	[spmem:s3] =	stream.indirect.scatter.add.f32 [tilespmem:s25], [sflag:$0x7], $0x40, s23, s29, $0xb8;
	[tilespmem:$0x1BE40] =	vst v63  }
0x177: {  	_ =	swait.ge [sflag:s17], $0x1F40  }
0x178: {  	[sflag:s17] =	ssyncset.done $0x0  }
0x179: {  	s31 =	simm.s32 $0x480;
	[sflag:s17] =	ssyncadd.s32 $0xFFFFE0C0  }
0x17a: {  	[tilespmem:s0], [sflag:$0x2] =	stream.indirect.gather [hbm4b:s1+s29], $0x40, s31, s29, $0xb8;
	[tilespmem:$0x1BE40] =	vst v63  }
0x17b: {  	_ =	swait.ge [sflag:s19], $0x1F40  }
0x17c: {  	[sflag:s19] =	ssyncset.done $0x0  }
0x17d: {  	s20 =	simm.s32 $0x800;
	s23 =	simm.s32 $0x2B80;
	[sflag:s19] =	ssyncadd.s32 $0xFFFFE0C0  }
.LBB2_10:
0x17e: {  	[spmem:s3] =	stream.indirect.scatter.add.f32 [tilespmem:s7], [sflag:$0x8], $0x40, s23, s29, $0xb8;
	[tilespmem:$0x1BE40] =	vst v63  }
0x17f: {  	s23 =	smov.u32 s20  }
0x180: {  	p1 =	seq.s32 s20, $0x8800;
	s20 =	sadd.s32 $0x800, s20;
	_ =	swait.ge [sflag:s21], $0x1F40  }
0x181: {  	s23 =	sshra.s32 s23, $0x2;
	[sflag:s21] =	ssyncset.done $0x0  }
0x182: {  	s31 =	sadd.s32 $0x300, s23;
	[sflag:s21] =	ssyncadd.s32 $0xFFFFE0C0  }
0x183: {  	[tilespmem:s25], [sflag:$0x3] =	stream.indirect.gather [hbm4b:s1+s29], $0x40, s31, s29, $0xb8;
	[tilespmem:$0x1BE40] =	vst v63  }
0x184: {  	_ =	swait.ge [sflag:s9], $0x1F40  }
0x185: {  	[sflag:s9] =	ssyncset.done $0x0  }
0x186: {  	s31 =	sadd.s32 $0x2A00, s23;
	[sflag:s9] =	ssyncadd.s32 $0xFFFFE0C0  }
0x187: {  	[spmem:s3] =	stream.indirect.scatter.add.f32 [tilespmem:s30], [sflag:$0x5], $0x40, s31, s29, $0xb8;
	[tilespmem:$0x1BE40] =	vst v63  }
0x188: {  	_ =	swait.ge [sflag:s22], $0x1F40  }
0x189: {  	[sflag:s22] =	ssyncset.done $0x0  }
0x18a: {  	s31 =	sadd.s32 $0x380, s23;
	[sflag:s22] =	ssyncadd.s32 $0xFFFFE0C0  }
0x18b: {  	[tilespmem:s7], [sflag:$0x4] =	stream.indirect.gather [hbm4b:s1+s29], $0x40, s31, s29, $0xb8;
	[tilespmem:$0x1BE40] =	vst v63  }
0x18c: {  	_ =	swait.ge [sflag:s10], $0x1F40  }
0x18d: {  	[sflag:s10] =	ssyncset.done $0x0  }
0x18e: {  	s31 =	sadd.s32 $0x2A80, s23;
	[sflag:s10] =	ssyncadd.s32 $0xFFFFE0C0  }
0x18f: {  	[spmem:s3] =	stream.indirect.scatter.add.f32 [tilespmem:s0], [sflag:$0x6], $0x40, s31, s29, $0xb8;
	[tilespmem:$0x1BE40] =	vst v63  }
0x190: {  	_ =	swait.ge [sflag:s12], $0x1F40  }
0x191: {  	[sflag:s12] =	ssyncset.done $0x0  }
0x192: {  	s31 =	sadd.s32 $0x400, s23;
	[sflag:s12] =	ssyncadd.s32 $0xFFFFE0C0  }
0x193: {  	[tilespmem:s30], [sflag:$0x1] =	stream.indirect.gather [hbm4b:s1+s29], $0x40, s31, s29, $0xb8;
	[tilespmem:$0x1BE40] =	vst v63  }
0x194: {  	_ =	swait.ge [sflag:s14], $0x1F40  }
0x195: {  	[sflag:s14] =	ssyncset.done $0x0  }
0x196: {  	s31 =	sadd.s32 $0x2B00, s23;
	[sflag:s14] =	ssyncadd.s32 $0xFFFFE0C0  }
0x197: {  	[spmem:s3] =	stream.indirect.scatter.add.f32 [tilespmem:s25], [sflag:$0x7], $0x40, s31, s29, $0xb8;
	[tilespmem:$0x1BE40] =	vst v63  }
0x198: {  	_ =	swait.ge [sflag:s17], $0x1F40  }
0x199: {  	[sflag:s17] =	ssyncset.done $0x0  }
.Ltmp5:
0x19a: {  	s31 =	sadd.s32 $0x480, s23;
	[sflag:s17] =	ssyncadd.s32 $0xFFFFE0C0;
	(pc) =	sbr.rel @!p1 .LBB2_10-.Ltmp5, $4  }
0x19b: {  	[tilespmem:s0], [sflag:$0x2] =	stream.indirect.gather [hbm4b:s1+s29], $0x40, s31, s29, $0xb8;
	[tilespmem:$0x1BE40] =	vst v63  }
0x19c: {  	_ =	swait.ge [sflag:s19], $0x1F40  }
0x19d: {  	[sflag:s19] =	ssyncset.done $0x0  }
0x19e: {  	s23 =	sadd.s32 $0x2B80, s23;
	[sflag:s19] =	ssyncadd.s32 $0xFFFFE0C0  }
0x19f: {  	[spmem:s3] =	stream.indirect.scatter.add.f32 [tilespmem:s7], [sflag:$0x8], $0x40, s23, s29, $0xb8;
	[tilespmem:$0x1BE40] =	vst v63  }
0x1a0: {  	_ =	swait.ge [sflag:s21], $0x1F40  }
0x1a1: {  	[sflag:s21] =	ssyncset.done $0x0  }
0x1a2: {  	s20 =	simm.s32 $0x2700;
	[sflag:s21] =	ssyncadd.s32 $0xFFFFE0C0  }
0x1a3: {  	[tilespmem:s25], [sflag:$0x3] =	stream.indirect.gather [hbm4b:s1+s29], $0x40, s20, s29, $0xb8;
	[tilespmem:$0x1BE40] =	vst v63  }
0x1a4: {  	_ =	swait.ge [sflag:s9], $0x1F40  }
0x1a5: {  	[sflag:s9] =	ssyncset.done $0x0  }
0x1a6: {  	s31 =	simm.s32 $0x4E00;
	[sflag:s9] =	ssyncadd.s32 $0xFFFFE0C0  }
0x1a7: {  	[spmem:s3] =	stream.indirect.scatter.add.f32 [tilespmem:s30], [sflag:$0x5], $0x40, s31, s29, $0xb8;
	[tilespmem:$0x1BE40] =	vst v63  }
0x1a8: {  	_ =	swait.ge [sflag:s22], $0x1F40  }
0x1a9: {  	[sflag:s22] =	ssyncset.done $0x0  }
0x1aa: {  	[sflag:s22] =	ssyncadd.s32 $0xFFFFE0C0  }
0x1ab: {  	[tilespmem:s7], [sflag:$0x4] =	stream.indirect.gather [hbm4b:s1+s29], $0x40, s2, s29, $0xb8;
	[tilespmem:$0x1BE40] =	vst v63  }
0x1ac: {  	_ =	swait.ge [sflag:s10], $0x1F40  }
0x1ad: {  	[sflag:s10] =	ssyncset.done $0x0  }
0x1ae: {  	[sflag:s10] =	ssyncadd.s32 $0xFFFFE0C0  }
0x1af: {  	[spmem:s3] =	stream.indirect.scatter.add.f32 [tilespmem:s0], [sflag:$0x6], $0x40, s26, s29, $0xb8;
	[tilespmem:$0x1BE40] =	vst v63  }
0x1b0: {  	_ =	swait.ge [sflag:s14], $0x1F40  }
0x1b1: {  	[sflag:s14] =	ssyncset.done $0x0  }
0x1b2: {  	[sflag:s14] =	ssyncadd.s32 $0xFFFFE0C0  }
0x1b3: {  	[spmem:s3] =	stream.indirect.scatter.add.f32 [tilespmem:s25], [sflag:$0x7], $0x40, s11, s29, $0xb8;
	[tilespmem:$0x1BE40] =	vst v63  }
.Ltmp6:
0x1b4: {  	_ = 	snop;
	(pc) =	sbr.rel .LBB2_15-.Ltmp6, $4  }
0x1b5: {  	_ =	swait.ge [sflag:s19], $0x1F40  }
0x1b6: {  	[sflag:s19] =	ssyncset.done $0x0  }
0x1b7: {  	[sflag:s19] =	ssyncadd.s32 $0xFFFFE0C0  }
0x1b8: {  	[spmem:s3] =	stream.indirect.scatter.add.f32 [tilespmem:s7], [sflag:$0x8], $0x40, s13, s29, $0xb8;
	[tilespmem:$0x1BE40] =	vst v63  }
.LBB2_12:
0x1b9: {  	[tilespmem:s30], [sflag:$0x1] =	stream.indirect.gather [hbm4b:s15+s29], $0x40, s20, s29, $0xb8;
	[tilespmem:$0x1BE40] =	vst v63  }
0x1ba: {  	s31 =	simm.s32 $0x80  }
0x1bb: {  	[tilespmem:s0], [sflag:$0x2] =	stream.indirect.gather [hbm4b:s15+s29], $0x40, s31, s29, $0xb8;
	[tilespmem:$0x1BE40] =	vst v63  }
0x1bc: {  	s23 =	simm.s32 $0x100  }
0x1bd: {  	[tilespmem:s25], [sflag:$0x3] =	stream.indirect.gather [hbm4b:s15+s29], $0x40, s23, s29, $0xb8;
	[tilespmem:$0x1BE40] =	vst v63  }
0x1be: {  	s31 =	simm.s32 $0x180  }
0x1bf: {  	[tilespmem:s7], [sflag:$0x4] =	stream.indirect.gather [hbm4b:s15+s29], $0x40, s31, s29, $0xb8;
	[tilespmem:$0x1BE40] =	vst v63  }
0x1c0: {  	_ =	swait.ge [sflag:s9], $0x1F40  }
0x1c1: {  	[sflag:s9] =	ssyncset.done $0x0  }
0x1c2: {  	[sflag:s9] =	ssyncadd.s32 $0xFFFFE0C0  }
0x1c3: {  	[spmem:s3] =	stream.indirect.scatter.add.f32 [tilespmem:s30], [sflag:$0x5], $0x40, s28, s29, $0xb8;
	[tilespmem:$0x1BE40] =	vst v63  }
0x1c4: {  	_ =	swait.ge [sflag:s10], $0x1F40  }
0x1c5: {  	[sflag:s10] =	ssyncset.done $0x0  }
0x1c6: {  	s23 =	simm.s32 $0x2880;
	[sflag:s10] =	ssyncadd.s32 $0xFFFFE0C0  }
0x1c7: {  	[spmem:s3] =	stream.indirect.scatter.add.f32 [tilespmem:s0], [sflag:$0x6], $0x40, s23, s29, $0xb8;
	[tilespmem:$0x1BE40] =	vst v63  }
0x1c8: {  	_ =	swait.ge [sflag:s12], $0x1F40  }
0x1c9: {  	[sflag:s12] =	ssyncset.done $0x0  }
0x1ca: {  	s31 =	simm.s32 $0x200;
	[sflag:s12] =	ssyncadd.s32 $0xFFFFE0C0  }
0x1cb: {  	[tilespmem:s30], [sflag:$0x1] =	stream.indirect.gather [hbm4b:s15+s29], $0x40, s31, s29, $0xb8;
	[tilespmem:$0x1BE40] =	vst v63  }
0x1cc: {  	_ =	swait.ge [sflag:s14], $0x1F40  }
0x1cd: {  	[sflag:s14] =	ssyncset.done $0x0  }
0x1ce: {  	s23 =	simm.s32 $0x2900;
	[sflag:s14] =	ssyncadd.s32 $0xFFFFE0C0  }
0x1cf: {  	[spmem:s3] =	stream.indirect.scatter.add.f32 [tilespmem:s25], [sflag:$0x7], $0x40, s23, s29, $0xb8;
	[tilespmem:$0x1BE40] =	vst v63  }
0x1d0: {  	_ =	swait.ge [sflag:s17], $0x1F40  }
0x1d1: {  	[sflag:s17] =	ssyncset.done $0x0  }
0x1d2: {  	s31 =	simm.s32 $0x280;
	[sflag:s17] =	ssyncadd.s32 $0xFFFFE0C0  }
0x1d3: {  	[tilespmem:s0], [sflag:$0x2] =	stream.indirect.gather [hbm4b:s15+s29], $0x40, s31, s29, $0xb8;
	[tilespmem:$0x1BE40] =	vst v63  }
0x1d4: {  	_ =	swait.ge [sflag:s19], $0x1F40  }
0x1d5: {  	[sflag:s19] =	ssyncset.done $0x0  }
0x1d6: {  	s23 =	simm.s32 $0x2980;
	[sflag:s19] =	ssyncadd.s32 $0xFFFFE0C0  }
0x1d7: {  	[spmem:s3] =	stream.indirect.scatter.add.f32 [tilespmem:s7], [sflag:$0x8], $0x40, s23, s29, $0xb8;
	[tilespmem:$0x1BE40] =	vst v63  }
0x1d8: {  	_ =	swait.ge [sflag:s21], $0x1F40  }
0x1d9: {  	[sflag:s21] =	ssyncset.done $0x0  }
0x1da: {  	s31 =	simm.s32 $0x300;
	[sflag:s21] =	ssyncadd.s32 $0xFFFFE0C0  }
0x1db: {  	[tilespmem:s25], [sflag:$0x3] =	stream.indirect.gather [hbm4b:s15+s29], $0x40, s31, s29, $0xb8;
	[tilespmem:$0x1BE40] =	vst v63  }
0x1dc: {  	_ =	swait.ge [sflag:s9], $0x1F40  }
0x1dd: {  	[sflag:s9] =	ssyncset.done $0x0  }
0x1de: {  	s23 =	simm.s32 $0x2A00;
	[sflag:s9] =	ssyncadd.s32 $0xFFFFE0C0  }
0x1df: {  	[spmem:s3] =	stream.indirect.scatter.add.f32 [tilespmem:s30], [sflag:$0x5], $0x40, s23, s29, $0xb8;
	[tilespmem:$0x1BE40] =	vst v63  }
0x1e0: {  	_ =	swait.ge [sflag:s22], $0x1F40  }
0x1e1: {  	[sflag:s22] =	ssyncset.done $0x0  }
0x1e2: {  	s31 =	simm.s32 $0x380;
	[sflag:s22] =	ssyncadd.s32 $0xFFFFE0C0  }
0x1e3: {  	[tilespmem:s7], [sflag:$0x4] =	stream.indirect.gather [hbm4b:s15+s29], $0x40, s31, s29, $0xb8;
	[tilespmem:$0x1BE40] =	vst v63  }
0x1e4: {  	_ =	swait.ge [sflag:s10], $0x1F40  }
0x1e5: {  	[sflag:s10] =	ssyncset.done $0x0  }
0x1e6: {  	s23 =	simm.s32 $0x2A80;
	[sflag:s10] =	ssyncadd.s32 $0xFFFFE0C0  }
0x1e7: {  	[spmem:s3] =	stream.indirect.scatter.add.f32 [tilespmem:s0], [sflag:$0x6], $0x40, s23, s29, $0xb8;
	[tilespmem:$0x1BE40] =	vst v63  }
0x1e8: {  	_ =	swait.ge [sflag:s12], $0x1F40  }
0x1e9: {  	[sflag:s12] =	ssyncset.done $0x0  }
0x1ea: {  	s31 =	simm.s32 $0x400;
	[sflag:s12] =	ssyncadd.s32 $0xFFFFE0C0  }
0x1eb: {  	[tilespmem:s30], [sflag:$0x1] =	stream.indirect.gather [hbm4b:s15+s29], $0x40, s31, s29, $0xb8;
	[tilespmem:$0x1BE40] =	vst v63  }
0x1ec: {  	_ =	swait.ge [sflag:s14], $0x1F40  }
0x1ed: {  	[sflag:s14] =	ssyncset.done $0x0  }
0x1ee: {  	s23 =	simm.s32 $0x2B00;
	[sflag:s14] =	ssyncadd.s32 $0xFFFFE0C0  }
0x1ef: {  	[spmem:s3] =	stream.indirect.scatter.add.f32 [tilespmem:s25], [sflag:$0x7], $0x40, s23, s29, $0xb8;
	[tilespmem:$0x1BE40] =	vst v63  }
0x1f0: {  	_ =	swait.ge [sflag:s17], $0x1F40  }
0x1f1: {  	[sflag:s17] =	ssyncset.done $0x0  }
0x1f2: {  	s31 =	simm.s32 $0x480;
	[sflag:s17] =	ssyncadd.s32 $0xFFFFE0C0  }
0x1f3: {  	[tilespmem:s0], [sflag:$0x2] =	stream.indirect.gather [hbm4b:s15+s29], $0x40, s31, s29, $0xb8;
	[tilespmem:$0x1BE40] =	vst v63  }
0x1f4: {  	_ =	swait.ge [sflag:s19], $0x1F40  }
0x1f5: {  	[sflag:s19] =	ssyncset.done $0x0  }
0x1f6: {  	s20 =	simm.s32 $0x800;
	s23 =	simm.s32 $0x2B80;
	[sflag:s19] =	ssyncadd.s32 $0xFFFFE0C0  }
.LBB2_13:
0x1f7: {  	[spmem:s3] =	stream.indirect.scatter.add.f32 [tilespmem:s7], [sflag:$0x8], $0x40, s23, s29, $0xb8;
	[tilespmem:$0x1BE40] =	vst v63  }
0x1f8: {  	s23 =	smov.u32 s20  }
0x1f9: {  	p1 =	seq.s32 s20, $0x8800;
	s20 =	sadd.s32 $0x800, s20;
	_ =	swait.ge [sflag:s21], $0x1F40  }
0x1fa: {  	s23 =	sshra.s32 s23, $0x2;
	[sflag:s21] =	ssyncset.done $0x0  }
0x1fb: {  	s31 =	sadd.s32 $0x300, s23;
	[sflag:s21] =	ssyncadd.s32 $0xFFFFE0C0  }
0x1fc: {  	[tilespmem:s25], [sflag:$0x3] =	stream.indirect.gather [hbm4b:s15+s29], $0x40, s31, s29, $0xb8;
	[tilespmem:$0x1BE40] =	vst v63  }
0x1fd: {  	_ =	swait.ge [sflag:s9], $0x1F40  }
0x1fe: {  	[sflag:s9] =	ssyncset.done $0x0  }
0x1ff: {  	s31 =	sadd.s32 $0x2A00, s23;
	[sflag:s9] =	ssyncadd.s32 $0xFFFFE0C0  }
0x200: {  	[spmem:s3] =	stream.indirect.scatter.add.f32 [tilespmem:s30], [sflag:$0x5], $0x40, s31, s29, $0xb8;
	[tilespmem:$0x1BE40] =	vst v63  }
0x201: {  	_ =	swait.ge [sflag:s22], $0x1F40  }
0x202: {  	[sflag:s22] =	ssyncset.done $0x0  }
0x203: {  	s31 =	sadd.s32 $0x380, s23;
	[sflag:s22] =	ssyncadd.s32 $0xFFFFE0C0  }
0x204: {  	[tilespmem:s7], [sflag:$0x4] =	stream.indirect.gather [hbm4b:s15+s29], $0x40, s31, s29, $0xb8;
	[tilespmem:$0x1BE40] =	vst v63  }
0x205: {  	_ =	swait.ge [sflag:s10], $0x1F40  }
0x206: {  	[sflag:s10] =	ssyncset.done $0x0  }
0x207: {  	s31 =	sadd.s32 $0x2A80, s23;
	[sflag:s10] =	ssyncadd.s32 $0xFFFFE0C0  }
0x208: {  	[spmem:s3] =	stream.indirect.scatter.add.f32 [tilespmem:s0], [sflag:$0x6], $0x40, s31, s29, $0xb8;
	[tilespmem:$0x1BE40] =	vst v63  }
0x209: {  	_ =	swait.ge [sflag:s12], $0x1F40  }
0x20a: {  	[sflag:s12] =	ssyncset.done $0x0  }
0x20b: {  	s31 =	sadd.s32 $0x400, s23;
	[sflag:s12] =	ssyncadd.s32 $0xFFFFE0C0  }
0x20c: {  	[tilespmem:s30], [sflag:$0x1] =	stream.indirect.gather [hbm4b:s15+s29], $0x40, s31, s29, $0xb8;
	[tilespmem:$0x1BE40] =	vst v63  }
0x20d: {  	_ =	swait.ge [sflag:s14], $0x1F40  }
0x20e: {  	[sflag:s14] =	ssyncset.done $0x0  }
0x20f: {  	s31 =	sadd.s32 $0x2B00, s23;
	[sflag:s14] =	ssyncadd.s32 $0xFFFFE0C0  }
0x210: {  	[spmem:s3] =	stream.indirect.scatter.add.f32 [tilespmem:s25], [sflag:$0x7], $0x40, s31, s29, $0xb8;
	[tilespmem:$0x1BE40] =	vst v63  }
0x211: {  	_ =	swait.ge [sflag:s17], $0x1F40  }
0x212: {  	[sflag:s17] =	ssyncset.done $0x0  }
.Ltmp7:
0x213: {  	s31 =	sadd.s32 $0x480, s23;
	[sflag:s17] =	ssyncadd.s32 $0xFFFFE0C0;
	(pc) =	sbr.rel @!p1 .LBB2_13-.Ltmp7, $4  }
0x214: {  	[tilespmem:s0], [sflag:$0x2] =	stream.indirect.gather [hbm4b:s15+s29], $0x40, s31, s29, $0xb8;
	[tilespmem:$0x1BE40] =	vst v63  }
0x215: {  	_ =	swait.ge [sflag:s19], $0x1F40  }
0x216: {  	[sflag:s19] =	ssyncset.done $0x0  }
0x217: {  	s23 =	sadd.s32 $0x2B80, s23;
	[sflag:s19] =	ssyncadd.s32 $0xFFFFE0C0  }
0x218: {  	[spmem:s3] =	stream.indirect.scatter.add.f32 [tilespmem:s7], [sflag:$0x8], $0x40, s23, s29, $0xb8;
	[tilespmem:$0x1BE40] =	vst v63  }
0x219: {  	_ =	swait.ge [sflag:s21], $0x1F40  }
0x21a: {  	[sflag:s21] =	ssyncset.done $0x0  }
0x21b: {  	s20 =	simm.s32 $0x2700;
	[sflag:s21] =	ssyncadd.s32 $0xFFFFE0C0  }
0x21c: {  	[tilespmem:s25], [sflag:$0x3] =	stream.indirect.gather [hbm4b:s15+s29], $0x40, s20, s29, $0xb8;
	[tilespmem:$0x1BE40] =	vst v63  }
0x21d: {  	_ =	swait.ge [sflag:s9], $0x1F40  }
0x21e: {  	[sflag:s9] =	ssyncset.done $0x0  }
0x21f: {  	s31 =	simm.s32 $0x4E00;
	[sflag:s9] =	ssyncadd.s32 $0xFFFFE0C0  }
0x220: {  	[spmem:s3] =	stream.indirect.scatter.add.f32 [tilespmem:s30], [sflag:$0x5], $0x40, s31, s29, $0xb8;
	[tilespmem:$0x1BE40] =	vst v63  }
0x221: {  	_ =	swait.ge [sflag:s22], $0x1F40  }
0x222: {  	[sflag:s22] =	ssyncset.done $0x0  }
0x223: {  	[sflag:s22] =	ssyncadd.s32 $0xFFFFE0C0  }
0x224: {  	[tilespmem:s7], [sflag:$0x4] =	stream.indirect.gather [hbm4b:s15+s29], $0x40, s2, s29, $0xb8;
	[tilespmem:$0x1BE40] =	vst v63  }
0x225: {  	_ =	swait.ge [sflag:s10], $0x1F40  }
0x226: {  	[sflag:s10] =	ssyncset.done $0x0  }
0x227: {  	[sflag:s10] =	ssyncadd.s32 $0xFFFFE0C0  }
0x228: {  	[spmem:s3] =	stream.indirect.scatter.add.f32 [tilespmem:s0], [sflag:$0x6], $0x40, s26, s29, $0xb8;
	[tilespmem:$0x1BE40] =	vst v63  }
0x229: {  	_ =	swait.ge [sflag:s14], $0x1F40  }
0x22a: {  	[sflag:s14] =	ssyncset.done $0x0  }
0x22b: {  	[sflag:s14] =	ssyncadd.s32 $0xFFFFE0C0  }
0x22c: {  	[spmem:s3] =	stream.indirect.scatter.add.f32 [tilespmem:s25], [sflag:$0x7], $0x40, s11, s29, $0xb8;
	[tilespmem:$0x1BE40] =	vst v63  }
0x22d: {  	_ =	swait.ge [sflag:s19], $0x1F40  }
0x22e: {  	[sflag:s19] =	ssyncset.done $0x0  }
0x22f: {  	[sflag:s19] =	ssyncadd.s32 $0xFFFFE0C0  }
0x230: {  	[spmem:s3] =	stream.indirect.scatter.add.f32 [tilespmem:s7], [sflag:$0x8], $0x40, s13, s29, $0xb8;
	[tilespmem:$0x1BE40] =	vst v63  }
.LBB2_15:
0x231: {  	_ =	swait.ge [sflag:s12], $0x1F40  }
0x232: {  	[sflag:s12] =	ssyncset.done $0x0  }
0x233: {  	[sflag:s12] =	ssyncadd.s32 $0xFFFFE0C0  }
0x234: {  	_ =	swait.ge [sflag:s17], $0x1F40  }
0x235: {  	[sflag:s17] =	ssyncset.done $0x0  }
0x236: {  	[sflag:s17] =	ssyncadd.s32 $0xFFFFE0C0  }
0x237: {  	_ =	swait.ge [sflag:s21], $0x1F40  }
0x238: {  	[sflag:s21] =	ssyncset.done $0x0  }
0x239: {  	[sflag:s21] =	ssyncadd.s32 $0xFFFFE0C0  }
0x23a: {  	_ =	swait.ge [sflag:s22], $0x1F40  }
0x23b: {  	[sflag:s22] =	ssyncset.done $0x0  }
0x23c: {  	[sflag:s22] =	ssyncadd.s32 $0xFFFFE0C0  }
0x23d: {  	s20 =	simm.s32 $0xCD00;
	[bflag:$0x0] =	sbarrier.arrive $0xFFFF  }
0x23e: {  	[tilespmem:s20], [sflag:$0x9] =	stream.linear.gather [spmem:s6], $0x2800, $0x38;
	[tilespmem:$0x1BE40] =	vst v63  }
0x23f: {  	_ =	swait.ge [sflag:s24], $0x2800  }
0x240: {  	[sflag:s24] =	ssyncset.done $0x0  }
0x241: {  	s23 =	simm.s32 $0xCF00;
	s20 =	simm.s32 $0x0;
	[sflag:s24] =	ssyncadd.s32 $0xFFFFD800  }
.LBB2_16:
0x242: {  	s31 =	sshra.s32 s20, $0x2  }
0x243: {  	v16 =	vld [tilespmem:s31+$0xF500]  }
0x244: {  	v17 =	vld [tilespmem:s31+$0xF5A0];
	_ =	sdelay $0x3  }
0x245: {  	v18 =	vld [tilespmem:s23+$0xFFFFFE00]  }
0x246: {  	v16 =	vmul.f32 v17, v16  }
0x247: {  	v47 =	vld [tilespmem:s23+$0xFFFFFE10]  }
0x248: {  	v48 =	vld [tilespmem:s23+$0xFFFFFE20];
	v17 =	vperm.xlane v16, v0  }
0x249: {  	v49 =	vld [tilespmem:s23+$0xFFFFFE30]  }
0x24a: {  	v18 =	vmul.f32 v18, v17;
	_ =	sdelay $0x1  }
0x24b: {  	[tilespmem:s23+$0xFFFFFE00] =	vst v18;
	v18 =	vmul.f32 v47, v17;
	_ =	sdelay $0x1  }
0x24c: {  	[tilespmem:s23+$0xFFFFFE10] =	vst v18;
	v18 =	vmul.f32 v48, v17;
	v17 =	vmul.f32 v49, v17;
	_ =	sdelay $0x1  }
0x24d: {  	[tilespmem:s23+$0xFFFFFE30] =	vst v17;
	v17 =	vld [tilespmem:s23+$0xFFFFFE40];
	_ =	sdelay $0x2  }
0x24e: {  	v50 =	vperm.xlane v16, v1;
	_ =	sdelay $0x1  }
0x24f: {  	v17 =	vmul.f32 v17, v50;
	_ =	sdelay $0x1  }
0x250: {  	[tilespmem:s23+$0xFFFFFE40] =	vst v17;
	v17 =	vld [tilespmem:s23+$0xFFFFFE50];
	_ =	sdelay $0x4  }
0x251: {  	v17 =	vmul.f32 v17, v50;
	_ =	sdelay $0x1  }
0x252: {  	[tilespmem:s23+$0xFFFFFE50] =	vst v17;
	v17 =	vld [tilespmem:s23+$0xFFFFFE60];
	_ =	sdelay $0x4  }
0x253: {  	v17 =	vmul.f32 v17, v50;
	_ =	sdelay $0x1  }
0x254: {  	[tilespmem:s23+$0xFFFFFE60] =	vst v17;
	v17 =	vld [tilespmem:s23+$0xFFFFFE70];
	_ =	sdelay $0x4  }
0x255: {  	v17 =	vmul.f32 v17, v50;
	_ =	sdelay $0x1  }
0x256: {  	[tilespmem:s23+$0xFFFFFE70] =	vst v17;
	v17 =	vld [tilespmem:s23+$0xFFFFFE80];
	_ =	sdelay $0x2  }
0x257: {  	v51 =	vperm.xlane v16, v2;
	_ =	sdelay $0x1  }
0x258: {  	v17 =	vmul.f32 v17, v51;
	_ =	sdelay $0x1  }
0x259: {  	[tilespmem:s23+$0xFFFFFE80] =	vst v17;
	v17 =	vld [tilespmem:s23+$0xFFFFFE90];
	_ =	sdelay $0x4  }
0x25a: {  	v17 =	vmul.f32 v17, v51;
	_ =	sdelay $0x1  }
0x25b: {  	[tilespmem:s23+$0xFFFFFE90] =	vst v17;
	v17 =	vld [tilespmem:s23+$0xFFFFFEA0];
	_ =	sdelay $0x4  }
0x25c: {  	v17 =	vmul.f32 v17, v51;
	_ =	sdelay $0x1  }
0x25d: {  	[tilespmem:s23+$0xFFFFFEA0] =	vst v17;
	v17 =	vld [tilespmem:s23+$0xFFFFFEB0];
	_ =	sdelay $0x4  }
0x25e: {  	v17 =	vmul.f32 v17, v51;
	_ =	sdelay $0x1  }
0x25f: {  	[tilespmem:s23+$0xFFFFFEB0] =	vst v17;
	v17 =	vld [tilespmem:s23+$0xFFFFFEC0];
	_ =	sdelay $0x2  }
0x260: {  	v52 =	vperm.xlane v16, v3;
	_ =	sdelay $0x1  }
0x261: {  	v17 =	vmul.f32 v17, v52;
	_ =	sdelay $0x1  }
0x262: {  	[tilespmem:s23+$0xFFFFFEC0] =	vst v17;
	v17 =	vld [tilespmem:s23+$0xFFFFFED0];
	_ =	sdelay $0x4  }
0x263: {  	v17 =	vmul.f32 v17, v52;
	_ =	sdelay $0x1  }
0x264: {  	[tilespmem:s23+$0xFFFFFED0] =	vst v17;
	v17 =	vld [tilespmem:s23+$0xFFFFFEE0];
	_ =	sdelay $0x4  }
0x265: {  	v17 =	vmul.f32 v17, v52;
	_ =	sdelay $0x1  }
0x266: {  	[tilespmem:s23+$0xFFFFFEE0] =	vst v17;
	v17 =	vld [tilespmem:s23+$0xFFFFFEF0];
	_ =	sdelay $0x4  }
0x267: {  	v17 =	vmul.f32 v17, v52;
	_ =	sdelay $0x1  }
0x268: {  	[tilespmem:s23+$0xFFFFFEF0] =	vst v17;
	v17 =	vld [tilespmem:s23+$0xFFFFFF00];
	_ =	sdelay $0x2  }
0x269: {  	v53 =	vperm.xlane v16, v4;
	_ =	sdelay $0x1  }
0x26a: {  	v17 =	vmul.f32 v17, v53;
	_ =	sdelay $0x1  }
0x26b: {  	[tilespmem:s23+$0xFFFFFF00] =	vst v17;
	v17 =	vld [tilespmem:s23+$0xFFFFFF10];
	_ =	sdelay $0x4  }
0x26c: {  	v17 =	vmul.f32 v17, v53;
	_ =	sdelay $0x1  }
0x26d: {  	[tilespmem:s23+$0xFFFFFF10] =	vst v17;
	v17 =	vld [tilespmem:s23+$0xFFFFFF20];
	_ =	sdelay $0x4  }
0x26e: {  	v17 =	vmul.f32 v17, v53;
	_ =	sdelay $0x1  }
0x26f: {  	[tilespmem:s23+$0xFFFFFF20] =	vst v17;
	v17 =	vld [tilespmem:s23+$0xFFFFFF30];
	_ =	sdelay $0x4  }
0x270: {  	v17 =	vmul.f32 v17, v53;
	_ =	sdelay $0x1  }
0x271: {  	[tilespmem:s23+$0xFFFFFF30] =	vst v17;
	v17 =	vld [tilespmem:s23+$0xFFFFFF40];
	_ =	sdelay $0x2  }
0x272: {  	v54 =	vperm.xlane v16, v5;
	_ =	sdelay $0x1  }
0x273: {  	v17 =	vmul.f32 v17, v54;
	_ =	sdelay $0x1  }
0x274: {  	[tilespmem:s23+$0xFFFFFF40] =	vst v17;
	v17 =	vld [tilespmem:s23+$0xFFFFFF50];
	_ =	sdelay $0x4  }
0x275: {  	v17 =	vmul.f32 v17, v54;
	_ =	sdelay $0x1  }
0x276: {  	[tilespmem:s23+$0xFFFFFF50] =	vst v17;
	v17 =	vld [tilespmem:s23+$0xFFFFFF60];
	_ =	sdelay $0x4  }
0x277: {  	v17 =	vmul.f32 v17, v54;
	_ =	sdelay $0x1  }
0x278: {  	[tilespmem:s23+$0xFFFFFF60] =	vst v17;
	v17 =	vld [tilespmem:s23+$0xFFFFFF70];
	_ =	sdelay $0x4  }
0x279: {  	v17 =	vmul.f32 v17, v54;
	_ =	sdelay $0x1  }
0x27a: {  	[tilespmem:s23+$0xFFFFFF70] =	vst v17;
	v17 =	vld [tilespmem:s23+$0xFFFFFF80];
	_ =	sdelay $0x2  }
0x27b: {  	v55 =	vperm.xlane v16, v6;
	_ =	sdelay $0x1  }
0x27c: {  	v17 =	vmul.f32 v17, v55;
	_ =	sdelay $0x1  }
0x27d: {  	[tilespmem:s23+$0xFFFFFF80] =	vst v17;
	v17 =	vld [tilespmem:s23+$0xFFFFFF90];
	_ =	sdelay $0x4  }
0x27e: {  	v17 =	vmul.f32 v17, v55;
	_ =	sdelay $0x1  }
0x27f: {  	[tilespmem:s23+$0xFFFFFF90] =	vst v17;
	v17 =	vld [tilespmem:s23+$0xFFFFFFA0];
	_ =	sdelay $0x4  }
0x280: {  	v17 =	vmul.f32 v17, v55;
	_ =	sdelay $0x1  }
0x281: {  	[tilespmem:s23+$0xFFFFFFA0] =	vst v17;
	v17 =	vld [tilespmem:s23+$0xFFFFFFB0];
	_ =	sdelay $0x4  }
0x282: {  	v17 =	vmul.f32 v17, v55;
	_ =	sdelay $0x1  }
0x283: {  	[tilespmem:s23+$0xFFFFFFB0] =	vst v17;
	v17 =	vld [tilespmem:s23+$0xFFFFFFC0];
	_ =	sdelay $0x2  }
0x284: {  	v56 =	vperm.xlane v16, v7;
	_ =	sdelay $0x1  }
0x285: {  	v17 =	vmul.f32 v17, v56;
	_ =	sdelay $0x1  }
0x286: {  	[tilespmem:s23+$0xFFFFFFC0] =	vst v17;
	v17 =	vld [tilespmem:s23+$0xFFFFFFD0];
	_ =	sdelay $0x4  }
0x287: {  	v17 =	vmul.f32 v17, v56;
	_ =	sdelay $0x1  }
0x288: {  	[tilespmem:s23+$0xFFFFFFD0] =	vst v17;
	v17 =	vld [tilespmem:s23+$0xFFFFFFE0];
	_ =	sdelay $0x4  }
0x289: {  	v17 =	vmul.f32 v17, v56;
	_ =	sdelay $0x1  }
0x28a: {  	[tilespmem:s23+$0xFFFFFFE0] =	vst v17;
	v17 =	vld [tilespmem:s23+$0xFFFFFFF0];
	_ =	sdelay $0x4  }
0x28b: {  	v17 =	vmul.f32 v17, v56;
	_ =	sdelay $0x1  }
0x28c: {  	[tilespmem:s23+$0xFFFFFFF0] =	vst v17;
	v17 =	vld [tilespmem:s23+$0x0];
	_ =	sdelay $0x2  }
0x28d: {  	v57 =	vperm.xlane v16, v8;
	_ =	sdelay $0x1  }
0x28e: {  	v17 =	vmul.f32 v17, v57;
	_ =	sdelay $0x1  }
0x28f: {  	[tilespmem:s23+$0x0] =	vst v17;
	v17 =	vld [tilespmem:s23+$0x10];
	_ =	sdelay $0x4  }
0x290: {  	v17 =	vmul.f32 v17, v57;
	_ =	sdelay $0x1  }
0x291: {  	[tilespmem:s23+$0x10] =	vst v17;
	v17 =	vld [tilespmem:s23+$0x20];
	_ =	sdelay $0x4  }
0x292: {  	v17 =	vmul.f32 v17, v57;
	_ =	sdelay $0x1  }
0x293: {  	[tilespmem:s23+$0x20] =	vst v17;
	v17 =	vld [tilespmem:s23+$0x30];
	_ =	sdelay $0x4  }
0x294: {  	v17 =	vmul.f32 v17, v57;
	_ =	sdelay $0x1  }
0x295: {  	[tilespmem:s23+$0x30] =	vst v17;
	v17 =	vld [tilespmem:s23+$0x40];
	_ =	sdelay $0x2  }
0x296: {  	v58 =	vperm.xlane v16, v9;
	_ =	sdelay $0x1  }
0x297: {  	v17 =	vmul.f32 v17, v58;
	_ =	sdelay $0x1  }
0x298: {  	[tilespmem:s23+$0x40] =	vst v17;
	v17 =	vld [tilespmem:s23+$0x50];
	_ =	sdelay $0x4  }
0x299: {  	v17 =	vmul.f32 v17, v58;
	_ =	sdelay $0x1  }
0x29a: {  	[tilespmem:s23+$0x50] =	vst v17;
	v17 =	vld [tilespmem:s23+$0x60];
	_ =	sdelay $0x4  }
0x29b: {  	v17 =	vmul.f32 v17, v58;
	_ =	sdelay $0x1  }
0x29c: {  	[tilespmem:s23+$0x60] =	vst v17;
	v17 =	vld [tilespmem:s23+$0x70];
	_ =	sdelay $0x4  }
0x29d: {  	v17 =	vmul.f32 v17, v58;
	_ =	sdelay $0x1  }
0x29e: {  	[tilespmem:s23+$0x70] =	vst v17;
	v17 =	vld [tilespmem:s23+$0x80];
	_ =	sdelay $0x2  }
0x29f: {  	v59 =	vperm.xlane v16, v10;
	_ =	sdelay $0x1  }
0x2a0: {  	v17 =	vmul.f32 v17, v59;
	_ =	sdelay $0x1  }
0x2a1: {  	[tilespmem:s23+$0x80] =	vst v17;
	v17 =	vld [tilespmem:s23+$0x90];
	_ =	sdelay $0x4  }
0x2a2: {  	v17 =	vmul.f32 v17, v59;
	_ =	sdelay $0x1  }
0x2a3: {  	[tilespmem:s23+$0x90] =	vst v17;
	v17 =	vld [tilespmem:s23+$0xA0];
	_ =	sdelay $0x4  }
0x2a4: {  	v17 =	vmul.f32 v17, v59;
	_ =	sdelay $0x1  }
0x2a5: {  	[tilespmem:s23+$0xA0] =	vst v17;
	v17 =	vld [tilespmem:s23+$0xB0];
	_ =	sdelay $0x4  }
0x2a6: {  	v17 =	vmul.f32 v17, v59;
	_ =	sdelay $0x1  }
0x2a7: {  	[tilespmem:s23+$0xB0] =	vst v17;
	v17 =	vld [tilespmem:s23+$0xC0];
	_ =	sdelay $0x2  }
0x2a8: {  	v60 =	vperm.xlane v16, v11;
	_ =	sdelay $0x1  }
0x2a9: {  	v17 =	vmul.f32 v17, v60;
	_ =	sdelay $0x1  }
0x2aa: {  	[tilespmem:s23+$0xC0] =	vst v17;
	v17 =	vld [tilespmem:s23+$0xD0];
	_ =	sdelay $0x4  }
0x2ab: {  	v17 =	vmul.f32 v17, v60;
	_ =	sdelay $0x1  }
0x2ac: {  	[tilespmem:s23+$0xD0] =	vst v17;
	v17 =	vld [tilespmem:s23+$0xE0];
	_ =	sdelay $0x4  }
0x2ad: {  	v17 =	vmul.f32 v17, v60;
	_ =	sdelay $0x1  }
0x2ae: {  	[tilespmem:s23+$0xE0] =	vst v17;
	v17 =	vld [tilespmem:s23+$0xF0];
	_ =	sdelay $0x4  }
0x2af: {  	v17 =	vmul.f32 v17, v60;
	_ =	sdelay $0x1  }
0x2b0: {  	[tilespmem:s23+$0xF0] =	vst v17;
	v17 =	vld [tilespmem:s23+$0x100];
	_ =	sdelay $0x2  }
0x2b1: {  	v61 =	vperm.xlane v16, v12;
	_ =	sdelay $0x1  }
0x2b2: {  	v17 =	vmul.f32 v17, v61;
	_ =	sdelay $0x1  }
0x2b3: {  	[tilespmem:s23+$0x100] =	vst v17;
	v17 =	vld [tilespmem:s23+$0x110];
	_ =	sdelay $0x4  }
0x2b4: {  	v17 =	vmul.f32 v17, v61;
	_ =	sdelay $0x1  }
0x2b5: {  	[tilespmem:s23+$0x110] =	vst v17;
	v17 =	vld [tilespmem:s23+$0x120];
	_ =	sdelay $0x4  }
0x2b6: {  	v17 =	vmul.f32 v17, v61;
	_ =	sdelay $0x1  }
0x2b7: {  	[tilespmem:s23+$0x120] =	vst v17;
	v17 =	vld [tilespmem:s23+$0x130];
	_ =	sdelay $0x4  }
0x2b8: {  	v17 =	vmul.f32 v17, v61;
	_ =	sdelay $0x1  }
0x2b9: {  	[tilespmem:s23+$0x130] =	vst v17;
	v17 =	vld [tilespmem:s23+$0x140];
	_ =	sdelay $0x2  }
0x2ba: {  	v62 =	vperm.xlane v16, v13;
	_ =	sdelay $0x1  }
0x2bb: {  	v17 =	vmul.f32 v17, v62;
	_ =	sdelay $0x1  }
0x2bc: {  	[tilespmem:s23+$0x140] =	vst v17;
	v17 =	vld [tilespmem:s23+$0x150];
	_ =	sdelay $0x4  }
0x2bd: {  	v17 =	vmul.f32 v17, v62;
	_ =	sdelay $0x1  }
0x2be: {  	[tilespmem:s23+$0x150] =	vst v17;
	v17 =	vld [tilespmem:s23+$0x160];
	_ =	sdelay $0x4  }
0x2bf: {  	v17 =	vmul.f32 v17, v62;
	_ =	sdelay $0x1  }
0x2c0: {  	[tilespmem:s23+$0x160] =	vst v17;
	v17 =	vld [tilespmem:s23+$0x170];
	_ =	sdelay $0x4  }
0x2c1: {  	v17 =	vmul.f32 v17, v62;
	_ =	sdelay $0x1  }
0x2c2: {  	[tilespmem:s23+$0x170] =	vst v17;
	v17 =	vld [tilespmem:s23+$0x180];
	_ =	sdelay $0x2  }
0x2c3: {  	v63 =	vperm.xlane v16, v14;
	_ =	sdelay $0x1  }
0x2c4: {  	v17 =	vmul.f32 v17, v63;
	_ =	sdelay $0x1  }
0x2c5: {  	[tilespmem:s23+$0x180] =	vst v17;
	v17 =	vld [tilespmem:s23+$0x190];
	_ =	sdelay $0x4  }
0x2c6: {  	v17 =	vmul.f32 v17, v63;
	_ =	sdelay $0x1  }
0x2c7: {  	[tilespmem:s23+$0x190] =	vst v17;
	v17 =	vld [tilespmem:s23+$0x1A0];
	_ =	sdelay $0x4  }
0x2c8: {  	v17 =	vmul.f32 v17, v63;
	_ =	sdelay $0x1  }
0x2c9: {  	[tilespmem:s23+$0x1A0] =	vst v17;
	v17 =	vld [tilespmem:s23+$0x1B0];
	_ =	sdelay $0x4  }
0x2ca: {  	v17 =	vmul.f32 v17, v63;
	_ =	sdelay $0x1  }
0x2cb: {  	[tilespmem:s23+$0x1B0] =	vst v17;
	v17 =	vld [tilespmem:s23+$0x1C0];
	_ =	sdelay $0x2  }
0x2cc: {  	v16 =	vperm.xlane v16, v15;
	_ =	sdelay $0x1  }
0x2cd: {  	v17 =	vmul.f32 v17, v16;
	_ =	sdelay $0x1  }
0x2ce: {  	[tilespmem:s23+$0x1C0] =	vst v17;
	v17 =	vld [tilespmem:s23+$0x1D0];
	_ =	sdelay $0x4  }
0x2cf: {  	v17 =	vmul.f32 v17, v16;
	_ =	sdelay $0x1  }
0x2d0: {  	[tilespmem:s23+$0x1D0] =	vst v17;
	v17 =	vld [tilespmem:s23+$0x1E0];
	_ =	sdelay $0x4  }
0x2d1: {  	v17 =	vmul.f32 v17, v16;
	_ =	sdelay $0x1  }
0x2d2: {  	[tilespmem:s23+$0x1E0] =	vst v17;
	v17 =	vld [tilespmem:s23+$0x1F0];
	_ =	sdelay $0x1  }
0x2d3: {  	p1 =	sne.s32 s20, $0x240  }
.Ltmp8:
0x2d4: {  	_ = 	snop;
	(pc) =	sbr.rel @p1 .LBB2_16-.Ltmp8, $4  }
0x2d5: {  	_ = 	snop  }
0x2d6: {  	v16 =	vmul.f32 v17, v16  }
0x2d7: {  	[tilespmem:s23+$0xFFFFFE20] =	vst v18  }
0x2d8: {  	s20 =	sadd.s32 $0x40, s20;
	[tilespmem:s23+$0x1F0] =	vst v16;
	s23 =	sadd.s32 $0x400, s23  }
0x2d9: {  	s20 =	simm.s32 $0xCD00  }
0x2da: {  	[spmem:s6] =	stream.linear.scatter [tilespmem:s20], [sflag:$0x9], $0x2800, $0x38;
	[tilespmem:$0x1BE40] =	vst v63  }
0x2db: {  	_ =	swait.ge [sflag:s24], $0x2800  }
0x2dc: {  	[sflag:s24] =	ssyncset.done $0x0  }
0x2dd: {  	[sflag:s24] =	ssyncadd.s32 $0xFFFFD800  }
0x2de: {  	[bflag:$0x0] =	sbarrier.arrive $0xFFFF  }
0x2df: {  	s20 =	simm.s32 $0x0;
	s23 =	rddreg [dreg:$0xe]  }
0x2e0: {  	[tilespmem:s20], [sflag:$0x9] =	stream.linear.gather [hbm4b:s23+s20], $0x2800, $0x38;
	[tilespmem:$0x1BE40] =	vst v63  }
0x2e1: {  	_ =	swait.ge [sflag:s24], $0x2800  }
0x2e2: {  	[sflag:s24] =	ssyncset.done $0x0  }
0x2e3: {  	s31 =	rddreg [dreg:$0xf];
	[sflag:s24] =	ssyncadd.s32 $0xFFFFD800  }
0x2e4: {  	[tilespmem:s28], [sflag:$0x9] =	stream.linear.gather [hbm4b:s31+s20], $0x2800, $0x38;
	[tilespmem:$0x1BE40] =	vst v63  }
0x2e5: {  	_ =	swait.ge [sflag:s24], $0x2800  }
0x2e6: {  	[sflag:s24] =	ssyncset.done $0x0  }
0x2e7: {  	[sflag:s24] =	ssyncadd.s32 $0xFFFFD800  }
0x2e8: {  	[tilespmem:s30], [sflag:$0x1] =	stream.indirect.gather [spmem:s3], $0x40, s20, s29, $0xb8;
	[tilespmem:$0x1BE40] =	vst v63  }
0x2e9: {  	s31 =	simm.s32 $0x80  }
0x2ea: {  	[tilespmem:s0], [sflag:$0x2] =	stream.indirect.gather [spmem:s3], $0x40, s31, s29, $0xb8;
	[tilespmem:$0x1BE40] =	vst v63  }
0x2eb: {  	s23 =	simm.s32 $0x100  }
0x2ec: {  	[tilespmem:s25], [sflag:$0x3] =	stream.indirect.gather [spmem:s3], $0x40, s23, s29, $0xb8;
	[tilespmem:$0x1BE40] =	vst v63  }
0x2ed: {  	s31 =	simm.s32 $0x180  }
0x2ee: {  	[tilespmem:s7], [sflag:$0x4] =	stream.indirect.gather [spmem:s3], $0x40, s31, s29, $0xb8;
	[tilespmem:$0x1BE40] =	vst v63  }
0x2ef: {  	_ =	swait.ge [sflag:s9], $0x1F40  }
0x2f0: {  	[sflag:s9] =	ssyncset.done $0x0  }
0x2f1: {  	[sflag:s9] =	ssyncadd.s32 $0xFFFFE0C0  }
0x2f2: {  	[spmem:s4] =	stream.indirect.scatter.add.f32 [tilespmem:s30], [sflag:$0x5], $0x40, s28, s29, $0xb8;
	[tilespmem:$0x1BE40] =	vst v63  }
0x2f3: {  	_ =	swait.ge [sflag:s10], $0x1F40  }
0x2f4: {  	[sflag:s10] =	ssyncset.done $0x0  }
0x2f5: {  	s23 =	simm.s32 $0x2880;
	[sflag:s10] =	ssyncadd.s32 $0xFFFFE0C0  }
0x2f6: {  	[spmem:s4] =	stream.indirect.scatter.add.f32 [tilespmem:s0], [sflag:$0x6], $0x40, s23, s29, $0xb8;
	[tilespmem:$0x1BE40] =	vst v63  }
0x2f7: {  	_ =	swait.ge [sflag:s12], $0x1F40  }
0x2f8: {  	[sflag:s12] =	ssyncset.done $0x0  }
0x2f9: {  	s31 =	simm.s32 $0x200;
	[sflag:s12] =	ssyncadd.s32 $0xFFFFE0C0  }
0x2fa: {  	[tilespmem:s30], [sflag:$0x1] =	stream.indirect.gather [spmem:s3], $0x40, s31, s29, $0xb8;
	[tilespmem:$0x1BE40] =	vst v63  }
0x2fb: {  	_ =	swait.ge [sflag:s14], $0x1F40  }
0x2fc: {  	[sflag:s14] =	ssyncset.done $0x0  }
0x2fd: {  	s23 =	simm.s32 $0x2900;
	[sflag:s14] =	ssyncadd.s32 $0xFFFFE0C0  }
0x2fe: {  	[spmem:s4] =	stream.indirect.scatter.add.f32 [tilespmem:s25], [sflag:$0x7], $0x40, s23, s29, $0xb8;
	[tilespmem:$0x1BE40] =	vst v63  }
0x2ff: {  	_ =	swait.ge [sflag:s17], $0x1F40  }
0x300: {  	[sflag:s17] =	ssyncset.done $0x0  }
0x301: {  	s31 =	simm.s32 $0x280;
	[sflag:s17] =	ssyncadd.s32 $0xFFFFE0C0  }
0x302: {  	[tilespmem:s0], [sflag:$0x2] =	stream.indirect.gather [spmem:s3], $0x40, s31, s29, $0xb8;
	[tilespmem:$0x1BE40] =	vst v63  }
0x303: {  	_ =	swait.ge [sflag:s19], $0x1F40  }
0x304: {  	[sflag:s19] =	ssyncset.done $0x0  }
0x305: {  	s23 =	simm.s32 $0x2980;
	[sflag:s19] =	ssyncadd.s32 $0xFFFFE0C0  }
0x306: {  	[spmem:s4] =	stream.indirect.scatter.add.f32 [tilespmem:s7], [sflag:$0x8], $0x40, s23, s29, $0xb8;
	[tilespmem:$0x1BE40] =	vst v63  }
0x307: {  	_ =	swait.ge [sflag:s21], $0x1F40  }
0x308: {  	[sflag:s21] =	ssyncset.done $0x0  }
0x309: {  	s31 =	simm.s32 $0x300;
	[sflag:s21] =	ssyncadd.s32 $0xFFFFE0C0  }
0x30a: {  	[tilespmem:s25], [sflag:$0x3] =	stream.indirect.gather [spmem:s3], $0x40, s31, s29, $0xb8;
	[tilespmem:$0x1BE40] =	vst v63  }
0x30b: {  	_ =	swait.ge [sflag:s9], $0x1F40  }
0x30c: {  	[sflag:s9] =	ssyncset.done $0x0  }
0x30d: {  	s23 =	simm.s32 $0x2A00;
	[sflag:s9] =	ssyncadd.s32 $0xFFFFE0C0  }
0x30e: {  	[spmem:s4] =	stream.indirect.scatter.add.f32 [tilespmem:s30], [sflag:$0x5], $0x40, s23, s29, $0xb8;
	[tilespmem:$0x1BE40] =	vst v63  }
0x30f: {  	_ =	swait.ge [sflag:s22], $0x1F40  }
0x310: {  	[sflag:s22] =	ssyncset.done $0x0  }
0x311: {  	s31 =	simm.s32 $0x380;
	[sflag:s22] =	ssyncadd.s32 $0xFFFFE0C0  }
0x312: {  	[tilespmem:s7], [sflag:$0x4] =	stream.indirect.gather [spmem:s3], $0x40, s31, s29, $0xb8;
	[tilespmem:$0x1BE40] =	vst v63  }
0x313: {  	_ =	swait.ge [sflag:s10], $0x1F40  }
0x314: {  	[sflag:s10] =	ssyncset.done $0x0  }
0x315: {  	s23 =	simm.s32 $0x2A80;
	[sflag:s10] =	ssyncadd.s32 $0xFFFFE0C0  }
0x316: {  	[spmem:s4] =	stream.indirect.scatter.add.f32 [tilespmem:s0], [sflag:$0x6], $0x40, s23, s29, $0xb8;
	[tilespmem:$0x1BE40] =	vst v63  }
0x317: {  	_ =	swait.ge [sflag:s12], $0x1F40  }
0x318: {  	[sflag:s12] =	ssyncset.done $0x0  }
0x319: {  	s31 =	simm.s32 $0x400;
	[sflag:s12] =	ssyncadd.s32 $0xFFFFE0C0  }
0x31a: {  	[tilespmem:s30], [sflag:$0x1] =	stream.indirect.gather [spmem:s3], $0x40, s31, s29, $0xb8;
	[tilespmem:$0x1BE40] =	vst v63  }
0x31b: {  	_ =	swait.ge [sflag:s14], $0x1F40  }
0x31c: {  	[sflag:s14] =	ssyncset.done $0x0  }
0x31d: {  	s23 =	simm.s32 $0x2B00;
	[sflag:s14] =	ssyncadd.s32 $0xFFFFE0C0  }
0x31e: {  	[spmem:s4] =	stream.indirect.scatter.add.f32 [tilespmem:s25], [sflag:$0x7], $0x40, s23, s29, $0xb8;
	[tilespmem:$0x1BE40] =	vst v63  }
0x31f: {  	_ =	swait.ge [sflag:s17], $0x1F40  }
0x320: {  	[sflag:s17] =	ssyncset.done $0x0  }
0x321: {  	s31 =	simm.s32 $0x480;
	[sflag:s17] =	ssyncadd.s32 $0xFFFFE0C0  }
0x322: {  	[tilespmem:s0], [sflag:$0x2] =	stream.indirect.gather [spmem:s3], $0x40, s31, s29, $0xb8;
	[tilespmem:$0x1BE40] =	vst v63  }
0x323: {  	_ =	swait.ge [sflag:s19], $0x1F40  }
0x324: {  	[sflag:s19] =	ssyncset.done $0x0  }
0x325: {  	s20 =	simm.s32 $0x800;
	s23 =	simm.s32 $0x2B80;
	[sflag:s19] =	ssyncadd.s32 $0xFFFFE0C0  }
.LBB2_18:
0x326: {  	[spmem:s4] =	stream.indirect.scatter.add.f32 [tilespmem:s7], [sflag:$0x8], $0x40, s23, s29, $0xb8;
	[tilespmem:$0x1BE40] =	vst v63  }
0x327: {  	s23 =	smov.u32 s20  }
0x328: {  	p1 =	sne.s32 s20, $0x8800;
	s20 =	sadd.s32 $0x800, s20;
	_ =	swait.ge [sflag:s21], $0x1F40  }
0x329: {  	s23 =	sshra.s32 s23, $0x2;
	[sflag:s21] =	ssyncset.done $0x0  }
0x32a: {  	s31 =	sadd.s32 $0x300, s23;
	[sflag:s21] =	ssyncadd.s32 $0xFFFFE0C0  }
0x32b: {  	[tilespmem:s25], [sflag:$0x3] =	stream.indirect.gather [spmem:s3], $0x40, s31, s29, $0xb8;
	[tilespmem:$0x1BE40] =	vst v63  }
0x32c: {  	_ =	swait.ge [sflag:s9], $0x1F40  }
0x32d: {  	[sflag:s9] =	ssyncset.done $0x0  }
0x32e: {  	s31 =	sadd.s32 $0x2A00, s23;
	[sflag:s9] =	ssyncadd.s32 $0xFFFFE0C0  }
0x32f: {  	[spmem:s4] =	stream.indirect.scatter.add.f32 [tilespmem:s30], [sflag:$0x5], $0x40, s31, s29, $0xb8;
	[tilespmem:$0x1BE40] =	vst v63  }
0x330: {  	_ =	swait.ge [sflag:s22], $0x1F40  }
0x331: {  	[sflag:s22] =	ssyncset.done $0x0  }
0x332: {  	s31 =	sadd.s32 $0x380, s23;
	[sflag:s22] =	ssyncadd.s32 $0xFFFFE0C0  }
0x333: {  	[tilespmem:s7], [sflag:$0x4] =	stream.indirect.gather [spmem:s3], $0x40, s31, s29, $0xb8;
	[tilespmem:$0x1BE40] =	vst v63  }
0x334: {  	_ =	swait.ge [sflag:s10], $0x1F40  }
0x335: {  	[sflag:s10] =	ssyncset.done $0x0  }
0x336: {  	s31 =	sadd.s32 $0x2A80, s23;
	[sflag:s10] =	ssyncadd.s32 $0xFFFFE0C0  }
0x337: {  	[spmem:s4] =	stream.indirect.scatter.add.f32 [tilespmem:s0], [sflag:$0x6], $0x40, s31, s29, $0xb8;
	[tilespmem:$0x1BE40] =	vst v63  }
0x338: {  	_ =	swait.ge [sflag:s12], $0x1F40  }
0x339: {  	[sflag:s12] =	ssyncset.done $0x0  }
0x33a: {  	s31 =	sadd.s32 $0x400, s23;
	[sflag:s12] =	ssyncadd.s32 $0xFFFFE0C0  }
0x33b: {  	[tilespmem:s30], [sflag:$0x1] =	stream.indirect.gather [spmem:s3], $0x40, s31, s29, $0xb8;
	[tilespmem:$0x1BE40] =	vst v63  }
0x33c: {  	_ =	swait.ge [sflag:s14], $0x1F40  }
0x33d: {  	[sflag:s14] =	ssyncset.done $0x0  }
0x33e: {  	s31 =	sadd.s32 $0x2B00, s23;
	[sflag:s14] =	ssyncadd.s32 $0xFFFFE0C0  }
0x33f: {  	[spmem:s4] =	stream.indirect.scatter.add.f32 [tilespmem:s25], [sflag:$0x7], $0x40, s31, s29, $0xb8;
	[tilespmem:$0x1BE40] =	vst v63  }
0x340: {  	_ =	swait.ge [sflag:s17], $0x1F40  }
0x341: {  	[sflag:s17] =	ssyncset.done $0x0  }
.Ltmp9:
0x342: {  	s31 =	sadd.s32 $0x480, s23;
	[sflag:s17] =	ssyncadd.s32 $0xFFFFE0C0;
	(pc) =	sbr.rel @p1 .LBB2_18-.Ltmp9, $4  }
0x343: {  	[tilespmem:s0], [sflag:$0x2] =	stream.indirect.gather [spmem:s3], $0x40, s31, s29, $0xb8;
	[tilespmem:$0x1BE40] =	vst v63  }
0x344: {  	_ =	swait.ge [sflag:s19], $0x1F40  }
0x345: {  	[sflag:s19] =	ssyncset.done $0x0  }
0x346: {  	s23 =	sadd.s32 $0x2B80, s23;
	[sflag:s19] =	ssyncadd.s32 $0xFFFFE0C0  }
0x347: {  	[spmem:s4] =	stream.indirect.scatter.add.f32 [tilespmem:s7], [sflag:$0x8], $0x40, s23, s29, $0xb8;
	[tilespmem:$0x1BE40] =	vst v63  }
0x348: {  	_ =	swait.ge [sflag:s21], $0x1F40  }
0x349: {  	[sflag:s21] =	ssyncset.done $0x0  }
0x34a: {  	s20 =	simm.s32 $0x2700;
	[sflag:s21] =	ssyncadd.s32 $0xFFFFE0C0  }
0x34b: {  	[tilespmem:s25], [sflag:$0x3] =	stream.indirect.gather [spmem:s3], $0x40, s20, s29, $0xb8;
	[tilespmem:$0x1BE40] =	vst v63  }
0x34c: {  	_ =	swait.ge [sflag:s9], $0x1F40  }
0x34d: {  	[sflag:s9] =	ssyncset.done $0x0  }
0x34e: {  	s23 =	simm.s32 $0x4E00;
	[sflag:s9] =	ssyncadd.s32 $0xFFFFE0C0  }
0x34f: {  	[spmem:s4] =	stream.indirect.scatter.add.f32 [tilespmem:s30], [sflag:$0x5], $0x40, s23, s29, $0xb8;
	[tilespmem:$0x1BE40] =	vst v63  }
0x350: {  	_ =	swait.ge [sflag:s22], $0x1F40  }
0x351: {  	[sflag:s22] =	ssyncset.done $0x0  }
0x352: {  	[sflag:s22] =	ssyncadd.s32 $0xFFFFE0C0  }
0x353: {  	[tilespmem:s7], [sflag:$0x4] =	stream.indirect.gather [spmem:s3], $0x40, s2, s29, $0xb8;
	[tilespmem:$0x1BE40] =	vst v63  }
0x354: {  	_ =	swait.ge [sflag:s10], $0x1F40  }
0x355: {  	[sflag:s10] =	ssyncset.done $0x0  }
0x356: {  	[sflag:s10] =	ssyncadd.s32 $0xFFFFE0C0  }
0x357: {  	[spmem:s4] =	stream.indirect.scatter.add.f32 [tilespmem:s0], [sflag:$0x6], $0x40, s26, s29, $0xb8;
	[tilespmem:$0x1BE40] =	vst v63  }
0x358: {  	_ =	swait.ge [sflag:s14], $0x1F40  }
0x359: {  	[sflag:s14] =	ssyncset.done $0x0  }
0x35a: {  	[sflag:s14] =	ssyncadd.s32 $0xFFFFE0C0  }
0x35b: {  	[spmem:s4] =	stream.indirect.scatter.add.f32 [tilespmem:s25], [sflag:$0x7], $0x40, s11, s29, $0xb8;
	[tilespmem:$0x1BE40] =	vst v63  }
0x35c: {  	_ =	swait.ge [sflag:s19], $0x1F40  }
0x35d: {  	[sflag:s19] =	ssyncset.done $0x0  }
0x35e: {  	[sflag:s19] =	ssyncadd.s32 $0xFFFFE0C0  }
0x35f: {  	[spmem:s4] =	stream.indirect.scatter.add.f32 [tilespmem:s7], [sflag:$0x8], $0x40, s13, s29, $0xb8;
	[tilespmem:$0x1BE40] =	vst v63  }
0x360: {  	_ =	swait.ge [sflag:s12], $0x1F40  }
0x361: {  	[sflag:s12] =	ssyncset.done $0x0  }
0x362: {  	[sflag:s12] =	ssyncadd.s32 $0xFFFFE0C0  }
0x363: {  	_ =	swait.ge [sflag:s17], $0x1F40  }
0x364: {  	[sflag:s17] =	ssyncset.done $0x0  }
0x365: {  	[sflag:s17] =	ssyncadd.s32 $0xFFFFE0C0  }
0x366: {  	_ =	swait.ge [sflag:s21], $0x1F40  }
0x367: {  	[sflag:s21] =	ssyncset.done $0x0  }
0x368: {  	[sflag:s21] =	ssyncadd.s32 $0xFFFFE0C0  }
0x369: {  	_ =	swait.ge [sflag:s22], $0x1F40  }
0x36a: {  	[sflag:s22] =	ssyncset.done $0x0  }
0x36b: {  	s20 =	simm.s32 $0x0;
	s31 =	rddreg [dreg:$0x10];
	[sflag:s22] =	ssyncadd.s32 $0xFFFFE0C0  }
0x36c: {  	[tilespmem:s20], [sflag:$0x9] =	stream.linear.gather [hbm4b:s31+s20], $0x2800, $0x38;
	[tilespmem:$0x1BE40] =	vst v63  }
0x36d: {  	_ =	swait.ge [sflag:s24], $0x2800  }
0x36e: {  	[sflag:s24] =	ssyncset.done $0x0  }
0x36f: {  	s31 =	rddreg [dreg:$0x11];
	[sflag:s24] =	ssyncadd.s32 $0xFFFFD800  }
0x370: {  	[tilespmem:s28], [sflag:$0x9] =	stream.linear.gather [hbm4b:s31+s20], $0x2800, $0x38;
	[tilespmem:$0x1BE40] =	vst v63  }
0x371: {  	_ =	swait.ge [sflag:s24], $0x2800  }
0x372: {  	[sflag:s24] =	ssyncset.done $0x0  }
0x373: {  	[sflag:s24] =	ssyncadd.s32 $0xFFFFD800  }
0x374: {  	[tilespmem:s30], [sflag:$0x1] =	stream.indirect.gather [spmem:s3], $0x40, s20, s29, $0xb8;
	[tilespmem:$0x1BE40] =	vst v63  }
0x375: {  	s31 =	simm.s32 $0x80  }
0x376: {  	[tilespmem:s0], [sflag:$0x2] =	stream.indirect.gather [spmem:s3], $0x40, s31, s29, $0xb8;
	[tilespmem:$0x1BE40] =	vst v63  }
0x377: {  	s23 =	simm.s32 $0x100  }
0x378: {  	[tilespmem:s25], [sflag:$0x3] =	stream.indirect.gather [spmem:s3], $0x40, s23, s29, $0xb8;
	[tilespmem:$0x1BE40] =	vst v63  }
0x379: {  	s31 =	simm.s32 $0x180  }
0x37a: {  	[tilespmem:s7], [sflag:$0x4] =	stream.indirect.gather [spmem:s3], $0x40, s31, s29, $0xb8;
	[tilespmem:$0x1BE40] =	vst v63  }
0x37b: {  	_ =	swait.ge [sflag:s9], $0x1F40  }
0x37c: {  	[sflag:s9] =	ssyncset.done $0x0  }
0x37d: {  	[sflag:s9] =	ssyncadd.s32 $0xFFFFE0C0  }
0x37e: {  	[spmem:s4] =	stream.indirect.scatter.add.f32 [tilespmem:s30], [sflag:$0x5], $0x40, s28, s29, $0xb8;
	[tilespmem:$0x1BE40] =	vst v63  }
0x37f: {  	_ =	swait.ge [sflag:s10], $0x1F40  }
0x380: {  	[sflag:s10] =	ssyncset.done $0x0  }
0x381: {  	s23 =	simm.s32 $0x2880;
	[sflag:s10] =	ssyncadd.s32 $0xFFFFE0C0  }
0x382: {  	[spmem:s4] =	stream.indirect.scatter.add.f32 [tilespmem:s0], [sflag:$0x6], $0x40, s23, s29, $0xb8;
	[tilespmem:$0x1BE40] =	vst v63  }
0x383: {  	_ =	swait.ge [sflag:s12], $0x1F40  }
0x384: {  	[sflag:s12] =	ssyncset.done $0x0  }
0x385: {  	s31 =	simm.s32 $0x200;
	[sflag:s12] =	ssyncadd.s32 $0xFFFFE0C0  }
0x386: {  	[tilespmem:s30], [sflag:$0x1] =	stream.indirect.gather [spmem:s3], $0x40, s31, s29, $0xb8;
	[tilespmem:$0x1BE40] =	vst v63  }
0x387: {  	_ =	swait.ge [sflag:s14], $0x1F40  }
0x388: {  	[sflag:s14] =	ssyncset.done $0x0  }
0x389: {  	s23 =	simm.s32 $0x2900;
	[sflag:s14] =	ssyncadd.s32 $0xFFFFE0C0  }
0x38a: {  	[spmem:s4] =	stream.indirect.scatter.add.f32 [tilespmem:s25], [sflag:$0x7], $0x40, s23, s29, $0xb8;
	[tilespmem:$0x1BE40] =	vst v63  }
0x38b: {  	_ =	swait.ge [sflag:s17], $0x1F40  }
0x38c: {  	[sflag:s17] =	ssyncset.done $0x0  }
0x38d: {  	s31 =	simm.s32 $0x280;
	[sflag:s17] =	ssyncadd.s32 $0xFFFFE0C0  }
0x38e: {  	[tilespmem:s0], [sflag:$0x2] =	stream.indirect.gather [spmem:s3], $0x40, s31, s29, $0xb8;
	[tilespmem:$0x1BE40] =	vst v63  }
0x38f: {  	_ =	swait.ge [sflag:s19], $0x1F40  }
0x390: {  	[sflag:s19] =	ssyncset.done $0x0  }
0x391: {  	s23 =	simm.s32 $0x2980;
	[sflag:s19] =	ssyncadd.s32 $0xFFFFE0C0  }
0x392: {  	[spmem:s4] =	stream.indirect.scatter.add.f32 [tilespmem:s7], [sflag:$0x8], $0x40, s23, s29, $0xb8;
	[tilespmem:$0x1BE40] =	vst v63  }
0x393: {  	_ =	swait.ge [sflag:s21], $0x1F40  }
0x394: {  	[sflag:s21] =	ssyncset.done $0x0  }
0x395: {  	s31 =	simm.s32 $0x300;
	[sflag:s21] =	ssyncadd.s32 $0xFFFFE0C0  }
0x396: {  	[tilespmem:s25], [sflag:$0x3] =	stream.indirect.gather [spmem:s3], $0x40, s31, s29, $0xb8;
	[tilespmem:$0x1BE40] =	vst v63  }
0x397: {  	_ =	swait.ge [sflag:s9], $0x1F40  }
0x398: {  	[sflag:s9] =	ssyncset.done $0x0  }
0x399: {  	s23 =	simm.s32 $0x2A00;
	[sflag:s9] =	ssyncadd.s32 $0xFFFFE0C0  }
0x39a: {  	[spmem:s4] =	stream.indirect.scatter.add.f32 [tilespmem:s30], [sflag:$0x5], $0x40, s23, s29, $0xb8;
	[tilespmem:$0x1BE40] =	vst v63  }
0x39b: {  	_ =	swait.ge [sflag:s22], $0x1F40  }
0x39c: {  	[sflag:s22] =	ssyncset.done $0x0  }
0x39d: {  	s31 =	simm.s32 $0x380;
	[sflag:s22] =	ssyncadd.s32 $0xFFFFE0C0  }
0x39e: {  	[tilespmem:s7], [sflag:$0x4] =	stream.indirect.gather [spmem:s3], $0x40, s31, s29, $0xb8;
	[tilespmem:$0x1BE40] =	vst v63  }
0x39f: {  	_ =	swait.ge [sflag:s10], $0x1F40  }
0x3a0: {  	[sflag:s10] =	ssyncset.done $0x0  }
0x3a1: {  	s23 =	simm.s32 $0x2A80;
	[sflag:s10] =	ssyncadd.s32 $0xFFFFE0C0  }
0x3a2: {  	[spmem:s4] =	stream.indirect.scatter.add.f32 [tilespmem:s0], [sflag:$0x6], $0x40, s23, s29, $0xb8;
	[tilespmem:$0x1BE40] =	vst v63  }
0x3a3: {  	_ =	swait.ge [sflag:s12], $0x1F40  }
0x3a4: {  	[sflag:s12] =	ssyncset.done $0x0  }
0x3a5: {  	s31 =	simm.s32 $0x400;
	[sflag:s12] =	ssyncadd.s32 $0xFFFFE0C0  }
0x3a6: {  	[tilespmem:s30], [sflag:$0x1] =	stream.indirect.gather [spmem:s3], $0x40, s31, s29, $0xb8;
	[tilespmem:$0x1BE40] =	vst v63  }
0x3a7: {  	_ =	swait.ge [sflag:s14], $0x1F40  }
0x3a8: {  	[sflag:s14] =	ssyncset.done $0x0  }
0x3a9: {  	s23 =	simm.s32 $0x2B00;
	[sflag:s14] =	ssyncadd.s32 $0xFFFFE0C0  }
0x3aa: {  	[spmem:s4] =	stream.indirect.scatter.add.f32 [tilespmem:s25], [sflag:$0x7], $0x40, s23, s29, $0xb8;
	[tilespmem:$0x1BE40] =	vst v63  }
0x3ab: {  	_ =	swait.ge [sflag:s17], $0x1F40  }
0x3ac: {  	[sflag:s17] =	ssyncset.done $0x0  }
0x3ad: {  	s31 =	simm.s32 $0x480;
	[sflag:s17] =	ssyncadd.s32 $0xFFFFE0C0  }
0x3ae: {  	[tilespmem:s0], [sflag:$0x2] =	stream.indirect.gather [spmem:s3], $0x40, s31, s29, $0xb8;
	[tilespmem:$0x1BE40] =	vst v63  }
0x3af: {  	_ =	swait.ge [sflag:s19], $0x1F40  }
0x3b0: {  	[sflag:s19] =	ssyncset.done $0x0  }
0x3b1: {  	s20 =	simm.s32 $0x800;
	s23 =	simm.s32 $0x2B80;
	[sflag:s19] =	ssyncadd.s32 $0xFFFFE0C0  }
.LBB2_20:
0x3b2: {  	[spmem:s4] =	stream.indirect.scatter.add.f32 [tilespmem:s7], [sflag:$0x8], $0x40, s23, s29, $0xb8;
	[tilespmem:$0x1BE40] =	vst v63  }
0x3b3: {  	s23 =	smov.u32 s20  }
0x3b4: {  	p1 =	sne.s32 s20, $0x8800;
	s20 =	sadd.s32 $0x800, s20;
	_ =	swait.ge [sflag:s21], $0x1F40  }
0x3b5: {  	s23 =	sshra.s32 s23, $0x2;
	[sflag:s21] =	ssyncset.done $0x0  }
0x3b6: {  	s31 =	sadd.s32 $0x300, s23;
	[sflag:s21] =	ssyncadd.s32 $0xFFFFE0C0  }
0x3b7: {  	[tilespmem:s25], [sflag:$0x3] =	stream.indirect.gather [spmem:s3], $0x40, s31, s29, $0xb8;
	[tilespmem:$0x1BE40] =	vst v63  }
0x3b8: {  	_ =	swait.ge [sflag:s9], $0x1F40  }
0x3b9: {  	[sflag:s9] =	ssyncset.done $0x0  }
0x3ba: {  	s31 =	sadd.s32 $0x2A00, s23;
	[sflag:s9] =	ssyncadd.s32 $0xFFFFE0C0  }
0x3bb: {  	[spmem:s4] =	stream.indirect.scatter.add.f32 [tilespmem:s30], [sflag:$0x5], $0x40, s31, s29, $0xb8;
	[tilespmem:$0x1BE40] =	vst v63  }
0x3bc: {  	_ =	swait.ge [sflag:s22], $0x1F40  }
0x3bd: {  	[sflag:s22] =	ssyncset.done $0x0  }
0x3be: {  	s31 =	sadd.s32 $0x380, s23;
	[sflag:s22] =	ssyncadd.s32 $0xFFFFE0C0  }
0x3bf: {  	[tilespmem:s7], [sflag:$0x4] =	stream.indirect.gather [spmem:s3], $0x40, s31, s29, $0xb8;
	[tilespmem:$0x1BE40] =	vst v63  }
0x3c0: {  	_ =	swait.ge [sflag:s10], $0x1F40  }
0x3c1: {  	[sflag:s10] =	ssyncset.done $0x0  }
0x3c2: {  	s31 =	sadd.s32 $0x2A80, s23;
	[sflag:s10] =	ssyncadd.s32 $0xFFFFE0C0  }
0x3c3: {  	[spmem:s4] =	stream.indirect.scatter.add.f32 [tilespmem:s0], [sflag:$0x6], $0x40, s31, s29, $0xb8;
	[tilespmem:$0x1BE40] =	vst v63  }
0x3c4: {  	_ =	swait.ge [sflag:s12], $0x1F40  }
0x3c5: {  	[sflag:s12] =	ssyncset.done $0x0  }
0x3c6: {  	s31 =	sadd.s32 $0x400, s23;
	[sflag:s12] =	ssyncadd.s32 $0xFFFFE0C0  }
0x3c7: {  	[tilespmem:s30], [sflag:$0x1] =	stream.indirect.gather [spmem:s3], $0x40, s31, s29, $0xb8;
	[tilespmem:$0x1BE40] =	vst v63  }
0x3c8: {  	_ =	swait.ge [sflag:s14], $0x1F40  }
0x3c9: {  	[sflag:s14] =	ssyncset.done $0x0  }
0x3ca: {  	s31 =	sadd.s32 $0x2B00, s23;
	[sflag:s14] =	ssyncadd.s32 $0xFFFFE0C0  }
0x3cb: {  	[spmem:s4] =	stream.indirect.scatter.add.f32 [tilespmem:s25], [sflag:$0x7], $0x40, s31, s29, $0xb8;
	[tilespmem:$0x1BE40] =	vst v63  }
0x3cc: {  	_ =	swait.ge [sflag:s17], $0x1F40  }
0x3cd: {  	[sflag:s17] =	ssyncset.done $0x0  }
.Ltmp10:
0x3ce: {  	s31 =	sadd.s32 $0x480, s23;
	[sflag:s17] =	ssyncadd.s32 $0xFFFFE0C0;
	(pc) =	sbr.rel @p1 .LBB2_20-.Ltmp10, $4  }
0x3cf: {  	[tilespmem:s0], [sflag:$0x2] =	stream.indirect.gather [spmem:s3], $0x40, s31, s29, $0xb8;
	[tilespmem:$0x1BE40] =	vst v63  }
0x3d0: {  	_ =	swait.ge [sflag:s19], $0x1F40  }
0x3d1: {  	[sflag:s19] =	ssyncset.done $0x0  }
0x3d2: {  	s23 =	sadd.s32 $0x2B80, s23;
	[sflag:s19] =	ssyncadd.s32 $0xFFFFE0C0  }
0x3d3: {  	[spmem:s4] =	stream.indirect.scatter.add.f32 [tilespmem:s7], [sflag:$0x8], $0x40, s23, s29, $0xb8;
	[tilespmem:$0x1BE40] =	vst v63  }
0x3d4: {  	_ =	swait.ge [sflag:s21], $0x1F40  }
0x3d5: {  	[sflag:s21] =	ssyncset.done $0x0  }
0x3d6: {  	s20 =	simm.s32 $0x2700;
	[sflag:s21] =	ssyncadd.s32 $0xFFFFE0C0  }
0x3d7: {  	[tilespmem:s25], [sflag:$0x3] =	stream.indirect.gather [spmem:s3], $0x40, s20, s29, $0xb8;
	[tilespmem:$0x1BE40] =	vst v63  }
0x3d8: {  	_ =	swait.ge [sflag:s9], $0x1F40  }
0x3d9: {  	[sflag:s9] =	ssyncset.done $0x0  }
0x3da: {  	s31 =	simm.s32 $0x4E00;
	[sflag:s9] =	ssyncadd.s32 $0xFFFFE0C0  }
0x3db: {  	[spmem:s4] =	stream.indirect.scatter.add.f32 [tilespmem:s30], [sflag:$0x5], $0x40, s31, s29, $0xb8;
	[tilespmem:$0x1BE40] =	vst v63  }
0x3dc: {  	_ =	swait.ge [sflag:s22], $0x1F40  }
0x3dd: {  	[sflag:s22] =	ssyncset.done $0x0  }
0x3de: {  	[sflag:s22] =	ssyncadd.s32 $0xFFFFE0C0  }
0x3df: {  	[tilespmem:s7], [sflag:$0x4] =	stream.indirect.gather [spmem:s3], $0x40, s2, s29, $0xb8;
	[tilespmem:$0x1BE40] =	vst v63  }
0x3e0: {  	_ =	swait.ge [sflag:s10], $0x1F40  }
0x3e1: {  	[sflag:s10] =	ssyncset.done $0x0  }
0x3e2: {  	[sflag:s10] =	ssyncadd.s32 $0xFFFFE0C0  }
0x3e3: {  	[spmem:s4] =	stream.indirect.scatter.add.f32 [tilespmem:s0], [sflag:$0x6], $0x40, s26, s29, $0xb8;
	[tilespmem:$0x1BE40] =	vst v63  }
0x3e4: {  	_ =	swait.ge [sflag:s14], $0x1F40  }
0x3e5: {  	[sflag:s14] =	ssyncset.done $0x0  }
0x3e6: {  	[sflag:s14] =	ssyncadd.s32 $0xFFFFE0C0  }
0x3e7: {  	[spmem:s4] =	stream.indirect.scatter.add.f32 [tilespmem:s25], [sflag:$0x7], $0x40, s11, s29, $0xb8;
	[tilespmem:$0x1BE40] =	vst v63  }
0x3e8: {  	_ =	swait.ge [sflag:s19], $0x1F40  }
0x3e9: {  	[sflag:s19] =	ssyncset.done $0x0  }
0x3ea: {  	[sflag:s19] =	ssyncadd.s32 $0xFFFFE0C0  }
0x3eb: {  	[spmem:s4] =	stream.indirect.scatter.add.f32 [tilespmem:s7], [sflag:$0x8], $0x40, s13, s29, $0xb8;
	[tilespmem:$0x1BE40] =	vst v63  }
0x3ec: {  	_ =	swait.ge [sflag:s12], $0x1F40  }
0x3ed: {  	[sflag:s12] =	ssyncset.done $0x0  }
0x3ee: {  	[sflag:s12] =	ssyncadd.s32 $0xFFFFE0C0  }
0x3ef: {  	_ =	swait.ge [sflag:s17], $0x1F40  }
0x3f0: {  	[sflag:s17] =	ssyncset.done $0x0  }
0x3f1: {  	[sflag:s17] =	ssyncadd.s32 $0xFFFFE0C0  }
0x3f2: {  	_ =	swait.ge [sflag:s21], $0x1F40  }
0x3f3: {  	[sflag:s21] =	ssyncset.done $0x0  }
0x3f4: {  	[sflag:s21] =	ssyncadd.s32 $0xFFFFE0C0  }
0x3f5: {  	_ =	swait.ge [sflag:s22], $0x1F40  }
0x3f6: {  	[sflag:s22] =	ssyncset.done $0x0  }
0x3f7: {  	[sflag:s22] =	ssyncadd.s32 $0xFFFFE0C0  }
0x3f8: {  	[bflag:$0x0] =	sbarrier.arrive $0xFFFF  }
0x3f9: {  	s23 =	rddreg [dreg:$0x12]  }
0x3fa: {  	[hbm:s23], [sflag:s8] =	dma.local [spmem:s18], $0x1400  }
0x3fb: {  	_ =	swait.ge [sflag:s24], $0x1400  }
0x3fc: {  	s16 =	sadd.s32 $0x1, s16;
	s31 =	rddreg [dreg:$0x13]  }
0x3fd: {  	p1 =	sne.s32 s16, s31  }
.Ltmp11:
0x3fe: {  	_ = 	snop;
	(pc) =	sbr.rel @p1 .LBB2_1-.Ltmp11, $3  }
0x3ff: {  	_ =	sdelay $0x1  }
0x400: {  	[sflag:s24] =	ssyncset.done $0x0  }
0x401: {  	[sflag:s24] =	ssyncadd.s32 $0xFFFFEC00  }
0x402: {  	_ =	sfence.sel $0x180000  }
0x403: {  	[bflag:$0x0] =	sbarrier.arrive $0xFFFF  }
0x404: {  	_ =	strace $0x90000047  }
0x405: {  	s0 =	stileid.u32;
	[bflag:$0x2] =	sbarrier.arrive $0xFFFF  }
0x406: {  	p0 =	sne.s32 s0, $0x0;
	s0 =	rddreg [dreg:$0x4]  }
0x407: {  	s0 =	sadd.s32 @!p0 $0x100000, s0  }
0x408: {  	[sflag:s0] =	ssyncadd.tile.s32 @!p0 $0x1;
	_ =	shalt  }
.Lfunc_end2:
_tile_overlayer_lowered:
.L_overlay_start_2:
0x409: {  	(tag) =	ssettag $0x2  }
0x40a: {  	s0 =	rddreg [dreg:$0x0];
	s2 =	stileid.u32  }
0x40b: {  	s1 =	rddreg [dreg:$0x1];
	p0 =	sne.s32 s2, $0x0  }
0x40c: {  	s3 =	rddreg [dreg:$0x2];
	[bflag:$0x3] =	sbarrier.arrive $0xFFFF;
	s2 =	simm.s32 @!p0 $0x1C09  }
0x40d: {  	[timem:s3], [sflag:s2] =	dma.local @!p0 [hbm:s0], s1  }
0x40e: {  	s0 =	simm.s32 @!p0 $0x9  }
0x40f: {  	_ =	swait.ge @!p0 [sflag:s0], s1  }
0x410: {  	s1 =	ssub.s32 @!p0 $0x0, s1;
	[sflag:s0] =	ssyncset.done @!p0 $0x0  }
0x411: {  	[sflag:s0] =	ssyncadd.s32 @!p0 s1  }
0x412: {  	[bflag:$0x3] =	sbarrier.arrive $0xFFFF  }
0x413: {  	_ =	shalt  }

</sc_bundles>
